<compile_context>
chip_gen: v7x
topology: tpu7x:2x2x1
jax: 0.10.2.dev20260603
libtpu: 0.0.44.dev20260713+nightly
codegen_flags: <defaults>
</compile_context>

<pallas_src>
import functools

import jax
import jax.numpy as jnp
from jax import lax
from jax.experimental import pallas as pl
from jax.experimental.pallas import tpu as pltpu
from jax.experimental.pallas import tpu_sc as plsc

N = 10000
E = 320000
NC = 2
NS = 16
NW = NC * NS
EPT = E // NW
K = 80
C = EPT // K
NBUF = 4
NITER = (C + 2 * NBUF - 1) // NBUF
KD = 80
CD = EPT // KD
NBUFD = 12
NITERD = (CD + 2 * NBUFD - 1) // NBUFD
RPT = 624
TAIL0 = NS * RPT
TAILN = N - TAIL0
BLK = 1000
NB = N // BLK


def _sc_mesh():
    return plsc.VectorSubcoreMesh(core_axis_name="c", subcore_axis_name="s")


def _make_deg_kernel():

    @functools.partial(
        pl.kernel,
        mesh=_sc_mesh(),
        out_type=jax.ShapeDtypeStruct((NC, N, 128), jnp.float32),
        scratch_types=[
            pltpu.VMEM_SHARED((N, 128), jnp.float32),
            pltpu.VMEM((NBUFD, KD), jnp.int32),
            pltpu.VMEM((KD, 128), jnp.float32),
            pltpu.SemaphoreType.DMA((NBUFD,)),
            pltpu.SemaphoreType.DMA((NBUFD,)),
        ],
    )
    def k(dst_hbm, ones_hbm, z16_hbm, out_hbm, acc, dbuf, obuf, isem, ssem):
        cid = lax.axis_index("c")
        sid = lax.axis_index("s")
        base = (cid * NS + sid) * EPT
        r0 = sid * RPT
        pltpu.sync_copy(ones_hbm, obuf)
        pltpu.sync_copy(z16_hbm.at[pl.ds(r0, RPT)], acc.at[pl.ds(r0, RPT)])

        @pl.when(sid == NS - 1)
        def _():
            pltpu.sync_copy(z16_hbm.at[pl.ds(TAIL0, TAILN)],
                            acc.at[pl.ds(TAIL0, TAILN)])

        plsc.subcore_barrier()

        @pl.loop(0, NITERD)
        def _(co):
            for b in range(NBUFD):
                c = co * NBUFD + b

                @pl.when(jnp.logical_and(c >= NBUFD, c < CD + NBUFD))
                def _():
                    pltpu.make_async_copy(obuf, acc.at[dbuf.at[b]],
                                          ssem.at[b]).wait()

                @pl.when(c < CD)
                def _():
                    pltpu.async_copy(dst_hbm.at[pl.ds(base + c * KD, KD)],
                                     dbuf.at[b], isem.at[b])

                bp = (b - 1) % NBUFD

                @pl.when(jnp.logical_and(c >= 1, c < CD + 1))
                def _():
                    pltpu.make_async_copy(dst_hbm.at[pl.ds(base, KD)],
                                          dbuf.at[bp], isem.at[bp]).wait()
                    pltpu.async_copy(obuf, acc.at[dbuf.at[bp]], ssem.at[bp],
                                     add=True)

        plsc.subcore_barrier()
        pltpu.sync_copy(acc.at[pl.ds(r0, RPT)], out_hbm.at[cid, pl.ds(r0, RPT)])

        @pl.when(sid == NS - 1)
        def _():
            pltpu.sync_copy(acc.at[pl.ds(TAIL0, TAILN)],
                            out_hbm.at[cid, pl.ds(TAIL0, TAILN)])

    return k


def _make_prop_kernel(F):

    @functools.partial(
        pl.kernel,
        mesh=_sc_mesh(),
        out_type=jax.ShapeDtypeStruct((NC, N, F), jnp.float32),
        scratch_types=[
            pltpu.VMEM_SHARED((N, F), jnp.float32),
            pltpu.VMEM((NBUF, K), jnp.int32),
            pltpu.VMEM((NBUF, K), jnp.int32),
            pltpu.VMEM((NBUF, K, F), jnp.float32),
            pltpu.SemaphoreType.DMA((NBUF,)),
            pltpu.SemaphoreType.DMA((NBUF,)),
            pltpu.SemaphoreType.DMA((NBUF,)),
        ],
    )
    def k(hs_hbm, src_hbm, dst_hbm, zf_hbm, out_hbm, acc, sbuf, dbuf, rows,
          isem, gsem, ssem):
        cid = lax.axis_index("c")
        sid = lax.axis_index("s")
        base = (cid * NS + sid) * EPT
        r0 = sid * RPT

        @pl.when(cid == 0)
        def _():
            pltpu.sync_copy(hs_hbm.at[pl.ds(r0, RPT)], acc.at[pl.ds(r0, RPT)])

            @pl.when(sid == NS - 1)
            def _():
                pltpu.sync_copy(hs_hbm.at[pl.ds(TAIL0, TAILN)],
                                acc.at[pl.ds(TAIL0, TAILN)])

        @pl.when(cid == 1)
        def _():
            pltpu.sync_copy(zf_hbm.at[pl.ds(r0, RPT)], acc.at[pl.ds(r0, RPT)])

            @pl.when(sid == NS - 1)
            def _():
                pltpu.sync_copy(zf_hbm.at[pl.ds(TAIL0, TAILN)],
                                acc.at[pl.ds(TAIL0, TAILN)])

        plsc.subcore_barrier()

        @pl.loop(0, NITER)
        def _(co):
            for b in range(NBUF):
                c = co * NBUF + b

                @pl.when(jnp.logical_and(c >= NBUF, c < C + NBUF))
                def _():
                    pltpu.make_async_copy(rows.at[b], acc.at[dbuf.at[b]],
                                          ssem.at[b]).wait()

                @pl.when(c < C)
                def _():
                    e0 = base + c * K
                    pltpu.async_copy(src_hbm.at[pl.ds(e0, K)], sbuf.at[b],
                                     isem.at[b])
                    pltpu.async_copy(dst_hbm.at[pl.ds(e0, K)], dbuf.at[b],
                                     isem.at[b])

                bp = (b - 1) % NBUF

                @pl.when(jnp.logical_and(c >= 1, c < C + 1))
                def _():
                    pltpu.make_async_copy(src_hbm.at[pl.ds(base, K)],
                                          sbuf.at[bp], isem.at[bp]).wait()
                    pltpu.make_async_copy(dst_hbm.at[pl.ds(base, K)],
                                          dbuf.at[bp], isem.at[bp]).wait()
                    pltpu.async_copy(hs_hbm.at[sbuf.at[bp]], rows.at[bp],
                                     gsem.at[bp])

                bq = (b - 2) % NBUF

                @pl.when(jnp.logical_and(c >= 2, c < C + 2))
                def _():
                    pltpu.make_async_copy(hs_hbm.at[sbuf.at[bq]], rows.at[bq],
                                          gsem.at[bq]).wait()
                    pltpu.async_copy(rows.at[bq], acc.at[dbuf.at[bq]],
                                     ssem.at[bq], add=True)

        plsc.subcore_barrier()
        pltpu.sync_copy(acc.at[pl.ds(r0, RPT)], out_hbm.at[cid, pl.ds(r0, RPT)])

        @pl.when(sid == NS - 1)
        def _():
            pltpu.sync_copy(acc.at[pl.ds(TAIL0, TAILN)],
                            out_hbm.at[cid, pl.ds(TAIL0, TAILN)])

    return k


def _dot(a, b):
    return jnp.dot(a, b, preferred_element_type=jnp.float32,
                   precision=lax.Precision.HIGHEST)


def _rsqrt(x):
    r = lax.rsqrt(x)
    return r * (1.5 - 0.5 * x * r * r)


def _prep_body(x_ref, degp_ref, ys_ref, dinv_ref):
    deg = degp_ref[0, :, 0:1] + degp_ref[1, :, 0:1] + 1.0
    dinv = _rsqrt(deg)
    ys_ref[...] = x_ref[...] * dinv
    dinv_ref[...] = dinv


def _tc_prep(x, degp):
    return pl.pallas_call(
        _prep_body,
        grid=(NB,),
        in_specs=[
            pl.BlockSpec((BLK, 128), lambda i: (i, 0)),
            pl.BlockSpec((NC, BLK, 128), lambda i: (0, i, 0)),
        ],
        out_specs=[
            pl.BlockSpec((BLK, 128), lambda i: (i, 0)),
            pl.BlockSpec((BLK, 1), lambda i: (i, 0)),
        ],
        out_shape=[
            jax.ShapeDtypeStruct((N, 128), jnp.float32),
            jax.ShapeDtypeStruct((N, 1), jnp.float32),
        ],
    )(x, degp)


def _merge_body(parts_ref, dinv_ref, w_ref, b_ref, g_ref, be_ref, o_ref,
                stats, mv, tbuf, *, last, wl0=None, bl0=None, wl1=None):
    phase = pl.program_id(0)
    i = pl.program_id(1)
    dinv = dinv_ref[...]

    @pl.when(phase == 0)
    def _():
        t = _dot((parts_ref[0] + parts_ref[1]) * dinv, w_ref[...]) + b_ref[...]
        tbuf[pl.ds(i * BLK, BLK)] = t

        @pl.when(i == 0)
        def _():
            stats[...] = jnp.zeros_like(stats)

        stats[0:1] = stats[0:1] + jnp.sum(t, axis=0, keepdims=True)
        stats[1:2] = stats[1:2] + jnp.sum(t * t, axis=0, keepdims=True)

    @pl.when(phase == 1)
    def _():
        @pl.when(i == 0)
        def _():
            mu = stats[0:1] / N
            var = stats[1:2] / N - mu * mu
            mv[0:1] = mu
            mv[1:2] = _rsqrt(var + 1e-5)

        t = tbuf[pl.ds(i * BLK, BLK)]
        y = g_ref[...] * (t - mv[0:1]) * mv[1:2] + be_ref[...]
        y = jnp.maximum(y, 0.0)
        if last:
            z = jnp.maximum(_dot(y, wl0[...]) + bl0[...], 0.0)
            wb = wl1[...]
            o_ref[...] = _dot(z, wb[0:128]) + wb[128:129]
        else:
            o_ref[...] = y * dinv


def _tc_merge(parts, dinv, W, b, g, be, F):
    body = functools.partial(_merge_body, last=False)
    return pl.pallas_call(
        body,
        grid=(2, NB),
        in_specs=[
            pl.BlockSpec((NC, BLK, 128), lambda p, i: (0, i * (1 - p), 0)),
            pl.BlockSpec((BLK, 1), lambda p, i: (i, 0)),
            pl.BlockSpec((128, F), lambda p, i: (0, 0)),
            pl.BlockSpec((1, F), lambda p, i: (0, 0)),
            pl.BlockSpec((1, F), lambda p, i: (0, 0)),
            pl.BlockSpec((1, F), lambda p, i: (0, 0)),
        ],
        out_specs=pl.BlockSpec((BLK, F), lambda p, i: (i * p, 0)),
        out_shape=jax.ShapeDtypeStruct((N, F), jnp.float32),
        scratch_shapes=[
            pltpu.VMEM((2, F), jnp.float32),
            pltpu.VMEM((2, F), jnp.float32),
            pltpu.VMEM((N, F), jnp.float32),
        ],
    )(parts, dinv, W, b, g, be)


def _tc_final(parts, dinv, W2, b, g, be, Wl0, bl0, Wl1bl1):
    F = 192

    def wrapped(parts_ref, dinv_ref, w_ref, b_ref, g_ref, be_ref,
                wl0_ref, bl0_ref, wl1_ref, o_ref, stats, mv, tbuf):
        _merge_body(parts_ref, dinv_ref, w_ref, b_ref, g_ref, be_ref, o_ref,
                    stats, mv, tbuf, last=True, wl0=wl0_ref, bl0=bl0_ref,
                    wl1=wl1_ref)

    return pl.pallas_call(
        wrapped,
        grid=(2, NB),
        in_specs=[
            pl.BlockSpec((NC, BLK, 128), lambda p, i: (0, i * (1 - p), 0)),
            pl.BlockSpec((BLK, 1), lambda p, i: (i, 0)),
            pl.BlockSpec((128, F), lambda p, i: (0, 0)),
            pl.BlockSpec((1, F), lambda p, i: (0, 0)),
            pl.BlockSpec((1, F), lambda p, i: (0, 0)),
            pl.BlockSpec((1, F), lambda p, i: (0, 0)),
            pl.BlockSpec((F, 128), lambda p, i: (0, 0)),
            pl.BlockSpec((1, 128), lambda p, i: (0, 0)),
            pl.BlockSpec((136, 2), lambda p, i: (0, 0)),
        ],
        out_specs=pl.BlockSpec((BLK, 2), lambda p, i: (i * p, 0)),
        out_shape=jax.ShapeDtypeStruct((N, 2), jnp.float32),
        scratch_shapes=[
            pltpu.VMEM((2, F), jnp.float32),
            pltpu.VMEM((2, F), jnp.float32),
            pltpu.VMEM((N, F), jnp.float32),
        ],
    )(parts, dinv, W2, b, g, be, Wl0, bl0, Wl1bl1)


def kernel(x, edge_index, W0, b0, W1, b1, W2, b2, g0, be0, g1, be1, g2, be2,
           Wl0, bl0, Wl1, bl1):
    src = edge_index[0].astype(jnp.int32)
    dst = edge_index[1].astype(jnp.int32)

    ones_k = jnp.ones((KD, 128), jnp.float32)
    z128 = jnp.zeros((N, 128), jnp.float32)

    degp = _make_deg_kernel()(dst, ones_k, z128)
    ys0, dinv = _tc_prep(x, degp)

    prop = _make_prop_kernel(128)

    s0 = prop(ys0, src, dst, z128)
    ys1 = _tc_merge(s0, dinv, W0, b0.reshape(1, -1), g0.reshape(1, -1),
                    be0.reshape(1, -1), 128)
    s1 = prop(ys1, src, dst, z128)
    ys2 = _tc_merge(s1, dinv, W1, b1.reshape(1, -1), g1.reshape(1, -1),
                    be1.reshape(1, -1), 128)
    s2 = prop(ys2, src, dst, z128)

    wl1b = jnp.concatenate(
        [Wl1, bl1.reshape(1, 2), jnp.zeros((7, 2), jnp.float32)], axis=0)
    out = _tc_final(s2, dinv, W2, b2.reshape(1, -1), g2.reshape(1, -1),
                    be2.reshape(1, -1), Wl0, bl0.reshape(1, -1), wl1b)
    return out

# --- scband reference (transcript-rebuilt; emitter-appended) ---
"""Pipeline reference for scband-dummy-fair-gcn-38113539785179 (READ-ONLY COPY).

The authoritative reference and input builder live on the scoring server;
editing this copy changes nothing except your own understanding.
"""

import jax, jax.numpy as jnp
import numpy as np

N = 10000
E = 320000
D_IN = 128
H = 128
EMB = 64
OUT = 2


def setup_inputs(seed: int = 0) -> dict:
    key = jax.random.key(seed)
    ks = jax.random.split(key, 12)

    def lin_w(k, fi, fo):
        return (jax.random.normal(k, (fi, fo), dtype=jnp.float32) / np.sqrt(fi)).astype(jnp.float32)

    inp = {}
    inp["x"] = jax.random.normal(ks[0], (N, D_IN), dtype=jnp.float32)
    inp["edge_index"] = jax.random.randint(ks[1], (2, E), 0, N)
    # GCNConv weights/biases (PyG applies x @ W then propagates, then adds bias)
    inp["W0"] = lin_w(ks[2], D_IN, H); inp["b0"] = jnp.zeros((H,), jnp.float32)
    inp["W1"] = lin_w(ks[3], H, H);    inp["b1"] = jnp.zeros((H,), jnp.float32)
    inp["W2"] = lin_w(ks[4], H, H + EMB); inp["b2"] = jnp.zeros((H + EMB,), jnp.float32)
    # BatchNorm1d affine params
    inp["g0"] = jnp.ones((H,), jnp.float32); inp["be0"] = jnp.zeros((H,), jnp.float32)
    inp["g1"] = jnp.ones((H,), jnp.float32); inp["be1"] = jnp.zeros((H,), jnp.float32)
    inp["g2"] = jnp.ones((H + EMB,), jnp.float32); inp["be2"] = jnp.zeros((H + EMB,), jnp.float32)
    # Output MLP
    inp["Wl0"] = lin_w(ks[5], H + EMB, H); inp["bl0"] = jnp.zeros((H,), jnp.float32)
    inp["Wl1"] = lin_w(ks[6], H, OUT);     inp["bl1"] = jnp.zeros((OUT,), jnp.float32)
    return inp


def _gcn_conv(x, W, b, src, dst, coef):
    h = x @ W
    msg = h[src] * coef[:, None]
    out = jax.ops.segment_sum(msg, dst, num_segments=x.shape[0])
    return out + b


def _batchnorm(x, g, b):
    mu = jnp.mean(x, axis=0)
    var = jnp.var(x, axis=0)
    return g * (x - mu) * jax.lax.rsqrt(var + 1e-5) + b


def reference(x, edge_index, W0, b0, W1, b1, W2, b2, g0, be0, g1, be1, g2, be2, Wl0, bl0, Wl1, bl1):
    n = x.shape[0]
    loop = jnp.arange(n, dtype=edge_index.dtype)
    src = jnp.concatenate([edge_index[0], loop])
    dst = jnp.concatenate([edge_index[1], loop])
    # gcn_norm with self-loops: D^{-1/2} (A + I) D^{-1/2}
    deg = jax.ops.segment_sum(jnp.ones(src.shape[0], x.dtype), dst, num_segments=n)
    dinv = jnp.where(deg > 0, jax.lax.rsqrt(deg), 0.0)
    coef = dinv[src] * dinv[dst]

    h = x
    for (W, b, g, be) in ((W0, b0, g0, be0), (W1, b1, g1, be1), (W2, b2, g2, be2)):
        h = _gcn_conv(h, W, b, src, dst, coef)
        h = _batchnorm(h, g, be)
        h = jax.nn.relu(h)
        # dropout is identity in deterministic reference (eval)
    h = jax.nn.relu(h @ Wl0 + bl0)
    return h @ Wl1 + bl1

if __name__ == "__main__":
    import jax
    _d = setup_inputs()
    print(jax.jit(kernel)(*tuple(_d.values())))

</pallas_src>

<mosaic_0001>
#map = affine_map<(d0, d1) -> (0, 0)>
#map1 = affine_map<(d0, d1) -> (0)>
#map2 = affine_map<(d0, d1) -> (0, 0, 0)>
module attributes {stable_mosaic.version = 14 : i64} {
  func.func @k(%arg0: i32, %arg1: i32, %arg2: memref<10000x128xf32, #tpu.memory_space<hbm>>, %arg3: memref<320000xi32, #tpu.memory_space<hbm>>, %arg4: memref<320000xi32, #tpu.memory_space<hbm>>, %arg5: memref<10000x128xf32, #tpu.memory_space<hbm>>, %arg6: memref<2x10000x128xf32, #tpu.memory_space<hbm>>, %arg7: memref<10000x128xf32, #tpu.memory_space<vmem_shared>>, %arg8: memref<4x80xi32, #tpu.memory_space<vmem>>, %arg9: memref<4x80xi32, #tpu.memory_space<vmem>>, %arg10: memref<4x80x128xf32, #tpu.memory_space<vmem>>, %arg11: memref<4x!tpu.dma_semaphore, #tpu.memory_space<semaphore_mem>>, %arg12: memref<4x!tpu.dma_semaphore, #tpu.memory_space<semaphore_mem>>, %arg13: memref<4x!tpu.dma_semaphore, #tpu.memory_space<semaphore_mem>>) attributes {dimension_semantics = [#tpu.dimension_semantics<core_parallel>, #tpu.dimension_semantics<subcore_parallel>], iteration_bounds = array<i64: 2, 16>, scalar_prefetch = 0 : i64, scratch_operands = 7 : i64, tpu.core_type = #tpu.core_type<sc_vector_subcore>, window_params = [{transform_indices = #map}, {transform_indices = #map1}, {transform_indices = #map1}, {transform_indices = #map}, {transform_indices = #map2}]} {
    %mul3A = arith.constant 16 : i32
    %mul3A_0 = arith.muli %arg0, %mul3A : i32
    %add3A = arith.addi %mul3A_0, %arg1 : i32
    %mul3A_1 = arith.constant 10000 : i32
    %mul3A_2 = arith.muli %add3A, %mul3A_1 : i32
    %mul3A_3 = arith.constant 624 : i32
    %mul3A_4 = arith.muli %arg1, %mul3A_3 : i32
    %eq3A = arith.constant 0 : i32
    %eq3A_5 = arith.cmpi eq, %arg0, %eq3A : i32
    %convert_element_type3A = arith.extui %eq3A_5 : i1 to i32
    %cond3A = arith.constant 0 : i32
    %cond3A_6 = arith.cmpi ne, %convert_element_type3A, %cond3A : i32
    scf.if %cond3A_6 {
      "tpu.region"() ({
        %run_scoped3A = tpu.sem_alloc : memref<!tpu.dma_semaphore, #tpu.memory_space<semaphore_mem>>
        %dma_start3A = arith.constant 0 : i32
        %dma_start3A_27 = tpu.memref_slice %arg7[%mul3A_4, %dma_start3A] : memref<10000x128xf32, #tpu.memory_space<vmem_shared>> -> memref<624x128xf32, #tpu.memory_space<vmem_shared>>
        %dma_start3A_28 = arith.constant 0 : i32
        %dma_start3A_29 = tpu.memref_slice %arg2[%mul3A_4, %dma_start3A_28] : memref<10000x128xf32, #tpu.memory_space<hbm>> -> memref<624x128xf32, #tpu.memory_space<hbm>>
        tpu.enqueue_dma source(%dma_start3A_29 : memref<624x128xf32, #tpu.memory_space<hbm>>) target(%dma_start3A_27 : memref<624x128xf32, #tpu.memory_space<vmem_shared>>) target_semaphore(%run_scoped3A : memref<!tpu.dma_semaphore, #tpu.memory_space<semaphore_mem>>)
        %dma_wait3A = arith.constant 0 : i32
        %dma_wait3A_30 = tpu.memref_slice %arg7[%mul3A_4, %dma_wait3A] : memref<10000x128xf32, #tpu.memory_space<vmem_shared>> -> memref<624x128xf32, #tpu.memory_space<vmem_shared>>
        %dma_wait3A_31 = arith.constant 0 : i32
        %dma_wait3A_32 = tpu.memref_slice %arg2[%mul3A_4, %dma_wait3A_31] : memref<10000x128xf32, #tpu.memory_space<hbm>> -> memref<624x128xf32, #tpu.memory_space<hbm>>
        tpu.wait_dma2 semaphore(%run_scoped3A : memref<!tpu.dma_semaphore, #tpu.memory_space<semaphore_mem>>) src(%dma_wait3A_32 : memref<624x128xf32, #tpu.memory_space<hbm>>) dst(%dma_wait3A_30 : memref<624x128xf32, #tpu.memory_space<vmem_shared>>)
        tpu.yield
      }) : () -> ()
      %eq3A_22 = arith.constant 15 : i32
      %eq3A_23 = arith.cmpi eq, %arg1, %eq3A_22 : i32
      %convert_element_type3A_24 = arith.extui %eq3A_23 : i1 to i32
      %cond3A_25 = arith.constant 0 : i32
      %cond3A_26 = arith.cmpi ne, %convert_element_type3A_24, %cond3A_25 : i32
      scf.if %cond3A_26 {
        "tpu.region"() ({
          %run_scoped3A = tpu.sem_alloc : memref<!tpu.dma_semaphore, #tpu.memory_space<semaphore_mem>>
          %dma_start3A = arith.constant 9984 : i32
          %dma_start3A_27 = arith.constant 0 : i32
          %dma_start3A_28 = tpu.memref_slice %arg7[%dma_start3A, %dma_start3A_27] : memref<10000x128xf32, #tpu.memory_space<vmem_shared>> -> memref<16x128xf32, #tpu.memory_space<vmem_shared>>
          %dma_start3A_29 = arith.constant 9984 : i32
          %dma_start3A_30 = arith.constant 0 : i32
          %dma_start3A_31 = tpu.memref_slice %arg2[%dma_start3A_29, %dma_start3A_30] : memref<10000x128xf32, #tpu.memory_space<hbm>> -> memref<16x128xf32, #tpu.memory_space<hbm>>
          tpu.enqueue_dma source(%dma_start3A_31 : memref<16x128xf32, #tpu.memory_space<hbm>>) target(%dma_start3A_28 : memref<16x128xf32, #tpu.memory_space<vmem_shared>>) target_semaphore(%run_scoped3A : memref<!tpu.dma_semaphore, #tpu.memory_space<semaphore_mem>>)
          %dma_wait3A = arith.constant 9984 : i32
          %dma_wait3A_32 = arith.constant 0 : i32
          %dma_wait3A_33 = tpu.memref_slice %arg7[%dma_wait3A, %dma_wait3A_32] : memref<10000x128xf32, #tpu.memory_space<vmem_shared>> -> memref<16x128xf32, #tpu.memory_space<vmem_shared>>
          %dma_wait3A_34 = arith.constant 9984 : i32
          %dma_wait3A_35 = arith.constant 0 : i32
          %dma_wait3A_36 = tpu.memref_slice %arg2[%dma_wait3A_34, %dma_wait3A_35] : memref<10000x128xf32, #tpu.memory_space<hbm>> -> memref<16x128xf32, #tpu.memory_space<hbm>>
          tpu.wait_dma2 semaphore(%run_scoped3A : memref<!tpu.dma_semaphore, #tpu.memory_space<semaphore_mem>>) src(%dma_wait3A_36 : memref<16x128xf32, #tpu.memory_space<hbm>>) dst(%dma_wait3A_33 : memref<16x128xf32, #tpu.memory_space<vmem_shared>>)
          tpu.yield
        }) : () -> ()
      } else {
      }
    } else {
    }
    %eq3A_7 = arith.constant 1 : i32
    %eq3A_8 = arith.cmpi eq, %arg0, %eq3A_7 : i32
    %convert_element_type3A_9 = arith.extui %eq3A_8 : i1 to i32
    %cond3A_10 = arith.constant 0 : i32
    %cond3A_11 = arith.cmpi ne, %convert_element_type3A_9, %cond3A_10 : i32
    scf.if %cond3A_11 {
      "tpu.region"() ({
        %run_scoped3A = tpu.sem_alloc : memref<!tpu.dma_semaphore, #tpu.memory_space<semaphore_mem>>
        %dma_start3A = arith.constant 0 : i32
        %dma_start3A_27 = tpu.memref_slice %arg7[%mul3A_4, %dma_start3A] : memref<10000x128xf32, #tpu.memory_space<vmem_shared>> -> memref<624x128xf32, #tpu.memory_space<vmem_shared>>
        %dma_start3A_28 = arith.constant 0 : i32
        %dma_start3A_29 = tpu.memref_slice %arg5[%mul3A_4, %dma_start3A_28] : memref<10000x128xf32, #tpu.memory_space<hbm>> -> memref<624x128xf32, #tpu.memory_space<hbm>>
        tpu.enqueue_dma source(%dma_start3A_29 : memref<624x128xf32, #tpu.memory_space<hbm>>) target(%dma_start3A_27 : memref<624x128xf32, #tpu.memory_space<vmem_shared>>) target_semaphore(%run_scoped3A : memref<!tpu.dma_semaphore, #tpu.memory_space<semaphore_mem>>)
        %dma_wait3A = arith.constant 0 : i32
        %dma_wait3A_30 = tpu.memref_slice %arg7[%mul3A_4, %dma_wait3A] : memref<10000x128xf32, #tpu.memory_space<vmem_shared>> -> memref<624x128xf32, #tpu.memory_space<vmem_shared>>
        %dma_wait3A_31 = arith.constant 0 : i32
        %dma_wait3A_32 = tpu.memref_slice %arg5[%mul3A_4, %dma_wait3A_31] : memref<10000x128xf32, #tpu.memory_space<hbm>> -> memref<624x128xf32, #tpu.memory_space<hbm>>
        tpu.wait_dma2 semaphore(%run_scoped3A : memref<!tpu.dma_semaphore, #tpu.memory_space<semaphore_mem>>) src(%dma_wait3A_32 : memref<624x128xf32, #tpu.memory_space<hbm>>) dst(%dma_wait3A_30 : memref<624x128xf32, #tpu.memory_space<vmem_shared>>)
        tpu.yield
      }) : () -> ()
      %eq3A_22 = arith.constant 15 : i32
      %eq3A_23 = arith.cmpi eq, %arg1, %eq3A_22 : i32
      %convert_element_type3A_24 = arith.extui %eq3A_23 : i1 to i32
      %cond3A_25 = arith.constant 0 : i32
      %cond3A_26 = arith.cmpi ne, %convert_element_type3A_24, %cond3A_25 : i32
      scf.if %cond3A_26 {
        "tpu.region"() ({
          %run_scoped3A = tpu.sem_alloc : memref<!tpu.dma_semaphore, #tpu.memory_space<semaphore_mem>>
          %dma_start3A = arith.constant 9984 : i32
          %dma_start3A_27 = arith.constant 0 : i32
          %dma_start3A_28 = tpu.memref_slice %arg7[%dma_start3A, %dma_start3A_27] : memref<10000x128xf32, #tpu.memory_space<vmem_shared>> -> memref<16x128xf32, #tpu.memory_space<vmem_shared>>
          %dma_start3A_29 = arith.constant 9984 : i32
          %dma_start3A_30 = arith.constant 0 : i32
          %dma_start3A_31 = tpu.memref_slice %arg5[%dma_start3A_29, %dma_start3A_30] : memref<10000x128xf32, #tpu.memory_space<hbm>> -> memref<16x128xf32, #tpu.memory_space<hbm>>
          tpu.enqueue_dma source(%dma_start3A_31 : memref<16x128xf32, #tpu.memory_space<hbm>>) target(%dma_start3A_28 : memref<16x128xf32, #tpu.memory_space<vmem_shared>>) target_semaphore(%run_scoped3A : memref<!tpu.dma_semaphore, #tpu.memory_space<semaphore_mem>>)
          %dma_wait3A = arith.constant 9984 : i32
          %dma_wait3A_32 = arith.constant 0 : i32
          %dma_wait3A_33 = tpu.memref_slice %arg7[%dma_wait3A, %dma_wait3A_32] : memref<10000x128xf32, #tpu.memory_space<vmem_shared>> -> memref<16x128xf32, #tpu.memory_space<vmem_shared>>
          %dma_wait3A_34 = arith.constant 9984 : i32
          %dma_wait3A_35 = arith.constant 0 : i32
          %dma_wait3A_36 = tpu.memref_slice %arg5[%dma_wait3A_34, %dma_wait3A_35] : memref<10000x128xf32, #tpu.memory_space<hbm>> -> memref<16x128xf32, #tpu.memory_space<hbm>>
          tpu.wait_dma2 semaphore(%run_scoped3A : memref<!tpu.dma_semaphore, #tpu.memory_space<semaphore_mem>>) src(%dma_wait3A_36 : memref<16x128xf32, #tpu.memory_space<hbm>>) dst(%dma_wait3A_33 : memref<16x128xf32, #tpu.memory_space<vmem_shared>>)
          tpu.yield
        }) : () -> ()
      } else {
      }
    } else {
    }
    %barrier3A = arith.constant 0 : index
    tpu.barrier barrier_id(%barrier3A)
    %scan3A = arith.constant 0 : i32
    %scan3A_12 = arith.constant 33 : i32
    %scan3A_13 = arith.addi %scan3A, %scan3A_12 : i32
    %scan3A_14 = arith.constant 1 : i32
    scf.for %scan3A_22 = %scan3A to %scan3A_13 step %scan3A_14  : i32 {
      %mul3A_23 = arith.constant 1 : i32
      %mul3A_24 = arith.muli %scan3A_22, %mul3A_23 : i32
      %add3A_25 = arith.constant 0 : i32
      %add3A_26 = arith.addi %add3A_25, %mul3A_24 : i32
      %mul3A_27 = arith.constant 4 : i32
      %mul3A_28 = arith.muli %add3A_26, %mul3A_27 : i32
      %add3A_29 = arith.constant 0 : i32
      %add3A_30 = arith.addi %mul3A_28, %add3A_29 : i32
      %ge3A = arith.constant 4 : i32
      %ge3A_31 = arith.cmpi sge, %add3A_30, %ge3A : i32
      %lt3A = arith.constant 129 : i32
      %lt3A_32 = arith.cmpi slt, %add3A_30, %lt3A : i32
      %and3A = arith.andi %ge3A_31, %lt3A_32 : i1
      %convert_element_type3A_33 = arith.extui %and3A : i1 to i32
      %cond3A_34 = arith.constant 0 : i32
      %cond3A_35 = arith.cmpi ne, %convert_element_type3A_33, %cond3A_34 : i32
      scf.if %cond3A_35 {
        %dma_wait3A = arith.constant 0 : i32
        %dma_wait3A_156 = arith.constant 0 : i32
        %dma_wait3A_157 = arith.constant 0 : i32
        %dma_wait3A_158 = arith.constant 0 : i32
        %dma_wait3A_159 = arith.constant 0 : i32
        %dma_wait3A_160 = tpu.memref_slice %arg10[%dma_wait3A, %dma_wait3A_158, %dma_wait3A_159] : memref<4x80x128xf32, #tpu.memory_space<vmem>> -> memref<1x80x128xf32, #tpu.memory_space<vmem>>
        %dma_wait3A_161 = tpu.memref_squeeze %dma_wait3A_160 : memref<1x80x128xf32, #tpu.memory_space<vmem>> -> memref<80x128xf32, #tpu.memory_space<vmem>>
        %dma_wait3A_162 = arith.constant 0 : i32
        %dma_wait3A_163 = tpu.memref_slice %arg9[%dma_wait3A_156, %dma_wait3A_162] : memref<4x80xi32, #tpu.memory_space<vmem>> -> memref<1x80xi32, #tpu.memory_space<vmem>>
        %dma_wait3A_164 = tpu.memref_squeeze %dma_wait3A_163 : memref<1x80xi32, #tpu.memory_space<vmem>> -> memref<80xi32, #tpu.memory_space<vmem>>
        %dma_wait3A_165 = arith.constant 0 : i32
        %dma_wait3A_166 = arith.constant 0 : i32
        %dma_wait3A_167 = tpu.memref_slice %arg7[%dma_wait3A_165, %dma_wait3A_166] : memref<10000x128xf32, #tpu.memory_space<vmem_shared>> -> memref<10000x128xf32, #tpu.memory_space<vmem_shared>>
        %dma_wait3A_168 = tpu.memref_slice %arg13[%dma_wait3A_157] : memref<4x!tpu.dma_semaphore, #tpu.memory_space<semaphore_mem>> -> memref<1x!tpu.dma_semaphore, #tpu.memory_space<semaphore_mem>>
        %dma_wait3A_169 = tpu.memref_squeeze %dma_wait3A_168 : memref<1x!tpu.dma_semaphore, #tpu.memory_space<semaphore_mem>> -> memref<!tpu.dma_semaphore, #tpu.memory_space<semaphore_mem>>
        tpu.wait_indirect_dma semaphore(%dma_wait3A_169 : memref<!tpu.dma_semaphore, #tpu.memory_space<semaphore_mem>>) src(%dma_wait3A_161 : memref<80x128xf32, #tpu.memory_space<vmem>>) dst(%dma_wait3A_167 : memref<10000x128xf32, #tpu.memory_space<vmem_shared>>)
      } else {
      }
      %lt3A_36 = arith.constant 125 : i32
      %lt3A_37 = arith.cmpi slt, %add3A_30, %lt3A_36 : i32
      %convert_element_type3A_38 = arith.extui %lt3A_37 : i1 to i32
      %cond3A_39 = arith.constant 0 : i32
      %cond3A_40 = arith.cmpi ne, %convert_element_type3A_38, %cond3A_39 : i32
      scf.if %cond3A_40 {
        %mul3A_156 = arith.constant 80 : i32
        %mul3A_157 = arith.muli %add3A_30, %mul3A_156 : i32
        %add3A_158 = arith.addi %mul3A_2, %mul3A_157 : i32
        %dma_start3A = arith.constant 0 : i32
        %dma_start3A_159 = arith.constant 0 : i32
        %dma_start3A_160 = arith.constant 0 : i32
        %dma_start3A_161 = tpu.memref_slice %arg8[%dma_start3A, %dma_start3A_160] : memref<4x80xi32, #tpu.memory_space<vmem>> -> memref<1x80xi32, #tpu.memory_space<vmem>>
        %dma_start3A_162 = tpu.memref_squeeze %dma_start3A_161 : memref<1x80xi32, #tpu.memory_space<vmem>> -> memref<80xi32, #tpu.memory_space<vmem>>
        %dma_start3A_163 = tpu.memref_slice %arg3[%add3A_158] : memref<320000xi32, #tpu.memory_space<hbm>> -> memref<80xi32, #tpu.memory_space<hbm>>
        %dma_start3A_164 = tpu.memref_slice %arg11[%dma_start3A_159] : memref<4x!tpu.dma_semaphore, #tpu.memory_space<semaphore_mem>> -> memref<1x!tpu.dma_semaphore, #tpu.memory_space<semaphore_mem>>
        %dma_start3A_165 = tpu.memref_squeeze %dma_start3A_164 : memref<1x!tpu.dma_semaphore, #tpu.memory_space<semaphore_mem>> -> memref<!tpu.dma_semaphore, #tpu.memory_space<semaphore_mem>>
        %dma_start3A_166 = arith.constant 0 : i32
        %dma_start3A_167 = tpu.memref_slice %arg8[%dma_start3A, %dma_start3A_166] : memref<4x80xi32, #tpu.memory_space<vmem>> -> memref<1x80xi32, #tpu.memory_space<vmem>>
        %dma_start3A_168 = tpu.memref_squeeze %dma_start3A_167 : memref<1x80xi32, #tpu.memory_space<vmem>> -> memref<80xi32, #tpu.memory_space<vmem>>
        %dma_start3A_169 = tpu.memref_slice %arg3[%add3A_158] : memref<320000xi32, #tpu.memory_space<hbm>> -> memref<80xi32, #tpu.memory_space<hbm>>
        tpu.enqueue_dma source(%dma_start3A_169 : memref<80xi32, #tpu.memory_space<hbm>>) target(%dma_start3A_168 : memref<80xi32, #tpu.memory_space<vmem>>) target_semaphore(%dma_start3A_165 : memref<!tpu.dma_semaphore, #tpu.memory_space<semaphore_mem>>)
        %dma_start3A_170 = arith.constant 0 : i32
        %dma_start3A_171 = arith.constant 0 : i32
        %dma_start3A_172 = arith.constant 0 : i32
        %dma_start3A_173 = tpu.memref_slice %arg9[%dma_start3A_170, %dma_start3A_172] : memref<4x80xi32, #tpu.memory_space<vmem>> -> memref<1x80xi32, #tpu.memory_space<vmem>>
        %dma_start3A_174 = tpu.memref_squeeze %dma_start3A_173 : memref<1x80xi32, #tpu.memory_space<vmem>> -> memref<80xi32, #tpu.memory_space<vmem>>
        %dma_start3A_175 = tpu.memref_slice %arg4[%add3A_158] : memref<320000xi32, #tpu.memory_space<hbm>> -> memref<80xi32, #tpu.memory_space<hbm>>
        %dma_start3A_176 = tpu.memref_slice %arg11[%dma_start3A_171] : memref<4x!tpu.dma_semaphore, #tpu.memory_space<semaphore_mem>> -> memref<1x!tpu.dma_semaphore, #tpu.memory_space<semaphore_mem>>
        %dma_start3A_177 = tpu.memref_squeeze %dma_start3A_176 : memref<1x!tpu.dma_semaphore, #tpu.memory_space<semaphore_mem>> -> memref<!tpu.dma_semaphore, #tpu.memory_space<semaphore_mem>>
        %dma_start3A_178 = arith.constant 0 : i32
        %dma_start3A_179 = tpu.memref_slice %arg9[%dma_start3A_170, %dma_start3A_178] : memref<4x80xi32, #tpu.memory_space<vmem>> -> memref<1x80xi32, #tpu.memory_space<vmem>>
        %dma_start3A_180 = tpu.memref_squeeze %dma_start3A_179 : memref<1x80xi32, #tpu.memory_space<vmem>> -> memref<80xi32, #tpu.memory_space<vmem>>
        %dma_start3A_181 = tpu.memref_slice %arg4[%add3A_158] : memref<320000xi32, #tpu.memory_space<hbm>> -> memref<80xi32, #tpu.memory_space<hbm>>
        tpu.enqueue_dma source(%dma_start3A_181 : memref<80xi32, #tpu.memory_space<hbm>>) target(%dma_start3A_180 : memref<80xi32, #tpu.memory_space<vmem>>) target_semaphore(%dma_start3A_177 : memref<!tpu.dma_semaphore, #tpu.memory_space<semaphore_mem>>)
      } else {
      }
      %ge3A_41 = arith.constant 1 : i32
      %ge3A_42 = arith.cmpi sge, %add3A_30, %ge3A_41 : i32
      %lt3A_43 = arith.constant 126 : i32
      %lt3A_44 = arith.cmpi slt, %add3A_30, %lt3A_43 : i32
      %and3A_45 = arith.andi %ge3A_42, %lt3A_44 : i1
      %convert_element_type3A_46 = arith.extui %and3A_45 : i1 to i32
      %cond3A_47 = arith.constant 0 : i32
      %cond3A_48 = arith.cmpi ne, %convert_element_type3A_46, %cond3A_47 : i32
      scf.if %cond3A_48 {
        %dma_wait3A = arith.constant 3 : i32
        %dma_wait3A_156 = arith.constant 3 : i32
        %dma_wait3A_157 = arith.constant 0 : i32
        %dma_wait3A_158 = tpu.memref_slice %arg8[%dma_wait3A, %dma_wait3A_157] : memref<4x80xi32, #tpu.memory_space<vmem>> -> memref<1x80xi32, #tpu.memory_space<vmem>>
        %dma_wait3A_159 = tpu.memref_squeeze %dma_wait3A_158 : memref<1x80xi32, #tpu.memory_space<vmem>> -> memref<80xi32, #tpu.memory_space<vmem>>
        %dma_wait3A_160 = tpu.memref_slice %arg3[%mul3A_2] : memref<320000xi32, #tpu.memory_space<hbm>> -> memref<80xi32, #tpu.memory_space<hbm>>
        %dma_wait3A_161 = tpu.memref_slice %arg11[%dma_wait3A_156] : memref<4x!tpu.dma_semaphore, #tpu.memory_space<semaphore_mem>> -> memref<1x!tpu.dma_semaphore, #tpu.memory_space<semaphore_mem>>
        %dma_wait3A_162 = tpu.memref_squeeze %dma_wait3A_161 : memref<1x!tpu.dma_semaphore, #tpu.memory_space<semaphore_mem>> -> memref<!tpu.dma_semaphore, #tpu.memory_space<semaphore_mem>>
        %dma_wait3A_163 = arith.constant 0 : i32
        %dma_wait3A_164 = tpu.memref_slice %arg8[%dma_wait3A, %dma_wait3A_163] : memref<4x80xi32, #tpu.memory_space<vmem>> -> memref<1x80xi32, #tpu.memory_space<vmem>>
        %dma_wait3A_165 = tpu.memref_squeeze %dma_wait3A_164 : memref<1x80xi32, #tpu.memory_space<vmem>> -> memref<80xi32, #tpu.memory_space<vmem>>
        %dma_wait3A_166 = tpu.memref_slice %arg3[%mul3A_2] : memref<320000xi32, #tpu.memory_space<hbm>> -> memref<80xi32, #tpu.memory_space<hbm>>
        tpu.wait_dma2 semaphore(%dma_wait3A_162 : memref<!tpu.dma_semaphore, #tpu.memory_space<semaphore_mem>>) src(%dma_wait3A_166 : memref<80xi32, #tpu.memory_space<hbm>>) dst(%dma_wait3A_165 : memref<80xi32, #tpu.memory_space<vmem>>)
        %dma_wait3A_167 = arith.constant 3 : i32
        %dma_wait3A_168 = arith.constant 3 : i32
        %dma_wait3A_169 = arith.constant 0 : i32
        %dma_wait3A_170 = tpu.memref_slice %arg9[%dma_wait3A_167, %dma_wait3A_169] : memref<4x80xi32, #tpu.memory_space<vmem>> -> memref<1x80xi32, #tpu.memory_space<vmem>>
        %dma_wait3A_171 = tpu.memref_squeeze %dma_wait3A_170 : memref<1x80xi32, #tpu.memory_space<vmem>> -> memref<80xi32, #tpu.memory_space<vmem>>
        %dma_wait3A_172 = tpu.memref_slice %arg4[%mul3A_2] : memref<320000xi32, #tpu.memory_space<hbm>> -> memref<80xi32, #tpu.memory_space<hbm>>
        %dma_wait3A_173 = tpu.memref_slice %arg11[%dma_wait3A_168] : memref<4x!tpu.dma_semaphore, #tpu.memory_space<semaphore_mem>> -> memref<1x!tpu.dma_semaphore, #tpu.memory_space<semaphore_mem>>
        %dma_wait3A_174 = tpu.memref_squeeze %dma_wait3A_173 : memref<1x!tpu.dma_semaphore, #tpu.memory_space<semaphore_mem>> -> memref<!tpu.dma_semaphore, #tpu.memory_space<semaphore_mem>>
        %dma_wait3A_175 = arith.constant 0 : i32
        %dma_wait3A_176 = tpu.memref_slice %arg9[%dma_wait3A_167, %dma_wait3A_175] : memref<4x80xi32, #tpu.memory_space<vmem>> -> memref<1x80xi32, #tpu.memory_space<vmem>>
        %dma_wait3A_177 = tpu.memref_squeeze %dma_wait3A_176 : memref<1x80xi32, #tpu.memory_space<vmem>> -> memref<80xi32, #tpu.memory_space<vmem>>
        %dma_wait3A_178 = tpu.memref_slice %arg4[%mul3A_2] : memref<320000xi32, #tpu.memory_space<hbm>> -> memref<80xi32, #tpu.memory_space<hbm>>
        tpu.wait_dma2 semaphore(%dma_wait3A_174 : memref<!tpu.dma_semaphore, #tpu.memory_space<semaphore_mem>>) src(%dma_wait3A_178 : memref<80xi32, #tpu.memory_space<hbm>>) dst(%dma_wait3A_177 : memref<80xi32, #tpu.memory_space<vmem>>)
        %dma_start3A = arith.constant 3 : i32
        %dma_start3A_179 = arith.constant 3 : i32
        %dma_start3A_180 = arith.constant 3 : i32
        %dma_start3A_181 = arith.constant 0 : i32
        %dma_start3A_182 = arith.constant 0 : i32
        %dma_start3A_183 = tpu.memref_slice %arg10[%dma_start3A_179, %dma_start3A_181, %dma_start3A_182] : memref<4x80x128xf32, #tpu.memory_space<vmem>> -> memref<1x80x128xf32, #tpu.memory_space<vmem>>
        %dma_start3A_184 = tpu.memref_squeeze %dma_start3A_183 : memref<1x80x128xf32, #tpu.memory_space<vmem>> -> memref<80x128xf32, #tpu.memory_space<vmem>>
        %dma_start3A_185 = arith.constant 0 : i32
        %dma_start3A_186 = tpu.memref_slice %arg8[%dma_start3A, %dma_start3A_185] : memref<4x80xi32, #tpu.memory_space<vmem>> -> memref<1x80xi32, #tpu.memory_space<vmem>>
        %dma_start3A_187 = tpu.memref_squeeze %dma_start3A_186 : memref<1x80xi32, #tpu.memory_space<vmem>> -> memref<80xi32, #tpu.memory_space<vmem>>
        %dma_start3A_188 = arith.constant 0 : i32
        %dma_start3A_189 = arith.constant 0 : i32
        %dma_start3A_190 = tpu.memref_slice %arg2[%dma_start3A_188, %dma_start3A_189] : memref<10000x128xf32, #tpu.memory_space<hbm>> -> memref<10000x128xf32, #tpu.memory_space<hbm>>
        %dma_start3A_191 = tpu.memref_slice %arg12[%dma_start3A_180] : memref<4x!tpu.dma_semaphore, #tpu.memory_space<semaphore_mem>> -> memref<1x!tpu.dma_semaphore, #tpu.memory_space<semaphore_mem>>
        %dma_start3A_192 = tpu.memref_squeeze %dma_start3A_191 : memref<1x!tpu.dma_semaphore, #tpu.memory_space<semaphore_mem>> -> memref<!tpu.dma_semaphore, #tpu.memory_space<semaphore_mem>>
        tpu.enqueue_indirect_dma source(%dma_start3A_190 : memref<10000x128xf32, #tpu.memory_space<hbm>>) target(%dma_start3A_184 : memref<80x128xf32, #tpu.memory_space<vmem>>) offsets(%dma_start3A_187 : memref<80xi32, #tpu.memory_space<vmem>>) semaphore(%dma_start3A_192 : memref<!tpu.dma_semaphore, #tpu.memory_space<semaphore_mem>>)
      } else {
      }
      %ge3A_49 = arith.constant 2 : i32
      %ge3A_50 = arith.cmpi sge, %add3A_30, %ge3A_49 : i32
      %lt3A_51 = arith.constant 127 : i32
      %lt3A_52 = arith.cmpi slt, %add3A_30, %lt3A_51 : i32
      %and3A_53 = arith.andi %ge3A_50, %lt3A_52 : i1
      %convert_element_type3A_54 = arith.extui %and3A_53 : i1 to i32
      %cond3A_55 = arith.constant 0 : i32
      %cond3A_56 = arith.cmpi ne, %convert_element_type3A_54, %cond3A_55 : i32
      scf.if %cond3A_56 {
        %dma_wait3A = arith.constant 2 : i32
        %dma_wait3A_156 = arith.constant 2 : i32
        %dma_wait3A_157 = arith.constant 2 : i32
        %dma_wait3A_158 = arith.constant 0 : i32
        %dma_wait3A_159 = arith.constant 0 : i32
        %dma_wait3A_160 = tpu.memref_slice %arg10[%dma_wait3A_156, %dma_wait3A_158, %dma_wait3A_159] : memref<4x80x128xf32, #tpu.memory_space<vmem>> -> memref<1x80x128xf32, #tpu.memory_space<vmem>>
        %dma_wait3A_161 = tpu.memref_squeeze %dma_wait3A_160 : memref<1x80x128xf32, #tpu.memory_space<vmem>> -> memref<80x128xf32, #tpu.memory_space<vmem>>
        %dma_wait3A_162 = arith.constant 0 : i32
        %dma_wait3A_163 = tpu.memref_slice %arg8[%dma_wait3A, %dma_wait3A_162] : memref<4x80xi32, #tpu.memory_space<vmem>> -> memref<1x80xi32, #tpu.memory_space<vmem>>
        %dma_wait3A_164 = tpu.memref_squeeze %dma_wait3A_163 : memref<1x80xi32, #tpu.memory_space<vmem>> -> memref<80xi32, #tpu.memory_space<vmem>>
        %dma_wait3A_165 = arith.constant 0 : i32
        %dma_wait3A_166 = arith.constant 0 : i32
        %dma_wait3A_167 = tpu.memref_slice %arg2[%dma_wait3A_165, %dma_wait3A_166] : memref<10000x128xf32, #tpu.memory_space<hbm>> -> memref<10000x128xf32, #tpu.memory_space<hbm>>
        %dma_wait3A_168 = tpu.memref_slice %arg12[%dma_wait3A_157] : memref<4x!tpu.dma_semaphore, #tpu.memory_space<semaphore_mem>> -> memref<1x!tpu.dma_semaphore, #tpu.memory_space<semaphore_mem>>
        %dma_wait3A_169 = tpu.memref_squeeze %dma_wait3A_168 : memref<1x!tpu.dma_semaphore, #tpu.memory_space<semaphore_mem>> -> memref<!tpu.dma_semaphore, #tpu.memory_space<semaphore_mem>>
        tpu.wait_indirect_dma semaphore(%dma_wait3A_169 : memref<!tpu.dma_semaphore, #tpu.memory_space<semaphore_mem>>) src(%dma_wait3A_167 : memref<10000x128xf32, #tpu.memory_space<hbm>>) dst(%dma_wait3A_161 : memref<80x128xf32, #tpu.memory_space<vmem>>)
        %dma_start3A = arith.constant 2 : i32
        %dma_start3A_170 = arith.constant 2 : i32
        %dma_start3A_171 = arith.constant 2 : i32
        %dma_start3A_172 = arith.constant 0 : i32
        %dma_start3A_173 = arith.constant 0 : i32
        %dma_start3A_174 = tpu.memref_slice %arg10[%dma_start3A, %dma_start3A_172, %dma_start3A_173] : memref<4x80x128xf32, #tpu.memory_space<vmem>> -> memref<1x80x128xf32, #tpu.memory_space<vmem>>
        %dma_start3A_175 = tpu.memref_squeeze %dma_start3A_174 : memref<1x80x128xf32, #tpu.memory_space<vmem>> -> memref<80x128xf32, #tpu.memory_space<vmem>>
        %dma_start3A_176 = arith.constant 0 : i32
        %dma_start3A_177 = tpu.memref_slice %arg9[%dma_start3A_170, %dma_start3A_176] : memref<4x80xi32, #tpu.memory_space<vmem>> -> memref<1x80xi32, #tpu.memory_space<vmem>>
        %dma_start3A_178 = tpu.memref_squeeze %dma_start3A_177 : memref<1x80xi32, #tpu.memory_space<vmem>> -> memref<80xi32, #tpu.memory_space<vmem>>
        %dma_start3A_179 = arith.constant 0 : i32
        %dma_start3A_180 = arith.constant 0 : i32
        %dma_start3A_181 = tpu.memref_slice %arg7[%dma_start3A_179, %dma_start3A_180] : memref<10000x128xf32, #tpu.memory_space<vmem_shared>> -> memref<10000x128xf32, #tpu.memory_space<vmem_shared>>
        %dma_start3A_182 = tpu.memref_slice %arg13[%dma_start3A_171] : memref<4x!tpu.dma_semaphore, #tpu.memory_space<semaphore_mem>> -> memref<1x!tpu.dma_semaphore, #tpu.memory_space<semaphore_mem>>
        %dma_start3A_183 = tpu.memref_squeeze %dma_start3A_182 : memref<1x!tpu.dma_semaphore, #tpu.memory_space<semaphore_mem>> -> memref<!tpu.dma_semaphore, #tpu.memory_space<semaphore_mem>>
        tpu.enqueue_indirect_dma source(%dma_start3A_175 : memref<80x128xf32, #tpu.memory_space<vmem>>) target(%dma_start3A_181 : memref<10000x128xf32, #tpu.memory_space<vmem_shared>>) offsets(%dma_start3A_178 : memref<80xi32, #tpu.memory_space<vmem>>) semaphore(%dma_start3A_183 : memref<!tpu.dma_semaphore, #tpu.memory_space<semaphore_mem>>) {add = true}
      } else {
      }
      %mul3A_57 = arith.constant 4 : i32
      %mul3A_58 = arith.muli %add3A_26, %mul3A_57 : i32
      %add3A_59 = arith.constant 1 : i32
      %add3A_60 = arith.addi %mul3A_58, %add3A_59 : i32
      %ge3A_61 = arith.constant 4 : i32
      %ge3A_62 = arith.cmpi sge, %add3A_60, %ge3A_61 : i32
      %lt3A_63 = arith.constant 129 : i32
      %lt3A_64 = arith.cmpi slt, %add3A_60, %lt3A_63 : i32
      %and3A_65 = arith.andi %ge3A_62, %lt3A_64 : i1
      %convert_element_type3A_66 = arith.extui %and3A_65 : i1 to i32
      %cond3A_67 = arith.constant 0 : i32
      %cond3A_68 = arith.cmpi ne, %convert_element_type3A_66, %cond3A_67 : i32
      scf.if %cond3A_68 {
        %dma_wait3A = arith.constant 1 : i32
        %dma_wait3A_156 = arith.constant 1 : i32
        %dma_wait3A_157 = arith.constant 1 : i32
        %dma_wait3A_158 = arith.constant 0 : i32
        %dma_wait3A_159 = arith.constant 0 : i32
        %dma_wait3A_160 = tpu.memref_slice %arg10[%dma_wait3A, %dma_wait3A_158, %dma_wait3A_159] : memref<4x80x128xf32, #tpu.memory_space<vmem>> -> memref<1x80x128xf32, #tpu.memory_space<vmem>>
        %dma_wait3A_161 = tpu.memref_squeeze %dma_wait3A_160 : memref<1x80x128xf32, #tpu.memory_space<vmem>> -> memref<80x128xf32, #tpu.memory_space<vmem>>
        %dma_wait3A_162 = arith.constant 0 : i32
        %dma_wait3A_163 = tpu.memref_slice %arg9[%dma_wait3A_156, %dma_wait3A_162] : memref<4x80xi32, #tpu.memory_space<vmem>> -> memref<1x80xi32, #tpu.memory_space<vmem>>
        %dma_wait3A_164 = tpu.memref_squeeze %dma_wait3A_163 : memref<1x80xi32, #tpu.memory_space<vmem>> -> memref<80xi32, #tpu.memory_space<vmem>>
        %dma_wait3A_165 = arith.constant 0 : i32
        %dma_wait3A_166 = arith.constant 0 : i32
        %dma_wait3A_167 = tpu.memref_slice %arg7[%dma_wait3A_165, %dma_wait3A_166] : memref<10000x128xf32, #tpu.memory_space<vmem_shared>> -> memref<10000x128xf32, #tpu.memory_space<vmem_shared>>
        %dma_wait3A_168 = tpu.memref_slice %arg13[%dma_wait3A_157] : memref<4x!tpu.dma_semaphore, #tpu.memory_space<semaphore_mem>> -> memref<1x!tpu.dma_semaphore, #tpu.memory_space<semaphore_mem>>
        %dma_wait3A_169 = tpu.memref_squeeze %dma_wait3A_168 : memref<1x!tpu.dma_semaphore, #tpu.memory_space<semaphore_mem>> -> memref<!tpu.dma_semaphore, #tpu.memory_space<semaphore_mem>>
        tpu.wait_indirect_dma semaphore(%dma_wait3A_169 : memref<!tpu.dma_semaphore, #tpu.memory_space<semaphore_mem>>) src(%dma_wait3A_161 : memref<80x128xf32, #tpu.memory_space<vmem>>) dst(%dma_wait3A_167 : memref<10000x128xf32, #tpu.memory_space<vmem_shared>>)
      } else {
      }
      %lt3A_69 = arith.constant 125 : i32
      %lt3A_70 = arith.cmpi slt, %add3A_60, %lt3A_69 : i32
      %convert_element_type3A_71 = arith.extui %lt3A_70 : i1 to i32
      %cond3A_72 = arith.constant 0 : i32
      %cond3A_73 = arith.cmpi ne, %convert_element_type3A_71, %cond3A_72 : i32
      scf.if %cond3A_73 {
        %mul3A_156 = arith.constant 80 : i32
        %mul3A_157 = arith.muli %add3A_60, %mul3A_156 : i32
        %add3A_158 = arith.addi %mul3A_2, %mul3A_157 : i32
        %dma_start3A = arith.constant 1 : i32
        %dma_start3A_159 = arith.constant 1 : i32
        %dma_start3A_160 = arith.constant 0 : i32
        %dma_start3A_161 = tpu.memref_slice %arg8[%dma_start3A, %dma_start3A_160] : memref<4x80xi32, #tpu.memory_space<vmem>> -> memref<1x80xi32, #tpu.memory_space<vmem>>
        %dma_start3A_162 = tpu.memref_squeeze %dma_start3A_161 : memref<1x80xi32, #tpu.memory_space<vmem>> -> memref<80xi32, #tpu.memory_space<vmem>>
        %dma_start3A_163 = tpu.memref_slice %arg3[%add3A_158] : memref<320000xi32, #tpu.memory_space<hbm>> -> memref<80xi32, #tpu.memory_space<hbm>>
        %dma_start3A_164 = tpu.memref_slice %arg11[%dma_start3A_159] : memref<4x!tpu.dma_semaphore, #tpu.memory_space<semaphore_mem>> -> memref<1x!tpu.dma_semaphore, #tpu.memory_space<semaphore_mem>>
        %dma_start3A_165 = tpu.memref_squeeze %dma_start3A_164 : memref<1x!tpu.dma_semaphore, #tpu.memory_space<semaphore_mem>> -> memref<!tpu.dma_semaphore, #tpu.memory_space<semaphore_mem>>
        %dma_start3A_166 = arith.constant 0 : i32
        %dma_start3A_167 = tpu.memref_slice %arg8[%dma_start3A, %dma_start3A_166] : memref<4x80xi32, #tpu.memory_space<vmem>> -> memref<1x80xi32, #tpu.memory_space<vmem>>
        %dma_start3A_168 = tpu.memref_squeeze %dma_start3A_167 : memref<1x80xi32, #tpu.memory_space<vmem>> -> memref<80xi32, #tpu.memory_space<vmem>>
        %dma_start3A_169 = tpu.memref_slice %arg3[%add3A_158] : memref<320000xi32, #tpu.memory_space<hbm>> -> memref<80xi32, #tpu.memory_space<hbm>>
        tpu.enqueue_dma source(%dma_start3A_169 : memref<80xi32, #tpu.memory_space<hbm>>) target(%dma_start3A_168 : memref<80xi32, #tpu.memory_space<vmem>>) target_semaphore(%dma_start3A_165 : memref<!tpu.dma_semaphore, #tpu.memory_space<semaphore_mem>>)
        %dma_start3A_170 = arith.constant 1 : i32
        %dma_start3A_171 = arith.constant 1 : i32
        %dma_start3A_172 = arith.constant 0 : i32
        %dma_start3A_173 = tpu.memref_slice %arg9[%dma_start3A_170, %dma_start3A_172] : memref<4x80xi32, #tpu.memory_space<vmem>> -> memref<1x80xi32, #tpu.memory_space<vmem>>
        %dma_start3A_174 = tpu.memref_squeeze %dma_start3A_173 : memref<1x80xi32, #tpu.memory_space<vmem>> -> memref<80xi32, #tpu.memory_space<vmem>>
        %dma_start3A_175 = tpu.memref_slice %arg4[%add3A_158] : memref<320000xi32, #tpu.memory_space<hbm>> -> memref<80xi32, #tpu.memory_space<hbm>>
        %dma_start3A_176 = tpu.memref_slice %arg11[%dma_start3A_171] : memref<4x!tpu.dma_semaphore, #tpu.memory_space<semaphore_mem>> -> memref<1x!tpu.dma_semaphore, #tpu.memory_space<semaphore_mem>>
        %dma_start3A_177 = tpu.memref_squeeze %dma_start3A_176 : memref<1x!tpu.dma_semaphore, #tpu.memory_space<semaphore_mem>> -> memref<!tpu.dma_semaphore, #tpu.memory_space<semaphore_mem>>
        %dma_start3A_178 = arith.constant 0 : i32
        %dma_start3A_179 = tpu.memref_slice %arg9[%dma_start3A_170, %dma_start3A_178] : memref<4x80xi32, #tpu.memory_space<vmem>> -> memref<1x80xi32, #tpu.memory_space<vmem>>
        %dma_start3A_180 = tpu.memref_squeeze %dma_start3A_179 : memref<1x80xi32, #tpu.memory_space<vmem>> -> memref<80xi32, #tpu.memory_space<vmem>>
        %dma_start3A_181 = tpu.memref_slice %arg4[%add3A_158] : memref<320000xi32, #tpu.memory_space<hbm>> -> memref<80xi32, #tpu.memory_space<hbm>>
        tpu.enqueue_dma source(%dma_start3A_181 : memref<80xi32, #tpu.memory_space<hbm>>) target(%dma_start3A_180 : memref<80xi32, #tpu.memory_space<vmem>>) target_semaphore(%dma_start3A_177 : memref<!tpu.dma_semaphore, #tpu.memory_space<semaphore_mem>>)
      } else {
      }
      %ge3A_74 = arith.constant 1 : i32
      %ge3A_75 = arith.cmpi sge, %add3A_60, %ge3A_74 : i32
      %lt3A_76 = arith.constant 126 : i32
      %lt3A_77 = arith.cmpi slt, %add3A_60, %lt3A_76 : i32
      %and3A_78 = arith.andi %ge3A_75, %lt3A_77 : i1
      %convert_element_type3A_79 = arith.extui %and3A_78 : i1 to i32
      %cond3A_80 = arith.constant 0 : i32
      %cond3A_81 = arith.cmpi ne, %convert_element_type3A_79, %cond3A_80 : i32
      scf.if %cond3A_81 {
        %dma_wait3A = arith.constant 0 : i32
        %dma_wait3A_156 = arith.constant 0 : i32
        %dma_wait3A_157 = arith.constant 0 : i32
        %dma_wait3A_158 = tpu.memref_slice %arg8[%dma_wait3A, %dma_wait3A_157] : memref<4x80xi32, #tpu.memory_space<vmem>> -> memref<1x80xi32, #tpu.memory_space<vmem>>
        %dma_wait3A_159 = tpu.memref_squeeze %dma_wait3A_158 : memref<1x80xi32, #tpu.memory_space<vmem>> -> memref<80xi32, #tpu.memory_space<vmem>>
        %dma_wait3A_160 = tpu.memref_slice %arg3[%mul3A_2] : memref<320000xi32, #tpu.memory_space<hbm>> -> memref<80xi32, #tpu.memory_space<hbm>>
        %dma_wait3A_161 = tpu.memref_slice %arg11[%dma_wait3A_156] : memref<4x!tpu.dma_semaphore, #tpu.memory_space<semaphore_mem>> -> memref<1x!tpu.dma_semaphore, #tpu.memory_space<semaphore_mem>>
        %dma_wait3A_162 = tpu.memref_squeeze %dma_wait3A_161 : memref<1x!tpu.dma_semaphore, #tpu.memory_space<semaphore_mem>> -> memref<!tpu.dma_semaphore, #tpu.memory_space<semaphore_mem>>
        %dma_wait3A_163 = arith.constant 0 : i32
        %dma_wait3A_164 = tpu.memref_slice %arg8[%dma_wait3A, %dma_wait3A_163] : memref<4x80xi32, #tpu.memory_space<vmem>> -> memref<1x80xi32, #tpu.memory_space<vmem>>
        %dma_wait3A_165 = tpu.memref_squeeze %dma_wait3A_164 : memref<1x80xi32, #tpu.memory_space<vmem>> -> memref<80xi32, #tpu.memory_space<vmem>>
        %dma_wait3A_166 = tpu.memref_slice %arg3[%mul3A_2] : memref<320000xi32, #tpu.memory_space<hbm>> -> memref<80xi32, #tpu.memory_space<hbm>>
        tpu.wait_dma2 semaphore(%dma_wait3A_162 : memref<!tpu.dma_semaphore, #tpu.memory_space<semaphore_mem>>) src(%dma_wait3A_166 : memref<80xi32, #tpu.memory_space<hbm>>) dst(%dma_wait3A_165 : memref<80xi32, #tpu.memory_space<vmem>>)
        %dma_wait3A_167 = arith.constant 0 : i32
        %dma_wait3A_168 = arith.constant 0 : i32
        %dma_wait3A_169 = arith.constant 0 : i32
        %dma_wait3A_170 = tpu.memref_slice %arg9[%dma_wait3A_167, %dma_wait3A_169] : memref<4x80xi32, #tpu.memory_space<vmem>> -> memref<1x80xi32, #tpu.memory_space<vmem>>
        %dma_wait3A_171 = tpu.memref_squeeze %dma_wait3A_170 : memref<1x80xi32, #tpu.memory_space<vmem>> -> memref<80xi32, #tpu.memory_space<vmem>>
        %dma_wait3A_172 = tpu.memref_slice %arg4[%mul3A_2] : memref<320000xi32, #tpu.memory_space<hbm>> -> memref<80xi32, #tpu.memory_space<hbm>>
        %dma_wait3A_173 = tpu.memref_slice %arg11[%dma_wait3A_168] : memref<4x!tpu.dma_semaphore, #tpu.memory_space<semaphore_mem>> -> memref<1x!tpu.dma_semaphore, #tpu.memory_space<semaphore_mem>>
        %dma_wait3A_174 = tpu.memref_squeeze %dma_wait3A_173 : memref<1x!tpu.dma_semaphore, #tpu.memory_space<semaphore_mem>> -> memref<!tpu.dma_semaphore, #tpu.memory_space<semaphore_mem>>
        %dma_wait3A_175 = arith.constant 0 : i32
        %dma_wait3A_176 = tpu.memref_slice %arg9[%dma_wait3A_167, %dma_wait3A_175] : memref<4x80xi32, #tpu.memory_space<vmem>> -> memref<1x80xi32, #tpu.memory_space<vmem>>
        %dma_wait3A_177 = tpu.memref_squeeze %dma_wait3A_176 : memref<1x80xi32, #tpu.memory_space<vmem>> -> memref<80xi32, #tpu.memory_space<vmem>>
        %dma_wait3A_178 = tpu.memref_slice %arg4[%mul3A_2] : memref<320000xi32, #tpu.memory_space<hbm>> -> memref<80xi32, #tpu.memory_space<hbm>>
        tpu.wait_dma2 semaphore(%dma_wait3A_174 : memref<!tpu.dma_semaphore, #tpu.memory_space<semaphore_mem>>) src(%dma_wait3A_178 : memref<80xi32, #tpu.memory_space<hbm>>) dst(%dma_wait3A_177 : memref<80xi32, #tpu.memory_space<vmem>>)
        %dma_start3A = arith.constant 0 : i32
        %dma_start3A_179 = arith.constant 0 : i32
        %dma_start3A_180 = arith.constant 0 : i32
        %dma_start3A_181 = arith.constant 0 : i32
        %dma_start3A_182 = arith.constant 0 : i32
        %dma_start3A_183 = tpu.memref_slice %arg10[%dma_start3A_179, %dma_start3A_181, %dma_start3A_182] : memref<4x80x128xf32, #tpu.memory_space<vmem>> -> memref<1x80x128xf32, #tpu.memory_space<vmem>>
        %dma_start3A_184 = tpu.memref_squeeze %dma_start3A_183 : memref<1x80x128xf32, #tpu.memory_space<vmem>> -> memref<80x128xf32, #tpu.memory_space<vmem>>
        %dma_start3A_185 = arith.constant 0 : i32
        %dma_start3A_186 = tpu.memref_slice %arg8[%dma_start3A, %dma_start3A_185] : memref<4x80xi32, #tpu.memory_space<vmem>> -> memref<1x80xi32, #tpu.memory_space<vmem>>
        %dma_start3A_187 = tpu.memref_squeeze %dma_start3A_186 : memref<1x80xi32, #tpu.memory_space<vmem>> -> memref<80xi32, #tpu.memory_space<vmem>>
        %dma_start3A_188 = arith.constant 0 : i32
        %dma_start3A_189 = arith.constant 0 : i32
        %dma_start3A_190 = tpu.memref_slice %arg2[%dma_start3A_188, %dma_start3A_189] : memref<10000x128xf32, #tpu.memory_space<hbm>> -> memref<10000x128xf32, #tpu.memory_space<hbm>>
        %dma_start3A_191 = tpu.memref_slice %arg12[%dma_start3A_180] : memref<4x!tpu.dma_semaphore, #tpu.memory_space<semaphore_mem>> -> memref<1x!tpu.dma_semaphore, #tpu.memory_space<semaphore_mem>>
        %dma_start3A_192 = tpu.memref_squeeze %dma_start3A_191 : memref<1x!tpu.dma_semaphore, #tpu.memory_space<semaphore_mem>> -> memref<!tpu.dma_semaphore, #tpu.memory_space<semaphore_mem>>
        tpu.enqueue_indirect_dma source(%dma_start3A_190 : memref<10000x128xf32, #tpu.memory_space<hbm>>) target(%dma_start3A_184 : memref<80x128xf32, #tpu.memory_space<vmem>>) offsets(%dma_start3A_187 : memref<80xi32, #tpu.memory_space<vmem>>) semaphore(%dma_start3A_192 : memref<!tpu.dma_semaphore, #tpu.memory_space<semaphore_mem>>)
      } else {
      }
      %ge3A_82 = arith.constant 2 : i32
      %ge3A_83 = arith.cmpi sge, %add3A_60, %ge3A_82 : i32
      %lt3A_84 = arith.constant 127 : i32
      %lt3A_85 = arith.cmpi slt, %add3A_60, %lt3A_84 : i32
      %and3A_86 = arith.andi %ge3A_83, %lt3A_85 : i1
      %convert_element_type3A_87 = arith.extui %and3A_86 : i1 to i32
      %cond3A_88 = arith.constant 0 : i32
      %cond3A_89 = arith.cmpi ne, %convert_element_type3A_87, %cond3A_88 : i32
      scf.if %cond3A_89 {
        %dma_wait3A = arith.constant 3 : i32
        %dma_wait3A_156 = arith.constant 3 : i32
        %dma_wait3A_157 = arith.constant 3 : i32
        %dma_wait3A_158 = arith.constant 0 : i32
        %dma_wait3A_159 = arith.constant 0 : i32
        %dma_wait3A_160 = tpu.memref_slice %arg10[%dma_wait3A_156, %dma_wait3A_158, %dma_wait3A_159] : memref<4x80x128xf32, #tpu.memory_space<vmem>> -> memref<1x80x128xf32, #tpu.memory_space<vmem>>
        %dma_wait3A_161 = tpu.memref_squeeze %dma_wait3A_160 : memref<1x80x128xf32, #tpu.memory_space<vmem>> -> memref<80x128xf32, #tpu.memory_space<vmem>>
        %dma_wait3A_162 = arith.constant 0 : i32
        %dma_wait3A_163 = tpu.memref_slice %arg8[%dma_wait3A, %dma_wait3A_162] : memref<4x80xi32, #tpu.memory_space<vmem>> -> memref<1x80xi32, #tpu.memory_space<vmem>>
        %dma_wait3A_164 = tpu.memref_squeeze %dma_wait3A_163 : memref<1x80xi32, #tpu.memory_space<vmem>> -> memref<80xi32, #tpu.memory_space<vmem>>
        %dma_wait3A_165 = arith.constant 0 : i32
        %dma_wait3A_166 = arith.constant 0 : i32
        %dma_wait3A_167 = tpu.memref_slice %arg2[%dma_wait3A_165, %dma_wait3A_166] : memref<10000x128xf32, #tpu.memory_space<hbm>> -> memref<10000x128xf32, #tpu.memory_space<hbm>>
        %dma_wait3A_168 = tpu.memref_slice %arg12[%dma_wait3A_157] : memref<4x!tpu.dma_semaphore, #tpu.memory_space<semaphore_mem>> -> memref<1x!tpu.dma_semaphore, #tpu.memory_space<semaphore_mem>>
        %dma_wait3A_169 = tpu.memref_squeeze %dma_wait3A_168 : memref<1x!tpu.dma_semaphore, #tpu.memory_space<semaphore_mem>> -> memref<!tpu.dma_semaphore, #tpu.memory_space<semaphore_mem>>
        tpu.wait_indirect_dma semaphore(%dma_wait3A_169 : memref<!tpu.dma_semaphore, #tpu.memory_space<semaphore_mem>>) src(%dma_wait3A_167 : memref<10000x128xf32, #tpu.memory_space<hbm>>) dst(%dma_wait3A_161 : memref<80x128xf32, #tpu.memory_space<vmem>>)
        %dma_start3A = arith.constant 3 : i32
        %dma_start3A_170 = arith.constant 3 : i32
        %dma_start3A_171 = arith.constant 3 : i32
        %dma_start3A_172 = arith.constant 0 : i32
        %dma_start3A_173 = arith.constant 0 : i32
        %dma_start3A_174 = tpu.memref_slice %arg10[%dma_start3A, %dma_start3A_172, %dma_start3A_173] : memref<4x80x128xf32, #tpu.memory_space<vmem>> -> memref<1x80x128xf32, #tpu.memory_space<vmem>>
        %dma_start3A_175 = tpu.memref_squeeze %dma_start3A_174 : memref<1x80x128xf32, #tpu.memory_space<vmem>> -> memref<80x128xf32, #tpu.memory_space<vmem>>
        %dma_start3A_176 = arith.constant 0 : i32
        %dma_start3A_177 = tpu.memref_slice %arg9[%dma_start3A_170, %dma_start3A_176] : memref<4x80xi32, #tpu.memory_space<vmem>> -> memref<1x80xi32, #tpu.memory_space<vmem>>
        %dma_start3A_178 = tpu.memref_squeeze %dma_start3A_177 : memref<1x80xi32, #tpu.memory_space<vmem>> -> memref<80xi32, #tpu.memory_space<vmem>>
        %dma_start3A_179 = arith.constant 0 : i32
        %dma_start3A_180 = arith.constant 0 : i32
        %dma_start3A_181 = tpu.memref_slice %arg7[%dma_start3A_179, %dma_start3A_180] : memref<10000x128xf32, #tpu.memory_space<vmem_shared>> -> memref<10000x128xf32, #tpu.memory_space<vmem_shared>>
        %dma_start3A_182 = tpu.memref_slice %arg13[%dma_start3A_171] : memref<4x!tpu.dma_semaphore, #tpu.memory_space<semaphore_mem>> -> memref<1x!tpu.dma_semaphore, #tpu.memory_space<semaphore_mem>>
        %dma_start3A_183 = tpu.memref_squeeze %dma_start3A_182 : memref<1x!tpu.dma_semaphore, #tpu.memory_space<semaphore_mem>> -> memref<!tpu.dma_semaphore, #tpu.memory_space<semaphore_mem>>
        tpu.enqueue_indirect_dma source(%dma_start3A_175 : memref<80x128xf32, #tpu.memory_space<vmem>>) target(%dma_start3A_181 : memref<10000x128xf32, #tpu.memory_space<vmem_shared>>) offsets(%dma_start3A_178 : memref<80xi32, #tpu.memory_space<vmem>>) semaphore(%dma_start3A_183 : memref<!tpu.dma_semaphore, #tpu.memory_space<semaphore_mem>>) {add = true}
      } else {
      }
      %mul3A_90 = arith.constant 4 : i32
      %mul3A_91 = arith.muli %add3A_26, %mul3A_90 : i32
      %add3A_92 = arith.constant 2 : i32
      %add3A_93 = arith.addi %mul3A_91, %add3A_92 : i32
      %ge3A_94 = arith.constant 4 : i32
      %ge3A_95 = arith.cmpi sge, %add3A_93, %ge3A_94 : i32
      %lt3A_96 = arith.constant 129 : i32
      %lt3A_97 = arith.cmpi slt, %add3A_93, %lt3A_96 : i32
      %and3A_98 = arith.andi %ge3A_95, %lt3A_97 : i1
      %convert_element_type3A_99 = arith.extui %and3A_98 : i1 to i32
      %cond3A_100 = arith.constant 0 : i32
      %cond3A_101 = arith.cmpi ne, %convert_element_type3A_99, %cond3A_100 : i32
      scf.if %cond3A_101 {
        %dma_wait3A = arith.constant 2 : i32
        %dma_wait3A_156 = arith.constant 2 : i32
        %dma_wait3A_157 = arith.constant 2 : i32
        %dma_wait3A_158 = arith.constant 0 : i32
        %dma_wait3A_159 = arith.constant 0 : i32
        %dma_wait3A_160 = tpu.memref_slice %arg10[%dma_wait3A, %dma_wait3A_158, %dma_wait3A_159] : memref<4x80x128xf32, #tpu.memory_space<vmem>> -> memref<1x80x128xf32, #tpu.memory_space<vmem>>
        %dma_wait3A_161 = tpu.memref_squeeze %dma_wait3A_160 : memref<1x80x128xf32, #tpu.memory_space<vmem>> -> memref<80x128xf32, #tpu.memory_space<vmem>>
        %dma_wait3A_162 = arith.constant 0 : i32
        %dma_wait3A_163 = tpu.memref_slice %arg9[%dma_wait3A_156, %dma_wait3A_162] : memref<4x80xi32, #tpu.memory_space<vmem>> -> memref<1x80xi32, #tpu.memory_space<vmem>>
        %dma_wait3A_164 = tpu.memref_squeeze %dma_wait3A_163 : memref<1x80xi32, #tpu.memory_space<vmem>> -> memref<80xi32, #tpu.memory_space<vmem>>
        %dma_wait3A_165 = arith.constant 0 : i32
        %dma_wait3A_166 = arith.constant 0 : i32
        %dma_wait3A_167 = tpu.memref_slice %arg7[%dma_wait3A_165, %dma_wait3A_166] : memref<10000x128xf32, #tpu.memory_space<vmem_shared>> -> memref<10000x128xf32, #tpu.memory_space<vmem_shared>>
        %dma_wait3A_168 = tpu.memref_slice %arg13[%dma_wait3A_157] : memref<4x!tpu.dma_semaphore, #tpu.memory_space<semaphore_mem>> -> memref<1x!tpu.dma_semaphore, #tpu.memory_space<semaphore_mem>>
        %dma_wait3A_169 = tpu.memref_squeeze %dma_wait3A_168 : memref<1x!tpu.dma_semaphore, #tpu.memory_space<semaphore_mem>> -> memref<!tpu.dma_semaphore, #tpu.memory_space<semaphore_mem>>
        tpu.wait_indirect_dma semaphore(%dma_wait3A_169 : memref<!tpu.dma_semaphore, #tpu.memory_space<semaphore_mem>>) src(%dma_wait3A_161 : memref<80x128xf32, #tpu.memory_space<vmem>>) dst(%dma_wait3A_167 : memref<10000x128xf32, #tpu.memory_space<vmem_shared>>)
      } else {
      }
      %lt3A_102 = arith.constant 125 : i32
      %lt3A_103 = arith.cmpi slt, %add3A_93, %lt3A_102 : i32
      %convert_element_type3A_104 = arith.extui %lt3A_103 : i1 to i32
      %cond3A_105 = arith.constant 0 : i32
      %cond3A_106 = arith.cmpi ne, %convert_element_type3A_104, %cond3A_105 : i32
      scf.if %cond3A_106 {
        %mul3A_156 = arith.constant 80 : i32
        %mul3A_157 = arith.muli %add3A_93, %mul3A_156 : i32
        %add3A_158 = arith.addi %mul3A_2, %mul3A_157 : i32
        %dma_start3A = arith.constant 2 : i32
        %dma_start3A_159 = arith.constant 2 : i32
        %dma_start3A_160 = arith.constant 0 : i32
        %dma_start3A_161 = tpu.memref_slice %arg8[%dma_start3A, %dma_start3A_160] : memref<4x80xi32, #tpu.memory_space<vmem>> -> memref<1x80xi32, #tpu.memory_space<vmem>>
        %dma_start3A_162 = tpu.memref_squeeze %dma_start3A_161 : memref<1x80xi32, #tpu.memory_space<vmem>> -> memref<80xi32, #tpu.memory_space<vmem>>
        %dma_start3A_163 = tpu.memref_slice %arg3[%add3A_158] : memref<320000xi32, #tpu.memory_space<hbm>> -> memref<80xi32, #tpu.memory_space<hbm>>
        %dma_start3A_164 = tpu.memref_slice %arg11[%dma_start3A_159] : memref<4x!tpu.dma_semaphore, #tpu.memory_space<semaphore_mem>> -> memref<1x!tpu.dma_semaphore, #tpu.memory_space<semaphore_mem>>
        %dma_start3A_165 = tpu.memref_squeeze %dma_start3A_164 : memref<1x!tpu.dma_semaphore, #tpu.memory_space<semaphore_mem>> -> memref<!tpu.dma_semaphore, #tpu.memory_space<semaphore_mem>>
        %dma_start3A_166 = arith.constant 0 : i32
        %dma_start3A_167 = tpu.memref_slice %arg8[%dma_start3A, %dma_start3A_166] : memref<4x80xi32, #tpu.memory_space<vmem>> -> memref<1x80xi32, #tpu.memory_space<vmem>>
        %dma_start3A_168 = tpu.memref_squeeze %dma_start3A_167 : memref<1x80xi32, #tpu.memory_space<vmem>> -> memref<80xi32, #tpu.memory_space<vmem>>
        %dma_start3A_169 = tpu.memref_slice %arg3[%add3A_158] : memref<320000xi32, #tpu.memory_space<hbm>> -> memref<80xi32, #tpu.memory_space<hbm>>
        tpu.enqueue_dma source(%dma_start3A_169 : memref<80xi32, #tpu.memory_space<hbm>>) target(%dma_start3A_168 : memref<80xi32, #tpu.memory_space<vmem>>) target_semaphore(%dma_start3A_165 : memref<!tpu.dma_semaphore, #tpu.memory_space<semaphore_mem>>)
        %dma_start3A_170 = arith.constant 2 : i32
        %dma_start3A_171 = arith.constant 2 : i32
        %dma_start3A_172 = arith.constant 0 : i32
        %dma_start3A_173 = tpu.memref_slice %arg9[%dma_start3A_170, %dma_start3A_172] : memref<4x80xi32, #tpu.memory_space<vmem>> -> memref<1x80xi32, #tpu.memory_space<vmem>>
        %dma_start3A_174 = tpu.memref_squeeze %dma_start3A_173 : memref<1x80xi32, #tpu.memory_space<vmem>> -> memref<80xi32, #tpu.memory_space<vmem>>
        %dma_start3A_175 = tpu.memref_slice %arg4[%add3A_158] : memref<320000xi32, #tpu.memory_space<hbm>> -> memref<80xi32, #tpu.memory_space<hbm>>
        %dma_start3A_176 = tpu.memref_slice %arg11[%dma_start3A_171] : memref<4x!tpu.dma_semaphore, #tpu.memory_space<semaphore_mem>> -> memref<1x!tpu.dma_semaphore, #tpu.memory_space<semaphore_mem>>
        %dma_start3A_177 = tpu.memref_squeeze %dma_start3A_176 : memref<1x!tpu.dma_semaphore, #tpu.memory_space<semaphore_mem>> -> memref<!tpu.dma_semaphore, #tpu.memory_space<semaphore_mem>>
        %dma_start3A_178 = arith.constant 0 : i32
        %dma_start3A_179 = tpu.memref_slice %arg9[%dma_start3A_170, %dma_start3A_178] : memref<4x80xi32, #tpu.memory_space<vmem>> -> memref<1x80xi32, #tpu.memory_space<vmem>>
        %dma_start3A_180 = tpu.memref_squeeze %dma_start3A_179 : memref<1x80xi32, #tpu.memory_space<vmem>> -> memref<80xi32, #tpu.memory_space<vmem>>
        %dma_start3A_181 = tpu.memref_slice %arg4[%add3A_158] : memref<320000xi32, #tpu.memory_space<hbm>> -> memref<80xi32, #tpu.memory_space<hbm>>
        tpu.enqueue_dma source(%dma_start3A_181 : memref<80xi32, #tpu.memory_space<hbm>>) target(%dma_start3A_180 : memref<80xi32, #tpu.memory_space<vmem>>) target_semaphore(%dma_start3A_177 : memref<!tpu.dma_semaphore, #tpu.memory_space<semaphore_mem>>)
      } else {
      }
      %ge3A_107 = arith.constant 1 : i32
      %ge3A_108 = arith.cmpi sge, %add3A_93, %ge3A_107 : i32
      %lt3A_109 = arith.constant 126 : i32
      %lt3A_110 = arith.cmpi slt, %add3A_93, %lt3A_109 : i32
      %and3A_111 = arith.andi %ge3A_108, %lt3A_110 : i1
      %convert_element_type3A_112 = arith.extui %and3A_111 : i1 to i32
      %cond3A_113 = arith.constant 0 : i32
      %cond3A_114 = arith.cmpi ne, %convert_element_type3A_112, %cond3A_113 : i32
      scf.if %cond3A_114 {
        %dma_wait3A = arith.constant 1 : i32
        %dma_wait3A_156 = arith.constant 1 : i32
        %dma_wait3A_157 = arith.constant 0 : i32
        %dma_wait3A_158 = tpu.memref_slice %arg8[%dma_wait3A, %dma_wait3A_157] : memref<4x80xi32, #tpu.memory_space<vmem>> -> memref<1x80xi32, #tpu.memory_space<vmem>>
        %dma_wait3A_159 = tpu.memref_squeeze %dma_wait3A_158 : memref<1x80xi32, #tpu.memory_space<vmem>> -> memref<80xi32, #tpu.memory_space<vmem>>
        %dma_wait3A_160 = tpu.memref_slice %arg3[%mul3A_2] : memref<320000xi32, #tpu.memory_space<hbm>> -> memref<80xi32, #tpu.memory_space<hbm>>
        %dma_wait3A_161 = tpu.memref_slice %arg11[%dma_wait3A_156] : memref<4x!tpu.dma_semaphore, #tpu.memory_space<semaphore_mem>> -> memref<1x!tpu.dma_semaphore, #tpu.memory_space<semaphore_mem>>
        %dma_wait3A_162 = tpu.memref_squeeze %dma_wait3A_161 : memref<1x!tpu.dma_semaphore, #tpu.memory_space<semaphore_mem>> -> memref<!tpu.dma_semaphore, #tpu.memory_space<semaphore_mem>>
        %dma_wait3A_163 = arith.constant 0 : i32
        %dma_wait3A_164 = tpu.memref_slice %arg8[%dma_wait3A, %dma_wait3A_163] : memref<4x80xi32, #tpu.memory_space<vmem>> -> memref<1x80xi32, #tpu.memory_space<vmem>>
        %dma_wait3A_165 = tpu.memref_squeeze %dma_wait3A_164 : memref<1x80xi32, #tpu.memory_space<vmem>> -> memref<80xi32, #tpu.memory_space<vmem>>
        %dma_wait3A_166 = tpu.memref_slice %arg3[%mul3A_2] : memref<320000xi32, #tpu.memory_space<hbm>> -> memref<80xi32, #tpu.memory_space<hbm>>
        tpu.wait_dma2 semaphore(%dma_wait3A_162 : memref<!tpu.dma_semaphore, #tpu.memory_space<semaphore_mem>>) src(%dma_wait3A_166 : memref<80xi32, #tpu.memory_space<hbm>>) dst(%dma_wait3A_165 : memref<80xi32, #tpu.memory_space<vmem>>)
        %dma_wait3A_167 = arith.constant 1 : i32
        %dma_wait3A_168 = arith.constant 1 : i32
        %dma_wait3A_169 = arith.constant 0 : i32
        %dma_wait3A_170 = tpu.memref_slice %arg9[%dma_wait3A_167, %dma_wait3A_169] : memref<4x80xi32, #tpu.memory_space<vmem>> -> memref<1x80xi32, #tpu.memory_space<vmem>>
        %dma_wait3A_171 = tpu.memref_squeeze %dma_wait3A_170 : memref<1x80xi32, #tpu.memory_space<vmem>> -> memref<80xi32, #tpu.memory_space<vmem>>
        %dma_wait3A_172 = tpu.memref_slice %arg4[%mul3A_2] : memref<320000xi32, #tpu.memory_space<hbm>> -> memref<80xi32, #tpu.memory_space<hbm>>
        %dma_wait3A_173 = tpu.memref_slice %arg11[%dma_wait3A_168] : memref<4x!tpu.dma_semaphore, #tpu.memory_space<semaphore_mem>> -> memref<1x!tpu.dma_semaphore, #tpu.memory_space<semaphore_mem>>
        %dma_wait3A_174 = tpu.memref_squeeze %dma_wait3A_173 : memref<1x!tpu.dma_semaphore, #tpu.memory_space<semaphore_mem>> -> memref<!tpu.dma_semaphore, #tpu.memory_space<semaphore_mem>>
        %dma_wait3A_175 = arith.constant 0 : i32
        %dma_wait3A_176 = tpu.memref_slice %arg9[%dma_wait3A_167, %dma_wait3A_175] : memref<4x80xi32, #tpu.memory_space<vmem>> -> memref<1x80xi32, #tpu.memory_space<vmem>>
        %dma_wait3A_177 = tpu.memref_squeeze %dma_wait3A_176 : memref<1x80xi32, #tpu.memory_space<vmem>> -> memref<80xi32, #tpu.memory_space<vmem>>
        %dma_wait3A_178 = tpu.memref_slice %arg4[%mul3A_2] : memref<320000xi32, #tpu.memory_space<hbm>> -> memref<80xi32, #tpu.memory_space<hbm>>
        tpu.wait_dma2 semaphore(%dma_wait3A_174 : memref<!tpu.dma_semaphore, #tpu.memory_space<semaphore_mem>>) src(%dma_wait3A_178 : memref<80xi32, #tpu.memory_space<hbm>>) dst(%dma_wait3A_177 : memref<80xi32, #tpu.memory_space<vmem>>)
        %dma_start3A = arith.constant 1 : i32
        %dma_start3A_179 = arith.constant 1 : i32
        %dma_start3A_180 = arith.constant 1 : i32
        %dma_start3A_181 = arith.constant 0 : i32
        %dma_start3A_182 = arith.constant 0 : i32
        %dma_start3A_183 = tpu.memref_slice %arg10[%dma_start3A_179, %dma_start3A_181, %dma_start3A_182] : memref<4x80x128xf32, #tpu.memory_space<vmem>> -> memref<1x80x128xf32, #tpu.memory_space<vmem>>
        %dma_start3A_184 = tpu.memref_squeeze %dma_start3A_183 : memref<1x80x128xf32, #tpu.memory_space<vmem>> -> memref<80x128xf32, #tpu.memory_space<vmem>>
        %dma_start3A_185 = arith.constant 0 : i32
        %dma_start3A_186 = tpu.memref_slice %arg8[%dma_start3A, %dma_start3A_185] : memref<4x80xi32, #tpu.memory_space<vmem>> -> memref<1x80xi32, #tpu.memory_space<vmem>>
        %dma_start3A_187 = tpu.memref_squeeze %dma_start3A_186 : memref<1x80xi32, #tpu.memory_space<vmem>> -> memref<80xi32, #tpu.memory_space<vmem>>
        %dma_start3A_188 = arith.constant 0 : i32
        %dma_start3A_189 = arith.constant 0 : i32
        %dma_start3A_190 = tpu.memref_slice %arg2[%dma_start3A_188, %dma_start3A_189] : memref<10000x128xf32, #tpu.memory_space<hbm>> -> memref<10000x128xf32, #tpu.memory_space<hbm>>
        %dma_start3A_191 = tpu.memref_slice %arg12[%dma_start3A_180] : memref<4x!tpu.dma_semaphore, #tpu.memory_space<semaphore_mem>> -> memref<1x!tpu.dma_semaphore, #tpu.memory_space<semaphore_mem>>
        %dma_start3A_192 = tpu.memref_squeeze %dma_start3A_191 : memref<1x!tpu.dma_semaphore, #tpu.memory_space<semaphore_mem>> -> memref<!tpu.dma_semaphore, #tpu.memory_space<semaphore_mem>>
        tpu.enqueue_indirect_dma source(%dma_start3A_190 : memref<10000x128xf32, #tpu.memory_space<hbm>>) target(%dma_start3A_184 : memref<80x128xf32, #tpu.memory_space<vmem>>) offsets(%dma_start3A_187 : memref<80xi32, #tpu.memory_space<vmem>>) semaphore(%dma_start3A_192 : memref<!tpu.dma_semaphore, #tpu.memory_space<semaphore_mem>>)
      } else {
      }
      %ge3A_115 = arith.constant 2 : i32
      %ge3A_116 = arith.cmpi sge, %add3A_93, %ge3A_115 : i32
      %lt3A_117 = arith.constant 127 : i32
      %lt3A_118 = arith.cmpi slt, %add3A_93, %lt3A_117 : i32
      %and3A_119 = arith.andi %ge3A_116, %lt3A_118 : i1
      %convert_element_type3A_120 = arith.extui %and3A_119 : i1 to i32
      %cond3A_121 = arith.constant 0 : i32
      %cond3A_122 = arith.cmpi ne, %convert_element_type3A_120, %cond3A_121 : i32
      scf.if %cond3A_122 {
        %dma_wait3A = arith.constant 0 : i32
        %dma_wait3A_156 = arith.constant 0 : i32
        %dma_wait3A_157 = arith.constant 0 : i32
        %dma_wait3A_158 = arith.constant 0 : i32
        %dma_wait3A_159 = arith.constant 0 : i32
        %dma_wait3A_160 = tpu.memref_slice %arg10[%dma_wait3A_156, %dma_wait3A_158, %dma_wait3A_159] : memref<4x80x128xf32, #tpu.memory_space<vmem>> -> memref<1x80x128xf32, #tpu.memory_space<vmem>>
        %dma_wait3A_161 = tpu.memref_squeeze %dma_wait3A_160 : memref<1x80x128xf32, #tpu.memory_space<vmem>> -> memref<80x128xf32, #tpu.memory_space<vmem>>
        %dma_wait3A_162 = arith.constant 0 : i32
        %dma_wait3A_163 = tpu.memref_slice %arg8[%dma_wait3A, %dma_wait3A_162] : memref<4x80xi32, #tpu.memory_space<vmem>> -> memref<1x80xi32, #tpu.memory_space<vmem>>
        %dma_wait3A_164 = tpu.memref_squeeze %dma_wait3A_163 : memref<1x80xi32, #tpu.memory_space<vmem>> -> memref<80xi32, #tpu.memory_space<vmem>>
        %dma_wait3A_165 = arith.constant 0 : i32
        %dma_wait3A_166 = arith.constant 0 : i32
        %dma_wait3A_167 = tpu.memref_slice %arg2[%dma_wait3A_165, %dma_wait3A_166] : memref<10000x128xf32, #tpu.memory_space<hbm>> -> memref<10000x128xf32, #tpu.memory_space<hbm>>
        %dma_wait3A_168 = tpu.memref_slice %arg12[%dma_wait3A_157] : memref<4x!tpu.dma_semaphore, #tpu.memory_space<semaphore_mem>> -> memref<1x!tpu.dma_semaphore, #tpu.memory_space<semaphore_mem>>
        %dma_wait3A_169 = tpu.memref_squeeze %dma_wait3A_168 : memref<1x!tpu.dma_semaphore, #tpu.memory_space<semaphore_mem>> -> memref<!tpu.dma_semaphore, #tpu.memory_space<semaphore_mem>>
        tpu.wait_indirect_dma semaphore(%dma_wait3A_169 : memref<!tpu.dma_semaphore, #tpu.memory_space<semaphore_mem>>) src(%dma_wait3A_167 : memref<10000x128xf32, #tpu.memory_space<hbm>>) dst(%dma_wait3A_161 : memref<80x128xf32, #tpu.memory_space<vmem>>)
        %dma_start3A = arith.constant 0 : i32
        %dma_start3A_170 = arith.constant 0 : i32
        %dma_start3A_171 = arith.constant 0 : i32
        %dma_start3A_172 = arith.constant 0 : i32
        %dma_start3A_173 = arith.constant 0 : i32
        %dma_start3A_174 = tpu.memref_slice %arg10[%dma_start3A, %dma_start3A_172, %dma_start3A_173] : memref<4x80x128xf32, #tpu.memory_space<vmem>> -> memref<1x80x128xf32, #tpu.memory_space<vmem>>
        %dma_start3A_175 = tpu.memref_squeeze %dma_start3A_174 : memref<1x80x128xf32, #tpu.memory_space<vmem>> -> memref<80x128xf32, #tpu.memory_space<vmem>>
        %dma_start3A_176 = arith.constant 0 : i32
        %dma_start3A_177 = tpu.memref_slice %arg9[%dma_start3A_170, %dma_start3A_176] : memref<4x80xi32, #tpu.memory_space<vmem>> -> memref<1x80xi32, #tpu.memory_space<vmem>>
        %dma_start3A_178 = tpu.memref_squeeze %dma_start3A_177 : memref<1x80xi32, #tpu.memory_space<vmem>> -> memref<80xi32, #tpu.memory_space<vmem>>
        %dma_start3A_179 = arith.constant 0 : i32
        %dma_start3A_180 = arith.constant 0 : i32
        %dma_start3A_181 = tpu.memref_slice %arg7[%dma_start3A_179, %dma_start3A_180] : memref<10000x128xf32, #tpu.memory_space<vmem_shared>> -> memref<10000x128xf32, #tpu.memory_space<vmem_shared>>
        %dma_start3A_182 = tpu.memref_slice %arg13[%dma_start3A_171] : memref<4x!tpu.dma_semaphore, #tpu.memory_space<semaphore_mem>> -> memref<1x!tpu.dma_semaphore, #tpu.memory_space<semaphore_mem>>
        %dma_start3A_183 = tpu.memref_squeeze %dma_start3A_182 : memref<1x!tpu.dma_semaphore, #tpu.memory_space<semaphore_mem>> -> memref<!tpu.dma_semaphore, #tpu.memory_space<semaphore_mem>>
        tpu.enqueue_indirect_dma source(%dma_start3A_175 : memref<80x128xf32, #tpu.memory_space<vmem>>) target(%dma_start3A_181 : memref<10000x128xf32, #tpu.memory_space<vmem_shared>>) offsets(%dma_start3A_178 : memref<80xi32, #tpu.memory_space<vmem>>) semaphore(%dma_start3A_183 : memref<!tpu.dma_semaphore, #tpu.memory_space<semaphore_mem>>) {add = true}
      } else {
      }
      %mul3A_123 = arith.constant 4 : i32
      %mul3A_124 = arith.muli %add3A_26, %mul3A_123 : i32
      %add3A_125 = arith.constant 3 : i32
      %add3A_126 = arith.addi %mul3A_124, %add3A_125 : i32
      %ge3A_127 = arith.constant 4 : i32
      %ge3A_128 = arith.cmpi sge, %add3A_126, %ge3A_127 : i32
      %lt3A_129 = arith.constant 129 : i32
      %lt3A_130 = arith.cmpi slt, %add3A_126, %lt3A_129 : i32
      %and3A_131 = arith.andi %ge3A_128, %lt3A_130 : i1
      %convert_element_type3A_132 = arith.extui %and3A_131 : i1 to i32
      %cond3A_133 = arith.constant 0 : i32
      %cond3A_134 = arith.cmpi ne, %convert_element_type3A_132, %cond3A_133 : i32
      scf.if %cond3A_134 {
        %dma_wait3A = arith.constant 3 : i32
        %dma_wait3A_156 = arith.constant 3 : i32
        %dma_wait3A_157 = arith.constant 3 : i32
        %dma_wait3A_158 = arith.constant 0 : i32
        %dma_wait3A_159 = arith.constant 0 : i32
        %dma_wait3A_160 = tpu.memref_slice %arg10[%dma_wait3A, %dma_wait3A_158, %dma_wait3A_159] : memref<4x80x128xf32, #tpu.memory_space<vmem>> -> memref<1x80x128xf32, #tpu.memory_space<vmem>>
        %dma_wait3A_161 = tpu.memref_squeeze %dma_wait3A_160 : memref<1x80x128xf32, #tpu.memory_space<vmem>> -> memref<80x128xf32, #tpu.memory_space<vmem>>
        %dma_wait3A_162 = arith.constant 0 : i32
        %dma_wait3A_163 = tpu.memref_slice %arg9[%dma_wait3A_156, %dma_wait3A_162] : memref<4x80xi32, #tpu.memory_space<vmem>> -> memref<1x80xi32, #tpu.memory_space<vmem>>
        %dma_wait3A_164 = tpu.memref_squeeze %dma_wait3A_163 : memref<1x80xi32, #tpu.memory_space<vmem>> -> memref<80xi32, #tpu.memory_space<vmem>>
        %dma_wait3A_165 = arith.constant 0 : i32
        %dma_wait3A_166 = arith.constant 0 : i32
        %dma_wait3A_167 = tpu.memref_slice %arg7[%dma_wait3A_165, %dma_wait3A_166] : memref<10000x128xf32, #tpu.memory_space<vmem_shared>> -> memref<10000x128xf32, #tpu.memory_space<vmem_shared>>
        %dma_wait3A_168 = tpu.memref_slice %arg13[%dma_wait3A_157] : memref<4x!tpu.dma_semaphore, #tpu.memory_space<semaphore_mem>> -> memref<1x!tpu.dma_semaphore, #tpu.memory_space<semaphore_mem>>
        %dma_wait3A_169 = tpu.memref_squeeze %dma_wait3A_168 : memref<1x!tpu.dma_semaphore, #tpu.memory_space<semaphore_mem>> -> memref<!tpu.dma_semaphore, #tpu.memory_space<semaphore_mem>>
        tpu.wait_indirect_dma semaphore(%dma_wait3A_169 : memref<!tpu.dma_semaphore, #tpu.memory_space<semaphore_mem>>) src(%dma_wait3A_161 : memref<80x128xf32, #tpu.memory_space<vmem>>) dst(%dma_wait3A_167 : memref<10000x128xf32, #tpu.memory_space<vmem_shared>>)
      } else {
      }
      %lt3A_135 = arith.constant 125 : i32
      %lt3A_136 = arith.cmpi slt, %add3A_126, %lt3A_135 : i32
      %convert_element_type3A_137 = arith.extui %lt3A_136 : i1 to i32
      %cond3A_138 = arith.constant 0 : i32
      %cond3A_139 = arith.cmpi ne, %convert_element_type3A_137, %cond3A_138 : i32
      scf.if %cond3A_139 {
        %mul3A_156 = arith.constant 80 : i32
        %mul3A_157 = arith.muli %add3A_126, %mul3A_156 : i32
        %add3A_158 = arith.addi %mul3A_2, %mul3A_157 : i32
        %dma_start3A = arith.constant 3 : i32
        %dma_start3A_159 = arith.constant 3 : i32
        %dma_start3A_160 = arith.constant 0 : i32
        %dma_start3A_161 = tpu.memref_slice %arg8[%dma_start3A, %dma_start3A_160] : memref<4x80xi32, #tpu.memory_space<vmem>> -> memref<1x80xi32, #tpu.memory_space<vmem>>
        %dma_start3A_162 = tpu.memref_squeeze %dma_start3A_161 : memref<1x80xi32, #tpu.memory_space<vmem>> -> memref<80xi32, #tpu.memory_space<vmem>>
        %dma_start3A_163 = tpu.memref_slice %arg3[%add3A_158] : memref<320000xi32, #tpu.memory_space<hbm>> -> memref<80xi32, #tpu.memory_space<hbm>>
        %dma_start3A_164 = tpu.memref_slice %arg11[%dma_start3A_159] : memref<4x!tpu.dma_semaphore, #tpu.memory_space<semaphore_mem>> -> memref<1x!tpu.dma_semaphore, #tpu.memory_space<semaphore_mem>>
        %dma_start3A_165 = tpu.memref_squeeze %dma_start3A_164 : memref<1x!tpu.dma_semaphore, #tpu.memory_space<semaphore_mem>> -> memref<!tpu.dma_semaphore, #tpu.memory_space<semaphore_mem>>
        %dma_start3A_166 = arith.constant 0 : i32
        %dma_start3A_167 = tpu.memref_slice %arg8[%dma_start3A, %dma_start3A_166] : memref<4x80xi32, #tpu.memory_space<vmem>> -> memref<1x80xi32, #tpu.memory_space<vmem>>
        %dma_start3A_168 = tpu.memref_squeeze %dma_start3A_167 : memref<1x80xi32, #tpu.memory_space<vmem>> -> memref<80xi32, #tpu.memory_space<vmem>>
        %dma_start3A_169 = tpu.memref_slice %arg3[%add3A_158] : memref<320000xi32, #tpu.memory_space<hbm>> -> memref<80xi32, #tpu.memory_space<hbm>>
        tpu.enqueue_dma source(%dma_start3A_169 : memref<80xi32, #tpu.memory_space<hbm>>) target(%dma_start3A_168 : memref<80xi32, #tpu.memory_space<vmem>>) target_semaphore(%dma_start3A_165 : memref<!tpu.dma_semaphore, #tpu.memory_space<semaphore_mem>>)
        %dma_start3A_170 = arith.constant 3 : i32
        %dma_start3A_171 = arith.constant 3 : i32
        %dma_start3A_172 = arith.constant 0 : i32
        %dma_start3A_173 = tpu.memref_slice %arg9[%dma_start3A_170, %dma_start3A_172] : memref<4x80xi32, #tpu.memory_space<vmem>> -> memref<1x80xi32, #tpu.memory_space<vmem>>
        %dma_start3A_174 = tpu.memref_squeeze %dma_start3A_173 : memref<1x80xi32, #tpu.memory_space<vmem>> -> memref<80xi32, #tpu.memory_space<vmem>>
        %dma_start3A_175 = tpu.memref_slice %arg4[%add3A_158] : memref<320000xi32, #tpu.memory_space<hbm>> -> memref<80xi32, #tpu.memory_space<hbm>>
        %dma_start3A_176 = tpu.memref_slice %arg11[%dma_start3A_171] : memref<4x!tpu.dma_semaphore, #tpu.memory_space<semaphore_mem>> -> memref<1x!tpu.dma_semaphore, #tpu.memory_space<semaphore_mem>>
        %dma_start3A_177 = tpu.memref_squeeze %dma_start3A_176 : memref<1x!tpu.dma_semaphore, #tpu.memory_space<semaphore_mem>> -> memref<!tpu.dma_semaphore, #tpu.memory_space<semaphore_mem>>
        %dma_start3A_178 = arith.constant 0 : i32
        %dma_start3A_179 = tpu.memref_slice %arg9[%dma_start3A_170, %dma_start3A_178] : memref<4x80xi32, #tpu.memory_space<vmem>> -> memref<1x80xi32, #tpu.memory_space<vmem>>
        %dma_start3A_180 = tpu.memref_squeeze %dma_start3A_179 : memref<1x80xi32, #tpu.memory_space<vmem>> -> memref<80xi32, #tpu.memory_space<vmem>>
        %dma_start3A_181 = tpu.memref_slice %arg4[%add3A_158] : memref<320000xi32, #tpu.memory_space<hbm>> -> memref<80xi32, #tpu.memory_space<hbm>>
        tpu.enqueue_dma source(%dma_start3A_181 : memref<80xi32, #tpu.memory_space<hbm>>) target(%dma_start3A_180 : memref<80xi32, #tpu.memory_space<vmem>>) target_semaphore(%dma_start3A_177 : memref<!tpu.dma_semaphore, #tpu.memory_space<semaphore_mem>>)
      } else {
      }
      %ge3A_140 = arith.constant 1 : i32
      %ge3A_141 = arith.cmpi sge, %add3A_126, %ge3A_140 : i32
      %lt3A_142 = arith.constant 126 : i32
      %lt3A_143 = arith.cmpi slt, %add3A_126, %lt3A_142 : i32
      %and3A_144 = arith.andi %ge3A_141, %lt3A_143 : i1
      %convert_element_type3A_145 = arith.extui %and3A_144 : i1 to i32
      %cond3A_146 = arith.constant 0 : i32
      %cond3A_147 = arith.cmpi ne, %convert_element_type3A_145, %cond3A_146 : i32
      scf.if %cond3A_147 {
        %dma_wait3A = arith.constant 2 : i32
        %dma_wait3A_156 = arith.constant 2 : i32
        %dma_wait3A_157 = arith.constant 0 : i32
        %dma_wait3A_158 = tpu.memref_slice %arg8[%dma_wait3A, %dma_wait3A_157] : memref<4x80xi32, #tpu.memory_space<vmem>> -> memref<1x80xi32, #tpu.memory_space<vmem>>
        %dma_wait3A_159 = tpu.memref_squeeze %dma_wait3A_158 : memref<1x80xi32, #tpu.memory_space<vmem>> -> memref<80xi32, #tpu.memory_space<vmem>>
        %dma_wait3A_160 = tpu.memref_slice %arg3[%mul3A_2] : memref<320000xi32, #tpu.memory_space<hbm>> -> memref<80xi32, #tpu.memory_space<hbm>>
        %dma_wait3A_161 = tpu.memref_slice %arg11[%dma_wait3A_156] : memref<4x!tpu.dma_semaphore, #tpu.memory_space<semaphore_mem>> -> memref<1x!tpu.dma_semaphore, #tpu.memory_space<semaphore_mem>>
        %dma_wait3A_162 = tpu.memref_squeeze %dma_wait3A_161 : memref<1x!tpu.dma_semaphore, #tpu.memory_space<semaphore_mem>> -> memref<!tpu.dma_semaphore, #tpu.memory_space<semaphore_mem>>
        %dma_wait3A_163 = arith.constant 0 : i32
        %dma_wait3A_164 = tpu.memref_slice %arg8[%dma_wait3A, %dma_wait3A_163] : memref<4x80xi32, #tpu.memory_space<vmem>> -> memref<1x80xi32, #tpu.memory_space<vmem>>
        %dma_wait3A_165 = tpu.memref_squeeze %dma_wait3A_164 : memref<1x80xi32, #tpu.memory_space<vmem>> -> memref<80xi32, #tpu.memory_space<vmem>>
        %dma_wait3A_166 = tpu.memref_slice %arg3[%mul3A_2] : memref<320000xi32, #tpu.memory_space<hbm>> -> memref<80xi32, #tpu.memory_space<hbm>>
        tpu.wait_dma2 semaphore(%dma_wait3A_162 : memref<!tpu.dma_semaphore, #tpu.memory_space<semaphore_mem>>) src(%dma_wait3A_166 : memref<80xi32, #tpu.memory_space<hbm>>) dst(%dma_wait3A_165 : memref<80xi32, #tpu.memory_space<vmem>>)
        %dma_wait3A_167 = arith.constant 2 : i32
        %dma_wait3A_168 = arith.constant 2 : i32
        %dma_wait3A_169 = arith.constant 0 : i32
        %dma_wait3A_170 = tpu.memref_slice %arg9[%dma_wait3A_167, %dma_wait3A_169] : memref<4x80xi32, #tpu.memory_space<vmem>> -> memref<1x80xi32, #tpu.memory_space<vmem>>
        %dma_wait3A_171 = tpu.memref_squeeze %dma_wait3A_170 : memref<1x80xi32, #tpu.memory_space<vmem>> -> memref<80xi32, #tpu.memory_space<vmem>>
        %dma_wait3A_172 = tpu.memref_slice %arg4[%mul3A_2] : memref<320000xi32, #tpu.memory_space<hbm>> -> memref<80xi32, #tpu.memory_space<hbm>>
        %dma_wait3A_173 = tpu.memref_slice %arg11[%dma_wait3A_168] : memref<4x!tpu.dma_semaphore, #tpu.memory_space<semaphore_mem>> -> memref<1x!tpu.dma_semaphore, #tpu.memory_space<semaphore_mem>>
        %dma_wait3A_174 = tpu.memref_squeeze %dma_wait3A_173 : memref<1x!tpu.dma_semaphore, #tpu.memory_space<semaphore_mem>> -> memref<!tpu.dma_semaphore, #tpu.memory_space<semaphore_mem>>
        %dma_wait3A_175 = arith.constant 0 : i32
        %dma_wait3A_176 = tpu.memref_slice %arg9[%dma_wait3A_167, %dma_wait3A_175] : memref<4x80xi32, #tpu.memory_space<vmem>> -> memref<1x80xi32, #tpu.memory_space<vmem>>
        %dma_wait3A_177 = tpu.memref_squeeze %dma_wait3A_176 : memref<1x80xi32, #tpu.memory_space<vmem>> -> memref<80xi32, #tpu.memory_space<vmem>>
        %dma_wait3A_178 = tpu.memref_slice %arg4[%mul3A_2] : memref<320000xi32, #tpu.memory_space<hbm>> -> memref<80xi32, #tpu.memory_space<hbm>>
        tpu.wait_dma2 semaphore(%dma_wait3A_174 : memref<!tpu.dma_semaphore, #tpu.memory_space<semaphore_mem>>) src(%dma_wait3A_178 : memref<80xi32, #tpu.memory_space<hbm>>) dst(%dma_wait3A_177 : memref<80xi32, #tpu.memory_space<vmem>>)
        %dma_start3A = arith.constant 2 : i32
        %dma_start3A_179 = arith.constant 2 : i32
        %dma_start3A_180 = arith.constant 2 : i32
        %dma_start3A_181 = arith.constant 0 : i32
        %dma_start3A_182 = arith.constant 0 : i32
        %dma_start3A_183 = tpu.memref_slice %arg10[%dma_start3A_179, %dma_start3A_181, %dma_start3A_182] : memref<4x80x128xf32, #tpu.memory_space<vmem>> -> memref<1x80x128xf32, #tpu.memory_space<vmem>>
        %dma_start3A_184 = tpu.memref_squeeze %dma_start3A_183 : memref<1x80x128xf32, #tpu.memory_space<vmem>> -> memref<80x128xf32, #tpu.memory_space<vmem>>
        %dma_start3A_185 = arith.constant 0 : i32
        %dma_start3A_186 = tpu.memref_slice %arg8[%dma_start3A, %dma_start3A_185] : memref<4x80xi32, #tpu.memory_space<vmem>> -> memref<1x80xi32, #tpu.memory_space<vmem>>
        %dma_start3A_187 = tpu.memref_squeeze %dma_start3A_186 : memref<1x80xi32, #tpu.memory_space<vmem>> -> memref<80xi32, #tpu.memory_space<vmem>>
        %dma_start3A_188 = arith.constant 0 : i32
        %dma_start3A_189 = arith.constant 0 : i32
        %dma_start3A_190 = tpu.memref_slice %arg2[%dma_start3A_188, %dma_start3A_189] : memref<10000x128xf32, #tpu.memory_space<hbm>> -> memref<10000x128xf32, #tpu.memory_space<hbm>>
        %dma_start3A_191 = tpu.memref_slice %arg12[%dma_start3A_180] : memref<4x!tpu.dma_semaphore, #tpu.memory_space<semaphore_mem>> -> memref<1x!tpu.dma_semaphore, #tpu.memory_space<semaphore_mem>>
        %dma_start3A_192 = tpu.memref_squeeze %dma_start3A_191 : memref<1x!tpu.dma_semaphore, #tpu.memory_space<semaphore_mem>> -> memref<!tpu.dma_semaphore, #tpu.memory_space<semaphore_mem>>
        tpu.enqueue_indirect_dma source(%dma_start3A_190 : memref<10000x128xf32, #tpu.memory_space<hbm>>) target(%dma_start3A_184 : memref<80x128xf32, #tpu.memory_space<vmem>>) offsets(%dma_start3A_187 : memref<80xi32, #tpu.memory_space<vmem>>) semaphore(%dma_start3A_192 : memref<!tpu.dma_semaphore, #tpu.memory_space<semaphore_mem>>)
      } else {
      }
      %ge3A_148 = arith.constant 2 : i32
      %ge3A_149 = arith.cmpi sge, %add3A_126, %ge3A_148 : i32
      %lt3A_150 = arith.constant 127 : i32
      %lt3A_151 = arith.cmpi slt, %add3A_126, %lt3A_150 : i32
      %and3A_152 = arith.andi %ge3A_149, %lt3A_151 : i1
      %convert_element_type3A_153 = arith.extui %and3A_152 : i1 to i32
      %cond3A_154 = arith.constant 0 : i32
      %cond3A_155 = arith.cmpi ne, %convert_element_type3A_153, %cond3A_154 : i32
      scf.if %cond3A_155 {
        %dma_wait3A = arith.constant 1 : i32
        %dma_wait3A_156 = arith.constant 1 : i32
        %dma_wait3A_157 = arith.constant 1 : i32
        %dma_wait3A_158 = arith.constant 0 : i32
        %dma_wait3A_159 = arith.constant 0 : i32
        %dma_wait3A_160 = tpu.memref_slice %arg10[%dma_wait3A_156, %dma_wait3A_158, %dma_wait3A_159] : memref<4x80x128xf32, #tpu.memory_space<vmem>> -> memref<1x80x128xf32, #tpu.memory_space<vmem>>
        %dma_wait3A_161 = tpu.memref_squeeze %dma_wait3A_160 : memref<1x80x128xf32, #tpu.memory_space<vmem>> -> memref<80x128xf32, #tpu.memory_space<vmem>>
        %dma_wait3A_162 = arith.constant 0 : i32
        %dma_wait3A_163 = tpu.memref_slice %arg8[%dma_wait3A, %dma_wait3A_162] : memref<4x80xi32, #tpu.memory_space<vmem>> -> memref<1x80xi32, #tpu.memory_space<vmem>>
        %dma_wait3A_164 = tpu.memref_squeeze %dma_wait3A_163 : memref<1x80xi32, #tpu.memory_space<vmem>> -> memref<80xi32, #tpu.memory_space<vmem>>
        %dma_wait3A_165 = arith.constant 0 : i32
        %dma_wait3A_166 = arith.constant 0 : i32
        %dma_wait3A_167 = tpu.memref_slice %arg2[%dma_wait3A_165, %dma_wait3A_166] : memref<10000x128xf32, #tpu.memory_space<hbm>> -> memref<10000x128xf32, #tpu.memory_space<hbm>>
        %dma_wait3A_168 = tpu.memref_slice %arg12[%dma_wait3A_157] : memref<4x!tpu.dma_semaphore, #tpu.memory_space<semaphore_mem>> -> memref<1x!tpu.dma_semaphore, #tpu.memory_space<semaphore_mem>>
        %dma_wait3A_169 = tpu.memref_squeeze %dma_wait3A_168 : memref<1x!tpu.dma_semaphore, #tpu.memory_space<semaphore_mem>> -> memref<!tpu.dma_semaphore, #tpu.memory_space<semaphore_mem>>
        tpu.wait_indirect_dma semaphore(%dma_wait3A_169 : memref<!tpu.dma_semaphore, #tpu.memory_space<semaphore_mem>>) src(%dma_wait3A_167 : memref<10000x128xf32, #tpu.memory_space<hbm>>) dst(%dma_wait3A_161 : memref<80x128xf32, #tpu.memory_space<vmem>>)
        %dma_start3A = arith.constant 1 : i32
        %dma_start3A_170 = arith.constant 1 : i32
        %dma_start3A_171 = arith.constant 1 : i32
        %dma_start3A_172 = arith.constant 0 : i32
        %dma_start3A_173 = arith.constant 0 : i32
        %dma_start3A_174 = tpu.memref_slice %arg10[%dma_start3A, %dma_start3A_172, %dma_start3A_173] : memref<4x80x128xf32, #tpu.memory_space<vmem>> -> memref<1x80x128xf32, #tpu.memory_space<vmem>>
        %dma_start3A_175 = tpu.memref_squeeze %dma_start3A_174 : memref<1x80x128xf32, #tpu.memory_space<vmem>> -> memref<80x128xf32, #tpu.memory_space<vmem>>
        %dma_start3A_176 = arith.constant 0 : i32
        %dma_start3A_177 = tpu.memref_slice %arg9[%dma_start3A_170, %dma_start3A_176] : memref<4x80xi32, #tpu.memory_space<vmem>> -> memref<1x80xi32, #tpu.memory_space<vmem>>
        %dma_start3A_178 = tpu.memref_squeeze %dma_start3A_177 : memref<1x80xi32, #tpu.memory_space<vmem>> -> memref<80xi32, #tpu.memory_space<vmem>>
        %dma_start3A_179 = arith.constant 0 : i32
        %dma_start3A_180 = arith.constant 0 : i32
        %dma_start3A_181 = tpu.memref_slice %arg7[%dma_start3A_179, %dma_start3A_180] : memref<10000x128xf32, #tpu.memory_space<vmem_shared>> -> memref<10000x128xf32, #tpu.memory_space<vmem_shared>>
        %dma_start3A_182 = tpu.memref_slice %arg13[%dma_start3A_171] : memref<4x!tpu.dma_semaphore, #tpu.memory_space<semaphore_mem>> -> memref<1x!tpu.dma_semaphore, #tpu.memory_space<semaphore_mem>>
        %dma_start3A_183 = tpu.memref_squeeze %dma_start3A_182 : memref<1x!tpu.dma_semaphore, #tpu.memory_space<semaphore_mem>> -> memref<!tpu.dma_semaphore, #tpu.memory_space<semaphore_mem>>
        tpu.enqueue_indirect_dma source(%dma_start3A_175 : memref<80x128xf32, #tpu.memory_space<vmem>>) target(%dma_start3A_181 : memref<10000x128xf32, #tpu.memory_space<vmem_shared>>) offsets(%dma_start3A_178 : memref<80xi32, #tpu.memory_space<vmem>>) semaphore(%dma_start3A_183 : memref<!tpu.dma_semaphore, #tpu.memory_space<semaphore_mem>>) {add = true}
      } else {
      }
    }
    %scan3A_15 = arith.constant 33 : i32
    %barrier3A_16 = arith.constant 0 : index
    tpu.barrier barrier_id(%barrier3A_16)
    "tpu.region"() ({
      %run_scoped3A = tpu.sem_alloc : memref<!tpu.dma_semaphore, #tpu.memory_space<semaphore_mem>>
      %dma_start3A = arith.constant 0 : i32
      %dma_start3A_22 = tpu.memref_slice %arg6[%arg0, %mul3A_4, %dma_start3A] : memref<2x10000x128xf32, #tpu.memory_space<hbm>> -> memref<1x624x128xf32, #tpu.memory_space<hbm>>
      %dma_start3A_23 = tpu.memref_squeeze %dma_start3A_22 : memref<1x624x128xf32, #tpu.memory_space<hbm>> -> memref<624x128xf32, #tpu.memory_space<hbm>>
      %dma_start3A_24 = arith.constant 0 : i32
      %dma_start3A_25 = tpu.memref_slice %arg7[%mul3A_4, %dma_start3A_24] : memref<10000x128xf32, #tpu.memory_space<vmem_shared>> -> memref<624x128xf32, #tpu.memory_space<vmem_shared>>
      tpu.enqueue_dma source(%dma_start3A_25 : memref<624x128xf32, #tpu.memory_space<vmem_shared>>) target(%dma_start3A_23 : memref<624x128xf32, #tpu.memory_space<hbm>>) target_semaphore(%run_scoped3A : memref<!tpu.dma_semaphore, #tpu.memory_space<semaphore_mem>>)
      %dma_wait3A = arith.constant 0 : i32
      %dma_wait3A_26 = tpu.memref_slice %arg6[%arg0, %mul3A_4, %dma_wait3A] : memref<2x10000x128xf32, #tpu.memory_space<hbm>> -> memref<1x624x128xf32, #tpu.memory_space<hbm>>
      %dma_wait3A_27 = tpu.memref_squeeze %dma_wait3A_26 : memref<1x624x128xf32, #tpu.memory_space<hbm>> -> memref<624x128xf32, #tpu.memory_space<hbm>>
      %dma_wait3A_28 = arith.constant 0 : i32
      %dma_wait3A_29 = tpu.memref_slice %arg7[%mul3A_4, %dma_wait3A_28] : memref<10000x128xf32, #tpu.memory_space<vmem_shared>> -> memref<624x128xf32, #tpu.memory_space<vmem_shared>>
      tpu.wait_dma2 semaphore(%run_scoped3A : memref<!tpu.dma_semaphore, #tpu.memory_space<semaphore_mem>>) src(%dma_wait3A_29 : memref<624x128xf32, #tpu.memory_space<vmem_shared>>) dst(%dma_wait3A_27 : memref<624x128xf32, #tpu.memory_space<hbm>>)
      tpu.yield
    }) : () -> ()
    %eq3A_17 = arith.constant 15 : i32
    %eq3A_18 = arith.cmpi eq, %arg1, %eq3A_17 : i32
    %convert_element_type3A_19 = arith.extui %eq3A_18 : i1 to i32
    %cond3A_20 = arith.constant 0 : i32
    %cond3A_21 = arith.cmpi ne, %convert_element_type3A_19, %cond3A_20 : i32
    scf.if %cond3A_21 {
      "tpu.region"() ({
        %run_scoped3A = tpu.sem_alloc : memref<!tpu.dma_semaphore, #tpu.memory_space<semaphore_mem>>
        %dma_start3A = arith.constant 9984 : i32
        %dma_start3A_22 = arith.constant 0 : i32
        %dma_start3A_23 = tpu.memref_slice %arg6[%arg0, %dma_start3A, %dma_start3A_22] : memref<2x10000x128xf32, #tpu.memory_space<hbm>> -> memref<1x16x128xf32, #tpu.memory_space<hbm>>
        %dma_start3A_24 = tpu.memref_squeeze %dma_start3A_23 : memref<1x16x128xf32, #tpu.memory_space<hbm>> -> memref<16x128xf32, #tpu.memory_space<hbm>>
        %dma_start3A_25 = arith.constant 9984 : i32
        %dma_start3A_26 = arith.constant 0 : i32
        %dma_start3A_27 = tpu.memref_slice %arg7[%dma_start3A_25, %dma_start3A_26] : memref<10000x128xf32, #tpu.memory_space<vmem_shared>> -> memref<16x128xf32, #tpu.memory_space<vmem_shared>>
        tpu.enqueue_dma source(%dma_start3A_27 : memref<16x128xf32, #tpu.memory_space<vmem_shared>>) target(%dma_start3A_24 : memref<16x128xf32, #tpu.memory_space<hbm>>) target_semaphore(%run_scoped3A : memref<!tpu.dma_semaphore, #tpu.memory_space<semaphore_mem>>)
        %dma_wait3A = arith.constant 9984 : i32
        %dma_wait3A_28 = arith.constant 0 : i32
        %dma_wait3A_29 = tpu.memref_slice %arg6[%arg0, %dma_wait3A, %dma_wait3A_28] : memref<2x10000x128xf32, #tpu.memory_space<hbm>> -> memref<1x16x128xf32, #tpu.memory_space<hbm>>
        %dma_wait3A_30 = tpu.memref_squeeze %dma_wait3A_29 : memref<1x16x128xf32, #tpu.memory_space<hbm>> -> memref<16x128xf32, #tpu.memory_space<hbm>>
        %dma_wait3A_31 = arith.constant 9984 : i32
        %dma_wait3A_32 = arith.constant 0 : i32
        %dma_wait3A_33 = tpu.memref_slice %arg7[%dma_wait3A_31, %dma_wait3A_32] : memref<10000x128xf32, #tpu.memory_space<vmem_shared>> -> memref<16x128xf32, #tpu.memory_space<vmem_shared>>
        tpu.wait_dma2 semaphore(%run_scoped3A : memref<!tpu.dma_semaphore, #tpu.memory_space<semaphore_mem>>) src(%dma_wait3A_33 : memref<16x128xf32, #tpu.memory_space<vmem_shared>>) dst(%dma_wait3A_30 : memref<16x128xf32, #tpu.memory_space<hbm>>)
        tpu.yield
      }) : () -> ()
    } else {
    }
    return
  }
}

#map = affine_map<(d0, d1) -> (0)>
#map1 = affine_map<(d0, d1) -> (0, 0)>
#map2 = affine_map<(d0, d1) -> (0, 0, 0)>
module attributes {stable_mosaic.version = 14 : i64} {
  func.func @k(%arg0: i32, %arg1: i32, %arg2: memref<320000xi32, #tpu.memory_space<hbm>>, %arg3: memref<80x128xf32, #tpu.memory_space<hbm>>, %arg4: memref<10000x128xf32, #tpu.memory_space<hbm>>, %arg5: memref<2x10000x128xf32, #tpu.memory_space<hbm>>, %arg6: memref<10000x128xf32, #tpu.memory_space<vmem_shared>>, %arg7: memref<12x80xi32, #tpu.memory_space<vmem>>, %arg8: memref<80x128xf32, #tpu.memory_space<vmem>>, %arg9: memref<12x!tpu.dma_semaphore, #tpu.memory_space<semaphore_mem>>, %arg10: memref<12x!tpu.dma_semaphore, #tpu.memory_space<semaphore_mem>>) attributes {dimension_semantics = [#tpu.dimension_semantics<core_parallel>, #tpu.dimension_semantics<subcore_parallel>], iteration_bounds = array<i64: 2, 16>, scalar_prefetch = 0 : i64, scratch_operands = 5 : i64, tpu.core_type = #tpu.core_type<sc_vector_subcore>, window_params = [{transform_indices = #map}, {transform_indices = #map1}, {transform_indices = #map1}, {transform_indices = #map2}]} {
    %mul3A = arith.constant 16 : i32
    %mul3A_0 = arith.muli %arg0, %mul3A : i32
    %add3A = arith.addi %mul3A_0, %arg1 : i32
    %mul3A_1 = arith.constant 10000 : i32
    %mul3A_2 = arith.muli %add3A, %mul3A_1 : i32
    %mul3A_3 = arith.constant 624 : i32
    %mul3A_4 = arith.muli %arg1, %mul3A_3 : i32
    "tpu.region"() ({
      %run_scoped3A = tpu.sem_alloc : memref<!tpu.dma_semaphore, #tpu.memory_space<semaphore_mem>>
      tpu.enqueue_dma source(%arg3 : memref<80x128xf32, #tpu.memory_space<hbm>>) target(%arg8 : memref<80x128xf32, #tpu.memory_space<vmem>>) target_semaphore(%run_scoped3A : memref<!tpu.dma_semaphore, #tpu.memory_space<semaphore_mem>>)
      tpu.wait_dma2 semaphore(%run_scoped3A : memref<!tpu.dma_semaphore, #tpu.memory_space<semaphore_mem>>) src(%arg3 : memref<80x128xf32, #tpu.memory_space<hbm>>) dst(%arg8 : memref<80x128xf32, #tpu.memory_space<vmem>>)
      tpu.yield
    }) : () -> ()
    "tpu.region"() ({
      %run_scoped3A = tpu.sem_alloc : memref<!tpu.dma_semaphore, #tpu.memory_space<semaphore_mem>>
      %dma_start3A = arith.constant 0 : i32
      %dma_start3A_17 = tpu.memref_slice %arg6[%mul3A_4, %dma_start3A] : memref<10000x128xf32, #tpu.memory_space<vmem_shared>> -> memref<624x128xf32, #tpu.memory_space<vmem_shared>>
      %dma_start3A_18 = arith.constant 0 : i32
      %dma_start3A_19 = tpu.memref_slice %arg4[%mul3A_4, %dma_start3A_18] : memref<10000x128xf32, #tpu.memory_space<hbm>> -> memref<624x128xf32, #tpu.memory_space<hbm>>
      tpu.enqueue_dma source(%dma_start3A_19 : memref<624x128xf32, #tpu.memory_space<hbm>>) target(%dma_start3A_17 : memref<624x128xf32, #tpu.memory_space<vmem_shared>>) target_semaphore(%run_scoped3A : memref<!tpu.dma_semaphore, #tpu.memory_space<semaphore_mem>>)
      %dma_wait3A = arith.constant 0 : i32
      %dma_wait3A_20 = tpu.memref_slice %arg6[%mul3A_4, %dma_wait3A] : memref<10000x128xf32, #tpu.memory_space<vmem_shared>> -> memref<624x128xf32, #tpu.memory_space<vmem_shared>>
      %dma_wait3A_21 = arith.constant 0 : i32
      %dma_wait3A_22 = tpu.memref_slice %arg4[%mul3A_4, %dma_wait3A_21] : memref<10000x128xf32, #tpu.memory_space<hbm>> -> memref<624x128xf32, #tpu.memory_space<hbm>>
      tpu.wait_dma2 semaphore(%run_scoped3A : memref<!tpu.dma_semaphore, #tpu.memory_space<semaphore_mem>>) src(%dma_wait3A_22 : memref<624x128xf32, #tpu.memory_space<hbm>>) dst(%dma_wait3A_20 : memref<624x128xf32, #tpu.memory_space<vmem_shared>>)
      tpu.yield
    }) : () -> ()
    %eq3A = arith.constant 15 : i32
    %eq3A_5 = arith.cmpi eq, %arg1, %eq3A : i32
    %convert_element_type3A = arith.extui %eq3A_5 : i1 to i32
    %cond3A = arith.constant 0 : i32
    %cond3A_6 = arith.cmpi ne, %convert_element_type3A, %cond3A : i32
    scf.if %cond3A_6 {
      "tpu.region"() ({
        %run_scoped3A = tpu.sem_alloc : memref<!tpu.dma_semaphore, #tpu.memory_space<semaphore_mem>>
        %dma_start3A = arith.constant 9984 : i32
        %dma_start3A_17 = arith.constant 0 : i32
        %dma_start3A_18 = tpu.memref_slice %arg6[%dma_start3A, %dma_start3A_17] : memref<10000x128xf32, #tpu.memory_space<vmem_shared>> -> memref<16x128xf32, #tpu.memory_space<vmem_shared>>
        %dma_start3A_19 = arith.constant 9984 : i32
        %dma_start3A_20 = arith.constant 0 : i32
        %dma_start3A_21 = tpu.memref_slice %arg4[%dma_start3A_19, %dma_start3A_20] : memref<10000x128xf32, #tpu.memory_space<hbm>> -> memref<16x128xf32, #tpu.memory_space<hbm>>
        tpu.enqueue_dma source(%dma_start3A_21 : memref<16x128xf32, #tpu.memory_space<hbm>>) target(%dma_start3A_18 : memref<16x128xf32, #tpu.memory_space<vmem_shared>>) target_semaphore(%run_scoped3A : memref<!tpu.dma_semaphore, #tpu.memory_space<semaphore_mem>>)
        %dma_wait3A = arith.constant 9984 : i32
        %dma_wait3A_22 = arith.constant 0 : i32
        %dma_wait3A_23 = tpu.memref_slice %arg6[%dma_wait3A, %dma_wait3A_22] : memref<10000x128xf32, #tpu.memory_space<vmem_shared>> -> memref<16x128xf32, #tpu.memory_space<vmem_shared>>
        %dma_wait3A_24 = arith.constant 9984 : i32
        %dma_wait3A_25 = arith.constant 0 : i32
        %dma_wait3A_26 = tpu.memref_slice %arg4[%dma_wait3A_24, %dma_wait3A_25] : memref<10000x128xf32, #tpu.memory_space<hbm>> -> memref<16x128xf32, #tpu.memory_space<hbm>>
        tpu.wait_dma2 semaphore(%run_scoped3A : memref<!tpu.dma_semaphore, #tpu.memory_space<semaphore_mem>>) src(%dma_wait3A_26 : memref<16x128xf32, #tpu.memory_space<hbm>>) dst(%dma_wait3A_23 : memref<16x128xf32, #tpu.memory_space<vmem_shared>>)
        tpu.yield
      }) : () -> ()
    } else {
    }
    %barrier3A = arith.constant 0 : index
    tpu.barrier barrier_id(%barrier3A)
    %scan3A = arith.constant 0 : i32
    %scan3A_7 = arith.constant 12 : i32
    %scan3A_8 = arith.addi %scan3A, %scan3A_7 : i32
    %scan3A_9 = arith.constant 1 : i32
    scf.for %scan3A_17 = %scan3A to %scan3A_8 step %scan3A_9  : i32 {
      %mul3A_18 = arith.constant 1 : i32
      %mul3A_19 = arith.muli %scan3A_17, %mul3A_18 : i32
      %add3A_20 = arith.constant 0 : i32
      %add3A_21 = arith.addi %add3A_20, %mul3A_19 : i32
      %mul3A_22 = arith.constant 12 : i32
      %mul3A_23 = arith.muli %add3A_21, %mul3A_22 : i32
      %add3A_24 = arith.constant 0 : i32
      %add3A_25 = arith.addi %mul3A_23, %add3A_24 : i32
      %ge3A = arith.constant 12 : i32
      %ge3A_26 = arith.cmpi sge, %add3A_25, %ge3A : i32
      %lt3A = arith.constant 137 : i32
      %lt3A_27 = arith.cmpi slt, %add3A_25, %lt3A : i32
      %and3A = arith.andi %ge3A_26, %lt3A_27 : i1
      %convert_element_type3A_28 = arith.extui %and3A : i1 to i32
      %cond3A_29 = arith.constant 0 : i32
      %cond3A_30 = arith.cmpi ne, %convert_element_type3A_28, %cond3A_29 : i32
      scf.if %cond3A_30 {
        %dma_wait3A = arith.constant 0 : i32
        %dma_wait3A_319 = arith.constant 0 : i32
        %dma_wait3A_320 = arith.constant 0 : i32
        %dma_wait3A_321 = tpu.memref_slice %arg7[%dma_wait3A, %dma_wait3A_320] : memref<12x80xi32, #tpu.memory_space<vmem>> -> memref<1x80xi32, #tpu.memory_space<vmem>>
        %dma_wait3A_322 = tpu.memref_squeeze %dma_wait3A_321 : memref<1x80xi32, #tpu.memory_space<vmem>> -> memref<80xi32, #tpu.memory_space<vmem>>
        %dma_wait3A_323 = arith.constant 0 : i32
        %dma_wait3A_324 = arith.constant 0 : i32
        %dma_wait3A_325 = tpu.memref_slice %arg6[%dma_wait3A_323, %dma_wait3A_324] : memref<10000x128xf32, #tpu.memory_space<vmem_shared>> -> memref<10000x128xf32, #tpu.memory_space<vmem_shared>>
        %dma_wait3A_326 = tpu.memref_slice %arg10[%dma_wait3A_319] : memref<12x!tpu.dma_semaphore, #tpu.memory_space<semaphore_mem>> -> memref<1x!tpu.dma_semaphore, #tpu.memory_space<semaphore_mem>>
        %dma_wait3A_327 = tpu.memref_squeeze %dma_wait3A_326 : memref<1x!tpu.dma_semaphore, #tpu.memory_space<semaphore_mem>> -> memref<!tpu.dma_semaphore, #tpu.memory_space<semaphore_mem>>
        tpu.wait_indirect_dma semaphore(%dma_wait3A_327 : memref<!tpu.dma_semaphore, #tpu.memory_space<semaphore_mem>>) src(%arg8 : memref<80x128xf32, #tpu.memory_space<vmem>>) dst(%dma_wait3A_325 : memref<10000x128xf32, #tpu.memory_space<vmem_shared>>)
      } else {
      }
      %lt3A_31 = arith.constant 125 : i32
      %lt3A_32 = arith.cmpi slt, %add3A_25, %lt3A_31 : i32
      %convert_element_type3A_33 = arith.extui %lt3A_32 : i1 to i32
      %cond3A_34 = arith.constant 0 : i32
      %cond3A_35 = arith.cmpi ne, %convert_element_type3A_33, %cond3A_34 : i32
      scf.if %cond3A_35 {
        %mul3A_319 = arith.constant 80 : i32
        %mul3A_320 = arith.muli %add3A_25, %mul3A_319 : i32
        %add3A_321 = arith.addi %mul3A_2, %mul3A_320 : i32
        %dma_start3A = arith.constant 0 : i32
        %dma_start3A_322 = arith.constant 0 : i32
        %dma_start3A_323 = arith.constant 0 : i32
        %dma_start3A_324 = tpu.memref_slice %arg7[%dma_start3A, %dma_start3A_323] : memref<12x80xi32, #tpu.memory_space<vmem>> -> memref<1x80xi32, #tpu.memory_space<vmem>>
        %dma_start3A_325 = tpu.memref_squeeze %dma_start3A_324 : memref<1x80xi32, #tpu.memory_space<vmem>> -> memref<80xi32, #tpu.memory_space<vmem>>
        %dma_start3A_326 = tpu.memref_slice %arg2[%add3A_321] : memref<320000xi32, #tpu.memory_space<hbm>> -> memref<80xi32, #tpu.memory_space<hbm>>
        %dma_start3A_327 = tpu.memref_slice %arg9[%dma_start3A_322] : memref<12x!tpu.dma_semaphore, #tpu.memory_space<semaphore_mem>> -> memref<1x!tpu.dma_semaphore, #tpu.memory_space<semaphore_mem>>
        %dma_start3A_328 = tpu.memref_squeeze %dma_start3A_327 : memref<1x!tpu.dma_semaphore, #tpu.memory_space<semaphore_mem>> -> memref<!tpu.dma_semaphore, #tpu.memory_space<semaphore_mem>>
        %dma_start3A_329 = arith.constant 0 : i32
        %dma_start3A_330 = tpu.memref_slice %arg7[%dma_start3A, %dma_start3A_329] : memref<12x80xi32, #tpu.memory_space<vmem>> -> memref<1x80xi32, #tpu.memory_space<vmem>>
        %dma_start3A_331 = tpu.memref_squeeze %dma_start3A_330 : memref<1x80xi32, #tpu.memory_space<vmem>> -> memref<80xi32, #tpu.memory_space<vmem>>
        %dma_start3A_332 = tpu.memref_slice %arg2[%add3A_321] : memref<320000xi32, #tpu.memory_space<hbm>> -> memref<80xi32, #tpu.memory_space<hbm>>
        tpu.enqueue_dma source(%dma_start3A_332 : memref<80xi32, #tpu.memory_space<hbm>>) target(%dma_start3A_331 : memref<80xi32, #tpu.memory_space<vmem>>) target_semaphore(%dma_start3A_328 : memref<!tpu.dma_semaphore, #tpu.memory_space<semaphore_mem>>)
      } else {
      }
      %ge3A_36 = arith.constant 1 : i32
      %ge3A_37 = arith.cmpi sge, %add3A_25, %ge3A_36 : i32
      %lt3A_38 = arith.constant 126 : i32
      %lt3A_39 = arith.cmpi slt, %add3A_25, %lt3A_38 : i32
      %and3A_40 = arith.andi %ge3A_37, %lt3A_39 : i1
      %convert_element_type3A_41 = arith.extui %and3A_40 : i1 to i32
      %cond3A_42 = arith.constant 0 : i32
      %cond3A_43 = arith.cmpi ne, %convert_element_type3A_41, %cond3A_42 : i32
      scf.if %cond3A_43 {
        %dma_wait3A = arith.constant 11 : i32
        %dma_wait3A_319 = arith.constant 11 : i32
        %dma_wait3A_320 = arith.constant 0 : i32
        %dma_wait3A_321 = tpu.memref_slice %arg7[%dma_wait3A, %dma_wait3A_320] : memref<12x80xi32, #tpu.memory_space<vmem>> -> memref<1x80xi32, #tpu.memory_space<vmem>>
        %dma_wait3A_322 = tpu.memref_squeeze %dma_wait3A_321 : memref<1x80xi32, #tpu.memory_space<vmem>> -> memref<80xi32, #tpu.memory_space<vmem>>
        %dma_wait3A_323 = tpu.memref_slice %arg2[%mul3A_2] : memref<320000xi32, #tpu.memory_space<hbm>> -> memref<80xi32, #tpu.memory_space<hbm>>
        %dma_wait3A_324 = tpu.memref_slice %arg9[%dma_wait3A_319] : memref<12x!tpu.dma_semaphore, #tpu.memory_space<semaphore_mem>> -> memref<1x!tpu.dma_semaphore, #tpu.memory_space<semaphore_mem>>
        %dma_wait3A_325 = tpu.memref_squeeze %dma_wait3A_324 : memref<1x!tpu.dma_semaphore, #tpu.memory_space<semaphore_mem>> -> memref<!tpu.dma_semaphore, #tpu.memory_space<semaphore_mem>>
        %dma_wait3A_326 = arith.constant 0 : i32
        %dma_wait3A_327 = tpu.memref_slice %arg7[%dma_wait3A, %dma_wait3A_326] : memref<12x80xi32, #tpu.memory_space<vmem>> -> memref<1x80xi32, #tpu.memory_space<vmem>>
        %dma_wait3A_328 = tpu.memref_squeeze %dma_wait3A_327 : memref<1x80xi32, #tpu.memory_space<vmem>> -> memref<80xi32, #tpu.memory_space<vmem>>
        %dma_wait3A_329 = tpu.memref_slice %arg2[%mul3A_2] : memref<320000xi32, #tpu.memory_space<hbm>> -> memref<80xi32, #tpu.memory_space<hbm>>
        tpu.wait_dma2 semaphore(%dma_wait3A_325 : memref<!tpu.dma_semaphore, #tpu.memory_space<semaphore_mem>>) src(%dma_wait3A_329 : memref<80xi32, #tpu.memory_space<hbm>>) dst(%dma_wait3A_328 : memref<80xi32, #tpu.memory_space<vmem>>)
        %dma_start3A = arith.constant 11 : i32
        %dma_start3A_330 = arith.constant 11 : i32
        %dma_start3A_331 = arith.constant 0 : i32
        %dma_start3A_332 = tpu.memref_slice %arg7[%dma_start3A, %dma_start3A_331] : memref<12x80xi32, #tpu.memory_space<vmem>> -> memref<1x80xi32, #tpu.memory_space<vmem>>
        %dma_start3A_333 = tpu.memref_squeeze %dma_start3A_332 : memref<1x80xi32, #tpu.memory_space<vmem>> -> memref<80xi32, #tpu.memory_space<vmem>>
        %dma_start3A_334 = arith.constant 0 : i32
        %dma_start3A_335 = arith.constant 0 : i32
        %dma_start3A_336 = tpu.memref_slice %arg6[%dma_start3A_334, %dma_start3A_335] : memref<10000x128xf32, #tpu.memory_space<vmem_shared>> -> memref<10000x128xf32, #tpu.memory_space<vmem_shared>>
        %dma_start3A_337 = tpu.memref_slice %arg10[%dma_start3A_330] : memref<12x!tpu.dma_semaphore, #tpu.memory_space<semaphore_mem>> -> memref<1x!tpu.dma_semaphore, #tpu.memory_space<semaphore_mem>>
        %dma_start3A_338 = tpu.memref_squeeze %dma_start3A_337 : memref<1x!tpu.dma_semaphore, #tpu.memory_space<semaphore_mem>> -> memref<!tpu.dma_semaphore, #tpu.memory_space<semaphore_mem>>
        tpu.enqueue_indirect_dma source(%arg8 : memref<80x128xf32, #tpu.memory_space<vmem>>) target(%dma_start3A_336 : memref<10000x128xf32, #tpu.memory_space<vmem_shared>>) offsets(%dma_start3A_333 : memref<80xi32, #tpu.memory_space<vmem>>) semaphore(%dma_start3A_338 : memref<!tpu.dma_semaphore, #tpu.memory_space<semaphore_mem>>) {add = true}
      } else {
      }
      %mul3A_44 = arith.constant 12 : i32
      %mul3A_45 = arith.muli %add3A_21, %mul3A_44 : i32
      %add3A_46 = arith.constant 1 : i32
      %add3A_47 = arith.addi %mul3A_45, %add3A_46 : i32
      %ge3A_48 = arith.constant 12 : i32
      %ge3A_49 = arith.cmpi sge, %add3A_47, %ge3A_48 : i32
      %lt3A_50 = arith.constant 137 : i32
      %lt3A_51 = arith.cmpi slt, %add3A_47, %lt3A_50 : i32
      %and3A_52 = arith.andi %ge3A_49, %lt3A_51 : i1
      %convert_element_type3A_53 = arith.extui %and3A_52 : i1 to i32
      %cond3A_54 = arith.constant 0 : i32
      %cond3A_55 = arith.cmpi ne, %convert_element_type3A_53, %cond3A_54 : i32
      scf.if %cond3A_55 {
        %dma_wait3A = arith.constant 1 : i32
        %dma_wait3A_319 = arith.constant 1 : i32
        %dma_wait3A_320 = arith.constant 0 : i32
        %dma_wait3A_321 = tpu.memref_slice %arg7[%dma_wait3A, %dma_wait3A_320] : memref<12x80xi32, #tpu.memory_space<vmem>> -> memref<1x80xi32, #tpu.memory_space<vmem>>
        %dma_wait3A_322 = tpu.memref_squeeze %dma_wait3A_321 : memref<1x80xi32, #tpu.memory_space<vmem>> -> memref<80xi32, #tpu.memory_space<vmem>>
        %dma_wait3A_323 = arith.constant 0 : i32
        %dma_wait3A_324 = arith.constant 0 : i32
        %dma_wait3A_325 = tpu.memref_slice %arg6[%dma_wait3A_323, %dma_wait3A_324] : memref<10000x128xf32, #tpu.memory_space<vmem_shared>> -> memref<10000x128xf32, #tpu.memory_space<vmem_shared>>
        %dma_wait3A_326 = tpu.memref_slice %arg10[%dma_wait3A_319] : memref<12x!tpu.dma_semaphore, #tpu.memory_space<semaphore_mem>> -> memref<1x!tpu.dma_semaphore, #tpu.memory_space<semaphore_mem>>
        %dma_wait3A_327 = tpu.memref_squeeze %dma_wait3A_326 : memref<1x!tpu.dma_semaphore, #tpu.memory_space<semaphore_mem>> -> memref<!tpu.dma_semaphore, #tpu.memory_space<semaphore_mem>>
        tpu.wait_indirect_dma semaphore(%dma_wait3A_327 : memref<!tpu.dma_semaphore, #tpu.memory_space<semaphore_mem>>) src(%arg8 : memref<80x128xf32, #tpu.memory_space<vmem>>) dst(%dma_wait3A_325 : memref<10000x128xf32, #tpu.memory_space<vmem_shared>>)
      } else {
      }
      %lt3A_56 = arith.constant 125 : i32
      %lt3A_57 = arith.cmpi slt, %add3A_47, %lt3A_56 : i32
      %convert_element_type3A_58 = arith.extui %lt3A_57 : i1 to i32
      %cond3A_59 = arith.constant 0 : i32
      %cond3A_60 = arith.cmpi ne, %convert_element_type3A_58, %cond3A_59 : i32
      scf.if %cond3A_60 {
        %mul3A_319 = arith.constant 80 : i32
        %mul3A_320 = arith.muli %add3A_47, %mul3A_319 : i32
        %add3A_321 = arith.addi %mul3A_2, %mul3A_320 : i32
        %dma_start3A = arith.constant 1 : i32
        %dma_start3A_322 = arith.constant 1 : i32
        %dma_start3A_323 = arith.constant 0 : i32
        %dma_start3A_324 = tpu.memref_slice %arg7[%dma_start3A, %dma_start3A_323] : memref<12x80xi32, #tpu.memory_space<vmem>> -> memref<1x80xi32, #tpu.memory_space<vmem>>
        %dma_start3A_325 = tpu.memref_squeeze %dma_start3A_324 : memref<1x80xi32, #tpu.memory_space<vmem>> -> memref<80xi32, #tpu.memory_space<vmem>>
        %dma_start3A_326 = tpu.memref_slice %arg2[%add3A_321] : memref<320000xi32, #tpu.memory_space<hbm>> -> memref<80xi32, #tpu.memory_space<hbm>>
        %dma_start3A_327 = tpu.memref_slice %arg9[%dma_start3A_322] : memref<12x!tpu.dma_semaphore, #tpu.memory_space<semaphore_mem>> -> memref<1x!tpu.dma_semaphore, #tpu.memory_space<semaphore_mem>>
        %dma_start3A_328 = tpu.memref_squeeze %dma_start3A_327 : memref<1x!tpu.dma_semaphore, #tpu.memory_space<semaphore_mem>> -> memref<!tpu.dma_semaphore, #tpu.memory_space<semaphore_mem>>
        %dma_start3A_329 = arith.constant 0 : i32
        %dma_start3A_330 = tpu.memref_slice %arg7[%dma_start3A, %dma_start3A_329] : memref<12x80xi32, #tpu.memory_space<vmem>> -> memref<1x80xi32, #tpu.memory_space<vmem>>
        %dma_start3A_331 = tpu.memref_squeeze %dma_start3A_330 : memref<1x80xi32, #tpu.memory_space<vmem>> -> memref<80xi32, #tpu.memory_space<vmem>>
        %dma_start3A_332 = tpu.memref_slice %arg2[%add3A_321] : memref<320000xi32, #tpu.memory_space<hbm>> -> memref<80xi32, #tpu.memory_space<hbm>>
        tpu.enqueue_dma source(%dma_start3A_332 : memref<80xi32, #tpu.memory_space<hbm>>) target(%dma_start3A_331 : memref<80xi32, #tpu.memory_space<vmem>>) target_semaphore(%dma_start3A_328 : memref<!tpu.dma_semaphore, #tpu.memory_space<semaphore_mem>>)
      } else {
      }
      %ge3A_61 = arith.constant 1 : i32
      %ge3A_62 = arith.cmpi sge, %add3A_47, %ge3A_61 : i32
      %lt3A_63 = arith.constant 126 : i32
      %lt3A_64 = arith.cmpi slt, %add3A_47, %lt3A_63 : i32
      %and3A_65 = arith.andi %ge3A_62, %lt3A_64 : i1
      %convert_element_type3A_66 = arith.extui %and3A_65 : i1 to i32
      %cond3A_67 = arith.constant 0 : i32
      %cond3A_68 = arith.cmpi ne, %convert_element_type3A_66, %cond3A_67 : i32
      scf.if %cond3A_68 {
        %dma_wait3A = arith.constant 0 : i32
        %dma_wait3A_319 = arith.constant 0 : i32
        %dma_wait3A_320 = arith.constant 0 : i32
        %dma_wait3A_321 = tpu.memref_slice %arg7[%dma_wait3A, %dma_wait3A_320] : memref<12x80xi32, #tpu.memory_space<vmem>> -> memref<1x80xi32, #tpu.memory_space<vmem>>
        %dma_wait3A_322 = tpu.memref_squeeze %dma_wait3A_321 : memref<1x80xi32, #tpu.memory_space<vmem>> -> memref<80xi32, #tpu.memory_space<vmem>>
        %dma_wait3A_323 = tpu.memref_slice %arg2[%mul3A_2] : memref<320000xi32, #tpu.memory_space<hbm>> -> memref<80xi32, #tpu.memory_space<hbm>>
        %dma_wait3A_324 = tpu.memref_slice %arg9[%dma_wait3A_319] : memref<12x!tpu.dma_semaphore, #tpu.memory_space<semaphore_mem>> -> memref<1x!tpu.dma_semaphore, #tpu.memory_space<semaphore_mem>>
        %dma_wait3A_325 = tpu.memref_squeeze %dma_wait3A_324 : memref<1x!tpu.dma_semaphore, #tpu.memory_space<semaphore_mem>> -> memref<!tpu.dma_semaphore, #tpu.memory_space<semaphore_mem>>
        %dma_wait3A_326 = arith.constant 0 : i32
        %dma_wait3A_327 = tpu.memref_slice %arg7[%dma_wait3A, %dma_wait3A_326] : memref<12x80xi32, #tpu.memory_space<vmem>> -> memref<1x80xi32, #tpu.memory_space<vmem>>
        %dma_wait3A_328 = tpu.memref_squeeze %dma_wait3A_327 : memref<1x80xi32, #tpu.memory_space<vmem>> -> memref<80xi32, #tpu.memory_space<vmem>>
        %dma_wait3A_329 = tpu.memref_slice %arg2[%mul3A_2] : memref<320000xi32, #tpu.memory_space<hbm>> -> memref<80xi32, #tpu.memory_space<hbm>>
        tpu.wait_dma2 semaphore(%dma_wait3A_325 : memref<!tpu.dma_semaphore, #tpu.memory_space<semaphore_mem>>) src(%dma_wait3A_329 : memref<80xi32, #tpu.memory_space<hbm>>) dst(%dma_wait3A_328 : memref<80xi32, #tpu.memory_space<vmem>>)
        %dma_start3A = arith.constant 0 : i32
        %dma_start3A_330 = arith.constant 0 : i32
        %dma_start3A_331 = arith.constant 0 : i32
        %dma_start3A_332 = tpu.memref_slice %arg7[%dma_start3A, %dma_start3A_331] : memref<12x80xi32, #tpu.memory_space<vmem>> -> memref<1x80xi32, #tpu.memory_space<vmem>>
        %dma_start3A_333 = tpu.memref_squeeze %dma_start3A_332 : memref<1x80xi32, #tpu.memory_space<vmem>> -> memref<80xi32, #tpu.memory_space<vmem>>
        %dma_start3A_334 = arith.constant 0 : i32
        %dma_start3A_335 = arith.constant 0 : i32
        %dma_start3A_336 = tpu.memref_slice %arg6[%dma_start3A_334, %dma_start3A_335] : memref<10000x128xf32, #tpu.memory_space<vmem_shared>> -> memref<10000x128xf32, #tpu.memory_space<vmem_shared>>
        %dma_start3A_337 = tpu.memref_slice %arg10[%dma_start3A_330] : memref<12x!tpu.dma_semaphore, #tpu.memory_space<semaphore_mem>> -> memref<1x!tpu.dma_semaphore, #tpu.memory_space<semaphore_mem>>
        %dma_start3A_338 = tpu.memref_squeeze %dma_start3A_337 : memref<1x!tpu.dma_semaphore, #tpu.memory_space<semaphore_mem>> -> memref<!tpu.dma_semaphore, #tpu.memory_space<semaphore_mem>>
        tpu.enqueue_indirect_dma source(%arg8 : memref<80x128xf32, #tpu.memory_space<vmem>>) target(%dma_start3A_336 : memref<10000x128xf32, #tpu.memory_space<vmem_shared>>) offsets(%dma_start3A_333 : memref<80xi32, #tpu.memory_space<vmem>>) semaphore(%dma_start3A_338 : memref<!tpu.dma_semaphore, #tpu.memory_space<semaphore_mem>>) {add = true}
      } else {
      }
      %mul3A_69 = arith.constant 12 : i32
      %mul3A_70 = arith.muli %add3A_21, %mul3A_69 : i32
      %add3A_71 = arith.constant 2 : i32
      %add3A_72 = arith.addi %mul3A_70, %add3A_71 : i32
      %ge3A_73 = arith.constant 12 : i32
      %ge3A_74 = arith.cmpi sge, %add3A_72, %ge3A_73 : i32
      %lt3A_75 = arith.constant 137 : i32
      %lt3A_76 = arith.cmpi slt, %add3A_72, %lt3A_75 : i32
      %and3A_77 = arith.andi %ge3A_74, %lt3A_76 : i1
      %convert_element_type3A_78 = arith.extui %and3A_77 : i1 to i32
      %cond3A_79 = arith.constant 0 : i32
      %cond3A_80 = arith.cmpi ne, %convert_element_type3A_78, %cond3A_79 : i32
      scf.if %cond3A_80 {
        %dma_wait3A = arith.constant 2 : i32
        %dma_wait3A_319 = arith.constant 2 : i32
        %dma_wait3A_320 = arith.constant 0 : i32
        %dma_wait3A_321 = tpu.memref_slice %arg7[%dma_wait3A, %dma_wait3A_320] : memref<12x80xi32, #tpu.memory_space<vmem>> -> memref<1x80xi32, #tpu.memory_space<vmem>>
        %dma_wait3A_322 = tpu.memref_squeeze %dma_wait3A_321 : memref<1x80xi32, #tpu.memory_space<vmem>> -> memref<80xi32, #tpu.memory_space<vmem>>
        %dma_wait3A_323 = arith.constant 0 : i32
        %dma_wait3A_324 = arith.constant 0 : i32
        %dma_wait3A_325 = tpu.memref_slice %arg6[%dma_wait3A_323, %dma_wait3A_324] : memref<10000x128xf32, #tpu.memory_space<vmem_shared>> -> memref<10000x128xf32, #tpu.memory_space<vmem_shared>>
        %dma_wait3A_326 = tpu.memref_slice %arg10[%dma_wait3A_319] : memref<12x!tpu.dma_semaphore, #tpu.memory_space<semaphore_mem>> -> memref<1x!tpu.dma_semaphore, #tpu.memory_space<semaphore_mem>>
        %dma_wait3A_327 = tpu.memref_squeeze %dma_wait3A_326 : memref<1x!tpu.dma_semaphore, #tpu.memory_space<semaphore_mem>> -> memref<!tpu.dma_semaphore, #tpu.memory_space<semaphore_mem>>
        tpu.wait_indirect_dma semaphore(%dma_wait3A_327 : memref<!tpu.dma_semaphore, #tpu.memory_space<semaphore_mem>>) src(%arg8 : memref<80x128xf32, #tpu.memory_space<vmem>>) dst(%dma_wait3A_325 : memref<10000x128xf32, #tpu.memory_space<vmem_shared>>)
      } else {
      }
      %lt3A_81 = arith.constant 125 : i32
      %lt3A_82 = arith.cmpi slt, %add3A_72, %lt3A_81 : i32
      %convert_element_type3A_83 = arith.extui %lt3A_82 : i1 to i32
      %cond3A_84 = arith.constant 0 : i32
      %cond3A_85 = arith.cmpi ne, %convert_element_type3A_83, %cond3A_84 : i32
      scf.if %cond3A_85 {
        %mul3A_319 = arith.constant 80 : i32
        %mul3A_320 = arith.muli %add3A_72, %mul3A_319 : i32
        %add3A_321 = arith.addi %mul3A_2, %mul3A_320 : i32
        %dma_start3A = arith.constant 2 : i32
        %dma_start3A_322 = arith.constant 2 : i32
        %dma_start3A_323 = arith.constant 0 : i32
        %dma_start3A_324 = tpu.memref_slice %arg7[%dma_start3A, %dma_start3A_323] : memref<12x80xi32, #tpu.memory_space<vmem>> -> memref<1x80xi32, #tpu.memory_space<vmem>>
        %dma_start3A_325 = tpu.memref_squeeze %dma_start3A_324 : memref<1x80xi32, #tpu.memory_space<vmem>> -> memref<80xi32, #tpu.memory_space<vmem>>
        %dma_start3A_326 = tpu.memref_slice %arg2[%add3A_321] : memref<320000xi32, #tpu.memory_space<hbm>> -> memref<80xi32, #tpu.memory_space<hbm>>
        %dma_start3A_327 = tpu.memref_slice %arg9[%dma_start3A_322] : memref<12x!tpu.dma_semaphore, #tpu.memory_space<semaphore_mem>> -> memref<1x!tpu.dma_semaphore, #tpu.memory_space<semaphore_mem>>
        %dma_start3A_328 = tpu.memref_squeeze %dma_start3A_327 : memref<1x!tpu.dma_semaphore, #tpu.memory_space<semaphore_mem>> -> memref<!tpu.dma_semaphore, #tpu.memory_space<semaphore_mem>>
        %dma_start3A_329 = arith.constant 0 : i32
        %dma_start3A_330 = tpu.memref_slice %arg7[%dma_start3A, %dma_start3A_329] : memref<12x80xi32, #tpu.memory_space<vmem>> -> memref<1x80xi32, #tpu.memory_space<vmem>>
        %dma_start3A_331 = tpu.memref_squeeze %dma_start3A_330 : memref<1x80xi32, #tpu.memory_space<vmem>> -> memref<80xi32, #tpu.memory_space<vmem>>
        %dma_start3A_332 = tpu.memref_slice %arg2[%add3A_321] : memref<320000xi32, #tpu.memory_space<hbm>> -> memref<80xi32, #tpu.memory_space<hbm>>
        tpu.enqueue_dma source(%dma_start3A_332 : memref<80xi32, #tpu.memory_space<hbm>>) target(%dma_start3A_331 : memref<80xi32, #tpu.memory_space<vmem>>) target_semaphore(%dma_start3A_328 : memref<!tpu.dma_semaphore, #tpu.memory_space<semaphore_mem>>)
      } else {
      }
      %ge3A_86 = arith.constant 1 : i32
      %ge3A_87 = arith.cmpi sge, %add3A_72, %ge3A_86 : i32
      %lt3A_88 = arith.constant 126 : i32
      %lt3A_89 = arith.cmpi slt, %add3A_72, %lt3A_88 : i32
      %and3A_90 = arith.andi %ge3A_87, %lt3A_89 : i1
      %convert_element_type3A_91 = arith.extui %and3A_90 : i1 to i32
      %cond3A_92 = arith.constant 0 : i32
      %cond3A_93 = arith.cmpi ne, %convert_element_type3A_91, %cond3A_92 : i32
      scf.if %cond3A_93 {
        %dma_wait3A = arith.constant 1 : i32
        %dma_wait3A_319 = arith.constant 1 : i32
        %dma_wait3A_320 = arith.constant 0 : i32
        %dma_wait3A_321 = tpu.memref_slice %arg7[%dma_wait3A, %dma_wait3A_320] : memref<12x80xi32, #tpu.memory_space<vmem>> -> memref<1x80xi32, #tpu.memory_space<vmem>>
        %dma_wait3A_322 = tpu.memref_squeeze %dma_wait3A_321 : memref<1x80xi32, #tpu.memory_space<vmem>> -> memref<80xi32, #tpu.memory_space<vmem>>
        %dma_wait3A_323 = tpu.memref_slice %arg2[%mul3A_2] : memref<320000xi32, #tpu.memory_space<hbm>> -> memref<80xi32, #tpu.memory_space<hbm>>
        %dma_wait3A_324 = tpu.memref_slice %arg9[%dma_wait3A_319] : memref<12x!tpu.dma_semaphore, #tpu.memory_space<semaphore_mem>> -> memref<1x!tpu.dma_semaphore, #tpu.memory_space<semaphore_mem>>
        %dma_wait3A_325 = tpu.memref_squeeze %dma_wait3A_324 : memref<1x!tpu.dma_semaphore, #tpu.memory_space<semaphore_mem>> -> memref<!tpu.dma_semaphore, #tpu.memory_space<semaphore_mem>>
        %dma_wait3A_326 = arith.constant 0 : i32
        %dma_wait3A_327 = tpu.memref_slice %arg7[%dma_wait3A, %dma_wait3A_326] : memref<12x80xi32, #tpu.memory_space<vmem>> -> memref<1x80xi32, #tpu.memory_space<vmem>>
        %dma_wait3A_328 = tpu.memref_squeeze %dma_wait3A_327 : memref<1x80xi32, #tpu.memory_space<vmem>> -> memref<80xi32, #tpu.memory_space<vmem>>
        %dma_wait3A_329 = tpu.memref_slice %arg2[%mul3A_2] : memref<320000xi32, #tpu.memory_space<hbm>> -> memref<80xi32, #tpu.memory_space<hbm>>
        tpu.wait_dma2 semaphore(%dma_wait3A_325 : memref<!tpu.dma_semaphore, #tpu.memory_space<semaphore_mem>>) src(%dma_wait3A_329 : memref<80xi32, #tpu.memory_space<hbm>>) dst(%dma_wait3A_328 : memref<80xi32, #tpu.memory_space<vmem>>)
        %dma_start3A = arith.constant 1 : i32
        %dma_start3A_330 = arith.constant 1 : i32
        %dma_start3A_331 = arith.constant 0 : i32
        %dma_start3A_332 = tpu.memref_slice %arg7[%dma_start3A, %dma_start3A_331] : memref<12x80xi32, #tpu.memory_space<vmem>> -> memref<1x80xi32, #tpu.memory_space<vmem>>
        %dma_start3A_333 = tpu.memref_squeeze %dma_start3A_332 : memref<1x80xi32, #tpu.memory_space<vmem>> -> memref<80xi32, #tpu.memory_space<vmem>>
        %dma_start3A_334 = arith.constant 0 : i32
        %dma_start3A_335 = arith.constant 0 : i32
        %dma_start3A_336 = tpu.memref_slice %arg6[%dma_start3A_334, %dma_start3A_335] : memref<10000x128xf32, #tpu.memory_space<vmem_shared>> -> memref<10000x128xf32, #tpu.memory_space<vmem_shared>>
        %dma_start3A_337 = tpu.memref_slice %arg10[%dma_start3A_330] : memref<12x!tpu.dma_semaphore, #tpu.memory_space<semaphore_mem>> -> memref<1x!tpu.dma_semaphore, #tpu.memory_space<semaphore_mem>>
        %dma_start3A_338 = tpu.memref_squeeze %dma_start3A_337 : memref<1x!tpu.dma_semaphore, #tpu.memory_space<semaphore_mem>> -> memref<!tpu.dma_semaphore, #tpu.memory_space<semaphore_mem>>
        tpu.enqueue_indirect_dma source(%arg8 : memref<80x128xf32, #tpu.memory_space<vmem>>) target(%dma_start3A_336 : memref<10000x128xf32, #tpu.memory_space<vmem_shared>>) offsets(%dma_start3A_333 : memref<80xi32, #tpu.memory_space<vmem>>) semaphore(%dma_start3A_338 : memref<!tpu.dma_semaphore, #tpu.memory_space<semaphore_mem>>) {add = true}
      } else {
      }
      %mul3A_94 = arith.constant 12 : i32
      %mul3A_95 = arith.muli %add3A_21, %mul3A_94 : i32
      %add3A_96 = arith.constant 3 : i32
      %add3A_97 = arith.addi %mul3A_95, %add3A_96 : i32
      %ge3A_98 = arith.constant 12 : i32
      %ge3A_99 = arith.cmpi sge, %add3A_97, %ge3A_98 : i32
      %lt3A_100 = arith.constant 137 : i32
      %lt3A_101 = arith.cmpi slt, %add3A_97, %lt3A_100 : i32
      %and3A_102 = arith.andi %ge3A_99, %lt3A_101 : i1
      %convert_element_type3A_103 = arith.extui %and3A_102 : i1 to i32
      %cond3A_104 = arith.constant 0 : i32
      %cond3A_105 = arith.cmpi ne, %convert_element_type3A_103, %cond3A_104 : i32
      scf.if %cond3A_105 {
        %dma_wait3A = arith.constant 3 : i32
        %dma_wait3A_319 = arith.constant 3 : i32
        %dma_wait3A_320 = arith.constant 0 : i32
        %dma_wait3A_321 = tpu.memref_slice %arg7[%dma_wait3A, %dma_wait3A_320] : memref<12x80xi32, #tpu.memory_space<vmem>> -> memref<1x80xi32, #tpu.memory_space<vmem>>
        %dma_wait3A_322 = tpu.memref_squeeze %dma_wait3A_321 : memref<1x80xi32, #tpu.memory_space<vmem>> -> memref<80xi32, #tpu.memory_space<vmem>>
        %dma_wait3A_323 = arith.constant 0 : i32
        %dma_wait3A_324 = arith.constant 0 : i32
        %dma_wait3A_325 = tpu.memref_slice %arg6[%dma_wait3A_323, %dma_wait3A_324] : memref<10000x128xf32, #tpu.memory_space<vmem_shared>> -> memref<10000x128xf32, #tpu.memory_space<vmem_shared>>
        %dma_wait3A_326 = tpu.memref_slice %arg10[%dma_wait3A_319] : memref<12x!tpu.dma_semaphore, #tpu.memory_space<semaphore_mem>> -> memref<1x!tpu.dma_semaphore, #tpu.memory_space<semaphore_mem>>
        %dma_wait3A_327 = tpu.memref_squeeze %dma_wait3A_326 : memref<1x!tpu.dma_semaphore, #tpu.memory_space<semaphore_mem>> -> memref<!tpu.dma_semaphore, #tpu.memory_space<semaphore_mem>>
        tpu.wait_indirect_dma semaphore(%dma_wait3A_327 : memref<!tpu.dma_semaphore, #tpu.memory_space<semaphore_mem>>) src(%arg8 : memref<80x128xf32, #tpu.memory_space<vmem>>) dst(%dma_wait3A_325 : memref<10000x128xf32, #tpu.memory_space<vmem_shared>>)
      } else {
      }
      %lt3A_106 = arith.constant 125 : i32
      %lt3A_107 = arith.cmpi slt, %add3A_97, %lt3A_106 : i32
      %convert_element_type3A_108 = arith.extui %lt3A_107 : i1 to i32
      %cond3A_109 = arith.constant 0 : i32
      %cond3A_110 = arith.cmpi ne, %convert_element_type3A_108, %cond3A_109 : i32
      scf.if %cond3A_110 {
        %mul3A_319 = arith.constant 80 : i32
        %mul3A_320 = arith.muli %add3A_97, %mul3A_319 : i32
        %add3A_321 = arith.addi %mul3A_2, %mul3A_320 : i32
        %dma_start3A = arith.constant 3 : i32
        %dma_start3A_322 = arith.constant 3 : i32
        %dma_start3A_323 = arith.constant 0 : i32
        %dma_start3A_324 = tpu.memref_slice %arg7[%dma_start3A, %dma_start3A_323] : memref<12x80xi32, #tpu.memory_space<vmem>> -> memref<1x80xi32, #tpu.memory_space<vmem>>
        %dma_start3A_325 = tpu.memref_squeeze %dma_start3A_324 : memref<1x80xi32, #tpu.memory_space<vmem>> -> memref<80xi32, #tpu.memory_space<vmem>>
        %dma_start3A_326 = tpu.memref_slice %arg2[%add3A_321] : memref<320000xi32, #tpu.memory_space<hbm>> -> memref<80xi32, #tpu.memory_space<hbm>>
        %dma_start3A_327 = tpu.memref_slice %arg9[%dma_start3A_322] : memref<12x!tpu.dma_semaphore, #tpu.memory_space<semaphore_mem>> -> memref<1x!tpu.dma_semaphore, #tpu.memory_space<semaphore_mem>>
        %dma_start3A_328 = tpu.memref_squeeze %dma_start3A_327 : memref<1x!tpu.dma_semaphore, #tpu.memory_space<semaphore_mem>> -> memref<!tpu.dma_semaphore, #tpu.memory_space<semaphore_mem>>
        %dma_start3A_329 = arith.constant 0 : i32
        %dma_start3A_330 = tpu.memref_slice %arg7[%dma_start3A, %dma_start3A_329] : memref<12x80xi32, #tpu.memory_space<vmem>> -> memref<1x80xi32, #tpu.memory_space<vmem>>
        %dma_start3A_331 = tpu.memref_squeeze %dma_start3A_330 : memref<1x80xi32, #tpu.memory_space<vmem>> -> memref<80xi32, #tpu.memory_space<vmem>>
        %dma_start3A_332 = tpu.memref_slice %arg2[%add3A_321] : memref<320000xi32, #tpu.memory_space<hbm>> -> memref<80xi32, #tpu.memory_space<hbm>>
        tpu.enqueue_dma source(%dma_start3A_332 : memref<80xi32, #tpu.memory_space<hbm>>) target(%dma_start3A_331 : memref<80xi32, #tpu.memory_space<vmem>>) target_semaphore(%dma_start3A_328 : memref<!tpu.dma_semaphore, #tpu.memory_space<semaphore_mem>>)
      } else {
      }
      %ge3A_111 = arith.constant 1 : i32
      %ge3A_112 = arith.cmpi sge, %add3A_97, %ge3A_111 : i32
      %lt3A_113 = arith.constant 126 : i32
      %lt3A_114 = arith.cmpi slt, %add3A_97, %lt3A_113 : i32
      %and3A_115 = arith.andi %ge3A_112, %lt3A_114 : i1
      %convert_element_type3A_116 = arith.extui %and3A_115 : i1 to i32
      %cond3A_117 = arith.constant 0 : i32
      %cond3A_118 = arith.cmpi ne, %convert_element_type3A_116, %cond3A_117 : i32
      scf.if %cond3A_118 {
        %dma_wait3A = arith.constant 2 : i32
        %dma_wait3A_319 = arith.constant 2 : i32
        %dma_wait3A_320 = arith.constant 0 : i32
        %dma_wait3A_321 = tpu.memref_slice %arg7[%dma_wait3A, %dma_wait3A_320] : memref<12x80xi32, #tpu.memory_space<vmem>> -> memref<1x80xi32, #tpu.memory_space<vmem>>
        %dma_wait3A_322 = tpu.memref_squeeze %dma_wait3A_321 : memref<1x80xi32, #tpu.memory_space<vmem>> -> memref<80xi32, #tpu.memory_space<vmem>>
        %dma_wait3A_323 = tpu.memref_slice %arg2[%mul3A_2] : memref<320000xi32, #tpu.memory_space<hbm>> -> memref<80xi32, #tpu.memory_space<hbm>>
        %dma_wait3A_324 = tpu.memref_slice %arg9[%dma_wait3A_319] : memref<12x!tpu.dma_semaphore, #tpu.memory_space<semaphore_mem>> -> memref<1x!tpu.dma_semaphore, #tpu.memory_space<semaphore_mem>>
        %dma_wait3A_325 = tpu.memref_squeeze %dma_wait3A_324 : memref<1x!tpu.dma_semaphore, #tpu.memory_space<semaphore_mem>> -> memref<!tpu.dma_semaphore, #tpu.memory_space<semaphore_mem>>
        %dma_wait3A_326 = arith.constant 0 : i32
        %dma_wait3A_327 = tpu.memref_slice %arg7[%dma_wait3A, %dma_wait3A_326] : memref<12x80xi32, #tpu.memory_space<vmem>> -> memref<1x80xi32, #tpu.memory_space<vmem>>
        %dma_wait3A_328 = tpu.memref_squeeze %dma_wait3A_327 : memref<1x80xi32, #tpu.memory_space<vmem>> -> memref<80xi32, #tpu.memory_space<vmem>>
        %dma_wait3A_329 = tpu.memref_slice %arg2[%mul3A_2] : memref<320000xi32, #tpu.memory_space<hbm>> -> memref<80xi32, #tpu.memory_space<hbm>>
        tpu.wait_dma2 semaphore(%dma_wait3A_325 : memref<!tpu.dma_semaphore, #tpu.memory_space<semaphore_mem>>) src(%dma_wait3A_329 : memref<80xi32, #tpu.memory_space<hbm>>) dst(%dma_wait3A_328 : memref<80xi32, #tpu.memory_space<vmem>>)
        %dma_start3A = arith.constant 2 : i32
        %dma_start3A_330 = arith.constant 2 : i32
        %dma_start3A_331 = arith.constant 0 : i32
        %dma_start3A_332 = tpu.memref_slice %arg7[%dma_start3A, %dma_start3A_331] : memref<12x80xi32, #tpu.memory_space<vmem>> -> memref<1x80xi32, #tpu.memory_space<vmem>>
        %dma_start3A_333 = tpu.memref_squeeze %dma_start3A_332 : memref<1x80xi32, #tpu.memory_space<vmem>> -> memref<80xi32, #tpu.memory_space<vmem>>
        %dma_start3A_334 = arith.constant 0 : i32
        %dma_start3A_335 = arith.constant 0 : i32
        %dma_start3A_336 = tpu.memref_slice %arg6[%dma_start3A_334, %dma_start3A_335] : memref<10000x128xf32, #tpu.memory_space<vmem_shared>> -> memref<10000x128xf32, #tpu.memory_space<vmem_shared>>
        %dma_start3A_337 = tpu.memref_slice %arg10[%dma_start3A_330] : memref<12x!tpu.dma_semaphore, #tpu.memory_space<semaphore_mem>> -> memref<1x!tpu.dma_semaphore, #tpu.memory_space<semaphore_mem>>
        %dma_start3A_338 = tpu.memref_squeeze %dma_start3A_337 : memref<1x!tpu.dma_semaphore, #tpu.memory_space<semaphore_mem>> -> memref<!tpu.dma_semaphore, #tpu.memory_space<semaphore_mem>>
        tpu.enqueue_indirect_dma source(%arg8 : memref<80x128xf32, #tpu.memory_space<vmem>>) target(%dma_start3A_336 : memref<10000x128xf32, #tpu.memory_space<vmem_shared>>) offsets(%dma_start3A_333 : memref<80xi32, #tpu.memory_space<vmem>>) semaphore(%dma_start3A_338 : memref<!tpu.dma_semaphore, #tpu.memory_space<semaphore_mem>>) {add = true}
      } else {
      }
      %mul3A_119 = arith.constant 12 : i32
      %mul3A_120 = arith.muli %add3A_21, %mul3A_119 : i32
      %add3A_121 = arith.constant 4 : i32
      %add3A_122 = arith.addi %mul3A_120, %add3A_121 : i32
      %ge3A_123 = arith.constant 12 : i32
      %ge3A_124 = arith.cmpi sge, %add3A_122, %ge3A_123 : i32
      %lt3A_125 = arith.constant 137 : i32
      %lt3A_126 = arith.cmpi slt, %add3A_122, %lt3A_125 : i32
      %and3A_127 = arith.andi %ge3A_124, %lt3A_126 : i1
      %convert_element_type3A_128 = arith.extui %and3A_127 : i1 to i32
      %cond3A_129 = arith.constant 0 : i32
      %cond3A_130 = arith.cmpi ne, %convert_element_type3A_128, %cond3A_129 : i32
      scf.if %cond3A_130 {
        %dma_wait3A = arith.constant 4 : i32
        %dma_wait3A_319 = arith.constant 4 : i32
        %dma_wait3A_320 = arith.constant 0 : i32
        %dma_wait3A_321 = tpu.memref_slice %arg7[%dma_wait3A, %dma_wait3A_320] : memref<12x80xi32, #tpu.memory_space<vmem>> -> memref<1x80xi32, #tpu.memory_space<vmem>>
        %dma_wait3A_322 = tpu.memref_squeeze %dma_wait3A_321 : memref<1x80xi32, #tpu.memory_space<vmem>> -> memref<80xi32, #tpu.memory_space<vmem>>
        %dma_wait3A_323 = arith.constant 0 : i32
        %dma_wait3A_324 = arith.constant 0 : i32
        %dma_wait3A_325 = tpu.memref_slice %arg6[%dma_wait3A_323, %dma_wait3A_324] : memref<10000x128xf32, #tpu.memory_space<vmem_shared>> -> memref<10000x128xf32, #tpu.memory_space<vmem_shared>>
        %dma_wait3A_326 = tpu.memref_slice %arg10[%dma_wait3A_319] : memref<12x!tpu.dma_semaphore, #tpu.memory_space<semaphore_mem>> -> memref<1x!tpu.dma_semaphore, #tpu.memory_space<semaphore_mem>>
        %dma_wait3A_327 = tpu.memref_squeeze %dma_wait3A_326 : memref<1x!tpu.dma_semaphore, #tpu.memory_space<semaphore_mem>> -> memref<!tpu.dma_semaphore, #tpu.memory_space<semaphore_mem>>
        tpu.wait_indirect_dma semaphore(%dma_wait3A_327 : memref<!tpu.dma_semaphore, #tpu.memory_space<semaphore_mem>>) src(%arg8 : memref<80x128xf32, #tpu.memory_space<vmem>>) dst(%dma_wait3A_325 : memref<10000x128xf32, #tpu.memory_space<vmem_shared>>)
      } else {
      }
      %lt3A_131 = arith.constant 125 : i32
      %lt3A_132 = arith.cmpi slt, %add3A_122, %lt3A_131 : i32
      %convert_element_type3A_133 = arith.extui %lt3A_132 : i1 to i32
      %cond3A_134 = arith.constant 0 : i32
      %cond3A_135 = arith.cmpi ne, %convert_element_type3A_133, %cond3A_134 : i32
      scf.if %cond3A_135 {
        %mul3A_319 = arith.constant 80 : i32
        %mul3A_320 = arith.muli %add3A_122, %mul3A_319 : i32
        %add3A_321 = arith.addi %mul3A_2, %mul3A_320 : i32
        %dma_start3A = arith.constant 4 : i32
        %dma_start3A_322 = arith.constant 4 : i32
        %dma_start3A_323 = arith.constant 0 : i32
        %dma_start3A_324 = tpu.memref_slice %arg7[%dma_start3A, %dma_start3A_323] : memref<12x80xi32, #tpu.memory_space<vmem>> -> memref<1x80xi32, #tpu.memory_space<vmem>>
        %dma_start3A_325 = tpu.memref_squeeze %dma_start3A_324 : memref<1x80xi32, #tpu.memory_space<vmem>> -> memref<80xi32, #tpu.memory_space<vmem>>
        %dma_start3A_326 = tpu.memref_slice %arg2[%add3A_321] : memref<320000xi32, #tpu.memory_space<hbm>> -> memref<80xi32, #tpu.memory_space<hbm>>
        %dma_start3A_327 = tpu.memref_slice %arg9[%dma_start3A_322] : memref<12x!tpu.dma_semaphore, #tpu.memory_space<semaphore_mem>> -> memref<1x!tpu.dma_semaphore, #tpu.memory_space<semaphore_mem>>
        %dma_start3A_328 = tpu.memref_squeeze %dma_start3A_327 : memref<1x!tpu.dma_semaphore, #tpu.memory_space<semaphore_mem>> -> memref<!tpu.dma_semaphore, #tpu.memory_space<semaphore_mem>>
        %dma_start3A_329 = arith.constant 0 : i32
        %dma_start3A_330 = tpu.memref_slice %arg7[%dma_start3A, %dma_start3A_329] : memref<12x80xi32, #tpu.memory_space<vmem>> -> memref<1x80xi32, #tpu.memory_space<vmem>>
        %dma_start3A_331 = tpu.memref_squeeze %dma_start3A_330 : memref<1x80xi32, #tpu.memory_space<vmem>> -> memref<80xi32, #tpu.memory_space<vmem>>
        %dma_start3A_332 = tpu.memref_slice %arg2[%add3A_321] : memref<320000xi32, #tpu.memory_space<hbm>> -> memref<80xi32, #tpu.memory_space<hbm>>
        tpu.enqueue_dma source(%dma_start3A_332 : memref<80xi32, #tpu.memory_space<hbm>>) target(%dma_start3A_331 : memref<80xi32, #tpu.memory_space<vmem>>) target_semaphore(%dma_start3A_328 : memref<!tpu.dma_semaphore, #tpu.memory_space<semaphore_mem>>)
      } else {
      }
      %ge3A_136 = arith.constant 1 : i32
      %ge3A_137 = arith.cmpi sge, %add3A_122, %ge3A_136 : i32
      %lt3A_138 = arith.constant 126 : i32
      %lt3A_139 = arith.cmpi slt, %add3A_122, %lt3A_138 : i32
      %and3A_140 = arith.andi %ge3A_137, %lt3A_139 : i1
      %convert_element_type3A_141 = arith.extui %and3A_140 : i1 to i32
      %cond3A_142 = arith.constant 0 : i32
      %cond3A_143 = arith.cmpi ne, %convert_element_type3A_141, %cond3A_142 : i32
      scf.if %cond3A_143 {
        %dma_wait3A = arith.constant 3 : i32
        %dma_wait3A_319 = arith.constant 3 : i32
        %dma_wait3A_320 = arith.constant 0 : i32
        %dma_wait3A_321 = tpu.memref_slice %arg7[%dma_wait3A, %dma_wait3A_320] : memref<12x80xi32, #tpu.memory_space<vmem>> -> memref<1x80xi32, #tpu.memory_space<vmem>>
        %dma_wait3A_322 = tpu.memref_squeeze %dma_wait3A_321 : memref<1x80xi32, #tpu.memory_space<vmem>> -> memref<80xi32, #tpu.memory_space<vmem>>
        %dma_wait3A_323 = tpu.memref_slice %arg2[%mul3A_2] : memref<320000xi32, #tpu.memory_space<hbm>> -> memref<80xi32, #tpu.memory_space<hbm>>
        %dma_wait3A_324 = tpu.memref_slice %arg9[%dma_wait3A_319] : memref<12x!tpu.dma_semaphore, #tpu.memory_space<semaphore_mem>> -> memref<1x!tpu.dma_semaphore, #tpu.memory_space<semaphore_mem>>
        %dma_wait3A_325 = tpu.memref_squeeze %dma_wait3A_324 : memref<1x!tpu.dma_semaphore, #tpu.memory_space<semaphore_mem>> -> memref<!tpu.dma_semaphore, #tpu.memory_space<semaphore_mem>>
        %dma_wait3A_326 = arith.constant 0 : i32
        %dma_wait3A_327 = tpu.memref_slice %arg7[%dma_wait3A, %dma_wait3A_326] : memref<12x80xi32, #tpu.memory_space<vmem>> -> memref<1x80xi32, #tpu.memory_space<vmem>>
        %dma_wait3A_328 = tpu.memref_squeeze %dma_wait3A_327 : memref<1x80xi32, #tpu.memory_space<vmem>> -> memref<80xi32, #tpu.memory_space<vmem>>
        %dma_wait3A_329 = tpu.memref_slice %arg2[%mul3A_2] : memref<320000xi32, #tpu.memory_space<hbm>> -> memref<80xi32, #tpu.memory_space<hbm>>
        tpu.wait_dma2 semaphore(%dma_wait3A_325 : memref<!tpu.dma_semaphore, #tpu.memory_space<semaphore_mem>>) src(%dma_wait3A_329 : memref<80xi32, #tpu.memory_space<hbm>>) dst(%dma_wait3A_328 : memref<80xi32, #tpu.memory_space<vmem>>)
        %dma_start3A = arith.constant 3 : i32
        %dma_start3A_330 = arith.constant 3 : i32
        %dma_start3A_331 = arith.constant 0 : i32
        %dma_start3A_332 = tpu.memref_slice %arg7[%dma_start3A, %dma_start3A_331] : memref<12x80xi32, #tpu.memory_space<vmem>> -> memref<1x80xi32, #tpu.memory_space<vmem>>
        %dma_start3A_333 = tpu.memref_squeeze %dma_start3A_332 : memref<1x80xi32, #tpu.memory_space<vmem>> -> memref<80xi32, #tpu.memory_space<vmem>>
        %dma_start3A_334 = arith.constant 0 : i32
        %dma_start3A_335 = arith.constant 0 : i32
        %dma_start3A_336 = tpu.memref_slice %arg6[%dma_start3A_334, %dma_start3A_335] : memref<10000x128xf32, #tpu.memory_space<vmem_shared>> -> memref<10000x128xf32, #tpu.memory_space<vmem_shared>>
        %dma_start3A_337 = tpu.memref_slice %arg10[%dma_start3A_330] : memref<12x!tpu.dma_semaphore, #tpu.memory_space<semaphore_mem>> -> memref<1x!tpu.dma_semaphore, #tpu.memory_space<semaphore_mem>>
        %dma_start3A_338 = tpu.memref_squeeze %dma_start3A_337 : memref<1x!tpu.dma_semaphore, #tpu.memory_space<semaphore_mem>> -> memref<!tpu.dma_semaphore, #tpu.memory_space<semaphore_mem>>
        tpu.enqueue_indirect_dma source(%arg8 : memref<80x128xf32, #tpu.memory_space<vmem>>) target(%dma_start3A_336 : memref<10000x128xf32, #tpu.memory_space<vmem_shared>>) offsets(%dma_start3A_333 : memref<80xi32, #tpu.memory_space<vmem>>) semaphore(%dma_start3A_338 : memref<!tpu.dma_semaphore, #tpu.memory_space<semaphore_mem>>) {add = true}
      } else {
      }
      %mul3A_144 = arith.constant 12 : i32
      %mul3A_145 = arith.muli %add3A_21, %mul3A_144 : i32
      %add3A_146 = arith.constant 5 : i32
      %add3A_147 = arith.addi %mul3A_145, %add3A_146 : i32
      %ge3A_148 = arith.constant 12 : i32
      %ge3A_149 = arith.cmpi sge, %add3A_147, %ge3A_148 : i32
      %lt3A_150 = arith.constant 137 : i32
      %lt3A_151 = arith.cmpi slt, %add3A_147, %lt3A_150 : i32
      %and3A_152 = arith.andi %ge3A_149, %lt3A_151 : i1
      %convert_element_type3A_153 = arith.extui %and3A_152 : i1 to i32
      %cond3A_154 = arith.constant 0 : i32
      %cond3A_155 = arith.cmpi ne, %convert_element_type3A_153, %cond3A_154 : i32
      scf.if %cond3A_155 {
        %dma_wait3A = arith.constant 5 : i32
        %dma_wait3A_319 = arith.constant 5 : i32
        %dma_wait3A_320 = arith.constant 0 : i32
        %dma_wait3A_321 = tpu.memref_slice %arg7[%dma_wait3A, %dma_wait3A_320] : memref<12x80xi32, #tpu.memory_space<vmem>> -> memref<1x80xi32, #tpu.memory_space<vmem>>
        %dma_wait3A_322 = tpu.memref_squeeze %dma_wait3A_321 : memref<1x80xi32, #tpu.memory_space<vmem>> -> memref<80xi32, #tpu.memory_space<vmem>>
        %dma_wait3A_323 = arith.constant 0 : i32
        %dma_wait3A_324 = arith.constant 0 : i32
        %dma_wait3A_325 = tpu.memref_slice %arg6[%dma_wait3A_323, %dma_wait3A_324] : memref<10000x128xf32, #tpu.memory_space<vmem_shared>> -> memref<10000x128xf32, #tpu.memory_space<vmem_shared>>
        %dma_wait3A_326 = tpu.memref_slice %arg10[%dma_wait3A_319] : memref<12x!tpu.dma_semaphore, #tpu.memory_space<semaphore_mem>> -> memref<1x!tpu.dma_semaphore, #tpu.memory_space<semaphore_mem>>
        %dma_wait3A_327 = tpu.memref_squeeze %dma_wait3A_326 : memref<1x!tpu.dma_semaphore, #tpu.memory_space<semaphore_mem>> -> memref<!tpu.dma_semaphore, #tpu.memory_space<semaphore_mem>>
        tpu.wait_indirect_dma semaphore(%dma_wait3A_327 : memref<!tpu.dma_semaphore, #tpu.memory_space<semaphore_mem>>) src(%arg8 : memref<80x128xf32, #tpu.memory_space<vmem>>) dst(%dma_wait3A_325 : memref<10000x128xf32, #tpu.memory_space<vmem_shared>>)
      } else {
      }
      %lt3A_156 = arith.constant 125 : i32
      %lt3A_157 = arith.cmpi slt, %add3A_147, %lt3A_156 : i32
      %convert_element_type3A_158 = arith.extui %lt3A_157 : i1 to i32
      %cond3A_159 = arith.constant 0 : i32
      %cond3A_160 = arith.cmpi ne, %convert_element_type3A_158, %cond3A_159 : i32
      scf.if %cond3A_160 {
        %mul3A_319 = arith.constant 80 : i32
        %mul3A_320 = arith.muli %add3A_147, %mul3A_319 : i32
        %add3A_321 = arith.addi %mul3A_2, %mul3A_320 : i32
        %dma_start3A = arith.constant 5 : i32
        %dma_start3A_322 = arith.constant 5 : i32
        %dma_start3A_323 = arith.constant 0 : i32
        %dma_start3A_324 = tpu.memref_slice %arg7[%dma_start3A, %dma_start3A_323] : memref<12x80xi32, #tpu.memory_space<vmem>> -> memref<1x80xi32, #tpu.memory_space<vmem>>
        %dma_start3A_325 = tpu.memref_squeeze %dma_start3A_324 : memref<1x80xi32, #tpu.memory_space<vmem>> -> memref<80xi32, #tpu.memory_space<vmem>>
        %dma_start3A_326 = tpu.memref_slice %arg2[%add3A_321] : memref<320000xi32, #tpu.memory_space<hbm>> -> memref<80xi32, #tpu.memory_space<hbm>>
        %dma_start3A_327 = tpu.memref_slice %arg9[%dma_start3A_322] : memref<12x!tpu.dma_semaphore, #tpu.memory_space<semaphore_mem>> -> memref<1x!tpu.dma_semaphore, #tpu.memory_space<semaphore_mem>>
        %dma_start3A_328 = tpu.memref_squeeze %dma_start3A_327 : memref<1x!tpu.dma_semaphore, #tpu.memory_space<semaphore_mem>> -> memref<!tpu.dma_semaphore, #tpu.memory_space<semaphore_mem>>
        %dma_start3A_329 = arith.constant 0 : i32
        %dma_start3A_330 = tpu.memref_slice %arg7[%dma_start3A, %dma_start3A_329] : memref<12x80xi32, #tpu.memory_space<vmem>> -> memref<1x80xi32, #tpu.memory_space<vmem>>
        %dma_start3A_331 = tpu.memref_squeeze %dma_start3A_330 : memref<1x80xi32, #tpu.memory_space<vmem>> -> memref<80xi32, #tpu.memory_space<vmem>>
        %dma_start3A_332 = tpu.memref_slice %arg2[%add3A_321] : memref<320000xi32, #tpu.memory_space<hbm>> -> memref<80xi32, #tpu.memory_space<hbm>>
        tpu.enqueue_dma source(%dma_start3A_332 : memref<80xi32, #tpu.memory_space<hbm>>) target(%dma_start3A_331 : memref<80xi32, #tpu.memory_space<vmem>>) target_semaphore(%dma_start3A_328 : memref<!tpu.dma_semaphore, #tpu.memory_space<semaphore_mem>>)
      } else {
      }
      %ge3A_161 = arith.constant 1 : i32
      %ge3A_162 = arith.cmpi sge, %add3A_147, %ge3A_161 : i32
      %lt3A_163 = arith.constant 126 : i32
      %lt3A_164 = arith.cmpi slt, %add3A_147, %lt3A_163 : i32
      %and3A_165 = arith.andi %ge3A_162, %lt3A_164 : i1
      %convert_element_type3A_166 = arith.extui %and3A_165 : i1 to i32
      %cond3A_167 = arith.constant 0 : i32
      %cond3A_168 = arith.cmpi ne, %convert_element_type3A_166, %cond3A_167 : i32
      scf.if %cond3A_168 {
        %dma_wait3A = arith.constant 4 : i32
        %dma_wait3A_319 = arith.constant 4 : i32
        %dma_wait3A_320 = arith.constant 0 : i32
        %dma_wait3A_321 = tpu.memref_slice %arg7[%dma_wait3A, %dma_wait3A_320] : memref<12x80xi32, #tpu.memory_space<vmem>> -> memref<1x80xi32, #tpu.memory_space<vmem>>
        %dma_wait3A_322 = tpu.memref_squeeze %dma_wait3A_321 : memref<1x80xi32, #tpu.memory_space<vmem>> -> memref<80xi32, #tpu.memory_space<vmem>>
        %dma_wait3A_323 = tpu.memref_slice %arg2[%mul3A_2] : memref<320000xi32, #tpu.memory_space<hbm>> -> memref<80xi32, #tpu.memory_space<hbm>>
        %dma_wait3A_324 = tpu.memref_slice %arg9[%dma_wait3A_319] : memref<12x!tpu.dma_semaphore, #tpu.memory_space<semaphore_mem>> -> memref<1x!tpu.dma_semaphore, #tpu.memory_space<semaphore_mem>>
        %dma_wait3A_325 = tpu.memref_squeeze %dma_wait3A_324 : memref<1x!tpu.dma_semaphore, #tpu.memory_space<semaphore_mem>> -> memref<!tpu.dma_semaphore, #tpu.memory_space<semaphore_mem>>
        %dma_wait3A_326 = arith.constant 0 : i32
        %dma_wait3A_327 = tpu.memref_slice %arg7[%dma_wait3A, %dma_wait3A_326] : memref<12x80xi32, #tpu.memory_space<vmem>> -> memref<1x80xi32, #tpu.memory_space<vmem>>
        %dma_wait3A_328 = tpu.memref_squeeze %dma_wait3A_327 : memref<1x80xi32, #tpu.memory_space<vmem>> -> memref<80xi32, #tpu.memory_space<vmem>>
        %dma_wait3A_329 = tpu.memref_slice %arg2[%mul3A_2] : memref<320000xi32, #tpu.memory_space<hbm>> -> memref<80xi32, #tpu.memory_space<hbm>>
        tpu.wait_dma2 semaphore(%dma_wait3A_325 : memref<!tpu.dma_semaphore, #tpu.memory_space<semaphore_mem>>) src(%dma_wait3A_329 : memref<80xi32, #tpu.memory_space<hbm>>) dst(%dma_wait3A_328 : memref<80xi32, #tpu.memory_space<vmem>>)
        %dma_start3A = arith.constant 4 : i32
        %dma_start3A_330 = arith.constant 4 : i32
        %dma_start3A_331 = arith.constant 0 : i32
        %dma_start3A_332 = tpu.memref_slice %arg7[%dma_start3A, %dma_start3A_331] : memref<12x80xi32, #tpu.memory_space<vmem>> -> memref<1x80xi32, #tpu.memory_space<vmem>>
        %dma_start3A_333 = tpu.memref_squeeze %dma_start3A_332 : memref<1x80xi32, #tpu.memory_space<vmem>> -> memref<80xi32, #tpu.memory_space<vmem>>
        %dma_start3A_334 = arith.constant 0 : i32
        %dma_start3A_335 = arith.constant 0 : i32
        %dma_start3A_336 = tpu.memref_slice %arg6[%dma_start3A_334, %dma_start3A_335] : memref<10000x128xf32, #tpu.memory_space<vmem_shared>> -> memref<10000x128xf32, #tpu.memory_space<vmem_shared>>
        %dma_start3A_337 = tpu.memref_slice %arg10[%dma_start3A_330] : memref<12x!tpu.dma_semaphore, #tpu.memory_space<semaphore_mem>> -> memref<1x!tpu.dma_semaphore, #tpu.memory_space<semaphore_mem>>
        %dma_start3A_338 = tpu.memref_squeeze %dma_start3A_337 : memref<1x!tpu.dma_semaphore, #tpu.memory_space<semaphore_mem>> -> memref<!tpu.dma_semaphore, #tpu.memory_space<semaphore_mem>>
        tpu.enqueue_indirect_dma source(%arg8 : memref<80x128xf32, #tpu.memory_space<vmem>>) target(%dma_start3A_336 : memref<10000x128xf32, #tpu.memory_space<vmem_shared>>) offsets(%dma_start3A_333 : memref<80xi32, #tpu.memory_space<vmem>>) semaphore(%dma_start3A_338 : memref<!tpu.dma_semaphore, #tpu.memory_space<semaphore_mem>>) {add = true}
      } else {
      }
      %mul3A_169 = arith.constant 12 : i32
      %mul3A_170 = arith.muli %add3A_21, %mul3A_169 : i32
      %add3A_171 = arith.constant 6 : i32
      %add3A_172 = arith.addi %mul3A_170, %add3A_171 : i32
      %ge3A_173 = arith.constant 12 : i32
      %ge3A_174 = arith.cmpi sge, %add3A_172, %ge3A_173 : i32
      %lt3A_175 = arith.constant 137 : i32
      %lt3A_176 = arith.cmpi slt, %add3A_172, %lt3A_175 : i32
      %and3A_177 = arith.andi %ge3A_174, %lt3A_176 : i1
      %convert_element_type3A_178 = arith.extui %and3A_177 : i1 to i32
      %cond3A_179 = arith.constant 0 : i32
      %cond3A_180 = arith.cmpi ne, %convert_element_type3A_178, %cond3A_179 : i32
      scf.if %cond3A_180 {
        %dma_wait3A = arith.constant 6 : i32
        %dma_wait3A_319 = arith.constant 6 : i32
        %dma_wait3A_320 = arith.constant 0 : i32
        %dma_wait3A_321 = tpu.memref_slice %arg7[%dma_wait3A, %dma_wait3A_320] : memref<12x80xi32, #tpu.memory_space<vmem>> -> memref<1x80xi32, #tpu.memory_space<vmem>>
        %dma_wait3A_322 = tpu.memref_squeeze %dma_wait3A_321 : memref<1x80xi32, #tpu.memory_space<vmem>> -> memref<80xi32, #tpu.memory_space<vmem>>
        %dma_wait3A_323 = arith.constant 0 : i32
        %dma_wait3A_324 = arith.constant 0 : i32
        %dma_wait3A_325 = tpu.memref_slice %arg6[%dma_wait3A_323, %dma_wait3A_324] : memref<10000x128xf32, #tpu.memory_space<vmem_shared>> -> memref<10000x128xf32, #tpu.memory_space<vmem_shared>>
        %dma_wait3A_326 = tpu.memref_slice %arg10[%dma_wait3A_319] : memref<12x!tpu.dma_semaphore, #tpu.memory_space<semaphore_mem>> -> memref<1x!tpu.dma_semaphore, #tpu.memory_space<semaphore_mem>>
        %dma_wait3A_327 = tpu.memref_squeeze %dma_wait3A_326 : memref<1x!tpu.dma_semaphore, #tpu.memory_space<semaphore_mem>> -> memref<!tpu.dma_semaphore, #tpu.memory_space<semaphore_mem>>
        tpu.wait_indirect_dma semaphore(%dma_wait3A_327 : memref<!tpu.dma_semaphore, #tpu.memory_space<semaphore_mem>>) src(%arg8 : memref<80x128xf32, #tpu.memory_space<vmem>>) dst(%dma_wait3A_325 : memref<10000x128xf32, #tpu.memory_space<vmem_shared>>)
      } else {
      }
      %lt3A_181 = arith.constant 125 : i32
      %lt3A_182 = arith.cmpi slt, %add3A_172, %lt3A_181 : i32
      %convert_element_type3A_183 = arith.extui %lt3A_182 : i1 to i32
      %cond3A_184 = arith.constant 0 : i32
      %cond3A_185 = arith.cmpi ne, %convert_element_type3A_183, %cond3A_184 : i32
      scf.if %cond3A_185 {
        %mul3A_319 = arith.constant 80 : i32
        %mul3A_320 = arith.muli %add3A_172, %mul3A_319 : i32
        %add3A_321 = arith.addi %mul3A_2, %mul3A_320 : i32
        %dma_start3A = arith.constant 6 : i32
        %dma_start3A_322 = arith.constant 6 : i32
        %dma_start3A_323 = arith.constant 0 : i32
        %dma_start3A_324 = tpu.memref_slice %arg7[%dma_start3A, %dma_start3A_323] : memref<12x80xi32, #tpu.memory_space<vmem>> -> memref<1x80xi32, #tpu.memory_space<vmem>>
        %dma_start3A_325 = tpu.memref_squeeze %dma_start3A_324 : memref<1x80xi32, #tpu.memory_space<vmem>> -> memref<80xi32, #tpu.memory_space<vmem>>
        %dma_start3A_326 = tpu.memref_slice %arg2[%add3A_321] : memref<320000xi32, #tpu.memory_space<hbm>> -> memref<80xi32, #tpu.memory_space<hbm>>
        %dma_start3A_327 = tpu.memref_slice %arg9[%dma_start3A_322] : memref<12x!tpu.dma_semaphore, #tpu.memory_space<semaphore_mem>> -> memref<1x!tpu.dma_semaphore, #tpu.memory_space<semaphore_mem>>
        %dma_start3A_328 = tpu.memref_squeeze %dma_start3A_327 : memref<1x!tpu.dma_semaphore, #tpu.memory_space<semaphore_mem>> -> memref<!tpu.dma_semaphore, #tpu.memory_space<semaphore_mem>>
        %dma_start3A_329 = arith.constant 0 : i32
        %dma_start3A_330 = tpu.memref_slice %arg7[%dma_start3A, %dma_start3A_329] : memref<12x80xi32, #tpu.memory_space<vmem>> -> memref<1x80xi32, #tpu.memory_space<vmem>>
        %dma_start3A_331 = tpu.memref_squeeze %dma_start3A_330 : memref<1x80xi32, #tpu.memory_space<vmem>> -> memref<80xi32, #tpu.memory_space<vmem>>
        %dma_start3A_332 = tpu.memref_slice %arg2[%add3A_321] : memref<320000xi32, #tpu.memory_space<hbm>> -> memref<80xi32, #tpu.memory_space<hbm>>
        tpu.enqueue_dma source(%dma_start3A_332 : memref<80xi32, #tpu.memory_space<hbm>>) target(%dma_start3A_331 : memref<80xi32, #tpu.memory_space<vmem>>) target_semaphore(%dma_start3A_328 : memref<!tpu.dma_semaphore, #tpu.memory_space<semaphore_mem>>)
      } else {
      }
      %ge3A_186 = arith.constant 1 : i32
      %ge3A_187 = arith.cmpi sge, %add3A_172, %ge3A_186 : i32
      %lt3A_188 = arith.constant 126 : i32
      %lt3A_189 = arith.cmpi slt, %add3A_172, %lt3A_188 : i32
      %and3A_190 = arith.andi %ge3A_187, %lt3A_189 : i1
      %convert_element_type3A_191 = arith.extui %and3A_190 : i1 to i32
      %cond3A_192 = arith.constant 0 : i32
      %cond3A_193 = arith.cmpi ne, %convert_element_type3A_191, %cond3A_192 : i32
      scf.if %cond3A_193 {
        %dma_wait3A = arith.constant 5 : i32
        %dma_wait3A_319 = arith.constant 5 : i32
        %dma_wait3A_320 = arith.constant 0 : i32
        %dma_wait3A_321 = tpu.memref_slice %arg7[%dma_wait3A, %dma_wait3A_320] : memref<12x80xi32, #tpu.memory_space<vmem>> -> memref<1x80xi32, #tpu.memory_space<vmem>>
        %dma_wait3A_322 = tpu.memref_squeeze %dma_wait3A_321 : memref<1x80xi32, #tpu.memory_space<vmem>> -> memref<80xi32, #tpu.memory_space<vmem>>
        %dma_wait3A_323 = tpu.memref_slice %arg2[%mul3A_2] : memref<320000xi32, #tpu.memory_space<hbm>> -> memref<80xi32, #tpu.memory_space<hbm>>
        %dma_wait3A_324 = tpu.memref_slice %arg9[%dma_wait3A_319] : memref<12x!tpu.dma_semaphore, #tpu.memory_space<semaphore_mem>> -> memref<1x!tpu.dma_semaphore, #tpu.memory_space<semaphore_mem>>
        %dma_wait3A_325 = tpu.memref_squeeze %dma_wait3A_324 : memref<1x!tpu.dma_semaphore, #tpu.memory_space<semaphore_mem>> -> memref<!tpu.dma_semaphore, #tpu.memory_space<semaphore_mem>>
        %dma_wait3A_326 = arith.constant 0 : i32
        %dma_wait3A_327 = tpu.memref_slice %arg7[%dma_wait3A, %dma_wait3A_326] : memref<12x80xi32, #tpu.memory_space<vmem>> -> memref<1x80xi32, #tpu.memory_space<vmem>>
        %dma_wait3A_328 = tpu.memref_squeeze %dma_wait3A_327 : memref<1x80xi32, #tpu.memory_space<vmem>> -> memref<80xi32, #tpu.memory_space<vmem>>
        %dma_wait3A_329 = tpu.memref_slice %arg2[%mul3A_2] : memref<320000xi32, #tpu.memory_space<hbm>> -> memref<80xi32, #tpu.memory_space<hbm>>
        tpu.wait_dma2 semaphore(%dma_wait3A_325 : memref<!tpu.dma_semaphore, #tpu.memory_space<semaphore_mem>>) src(%dma_wait3A_329 : memref<80xi32, #tpu.memory_space<hbm>>) dst(%dma_wait3A_328 : memref<80xi32, #tpu.memory_space<vmem>>)
        %dma_start3A = arith.constant 5 : i32
        %dma_start3A_330 = arith.constant 5 : i32
        %dma_start3A_331 = arith.constant 0 : i32
        %dma_start3A_332 = tpu.memref_slice %arg7[%dma_start3A, %dma_start3A_331] : memref<12x80xi32, #tpu.memory_space<vmem>> -> memref<1x80xi32, #tpu.memory_space<vmem>>
        %dma_start3A_333 = tpu.memref_squeeze %dma_start3A_332 : memref<1x80xi32, #tpu.memory_space<vmem>> -> memref<80xi32, #tpu.memory_space<vmem>>
        %dma_start3A_334 = arith.constant 0 : i32
        %dma_start3A_335 = arith.constant 0 : i32
        %dma_start3A_336 = tpu.memref_slice %arg6[%dma_start3A_334, %dma_start3A_335] : memref<10000x128xf32, #tpu.memory_space<vmem_shared>> -> memref<10000x128xf32, #tpu.memory_space<vmem_shared>>
        %dma_start3A_337 = tpu.memref_slice %arg10[%dma_start3A_330] : memref<12x!tpu.dma_semaphore, #tpu.memory_space<semaphore_mem>> -> memref<1x!tpu.dma_semaphore, #tpu.memory_space<semaphore_mem>>
        %dma_start3A_338 = tpu.memref_squeeze %dma_start3A_337 : memref<1x!tpu.dma_semaphore, #tpu.memory_space<semaphore_mem>> -> memref<!tpu.dma_semaphore, #tpu.memory_space<semaphore_mem>>
        tpu.enqueue_indirect_dma source(%arg8 : memref<80x128xf32, #tpu.memory_space<vmem>>) target(%dma_start3A_336 : memref<10000x128xf32, #tpu.memory_space<vmem_shared>>) offsets(%dma_start3A_333 : memref<80xi32, #tpu.memory_space<vmem>>) semaphore(%dma_start3A_338 : memref<!tpu.dma_semaphore, #tpu.memory_space<semaphore_mem>>) {add = true}
      } else {
      }
      %mul3A_194 = arith.constant 12 : i32
      %mul3A_195 = arith.muli %add3A_21, %mul3A_194 : i32
      %add3A_196 = arith.constant 7 : i32
      %add3A_197 = arith.addi %mul3A_195, %add3A_196 : i32
      %ge3A_198 = arith.constant 12 : i32
      %ge3A_199 = arith.cmpi sge, %add3A_197, %ge3A_198 : i32
      %lt3A_200 = arith.constant 137 : i32
      %lt3A_201 = arith.cmpi slt, %add3A_197, %lt3A_200 : i32
      %and3A_202 = arith.andi %ge3A_199, %lt3A_201 : i1
      %convert_element_type3A_203 = arith.extui %and3A_202 : i1 to i32
      %cond3A_204 = arith.constant 0 : i32
      %cond3A_205 = arith.cmpi ne, %convert_element_type3A_203, %cond3A_204 : i32
      scf.if %cond3A_205 {
        %dma_wait3A = arith.constant 7 : i32
        %dma_wait3A_319 = arith.constant 7 : i32
        %dma_wait3A_320 = arith.constant 0 : i32
        %dma_wait3A_321 = tpu.memref_slice %arg7[%dma_wait3A, %dma_wait3A_320] : memref<12x80xi32, #tpu.memory_space<vmem>> -> memref<1x80xi32, #tpu.memory_space<vmem>>
        %dma_wait3A_322 = tpu.memref_squeeze %dma_wait3A_321 : memref<1x80xi32, #tpu.memory_space<vmem>> -> memref<80xi32, #tpu.memory_space<vmem>>
        %dma_wait3A_323 = arith.constant 0 : i32
        %dma_wait3A_324 = arith.constant 0 : i32
        %dma_wait3A_325 = tpu.memref_slice %arg6[%dma_wait3A_323, %dma_wait3A_324] : memref<10000x128xf32, #tpu.memory_space<vmem_shared>> -> memref<10000x128xf32, #tpu.memory_space<vmem_shared>>
        %dma_wait3A_326 = tpu.memref_slice %arg10[%dma_wait3A_319] : memref<12x!tpu.dma_semaphore, #tpu.memory_space<semaphore_mem>> -> memref<1x!tpu.dma_semaphore, #tpu.memory_space<semaphore_mem>>
        %dma_wait3A_327 = tpu.memref_squeeze %dma_wait3A_326 : memref<1x!tpu.dma_semaphore, #tpu.memory_space<semaphore_mem>> -> memref<!tpu.dma_semaphore, #tpu.memory_space<semaphore_mem>>
        tpu.wait_indirect_dma semaphore(%dma_wait3A_327 : memref<!tpu.dma_semaphore, #tpu.memory_space<semaphore_mem>>) src(%arg8 : memref<80x128xf32, #tpu.memory_space<vmem>>) dst(%dma_wait3A_325 : memref<10000x128xf32, #tpu.memory_space<vmem_shared>>)
      } else {
      }
      %lt3A_206 = arith.constant 125 : i32
      %lt3A_207 = arith.cmpi slt, %add3A_197, %lt3A_206 : i32
      %convert_element_type3A_208 = arith.extui %lt3A_207 : i1 to i32
      %cond3A_209 = arith.constant 0 : i32
      %cond3A_210 = arith.cmpi ne, %convert_element_type3A_208, %cond3A_209 : i32
      scf.if %cond3A_210 {
        %mul3A_319 = arith.constant 80 : i32
        %mul3A_320 = arith.muli %add3A_197, %mul3A_319 : i32
        %add3A_321 = arith.addi %mul3A_2, %mul3A_320 : i32
        %dma_start3A = arith.constant 7 : i32
        %dma_start3A_322 = arith.constant 7 : i32
        %dma_start3A_323 = arith.constant 0 : i32
        %dma_start3A_324 = tpu.memref_slice %arg7[%dma_start3A, %dma_start3A_323] : memref<12x80xi32, #tpu.memory_space<vmem>> -> memref<1x80xi32, #tpu.memory_space<vmem>>
        %dma_start3A_325 = tpu.memref_squeeze %dma_start3A_324 : memref<1x80xi32, #tpu.memory_space<vmem>> -> memref<80xi32, #tpu.memory_space<vmem>>
        %dma_start3A_326 = tpu.memref_slice %arg2[%add3A_321] : memref<320000xi32, #tpu.memory_space<hbm>> -> memref<80xi32, #tpu.memory_space<hbm>>
        %dma_start3A_327 = tpu.memref_slice %arg9[%dma_start3A_322] : memref<12x!tpu.dma_semaphore, #tpu.memory_space<semaphore_mem>> -> memref<1x!tpu.dma_semaphore, #tpu.memory_space<semaphore_mem>>
        %dma_start3A_328 = tpu.memref_squeeze %dma_start3A_327 : memref<1x!tpu.dma_semaphore, #tpu.memory_space<semaphore_mem>> -> memref<!tpu.dma_semaphore, #tpu.memory_space<semaphore_mem>>
        %dma_start3A_329 = arith.constant 0 : i32
        %dma_start3A_330 = tpu.memref_slice %arg7[%dma_start3A, %dma_start3A_329] : memref<12x80xi32, #tpu.memory_space<vmem>> -> memref<1x80xi32, #tpu.memory_space<vmem>>
        %dma_start3A_331 = tpu.memref_squeeze %dma_start3A_330 : memref<1x80xi32, #tpu.memory_space<vmem>> -> memref<80xi32, #tpu.memory_space<vmem>>
        %dma_start3A_332 = tpu.memref_slice %arg2[%add3A_321] : memref<320000xi32, #tpu.memory_space<hbm>> -> memref<80xi32, #tpu.memory_space<hbm>>
        tpu.enqueue_dma source(%dma_start3A_332 : memref<80xi32, #tpu.memory_space<hbm>>) target(%dma_start3A_331 : memref<80xi32, #tpu.memory_space<vmem>>) target_semaphore(%dma_start3A_328 : memref<!tpu.dma_semaphore, #tpu.memory_space<semaphore_mem>>)
      } else {
      }
      %ge3A_211 = arith.constant 1 : i32
      %ge3A_212 = arith.cmpi sge, %add3A_197, %ge3A_211 : i32
      %lt3A_213 = arith.constant 126 : i32
      %lt3A_214 = arith.cmpi slt, %add3A_197, %lt3A_213 : i32
      %and3A_215 = arith.andi %ge3A_212, %lt3A_214 : i1
      %convert_element_type3A_216 = arith.extui %and3A_215 : i1 to i32
      %cond3A_217 = arith.constant 0 : i32
      %cond3A_218 = arith.cmpi ne, %convert_element_type3A_216, %cond3A_217 : i32
      scf.if %cond3A_218 {
        %dma_wait3A = arith.constant 6 : i32
        %dma_wait3A_319 = arith.constant 6 : i32
        %dma_wait3A_320 = arith.constant 0 : i32
        %dma_wait3A_321 = tpu.memref_slice %arg7[%dma_wait3A, %dma_wait3A_320] : memref<12x80xi32, #tpu.memory_space<vmem>> -> memref<1x80xi32, #tpu.memory_space<vmem>>
        %dma_wait3A_322 = tpu.memref_squeeze %dma_wait3A_321 : memref<1x80xi32, #tpu.memory_space<vmem>> -> memref<80xi32, #tpu.memory_space<vmem>>
        %dma_wait3A_323 = tpu.memref_slice %arg2[%mul3A_2] : memref<320000xi32, #tpu.memory_space<hbm>> -> memref<80xi32, #tpu.memory_space<hbm>>
        %dma_wait3A_324 = tpu.memref_slice %arg9[%dma_wait3A_319] : memref<12x!tpu.dma_semaphore, #tpu.memory_space<semaphore_mem>> -> memref<1x!tpu.dma_semaphore, #tpu.memory_space<semaphore_mem>>
        %dma_wait3A_325 = tpu.memref_squeeze %dma_wait3A_324 : memref<1x!tpu.dma_semaphore, #tpu.memory_space<semaphore_mem>> -> memref<!tpu.dma_semaphore, #tpu.memory_space<semaphore_mem>>
        %dma_wait3A_326 = arith.constant 0 : i32
        %dma_wait3A_327 = tpu.memref_slice %arg7[%dma_wait3A, %dma_wait3A_326] : memref<12x80xi32, #tpu.memory_space<vmem>> -> memref<1x80xi32, #tpu.memory_space<vmem>>
        %dma_wait3A_328 = tpu.memref_squeeze %dma_wait3A_327 : memref<1x80xi32, #tpu.memory_space<vmem>> -> memref<80xi32, #tpu.memory_space<vmem>>
        %dma_wait3A_329 = tpu.memref_slice %arg2[%mul3A_2] : memref<320000xi32, #tpu.memory_space<hbm>> -> memref<80xi32, #tpu.memory_space<hbm>>
        tpu.wait_dma2 semaphore(%dma_wait3A_325 : memref<!tpu.dma_semaphore, #tpu.memory_space<semaphore_mem>>) src(%dma_wait3A_329 : memref<80xi32, #tpu.memory_space<hbm>>) dst(%dma_wait3A_328 : memref<80xi32, #tpu.memory_space<vmem>>)
        %dma_start3A = arith.constant 6 : i32
        %dma_start3A_330 = arith.constant 6 : i32
        %dma_start3A_331 = arith.constant 0 : i32
        %dma_start3A_332 = tpu.memref_slice %arg7[%dma_start3A, %dma_start3A_331] : memref<12x80xi32, #tpu.memory_space<vmem>> -> memref<1x80xi32, #tpu.memory_space<vmem>>
        %dma_start3A_333 = tpu.memref_squeeze %dma_start3A_332 : memref<1x80xi32, #tpu.memory_space<vmem>> -> memref<80xi32, #tpu.memory_space<vmem>>
        %dma_start3A_334 = arith.constant 0 : i32
        %dma_start3A_335 = arith.constant 0 : i32
        %dma_start3A_336 = tpu.memref_slice %arg6[%dma_start3A_334, %dma_start3A_335] : memref<10000x128xf32, #tpu.memory_space<vmem_shared>> -> memref<10000x128xf32, #tpu.memory_space<vmem_shared>>
        %dma_start3A_337 = tpu.memref_slice %arg10[%dma_start3A_330] : memref<12x!tpu.dma_semaphore, #tpu.memory_space<semaphore_mem>> -> memref<1x!tpu.dma_semaphore, #tpu.memory_space<semaphore_mem>>
        %dma_start3A_338 = tpu.memref_squeeze %dma_start3A_337 : memref<1x!tpu.dma_semaphore, #tpu.memory_space<semaphore_mem>> -> memref<!tpu.dma_semaphore, #tpu.memory_space<semaphore_mem>>
        tpu.enqueue_indirect_dma source(%arg8 : memref<80x128xf32, #tpu.memory_space<vmem>>) target(%dma_start3A_336 : memref<10000x128xf32, #tpu.memory_space<vmem_shared>>) offsets(%dma_start3A_333 : memref<80xi32, #tpu.memory_space<vmem>>) semaphore(%dma_start3A_338 : memref<!tpu.dma_semaphore, #tpu.memory_space<semaphore_mem>>) {add = true}
      } else {
      }
      %mul3A_219 = arith.constant 12 : i32
      %mul3A_220 = arith.muli %add3A_21, %mul3A_219 : i32
      %add3A_221 = arith.constant 8 : i32
      %add3A_222 = arith.addi %mul3A_220, %add3A_221 : i32
      %ge3A_223 = arith.constant 12 : i32
      %ge3A_224 = arith.cmpi sge, %add3A_222, %ge3A_223 : i32
      %lt3A_225 = arith.constant 137 : i32
      %lt3A_226 = arith.cmpi slt, %add3A_222, %lt3A_225 : i32
      %and3A_227 = arith.andi %ge3A_224, %lt3A_226 : i1
      %convert_element_type3A_228 = arith.extui %and3A_227 : i1 to i32
      %cond3A_229 = arith.constant 0 : i32
      %cond3A_230 = arith.cmpi ne, %convert_element_type3A_228, %cond3A_229 : i32
      scf.if %cond3A_230 {
        %dma_wait3A = arith.constant 8 : i32
        %dma_wait3A_319 = arith.constant 8 : i32
        %dma_wait3A_320 = arith.constant 0 : i32
        %dma_wait3A_321 = tpu.memref_slice %arg7[%dma_wait3A, %dma_wait3A_320] : memref<12x80xi32, #tpu.memory_space<vmem>> -> memref<1x80xi32, #tpu.memory_space<vmem>>
        %dma_wait3A_322 = tpu.memref_squeeze %dma_wait3A_321 : memref<1x80xi32, #tpu.memory_space<vmem>> -> memref<80xi32, #tpu.memory_space<vmem>>
        %dma_wait3A_323 = arith.constant 0 : i32
        %dma_wait3A_324 = arith.constant 0 : i32
        %dma_wait3A_325 = tpu.memref_slice %arg6[%dma_wait3A_323, %dma_wait3A_324] : memref<10000x128xf32, #tpu.memory_space<vmem_shared>> -> memref<10000x128xf32, #tpu.memory_space<vmem_shared>>
        %dma_wait3A_326 = tpu.memref_slice %arg10[%dma_wait3A_319] : memref<12x!tpu.dma_semaphore, #tpu.memory_space<semaphore_mem>> -> memref<1x!tpu.dma_semaphore, #tpu.memory_space<semaphore_mem>>
        %dma_wait3A_327 = tpu.memref_squeeze %dma_wait3A_326 : memref<1x!tpu.dma_semaphore, #tpu.memory_space<semaphore_mem>> -> memref<!tpu.dma_semaphore, #tpu.memory_space<semaphore_mem>>
        tpu.wait_indirect_dma semaphore(%dma_wait3A_327 : memref<!tpu.dma_semaphore, #tpu.memory_space<semaphore_mem>>) src(%arg8 : memref<80x128xf32, #tpu.memory_space<vmem>>) dst(%dma_wait3A_325 : memref<10000x128xf32, #tpu.memory_space<vmem_shared>>)
      } else {
      }
      %lt3A_231 = arith.constant 125 : i32
      %lt3A_232 = arith.cmpi slt, %add3A_222, %lt3A_231 : i32
      %convert_element_type3A_233 = arith.extui %lt3A_232 : i1 to i32
      %cond3A_234 = arith.constant 0 : i32
      %cond3A_235 = arith.cmpi ne, %convert_element_type3A_233, %cond3A_234 : i32
      scf.if %cond3A_235 {
        %mul3A_319 = arith.constant 80 : i32
        %mul3A_320 = arith.muli %add3A_222, %mul3A_319 : i32
        %add3A_321 = arith.addi %mul3A_2, %mul3A_320 : i32
        %dma_start3A = arith.constant 8 : i32
        %dma_start3A_322 = arith.constant 8 : i32
        %dma_start3A_323 = arith.constant 0 : i32
        %dma_start3A_324 = tpu.memref_slice %arg7[%dma_start3A, %dma_start3A_323] : memref<12x80xi32, #tpu.memory_space<vmem>> -> memref<1x80xi32, #tpu.memory_space<vmem>>
        %dma_start3A_325 = tpu.memref_squeeze %dma_start3A_324 : memref<1x80xi32, #tpu.memory_space<vmem>> -> memref<80xi32, #tpu.memory_space<vmem>>
        %dma_start3A_326 = tpu.memref_slice %arg2[%add3A_321] : memref<320000xi32, #tpu.memory_space<hbm>> -> memref<80xi32, #tpu.memory_space<hbm>>
        %dma_start3A_327 = tpu.memref_slice %arg9[%dma_start3A_322] : memref<12x!tpu.dma_semaphore, #tpu.memory_space<semaphore_mem>> -> memref<1x!tpu.dma_semaphore, #tpu.memory_space<semaphore_mem>>
        %dma_start3A_328 = tpu.memref_squeeze %dma_start3A_327 : memref<1x!tpu.dma_semaphore, #tpu.memory_space<semaphore_mem>> -> memref<!tpu.dma_semaphore, #tpu.memory_space<semaphore_mem>>
        %dma_start3A_329 = arith.constant 0 : i32
        %dma_start3A_330 = tpu.memref_slice %arg7[%dma_start3A, %dma_start3A_329] : memref<12x80xi32, #tpu.memory_space<vmem>> -> memref<1x80xi32, #tpu.memory_space<vmem>>
        %dma_start3A_331 = tpu.memref_squeeze %dma_start3A_330 : memref<1x80xi32, #tpu.memory_space<vmem>> -> memref<80xi32, #tpu.memory_space<vmem>>
        %dma_start3A_332 = tpu.memref_slice %arg2[%add3A_321] : memref<320000xi32, #tpu.memory_space<hbm>> -> memref<80xi32, #tpu.memory_space<hbm>>
        tpu.enqueue_dma source(%dma_start3A_332 : memref<80xi32, #tpu.memory_space<hbm>>) target(%dma_start3A_331 : memref<80xi32, #tpu.memory_space<vmem>>) target_semaphore(%dma_start3A_328 : memref<!tpu.dma_semaphore, #tpu.memory_space<semaphore_mem>>)
      } else {
      }
      %ge3A_236 = arith.constant 1 : i32
      %ge3A_237 = arith.cmpi sge, %add3A_222, %ge3A_236 : i32
      %lt3A_238 = arith.constant 126 : i32
      %lt3A_239 = arith.cmpi slt, %add3A_222, %lt3A_238 : i32
      %and3A_240 = arith.andi %ge3A_237, %lt3A_239 : i1
      %convert_element_type3A_241 = arith.extui %and3A_240 : i1 to i32
      %cond3A_242 = arith.constant 0 : i32
      %cond3A_243 = arith.cmpi ne, %convert_element_type3A_241, %cond3A_242 : i32
      scf.if %cond3A_243 {
        %dma_wait3A = arith.constant 7 : i32
        %dma_wait3A_319 = arith.constant 7 : i32
        %dma_wait3A_320 = arith.constant 0 : i32
        %dma_wait3A_321 = tpu.memref_slice %arg7[%dma_wait3A, %dma_wait3A_320] : memref<12x80xi32, #tpu.memory_space<vmem>> -> memref<1x80xi32, #tpu.memory_space<vmem>>
        %dma_wait3A_322 = tpu.memref_squeeze %dma_wait3A_321 : memref<1x80xi32, #tpu.memory_space<vmem>> -> memref<80xi32, #tpu.memory_space<vmem>>
        %dma_wait3A_323 = tpu.memref_slice %arg2[%mul3A_2] : memref<320000xi32, #tpu.memory_space<hbm>> -> memref<80xi32, #tpu.memory_space<hbm>>
        %dma_wait3A_324 = tpu.memref_slice %arg9[%dma_wait3A_319] : memref<12x!tpu.dma_semaphore, #tpu.memory_space<semaphore_mem>> -> memref<1x!tpu.dma_semaphore, #tpu.memory_space<semaphore_mem>>
        %dma_wait3A_325 = tpu.memref_squeeze %dma_wait3A_324 : memref<1x!tpu.dma_semaphore, #tpu.memory_space<semaphore_mem>> -> memref<!tpu.dma_semaphore, #tpu.memory_space<semaphore_mem>>
        %dma_wait3A_326 = arith.constant 0 : i32
        %dma_wait3A_327 = tpu.memref_slice %arg7[%dma_wait3A, %dma_wait3A_326] : memref<12x80xi32, #tpu.memory_space<vmem>> -> memref<1x80xi32, #tpu.memory_space<vmem>>
        %dma_wait3A_328 = tpu.memref_squeeze %dma_wait3A_327 : memref<1x80xi32, #tpu.memory_space<vmem>> -> memref<80xi32, #tpu.memory_space<vmem>>
        %dma_wait3A_329 = tpu.memref_slice %arg2[%mul3A_2] : memref<320000xi32, #tpu.memory_space<hbm>> -> memref<80xi32, #tpu.memory_space<hbm>>
        tpu.wait_dma2 semaphore(%dma_wait3A_325 : memref<!tpu.dma_semaphore, #tpu.memory_space<semaphore_mem>>) src(%dma_wait3A_329 : memref<80xi32, #tpu.memory_space<hbm>>) dst(%dma_wait3A_328 : memref<80xi32, #tpu.memory_space<vmem>>)
        %dma_start3A = arith.constant 7 : i32
        %dma_start3A_330 = arith.constant 7 : i32
        %dma_start3A_331 = arith.constant 0 : i32
        %dma_start3A_332 = tpu.memref_slice %arg7[%dma_start3A, %dma_start3A_331] : memref<12x80xi32, #tpu.memory_space<vmem>> -> memref<1x80xi32, #tpu.memory_space<vmem>>
        %dma_start3A_333 = tpu.memref_squeeze %dma_start3A_332 : memref<1x80xi32, #tpu.memory_space<vmem>> -> memref<80xi32, #tpu.memory_space<vmem>>
        %dma_start3A_334 = arith.constant 0 : i32
        %dma_start3A_335 = arith.constant 0 : i32
        %dma_start3A_336 = tpu.memref_slice %arg6[%dma_start3A_334, %dma_start3A_335] : memref<10000x128xf32, #tpu.memory_space<vmem_shared>> -> memref<10000x128xf32, #tpu.memory_space<vmem_shared>>
        %dma_start3A_337 = tpu.memref_slice %arg10[%dma_start3A_330] : memref<12x!tpu.dma_semaphore, #tpu.memory_space<semaphore_mem>> -> memref<1x!tpu.dma_semaphore, #tpu.memory_space<semaphore_mem>>
        %dma_start3A_338 = tpu.memref_squeeze %dma_start3A_337 : memref<1x!tpu.dma_semaphore, #tpu.memory_space<semaphore_mem>> -> memref<!tpu.dma_semaphore, #tpu.memory_space<semaphore_mem>>
        tpu.enqueue_indirect_dma source(%arg8 : memref<80x128xf32, #tpu.memory_space<vmem>>) target(%dma_start3A_336 : memref<10000x128xf32, #tpu.memory_space<vmem_shared>>) offsets(%dma_start3A_333 : memref<80xi32, #tpu.memory_space<vmem>>) semaphore(%dma_start3A_338 : memref<!tpu.dma_semaphore, #tpu.memory_space<semaphore_mem>>) {add = true}
      } else {
      }
      %mul3A_244 = arith.constant 12 : i32
      %mul3A_245 = arith.muli %add3A_21, %mul3A_244 : i32
      %add3A_246 = arith.constant 9 : i32
      %add3A_247 = arith.addi %mul3A_245, %add3A_246 : i32
      %ge3A_248 = arith.constant 12 : i32
      %ge3A_249 = arith.cmpi sge, %add3A_247, %ge3A_248 : i32
      %lt3A_250 = arith.constant 137 : i32
      %lt3A_251 = arith.cmpi slt, %add3A_247, %lt3A_250 : i32
      %and3A_252 = arith.andi %ge3A_249, %lt3A_251 : i1
      %convert_element_type3A_253 = arith.extui %and3A_252 : i1 to i32
      %cond3A_254 = arith.constant 0 : i32
      %cond3A_255 = arith.cmpi ne, %convert_element_type3A_253, %cond3A_254 : i32
      scf.if %cond3A_255 {
        %dma_wait3A = arith.constant 9 : i32
        %dma_wait3A_319 = arith.constant 9 : i32
        %dma_wait3A_320 = arith.constant 0 : i32
        %dma_wait3A_321 = tpu.memref_slice %arg7[%dma_wait3A, %dma_wait3A_320] : memref<12x80xi32, #tpu.memory_space<vmem>> -> memref<1x80xi32, #tpu.memory_space<vmem>>
        %dma_wait3A_322 = tpu.memref_squeeze %dma_wait3A_321 : memref<1x80xi32, #tpu.memory_space<vmem>> -> memref<80xi32, #tpu.memory_space<vmem>>
        %dma_wait3A_323 = arith.constant 0 : i32
        %dma_wait3A_324 = arith.constant 0 : i32
        %dma_wait3A_325 = tpu.memref_slice %arg6[%dma_wait3A_323, %dma_wait3A_324] : memref<10000x128xf32, #tpu.memory_space<vmem_shared>> -> memref<10000x128xf32, #tpu.memory_space<vmem_shared>>
        %dma_wait3A_326 = tpu.memref_slice %arg10[%dma_wait3A_319] : memref<12x!tpu.dma_semaphore, #tpu.memory_space<semaphore_mem>> -> memref<1x!tpu.dma_semaphore, #tpu.memory_space<semaphore_mem>>
        %dma_wait3A_327 = tpu.memref_squeeze %dma_wait3A_326 : memref<1x!tpu.dma_semaphore, #tpu.memory_space<semaphore_mem>> -> memref<!tpu.dma_semaphore, #tpu.memory_space<semaphore_mem>>
        tpu.wait_indirect_dma semaphore(%dma_wait3A_327 : memref<!tpu.dma_semaphore, #tpu.memory_space<semaphore_mem>>) src(%arg8 : memref<80x128xf32, #tpu.memory_space<vmem>>) dst(%dma_wait3A_325 : memref<10000x128xf32, #tpu.memory_space<vmem_shared>>)
      } else {
      }
      %lt3A_256 = arith.constant 125 : i32
      %lt3A_257 = arith.cmpi slt, %add3A_247, %lt3A_256 : i32
      %convert_element_type3A_258 = arith.extui %lt3A_257 : i1 to i32
      %cond3A_259 = arith.constant 0 : i32
      %cond3A_260 = arith.cmpi ne, %convert_element_type3A_258, %cond3A_259 : i32
      scf.if %cond3A_260 {
        %mul3A_319 = arith.constant 80 : i32
        %mul3A_320 = arith.muli %add3A_247, %mul3A_319 : i32
        %add3A_321 = arith.addi %mul3A_2, %mul3A_320 : i32
        %dma_start3A = arith.constant 9 : i32
        %dma_start3A_322 = arith.constant 9 : i32
        %dma_start3A_323 = arith.constant 0 : i32
        %dma_start3A_324 = tpu.memref_slice %arg7[%dma_start3A, %dma_start3A_323] : memref<12x80xi32, #tpu.memory_space<vmem>> -> memref<1x80xi32, #tpu.memory_space<vmem>>
        %dma_start3A_325 = tpu.memref_squeeze %dma_start3A_324 : memref<1x80xi32, #tpu.memory_space<vmem>> -> memref<80xi32, #tpu.memory_space<vmem>>
        %dma_start3A_326 = tpu.memref_slice %arg2[%add3A_321] : memref<320000xi32, #tpu.memory_space<hbm>> -> memref<80xi32, #tpu.memory_space<hbm>>
        %dma_start3A_327 = tpu.memref_slice %arg9[%dma_start3A_322] : memref<12x!tpu.dma_semaphore, #tpu.memory_space<semaphore_mem>> -> memref<1x!tpu.dma_semaphore, #tpu.memory_space<semaphore_mem>>
        %dma_start3A_328 = tpu.memref_squeeze %dma_start3A_327 : memref<1x!tpu.dma_semaphore, #tpu.memory_space<semaphore_mem>> -> memref<!tpu.dma_semaphore, #tpu.memory_space<semaphore_mem>>
        %dma_start3A_329 = arith.constant 0 : i32
        %dma_start3A_330 = tpu.memref_slice %arg7[%dma_start3A, %dma_start3A_329] : memref<12x80xi32, #tpu.memory_space<vmem>> -> memref<1x80xi32, #tpu.memory_space<vmem>>
        %dma_start3A_331 = tpu.memref_squeeze %dma_start3A_330 : memref<1x80xi32, #tpu.memory_space<vmem>> -> memref<80xi32, #tpu.memory_space<vmem>>
        %dma_start3A_332 = tpu.memref_slice %arg2[%add3A_321] : memref<320000xi32, #tpu.memory_space<hbm>> -> memref<80xi32, #tpu.memory_space<hbm>>
        tpu.enqueue_dma source(%dma_start3A_332 : memref<80xi32, #tpu.memory_space<hbm>>) target(%dma_start3A_331 : memref<80xi32, #tpu.memory_space<vmem>>) target_semaphore(%dma_start3A_328 : memref<!tpu.dma_semaphore, #tpu.memory_space<semaphore_mem>>)
      } else {
      }
      %ge3A_261 = arith.constant 1 : i32
      %ge3A_262 = arith.cmpi sge, %add3A_247, %ge3A_261 : i32
      %lt3A_263 = arith.constant 126 : i32
      %lt3A_264 = arith.cmpi slt, %add3A_247, %lt3A_263 : i32
      %and3A_265 = arith.andi %ge3A_262, %lt3A_264 : i1
      %convert_element_type3A_266 = arith.extui %and3A_265 : i1 to i32
      %cond3A_267 = arith.constant 0 : i32
      %cond3A_268 = arith.cmpi ne, %convert_element_type3A_266, %cond3A_267 : i32
      scf.if %cond3A_268 {
        %dma_wait3A = arith.constant 8 : i32
        %dma_wait3A_319 = arith.constant 8 : i32
        %dma_wait3A_320 = arith.constant 0 : i32
        %dma_wait3A_321 = tpu.memref_slice %arg7[%dma_wait3A, %dma_wait3A_320] : memref<12x80xi32, #tpu.memory_space<vmem>> -> memref<1x80xi32, #tpu.memory_space<vmem>>
        %dma_wait3A_322 = tpu.memref_squeeze %dma_wait3A_321 : memref<1x80xi32, #tpu.memory_space<vmem>> -> memref<80xi32, #tpu.memory_space<vmem>>
        %dma_wait3A_323 = tpu.memref_slice %arg2[%mul3A_2] : memref<320000xi32, #tpu.memory_space<hbm>> -> memref<80xi32, #tpu.memory_space<hbm>>
        %dma_wait3A_324 = tpu.memref_slice %arg9[%dma_wait3A_319] : memref<12x!tpu.dma_semaphore, #tpu.memory_space<semaphore_mem>> -> memref<1x!tpu.dma_semaphore, #tpu.memory_space<semaphore_mem>>
        %dma_wait3A_325 = tpu.memref_squeeze %dma_wait3A_324 : memref<1x!tpu.dma_semaphore, #tpu.memory_space<semaphore_mem>> -> memref<!tpu.dma_semaphore, #tpu.memory_space<semaphore_mem>>
        %dma_wait3A_326 = arith.constant 0 : i32
        %dma_wait3A_327 = tpu.memref_slice %arg7[%dma_wait3A, %dma_wait3A_326] : memref<12x80xi32, #tpu.memory_space<vmem>> -> memref<1x80xi32, #tpu.memory_space<vmem>>
        %dma_wait3A_328 = tpu.memref_squeeze %dma_wait3A_327 : memref<1x80xi32, #tpu.memory_space<vmem>> -> memref<80xi32, #tpu.memory_space<vmem>>
        %dma_wait3A_329 = tpu.memref_slice %arg2[%mul3A_2] : memref<320000xi32, #tpu.memory_space<hbm>> -> memref<80xi32, #tpu.memory_space<hbm>>
        tpu.wait_dma2 semaphore(%dma_wait3A_325 : memref<!tpu.dma_semaphore, #tpu.memory_space<semaphore_mem>>) src(%dma_wait3A_329 : memref<80xi32, #tpu.memory_space<hbm>>) dst(%dma_wait3A_328 : memref<80xi32, #tpu.memory_space<vmem>>)
        %dma_start3A = arith.constant 8 : i32
        %dma_start3A_330 = arith.constant 8 : i32
        %dma_start3A_331 = arith.constant 0 : i32
        %dma_start3A_332 = tpu.memref_slice %arg7[%dma_start3A, %dma_start3A_331] : memref<12x80xi32, #tpu.memory_space<vmem>> -> memref<1x80xi32, #tpu.memory_space<vmem>>
        %dma_start3A_333 = tpu.memref_squeeze %dma_start3A_332 : memref<1x80xi32, #tpu.memory_space<vmem>> -> memref<80xi32, #tpu.memory_space<vmem>>
        %dma_start3A_334 = arith.constant 0 : i32
        %dma_start3A_335 = arith.constant 0 : i32
        %dma_start3A_336 = tpu.memref_slice %arg6[%dma_start3A_334, %dma_start3A_335] : memref<10000x128xf32, #tpu.memory_space<vmem_shared>> -> memref<10000x128xf32, #tpu.memory_space<vmem_shared>>
        %dma_start3A_337 = tpu.memref_slice %arg10[%dma_start3A_330] : memref<12x!tpu.dma_semaphore, #tpu.memory_space<semaphore_mem>> -> memref<1x!tpu.dma_semaphore, #tpu.memory_space<semaphore_mem>>
        %dma_start3A_338 = tpu.memref_squeeze %dma_start3A_337 : memref<1x!tpu.dma_semaphore, #tpu.memory_space<semaphore_mem>> -> memref<!tpu.dma_semaphore, #tpu.memory_space<semaphore_mem>>
        tpu.enqueue_indirect_dma source(%arg8 : memref<80x128xf32, #tpu.memory_space<vmem>>) target(%dma_start3A_336 : memref<10000x128xf32, #tpu.memory_space<vmem_shared>>) offsets(%dma_start3A_333 : memref<80xi32, #tpu.memory_space<vmem>>) semaphore(%dma_start3A_338 : memref<!tpu.dma_semaphore, #tpu.memory_space<semaphore_mem>>) {add = true}
      } else {
      }
      %mul3A_269 = arith.constant 12 : i32
      %mul3A_270 = arith.muli %add3A_21, %mul3A_269 : i32
      %add3A_271 = arith.constant 10 : i32
      %add3A_272 = arith.addi %mul3A_270, %add3A_271 : i32
      %ge3A_273 = arith.constant 12 : i32
      %ge3A_274 = arith.cmpi sge, %add3A_272, %ge3A_273 : i32
      %lt3A_275 = arith.constant 137 : i32
      %lt3A_276 = arith.cmpi slt, %add3A_272, %lt3A_275 : i32
      %and3A_277 = arith.andi %ge3A_274, %lt3A_276 : i1
      %convert_element_type3A_278 = arith.extui %and3A_277 : i1 to i32
      %cond3A_279 = arith.constant 0 : i32
      %cond3A_280 = arith.cmpi ne, %convert_element_type3A_278, %cond3A_279 : i32
      scf.if %cond3A_280 {
        %dma_wait3A = arith.constant 10 : i32
        %dma_wait3A_319 = arith.constant 10 : i32
        %dma_wait3A_320 = arith.constant 0 : i32
        %dma_wait3A_321 = tpu.memref_slice %arg7[%dma_wait3A, %dma_wait3A_320] : memref<12x80xi32, #tpu.memory_space<vmem>> -> memref<1x80xi32, #tpu.memory_space<vmem>>
        %dma_wait3A_322 = tpu.memref_squeeze %dma_wait3A_321 : memref<1x80xi32, #tpu.memory_space<vmem>> -> memref<80xi32, #tpu.memory_space<vmem>>
        %dma_wait3A_323 = arith.constant 0 : i32
        %dma_wait3A_324 = arith.constant 0 : i32
        %dma_wait3A_325 = tpu.memref_slice %arg6[%dma_wait3A_323, %dma_wait3A_324] : memref<10000x128xf32, #tpu.memory_space<vmem_shared>> -> memref<10000x128xf32, #tpu.memory_space<vmem_shared>>
        %dma_wait3A_326 = tpu.memref_slice %arg10[%dma_wait3A_319] : memref<12x!tpu.dma_semaphore, #tpu.memory_space<semaphore_mem>> -> memref<1x!tpu.dma_semaphore, #tpu.memory_space<semaphore_mem>>
        %dma_wait3A_327 = tpu.memref_squeeze %dma_wait3A_326 : memref<1x!tpu.dma_semaphore, #tpu.memory_space<semaphore_mem>> -> memref<!tpu.dma_semaphore, #tpu.memory_space<semaphore_mem>>
        tpu.wait_indirect_dma semaphore(%dma_wait3A_327 : memref<!tpu.dma_semaphore, #tpu.memory_space<semaphore_mem>>) src(%arg8 : memref<80x128xf32, #tpu.memory_space<vmem>>) dst(%dma_wait3A_325 : memref<10000x128xf32, #tpu.memory_space<vmem_shared>>)
      } else {
      }
      %lt3A_281 = arith.constant 125 : i32
      %lt3A_282 = arith.cmpi slt, %add3A_272, %lt3A_281 : i32
      %convert_element_type3A_283 = arith.extui %lt3A_282 : i1 to i32
      %cond3A_284 = arith.constant 0 : i32
      %cond3A_285 = arith.cmpi ne, %convert_element_type3A_283, %cond3A_284 : i32
      scf.if %cond3A_285 {
        %mul3A_319 = arith.constant 80 : i32
        %mul3A_320 = arith.muli %add3A_272, %mul3A_319 : i32
        %add3A_321 = arith.addi %mul3A_2, %mul3A_320 : i32
        %dma_start3A = arith.constant 10 : i32
        %dma_start3A_322 = arith.constant 10 : i32
        %dma_start3A_323 = arith.constant 0 : i32
        %dma_start3A_324 = tpu.memref_slice %arg7[%dma_start3A, %dma_start3A_323] : memref<12x80xi32, #tpu.memory_space<vmem>> -> memref<1x80xi32, #tpu.memory_space<vmem>>
        %dma_start3A_325 = tpu.memref_squeeze %dma_start3A_324 : memref<1x80xi32, #tpu.memory_space<vmem>> -> memref<80xi32, #tpu.memory_space<vmem>>
        %dma_start3A_326 = tpu.memref_slice %arg2[%add3A_321] : memref<320000xi32, #tpu.memory_space<hbm>> -> memref<80xi32, #tpu.memory_space<hbm>>
        %dma_start3A_327 = tpu.memref_slice %arg9[%dma_start3A_322] : memref<12x!tpu.dma_semaphore, #tpu.memory_space<semaphore_mem>> -> memref<1x!tpu.dma_semaphore, #tpu.memory_space<semaphore_mem>>
        %dma_start3A_328 = tpu.memref_squeeze %dma_start3A_327 : memref<1x!tpu.dma_semaphore, #tpu.memory_space<semaphore_mem>> -> memref<!tpu.dma_semaphore, #tpu.memory_space<semaphore_mem>>
        %dma_start3A_329 = arith.constant 0 : i32
        %dma_start3A_330 = tpu.memref_slice %arg7[%dma_start3A, %dma_start3A_329] : memref<12x80xi32, #tpu.memory_space<vmem>> -> memref<1x80xi32, #tpu.memory_space<vmem>>
        %dma_start3A_331 = tpu.memref_squeeze %dma_start3A_330 : memref<1x80xi32, #tpu.memory_space<vmem>> -> memref<80xi32, #tpu.memory_space<vmem>>
        %dma_start3A_332 = tpu.memref_slice %arg2[%add3A_321] : memref<320000xi32, #tpu.memory_space<hbm>> -> memref<80xi32, #tpu.memory_space<hbm>>
        tpu.enqueue_dma source(%dma_start3A_332 : memref<80xi32, #tpu.memory_space<hbm>>) target(%dma_start3A_331 : memref<80xi32, #tpu.memory_space<vmem>>) target_semaphore(%dma_start3A_328 : memref<!tpu.dma_semaphore, #tpu.memory_space<semaphore_mem>>)
      } else {
      }
      %ge3A_286 = arith.constant 1 : i32
      %ge3A_287 = arith.cmpi sge, %add3A_272, %ge3A_286 : i32
      %lt3A_288 = arith.constant 126 : i32
      %lt3A_289 = arith.cmpi slt, %add3A_272, %lt3A_288 : i32
      %and3A_290 = arith.andi %ge3A_287, %lt3A_289 : i1
      %convert_element_type3A_291 = arith.extui %and3A_290 : i1 to i32
      %cond3A_292 = arith.constant 0 : i32
      %cond3A_293 = arith.cmpi ne, %convert_element_type3A_291, %cond3A_292 : i32
      scf.if %cond3A_293 {
        %dma_wait3A = arith.constant 9 : i32
        %dma_wait3A_319 = arith.constant 9 : i32
        %dma_wait3A_320 = arith.constant 0 : i32
        %dma_wait3A_321 = tpu.memref_slice %arg7[%dma_wait3A, %dma_wait3A_320] : memref<12x80xi32, #tpu.memory_space<vmem>> -> memref<1x80xi32, #tpu.memory_space<vmem>>
        %dma_wait3A_322 = tpu.memref_squeeze %dma_wait3A_321 : memref<1x80xi32, #tpu.memory_space<vmem>> -> memref<80xi32, #tpu.memory_space<vmem>>
        %dma_wait3A_323 = tpu.memref_slice %arg2[%mul3A_2] : memref<320000xi32, #tpu.memory_space<hbm>> -> memref<80xi32, #tpu.memory_space<hbm>>
        %dma_wait3A_324 = tpu.memref_slice %arg9[%dma_wait3A_319] : memref<12x!tpu.dma_semaphore, #tpu.memory_space<semaphore_mem>> -> memref<1x!tpu.dma_semaphore, #tpu.memory_space<semaphore_mem>>
        %dma_wait3A_325 = tpu.memref_squeeze %dma_wait3A_324 : memref<1x!tpu.dma_semaphore, #tpu.memory_space<semaphore_mem>> -> memref<!tpu.dma_semaphore, #tpu.memory_space<semaphore_mem>>
        %dma_wait3A_326 = arith.constant 0 : i32
        %dma_wait3A_327 = tpu.memref_slice %arg7[%dma_wait3A, %dma_wait3A_326] : memref<12x80xi32, #tpu.memory_space<vmem>> -> memref<1x80xi32, #tpu.memory_space<vmem>>
        %dma_wait3A_328 = tpu.memref_squeeze %dma_wait3A_327 : memref<1x80xi32, #tpu.memory_space<vmem>> -> memref<80xi32, #tpu.memory_space<vmem>>
        %dma_wait3A_329 = tpu.memref_slice %arg2[%mul3A_2] : memref<320000xi32, #tpu.memory_space<hbm>> -> memref<80xi32, #tpu.memory_space<hbm>>
        tpu.wait_dma2 semaphore(%dma_wait3A_325 : memref<!tpu.dma_semaphore, #tpu.memory_space<semaphore_mem>>) src(%dma_wait3A_329 : memref<80xi32, #tpu.memory_space<hbm>>) dst(%dma_wait3A_328 : memref<80xi32, #tpu.memory_space<vmem>>)
        %dma_start3A = arith.constant 9 : i32
        %dma_start3A_330 = arith.constant 9 : i32
        %dma_start3A_331 = arith.constant 0 : i32
        %dma_start3A_332 = tpu.memref_slice %arg7[%dma_start3A, %dma_start3A_331] : memref<12x80xi32, #tpu.memory_space<vmem>> -> memref<1x80xi32, #tpu.memory_space<vmem>>
        %dma_start3A_333 = tpu.memref_squeeze %dma_start3A_332 : memref<1x80xi32, #tpu.memory_space<vmem>> -> memref<80xi32, #tpu.memory_space<vmem>>
        %dma_start3A_334 = arith.constant 0 : i32
        %dma_start3A_335 = arith.constant 0 : i32
        %dma_start3A_336 = tpu.memref_slice %arg6[%dma_start3A_334, %dma_start3A_335] : memref<10000x128xf32, #tpu.memory_space<vmem_shared>> -> memref<10000x128xf32, #tpu.memory_space<vmem_shared>>
        %dma_start3A_337 = tpu.memref_slice %arg10[%dma_start3A_330] : memref<12x!tpu.dma_semaphore, #tpu.memory_space<semaphore_mem>> -> memref<1x!tpu.dma_semaphore, #tpu.memory_space<semaphore_mem>>
        %dma_start3A_338 = tpu.memref_squeeze %dma_start3A_337 : memref<1x!tpu.dma_semaphore, #tpu.memory_space<semaphore_mem>> -> memref<!tpu.dma_semaphore, #tpu.memory_space<semaphore_mem>>
        tpu.enqueue_indirect_dma source(%arg8 : memref<80x128xf32, #tpu.memory_space<vmem>>) target(%dma_start3A_336 : memref<10000x128xf32, #tpu.memory_space<vmem_shared>>) offsets(%dma_start3A_333 : memref<80xi32, #tpu.memory_space<vmem>>) semaphore(%dma_start3A_338 : memref<!tpu.dma_semaphore, #tpu.memory_space<semaphore_mem>>) {add = true}
      } else {
      }
      %mul3A_294 = arith.constant 12 : i32
      %mul3A_295 = arith.muli %add3A_21, %mul3A_294 : i32
      %add3A_296 = arith.constant 11 : i32
      %add3A_297 = arith.addi %mul3A_295, %add3A_296 : i32
      %ge3A_298 = arith.constant 12 : i32
      %ge3A_299 = arith.cmpi sge, %add3A_297, %ge3A_298 : i32
      %lt3A_300 = arith.constant 137 : i32
      %lt3A_301 = arith.cmpi slt, %add3A_297, %lt3A_300 : i32
      %and3A_302 = arith.andi %ge3A_299, %lt3A_301 : i1
      %convert_element_type3A_303 = arith.extui %and3A_302 : i1 to i32
      %cond3A_304 = arith.constant 0 : i32
      %cond3A_305 = arith.cmpi ne, %convert_element_type3A_303, %cond3A_304 : i32
      scf.if %cond3A_305 {
        %dma_wait3A = arith.constant 11 : i32
        %dma_wait3A_319 = arith.constant 11 : i32
        %dma_wait3A_320 = arith.constant 0 : i32
        %dma_wait3A_321 = tpu.memref_slice %arg7[%dma_wait3A, %dma_wait3A_320] : memref<12x80xi32, #tpu.memory_space<vmem>> -> memref<1x80xi32, #tpu.memory_space<vmem>>
        %dma_wait3A_322 = tpu.memref_squeeze %dma_wait3A_321 : memref<1x80xi32, #tpu.memory_space<vmem>> -> memref<80xi32, #tpu.memory_space<vmem>>
        %dma_wait3A_323 = arith.constant 0 : i32
        %dma_wait3A_324 = arith.constant 0 : i32
        %dma_wait3A_325 = tpu.memref_slice %arg6[%dma_wait3A_323, %dma_wait3A_324] : memref<10000x128xf32, #tpu.memory_space<vmem_shared>> -> memref<10000x128xf32, #tpu.memory_space<vmem_shared>>
        %dma_wait3A_326 = tpu.memref_slice %arg10[%dma_wait3A_319] : memref<12x!tpu.dma_semaphore, #tpu.memory_space<semaphore_mem>> -> memref<1x!tpu.dma_semaphore, #tpu.memory_space<semaphore_mem>>
        %dma_wait3A_327 = tpu.memref_squeeze %dma_wait3A_326 : memref<1x!tpu.dma_semaphore, #tpu.memory_space<semaphore_mem>> -> memref<!tpu.dma_semaphore, #tpu.memory_space<semaphore_mem>>
        tpu.wait_indirect_dma semaphore(%dma_wait3A_327 : memref<!tpu.dma_semaphore, #tpu.memory_space<semaphore_mem>>) src(%arg8 : memref<80x128xf32, #tpu.memory_space<vmem>>) dst(%dma_wait3A_325 : memref<10000x128xf32, #tpu.memory_space<vmem_shared>>)
      } else {
      }
      %lt3A_306 = arith.constant 125 : i32
      %lt3A_307 = arith.cmpi slt, %add3A_297, %lt3A_306 : i32
      %convert_element_type3A_308 = arith.extui %lt3A_307 : i1 to i32
      %cond3A_309 = arith.constant 0 : i32
      %cond3A_310 = arith.cmpi ne, %convert_element_type3A_308, %cond3A_309 : i32
      scf.if %cond3A_310 {
        %mul3A_319 = arith.constant 80 : i32
        %mul3A_320 = arith.muli %add3A_297, %mul3A_319 : i32
        %add3A_321 = arith.addi %mul3A_2, %mul3A_320 : i32
        %dma_start3A = arith.constant 11 : i32
        %dma_start3A_322 = arith.constant 11 : i32
        %dma_start3A_323 = arith.constant 0 : i32
        %dma_start3A_324 = tpu.memref_slice %arg7[%dma_start3A, %dma_start3A_323] : memref<12x80xi32, #tpu.memory_space<vmem>> -> memref<1x80xi32, #tpu.memory_space<vmem>>
        %dma_start3A_325 = tpu.memref_squeeze %dma_start3A_324 : memref<1x80xi32, #tpu.memory_space<vmem>> -> memref<80xi32, #tpu.memory_space<vmem>>
        %dma_start3A_326 = tpu.memref_slice %arg2[%add3A_321] : memref<320000xi32, #tpu.memory_space<hbm>> -> memref<80xi32, #tpu.memory_space<hbm>>
        %dma_start3A_327 = tpu.memref_slice %arg9[%dma_start3A_322] : memref<12x!tpu.dma_semaphore, #tpu.memory_space<semaphore_mem>> -> memref<1x!tpu.dma_semaphore, #tpu.memory_space<semaphore_mem>>
        %dma_start3A_328 = tpu.memref_squeeze %dma_start3A_327 : memref<1x!tpu.dma_semaphore, #tpu.memory_space<semaphore_mem>> -> memref<!tpu.dma_semaphore, #tpu.memory_space<semaphore_mem>>
        %dma_start3A_329 = arith.constant 0 : i32
        %dma_start3A_330 = tpu.memref_slice %arg7[%dma_start3A, %dma_start3A_329] : memref<12x80xi32, #tpu.memory_space<vmem>> -> memref<1x80xi32, #tpu.memory_space<vmem>>
        %dma_start3A_331 = tpu.memref_squeeze %dma_start3A_330 : memref<1x80xi32, #tpu.memory_space<vmem>> -> memref<80xi32, #tpu.memory_space<vmem>>
        %dma_start3A_332 = tpu.memref_slice %arg2[%add3A_321] : memref<320000xi32, #tpu.memory_space<hbm>> -> memref<80xi32, #tpu.memory_space<hbm>>
        tpu.enqueue_dma source(%dma_start3A_332 : memref<80xi32, #tpu.memory_space<hbm>>) target(%dma_start3A_331 : memref<80xi32, #tpu.memory_space<vmem>>) target_semaphore(%dma_start3A_328 : memref<!tpu.dma_semaphore, #tpu.memory_space<semaphore_mem>>)
      } else {
      }
      %ge3A_311 = arith.constant 1 : i32
      %ge3A_312 = arith.cmpi sge, %add3A_297, %ge3A_311 : i32
      %lt3A_313 = arith.constant 126 : i32
      %lt3A_314 = arith.cmpi slt, %add3A_297, %lt3A_313 : i32
      %and3A_315 = arith.andi %ge3A_312, %lt3A_314 : i1
      %convert_element_type3A_316 = arith.extui %and3A_315 : i1 to i32
      %cond3A_317 = arith.constant 0 : i32
      %cond3A_318 = arith.cmpi ne, %convert_element_type3A_316, %cond3A_317 : i32
      scf.if %cond3A_318 {
        %dma_wait3A = arith.constant 10 : i32
        %dma_wait3A_319 = arith.constant 10 : i32
        %dma_wait3A_320 = arith.constant 0 : i32
        %dma_wait3A_321 = tpu.memref_slice %arg7[%dma_wait3A, %dma_wait3A_320] : memref<12x80xi32, #tpu.memory_space<vmem>> -> memref<1x80xi32, #tpu.memory_space<vmem>>
        %dma_wait3A_322 = tpu.memref_squeeze %dma_wait3A_321 : memref<1x80xi32, #tpu.memory_space<vmem>> -> memref<80xi32, #tpu.memory_space<vmem>>
        %dma_wait3A_323 = tpu.memref_slice %arg2[%mul3A_2] : memref<320000xi32, #tpu.memory_space<hbm>> -> memref<80xi32, #tpu.memory_space<hbm>>
        %dma_wait3A_324 = tpu.memref_slice %arg9[%dma_wait3A_319] : memref<12x!tpu.dma_semaphore, #tpu.memory_space<semaphore_mem>> -> memref<1x!tpu.dma_semaphore, #tpu.memory_space<semaphore_mem>>
        %dma_wait3A_325 = tpu.memref_squeeze %dma_wait3A_324 : memref<1x!tpu.dma_semaphore, #tpu.memory_space<semaphore_mem>> -> memref<!tpu.dma_semaphore, #tpu.memory_space<semaphore_mem>>
        %dma_wait3A_326 = arith.constant 0 : i32
        %dma_wait3A_327 = tpu.memref_slice %arg7[%dma_wait3A, %dma_wait3A_326] : memref<12x80xi32, #tpu.memory_space<vmem>> -> memref<1x80xi32, #tpu.memory_space<vmem>>
        %dma_wait3A_328 = tpu.memref_squeeze %dma_wait3A_327 : memref<1x80xi32, #tpu.memory_space<vmem>> -> memref<80xi32, #tpu.memory_space<vmem>>
        %dma_wait3A_329 = tpu.memref_slice %arg2[%mul3A_2] : memref<320000xi32, #tpu.memory_space<hbm>> -> memref<80xi32, #tpu.memory_space<hbm>>
        tpu.wait_dma2 semaphore(%dma_wait3A_325 : memref<!tpu.dma_semaphore, #tpu.memory_space<semaphore_mem>>) src(%dma_wait3A_329 : memref<80xi32, #tpu.memory_space<hbm>>) dst(%dma_wait3A_328 : memref<80xi32, #tpu.memory_space<vmem>>)
        %dma_start3A = arith.constant 10 : i32
        %dma_start3A_330 = arith.constant 10 : i32
        %dma_start3A_331 = arith.constant 0 : i32
        %dma_start3A_332 = tpu.memref_slice %arg7[%dma_start3A, %dma_start3A_331] : memref<12x80xi32, #tpu.memory_space<vmem>> -> memref<1x80xi32, #tpu.memory_space<vmem>>
        %dma_start3A_333 = tpu.memref_squeeze %dma_start3A_332 : memref<1x80xi32, #tpu.memory_space<vmem>> -> memref<80xi32, #tpu.memory_space<vmem>>
        %dma_start3A_334 = arith.constant 0 : i32
        %dma_start3A_335 = arith.constant 0 : i32
        %dma_start3A_336 = tpu.memref_slice %arg6[%dma_start3A_334, %dma_start3A_335] : memref<10000x128xf32, #tpu.memory_space<vmem_shared>> -> memref<10000x128xf32, #tpu.memory_space<vmem_shared>>
        %dma_start3A_337 = tpu.memref_slice %arg10[%dma_start3A_330] : memref<12x!tpu.dma_semaphore, #tpu.memory_space<semaphore_mem>> -> memref<1x!tpu.dma_semaphore, #tpu.memory_space<semaphore_mem>>
        %dma_start3A_338 = tpu.memref_squeeze %dma_start3A_337 : memref<1x!tpu.dma_semaphore, #tpu.memory_space<semaphore_mem>> -> memref<!tpu.dma_semaphore, #tpu.memory_space<semaphore_mem>>
        tpu.enqueue_indirect_dma source(%arg8 : memref<80x128xf32, #tpu.memory_space<vmem>>) target(%dma_start3A_336 : memref<10000x128xf32, #tpu.memory_space<vmem_shared>>) offsets(%dma_start3A_333 : memref<80xi32, #tpu.memory_space<vmem>>) semaphore(%dma_start3A_338 : memref<!tpu.dma_semaphore, #tpu.memory_space<semaphore_mem>>) {add = true}
      } else {
      }
    }
    %scan3A_10 = arith.constant 12 : i32
    %barrier3A_11 = arith.constant 0 : index
    tpu.barrier barrier_id(%barrier3A_11)
    "tpu.region"() ({
      %run_scoped3A = tpu.sem_alloc : memref<!tpu.dma_semaphore, #tpu.memory_space<semaphore_mem>>
      %dma_start3A = arith.constant 0 : i32
      %dma_start3A_17 = tpu.memref_slice %arg5[%arg0, %mul3A_4, %dma_start3A] : memref<2x10000x128xf32, #tpu.memory_space<hbm>> -> memref<1x624x128xf32, #tpu.memory_space<hbm>>
      %dma_start3A_18 = tpu.memref_squeeze %dma_start3A_17 : memref<1x624x128xf32, #tpu.memory_space<hbm>> -> memref<624x128xf32, #tpu.memory_space<hbm>>
      %dma_start3A_19 = arith.constant 0 : i32
      %dma_start3A_20 = tpu.memref_slice %arg6[%mul3A_4, %dma_start3A_19] : memref<10000x128xf32, #tpu.memory_space<vmem_shared>> -> memref<624x128xf32, #tpu.memory_space<vmem_shared>>
      tpu.enqueue_dma source(%dma_start3A_20 : memref<624x128xf32, #tpu.memory_space<vmem_shared>>) target(%dma_start3A_18 : memref<624x128xf32, #tpu.memory_space<hbm>>) target_semaphore(%run_scoped3A : memref<!tpu.dma_semaphore, #tpu.memory_space<semaphore_mem>>)
      %dma_wait3A = arith.constant 0 : i32
      %dma_wait3A_21 = tpu.memref_slice %arg5[%arg0, %mul3A_4, %dma_wait3A] : memref<2x10000x128xf32, #tpu.memory_space<hbm>> -> memref<1x624x128xf32, #tpu.memory_space<hbm>>
      %dma_wait3A_22 = tpu.memref_squeeze %dma_wait3A_21 : memref<1x624x128xf32, #tpu.memory_space<hbm>> -> memref<624x128xf32, #tpu.memory_space<hbm>>
      %dma_wait3A_23 = arith.constant 0 : i32
      %dma_wait3A_24 = tpu.memref_slice %arg6[%mul3A_4, %dma_wait3A_23] : memref<10000x128xf32, #tpu.memory_space<vmem_shared>> -> memref<624x128xf32, #tpu.memory_space<vmem_shared>>
      tpu.wait_dma2 semaphore(%run_scoped3A : memref<!tpu.dma_semaphore, #tpu.memory_space<semaphore_mem>>) src(%dma_wait3A_24 : memref<624x128xf32, #tpu.memory_space<vmem_shared>>) dst(%dma_wait3A_22 : memref<624x128xf32, #tpu.memory_space<hbm>>)
      tpu.yield
    }) : () -> ()
    %eq3A_12 = arith.constant 15 : i32
    %eq3A_13 = arith.cmpi eq, %arg1, %eq3A_12 : i32
    %convert_element_type3A_14 = arith.extui %eq3A_13 : i1 to i32
    %cond3A_15 = arith.constant 0 : i32
    %cond3A_16 = arith.cmpi ne, %convert_element_type3A_14, %cond3A_15 : i32
    scf.if %cond3A_16 {
      "tpu.region"() ({
        %run_scoped3A = tpu.sem_alloc : memref<!tpu.dma_semaphore, #tpu.memory_space<semaphore_mem>>
        %dma_start3A = arith.constant 9984 : i32
        %dma_start3A_17 = arith.constant 0 : i32
        %dma_start3A_18 = tpu.memref_slice %arg5[%arg0, %dma_start3A, %dma_start3A_17] : memref<2x10000x128xf32, #tpu.memory_space<hbm>> -> memref<1x16x128xf32, #tpu.memory_space<hbm>>
        %dma_start3A_19 = tpu.memref_squeeze %dma_start3A_18 : memref<1x16x128xf32, #tpu.memory_space<hbm>> -> memref<16x128xf32, #tpu.memory_space<hbm>>
        %dma_start3A_20 = arith.constant 9984 : i32
        %dma_start3A_21 = arith.constant 0 : i32
        %dma_start3A_22 = tpu.memref_slice %arg6[%dma_start3A_20, %dma_start3A_21] : memref<10000x128xf32, #tpu.memory_space<vmem_shared>> -> memref<16x128xf32, #tpu.memory_space<vmem_shared>>
        tpu.enqueue_dma source(%dma_start3A_22 : memref<16x128xf32, #tpu.memory_space<vmem_shared>>) target(%dma_start3A_19 : memref<16x128xf32, #tpu.memory_space<hbm>>) target_semaphore(%run_scoped3A : memref<!tpu.dma_semaphore, #tpu.memory_space<semaphore_mem>>)
        %dma_wait3A = arith.constant 9984 : i32
        %dma_wait3A_23 = arith.constant 0 : i32
        %dma_wait3A_24 = tpu.memref_slice %arg5[%arg0, %dma_wait3A, %dma_wait3A_23] : memref<2x10000x128xf32, #tpu.memory_space<hbm>> -> memref<1x16x128xf32, #tpu.memory_space<hbm>>
        %dma_wait3A_25 = tpu.memref_squeeze %dma_wait3A_24 : memref<1x16x128xf32, #tpu.memory_space<hbm>> -> memref<16x128xf32, #tpu.memory_space<hbm>>
        %dma_wait3A_26 = arith.constant 9984 : i32
        %dma_wait3A_27 = arith.constant 0 : i32
        %dma_wait3A_28 = tpu.memref_slice %arg6[%dma_wait3A_26, %dma_wait3A_27] : memref<10000x128xf32, #tpu.memory_space<vmem_shared>> -> memref<16x128xf32, #tpu.memory_space<vmem_shared>>
        tpu.wait_dma2 semaphore(%run_scoped3A : memref<!tpu.dma_semaphore, #tpu.memory_space<semaphore_mem>>) src(%dma_wait3A_28 : memref<16x128xf32, #tpu.memory_space<vmem_shared>>) dst(%dma_wait3A_25 : memref<16x128xf32, #tpu.memory_space<hbm>>)
        tpu.yield
      }) : () -> ()
    } else {
    }
    return
  }
}

#map = affine_map<(d0, d1) -> (0, 0)>
#map1 = affine_map<(d0, d1) -> (0)>
#map2 = affine_map<(d0, d1) -> (0, 0, 0)>
module attributes {stable_mosaic.version = 14 : i64} {
  func.func @k(%arg0: i32, %arg1: i32, %arg2: memref<10000x128xf32, #tpu.memory_space<hbm>>, %arg3: memref<320000xi32, #tpu.memory_space<hbm>>, %arg4: memref<320000xi32, #tpu.memory_space<hbm>>, %arg5: memref<10000x128xf32, #tpu.memory_space<hbm>>, %arg6: memref<2x10000x128xf32, #tpu.memory_space<hbm>>, %arg7: memref<10000x128xf32, #tpu.memory_space<vmem_shared>>, %arg8: memref<4x80xi32, #tpu.memory_space<vmem>>, %arg9: memref<4x80xi32, #tpu.memory_space<vmem>>, %arg10: memref<4x80x128xf32, #tpu.memory_space<vmem>>, %arg11: memref<4x!tpu.dma_semaphore, #tpu.memory_space<semaphore_mem>>, %arg12: memref<4x!tpu.dma_semaphore, #tpu.memory_space<semaphore_mem>>, %arg13: memref<4x!tpu.dma_semaphore, #tpu.memory_space<semaphore_mem>>) attributes {dimension_semantics = [#tpu.dimension_semantics<core_parallel>, #tpu.dimension_semantics<subcore_parallel>], iteration_bounds = array<i64: 2, 16>, scalar_prefetch = 0 : i64, scratch_operands = 7 : i64, tpu.core_type = #tpu.core_type<sc_vector_subcore>, window_params = [{transform_indices = #map}, {transform_indices = #map1}, {transform_indices = #map1}, {transform_indices = #map}, {transform_indices = #map2}]} {
    %mul3A = arith.constant 16 : i32
    %mul3A_0 = arith.muli %arg0, %mul3A : i32
    %add3A = arith.addi %mul3A_0, %arg1 : i32
    %mul3A_1 = arith.constant 10000 : i32
    %mul3A_2 = arith.muli %add3A, %mul3A_1 : i32
    %mul3A_3 = arith.constant 624 : i32
    %mul3A_4 = arith.muli %arg1, %mul3A_3 : i32
    %eq3A = arith.constant 0 : i32
    %eq3A_5 = arith.cmpi eq, %arg0, %eq3A : i32
    %convert_element_type3A = arith.extui %eq3A_5 : i1 to i32
    %cond3A = arith.constant 0 : i32
    %cond3A_6 = arith.cmpi ne, %convert_element_type3A, %cond3A : i32
    scf.if %cond3A_6 {
      "tpu.region"() ({
        %run_scoped3A = tpu.sem_alloc : memref<!tpu.dma_semaphore, #tpu.memory_space<semaphore_mem>>
        %dma_start3A = arith.constant 0 : i32
        %dma_start3A_27 = tpu.memref_slice %arg7[%mul3A_4, %dma_start3A] : memref<10000x128xf32, #tpu.memory_space<vmem_shared>> -> memref<624x128xf32, #tpu.memory_space<vmem_shared>>
        %dma_start3A_28 = arith.constant 0 : i32
        %dma_start3A_29 = tpu.memref_slice %arg2[%mul3A_4, %dma_start3A_28] : memref<10000x128xf32, #tpu.memory_space<hbm>> -> memref<624x128xf32, #tpu.memory_space<hbm>>
        tpu.enqueue_dma source(%dma_start3A_29 : memref<624x128xf32, #tpu.memory_space<hbm>>) target(%dma_start3A_27 : memref<624x128xf32, #tpu.memory_space<vmem_shared>>) target_semaphore(%run_scoped3A : memref<!tpu.dma_semaphore, #tpu.memory_space<semaphore_mem>>)
        %dma_wait3A = arith.constant 0 : i32
        %dma_wait3A_30 = tpu.memref_slice %arg7[%mul3A_4, %dma_wait3A] : memref<10000x128xf32, #tpu.memory_space<vmem_shared>> -> memref<624x128xf32, #tpu.memory_space<vmem_shared>>
        %dma_wait3A_31 = arith.constant 0 : i32
        %dma_wait3A_32 = tpu.memref_slice %arg2[%mul3A_4, %dma_wait3A_31] : memref<10000x128xf32, #tpu.memory_space<hbm>> -> memref<624x128xf32, #tpu.memory_space<hbm>>
        tpu.wait_dma2 semaphore(%run_scoped3A : memref<!tpu.dma_semaphore, #tpu.memory_space<semaphore_mem>>) src(%dma_wait3A_32 : memref<624x128xf32, #tpu.memory_space<hbm>>) dst(%dma_wait3A_30 : memref<624x128xf32, #tpu.memory_space<vmem_shared>>)
        tpu.yield
      }) : () -> ()
      %eq3A_22 = arith.constant 15 : i32
      %eq3A_23 = arith.cmpi eq, %arg1, %eq3A_22 : i32
      %convert_element_type3A_24 = arith.extui %eq3A_23 : i1 to i32
      %cond3A_25 = arith.constant 0 : i32
      %cond3A_26 = arith.cmpi ne, %convert_element_type3A_24, %cond3A_25 : i32
      scf.if %cond3A_26 {
        "tpu.region"() ({
          %run_scoped3A = tpu.sem_alloc : memref<!tpu.dma_semaphore, #tpu.memory_space<semaphore_mem>>
          %dma_start3A = arith.constant 9984 : i32
          %dma_start3A_27 = arith.constant 0 : i32
          %dma_start3A_28 = tpu.memref_slice %arg7[%dma_start3A, %dma_start3A_27] : memref<10000x128xf32, #tpu.memory_space<vmem_shared>> -> memref<16x128xf32, #tpu.memory_space<vmem_shared>>
          %dma_start3A_29 = arith.constant 9984 : i32
          %dma_start3A_30 = arith.constant 0 : i32
          %dma_start3A_31 = tpu.memref_slice %arg2[%dma_start3A_29, %dma_start3A_30] : memref<10000x128xf32, #tpu.memory_space<hbm>> -> memref<16x128xf32, #tpu.memory_space<hbm>>
          tpu.enqueue_dma source(%dma_start3A_31 : memref<16x128xf32, #tpu.memory_space<hbm>>) target(%dma_start3A_28 : memref<16x128xf32, #tpu.memory_space<vmem_shared>>) target_semaphore(%run_scoped3A : memref<!tpu.dma_semaphore, #tpu.memory_space<semaphore_mem>>)
          %dma_wait3A = arith.constant 9984 : i32
          %dma_wait3A_32 = arith.constant 0 : i32
          %dma_wait3A_33 = tpu.memref_slice %arg7[%dma_wait3A, %dma_wait3A_32] : memref<10000x128xf32, #tpu.memory_space<vmem_shared>> -> memref<16x128xf32, #tpu.memory_space<vmem_shared>>
          %dma_wait3A_34 = arith.constant 9984 : i32
          %dma_wait3A_35 = arith.constant 0 : i32
          %dma_wait3A_36 = tpu.memref_slice %arg2[%dma_wait3A_34, %dma_wait3A_35] : memref<10000x128xf32, #tpu.memory_space<hbm>> -> memref<16x128xf32, #tpu.memory_space<hbm>>
          tpu.wait_dma2 semaphore(%run_scoped3A : memref<!tpu.dma_semaphore, #tpu.memory_space<semaphore_mem>>) src(%dma_wait3A_36 : memref<16x128xf32, #tpu.memory_space<hbm>>) dst(%dma_wait3A_33 : memref<16x128xf32, #tpu.memory_space<vmem_shared>>)
          tpu.yield
        }) : () -> ()
      } else {
      }
    } else {
    }
    %eq3A_7 = arith.constant 1 : i32
    %eq3A_8 = arith.cmpi eq, %arg0, %eq3A_7 : i32
    %convert_element_type3A_9 = arith.extui %eq3A_8 : i1 to i32
    %cond3A_10 = arith.constant 0 : i32
    %cond3A_11 = arith.cmpi ne, %convert_element_type3A_9, %cond3A_10 : i32
    scf.if %cond3A_11 {
      "tpu.region"() ({
        %run_scoped3A = tpu.sem_alloc : memref<!tpu.dma_semaphore, #tpu.memory_space<semaphore_mem>>
        %dma_start3A = arith.constant 0 : i32
        %dma_start3A_27 = tpu.memref_slice %arg7[%mul3A_4, %dma_start3A] : memref<10000x128xf32, #tpu.memory_space<vmem_shared>> -> memref<624x128xf32, #tpu.memory_space<vmem_shared>>
        %dma_start3A_28 = arith.constant 0 : i32
        %dma_start3A_29 = tpu.memref_slice %arg5[%mul3A_4, %dma_start3A_28] : memref<10000x128xf32, #tpu.memory_space<hbm>> -> memref<624x128xf32, #tpu.memory_space<hbm>>
        tpu.enqueue_dma source(%dma_start3A_29 : memref<624x128xf32, #tpu.memory_space<hbm>>) target(%dma_start3A_27 : memref<624x128xf32, #tpu.memory_space<vmem_shared>>) target_semaphore(%run_scoped3A : memref<!tpu.dma_semaphore, #tpu.memory_space<semaphore_mem>>)
        %dma_wait3A = arith.constant 0 : i32
        %dma_wait3A_30 = tpu.memref_slice %arg7[%mul3A_4, %dma_wait3A] : memref<10000x128xf32, #tpu.memory_space<vmem_shared>> -> memref<624x128xf32, #tpu.memory_space<vmem_shared>>
        %dma_wait3A_31 = arith.constant 0 : i32
        %dma_wait3A_32 = tpu.memref_slice %arg5[%mul3A_4, %dma_wait3A_31] : memref<10000x128xf32, #tpu.memory_space<hbm>> -> memref<624x128xf32, #tpu.memory_space<hbm>>
        tpu.wait_dma2 semaphore(%run_scoped3A : memref<!tpu.dma_semaphore, #tpu.memory_space<semaphore_mem>>) src(%dma_wait3A_32 : memref<624x128xf32, #tpu.memory_space<hbm>>) dst(%dma_wait3A_30 : memref<624x128xf32, #tpu.memory_space<vmem_shared>>)
        tpu.yield
      }) : () -> ()
      %eq3A_22 = arith.constant 15 : i32
      %eq3A_23 = arith.cmpi eq, %arg1, %eq3A_22 : i32
      %convert_element_type3A_24 = arith.extui %eq3A_23 : i1 to i32
      %cond3A_25 = arith.constant 0 : i32
      %cond3A_26 = arith.cmpi ne, %convert_element_type3A_24, %cond3A_25 : i32
      scf.if %cond3A_26 {
        "tpu.region"() ({
          %run_scoped3A = tpu.sem_alloc : memref<!tpu.dma_semaphore, #tpu.memory_space<semaphore_mem>>
          %dma_start3A = arith.constant 9984 : i32
          %dma_start3A_27 = arith.constant 0 : i32
          %dma_start3A_28 = tpu.memref_slice %arg7[%dma_start3A, %dma_start3A_27] : memref<10000x128xf32, #tpu.memory_space<vmem_shared>> -> memref<16x128xf32, #tpu.memory_space<vmem_shared>>
          %dma_start3A_29 = arith.constant 9984 : i32
          %dma_start3A_30 = arith.constant 0 : i32
          %dma_start3A_31 = tpu.memref_slice %arg5[%dma_start3A_29, %dma_start3A_30] : memref<10000x128xf32, #tpu.memory_space<hbm>> -> memref<16x128xf32, #tpu.memory_space<hbm>>
          tpu.enqueue_dma source(%dma_start3A_31 : memref<16x128xf32, #tpu.memory_space<hbm>>) target(%dma_start3A_28 : memref<16x128xf32, #tpu.memory_space<vmem_shared>>) target_semaphore(%run_scoped3A : memref<!tpu.dma_semaphore, #tpu.memory_space<semaphore_mem>>)
          %dma_wait3A = arith.constant 9984 : i32
          %dma_wait3A_32 = arith.constant 0 : i32
          %dma_wait3A_33 = tpu.memref_slice %arg7[%dma_wait3A, %dma_wait3A_32] : memref<10000x128xf32, #tpu.memory_space<vmem_shared>> -> memref<16x128xf32, #tpu.memory_space<vmem_shared>>
          %dma_wait3A_34 = arith.constant 9984 : i32
          %dma_wait3A_35 = arith.constant 0 : i32
          %dma_wait3A_36 = tpu.memref_slice %arg5[%dma_wait3A_34, %dma_wait3A_35] : memref<10000x128xf32, #tpu.memory_space<hbm>> -> memref<16x128xf32, #tpu.memory_space<hbm>>
          tpu.wait_dma2 semaphore(%run_scoped3A : memref<!tpu.dma_semaphore, #tpu.memory_space<semaphore_mem>>) src(%dma_wait3A_36 : memref<16x128xf32, #tpu.memory_space<hbm>>) dst(%dma_wait3A_33 : memref<16x128xf32, #tpu.memory_space<vmem_shared>>)
          tpu.yield
        }) : () -> ()
      } else {
      }
    } else {
    }
    %barrier3A = arith.constant 0 : index
    tpu.barrier barrier_id(%barrier3A)
    %scan3A = arith.constant 0 : i32
    %scan3A_12 = arith.constant 33 : i32
    %scan3A_13 = arith.addi %scan3A, %scan3A_12 : i32
    %scan3A_14 = arith.constant 1 : i32
    scf.for %scan3A_22 = %scan3A to %scan3A_13 step %scan3A_14  : i32 {
      %mul3A_23 = arith.constant 1 : i32
      %mul3A_24 = arith.muli %scan3A_22, %mul3A_23 : i32
      %add3A_25 = arith.constant 0 : i32
      %add3A_26 = arith.addi %add3A_25, %mul3A_24 : i32
      %mul3A_27 = arith.constant 4 : i32
      %mul3A_28 = arith.muli %add3A_26, %mul3A_27 : i32
      %add3A_29 = arith.constant 0 : i32
      %add3A_30 = arith.addi %mul3A_28, %add3A_29 : i32
      %ge3A = arith.constant 4 : i32
      %ge3A_31 = arith.cmpi sge, %add3A_30, %ge3A : i32
      %lt3A = arith.constant 129 : i32
      %lt3A_32 = arith.cmpi slt, %add3A_30, %lt3A : i32
      %and3A = arith.andi %ge3A_31, %lt3A_32 : i1
      %convert_element_type3A_33 = arith.extui %and3A : i1 to i32
      %cond3A_34 = arith.constant 0 : i32
      %cond3A_35 = arith.cmpi ne, %convert_element_type3A_33, %cond3A_34 : i32
      scf.if %cond3A_35 {
        %dma_wait3A = arith.constant 0 : i32
        %dma_wait3A_156 = arith.constant 0 : i32
        %dma_wait3A_157 = arith.constant 0 : i32
        %dma_wait3A_158 = arith.constant 0 : i32
        %dma_wait3A_159 = arith.constant 0 : i32
        %dma_wait3A_160 = tpu.memref_slice %arg10[%dma_wait3A, %dma_wait3A_158, %dma_wait3A_159] : memref<4x80x128xf32, #tpu.memory_space<vmem>> -> memref<1x80x128xf32, #tpu.memory_space<vmem>>
        %dma_wait3A_161 = tpu.memref_squeeze %dma_wait3A_160 : memref<1x80x128xf32, #tpu.memory_space<vmem>> -> memref<80x128xf32, #tpu.memory_space<vmem>>
        %dma_wait3A_162 = arith.constant 0 : i32
        %dma_wait3A_163 = tpu.memref_slice %arg9[%dma_wait3A_156, %dma_wait3A_162] : memref<4x80xi32, #tpu.memory_space<vmem>> -> memref<1x80xi32, #tpu.memory_space<vmem>>
        %dma_wait3A_164 = tpu.memref_squeeze %dma_wait3A_163 : memref<1x80xi32, #tpu.memory_space<vmem>> -> memref<80xi32, #tpu.memory_space<vmem>>
        %dma_wait3A_165 = arith.constant 0 : i32
        %dma_wait3A_166 = arith.constant 0 : i32
        %dma_wait3A_167 = tpu.memref_slice %arg7[%dma_wait3A_165, %dma_wait3A_166] : memref<10000x128xf32, #tpu.memory_space<vmem_shared>> -> memref<10000x128xf32, #tpu.memory_space<vmem_shared>>
        %dma_wait3A_168 = tpu.memref_slice %arg13[%dma_wait3A_157] : memref<4x!tpu.dma_semaphore, #tpu.memory_space<semaphore_mem>> -> memref<1x!tpu.dma_semaphore, #tpu.memory_space<semaphore_mem>>
        %dma_wait3A_169 = tpu.memref_squeeze %dma_wait3A_168 : memref<1x!tpu.dma_semaphore, #tpu.memory_space<semaphore_mem>> -> memref<!tpu.dma_semaphore, #tpu.memory_space<semaphore_mem>>
        tpu.wait_indirect_dma semaphore(%dma_wait3A_169 : memref<!tpu.dma_semaphore, #tpu.memory_space<semaphore_mem>>) src(%dma_wait3A_161 : memref<80x128xf32, #tpu.memory_space<vmem>>) dst(%dma_wait3A_167 : memref<10000x128xf32, #tpu.memory_space<vmem_shared>>)
      } else {
      }
      %lt3A_36 = arith.constant 125 : i32
      %lt3A_37 = arith.cmpi slt, %add3A_30, %lt3A_36 : i32
      %convert_element_type3A_38 = arith.extui %lt3A_37 : i1 to i32
      %cond3A_39 = arith.constant 0 : i32
      %cond3A_40 = arith.cmpi ne, %convert_element_type3A_38, %cond3A_39 : i32
      scf.if %cond3A_40 {
        %mul3A_156 = arith.constant 80 : i32
        %mul3A_157 = arith.muli %add3A_30, %mul3A_156 : i32
        %add3A_158 = arith.addi %mul3A_2, %mul3A_157 : i32
        %dma_start3A = arith.constant 0 : i32
        %dma_start3A_159 = arith.constant 0 : i32
        %dma_start3A_160 = arith.constant 0 : i32
        %dma_start3A_161 = tpu.memref_slice %arg8[%dma_start3A, %dma_start3A_160] : memref<4x80xi32, #tpu.memory_space<vmem>> -> memref<1x80xi32, #tpu.memory_space<vmem>>
        %dma_start3A_162 = tpu.memref_squeeze %dma_start3A_161 : memref<1x80xi32, #tpu.memory_space<vmem>> -> memref<80xi32, #tpu.memory_space<vmem>>
        %dma_start3A_163 = tpu.memref_slice %arg3[%add3A_158] : memref<320000xi32, #tpu.memory_space<hbm>> -> memref<80xi32, #tpu.memory_space<hbm>>
        %dma_start3A_164 = tpu.memref_slice %arg11[%dma_start3A_159] : memref<4x!tpu.dma_semaphore, #tpu.memory_space<semaphore_mem>> -> memref<1x!tpu.dma_semaphore, #tpu.memory_space<semaphore_mem>>
        %dma_start3A_165 = tpu.memref_squeeze %dma_start3A_164 : memref<1x!tpu.dma_semaphore, #tpu.memory_space<semaphore_mem>> -> memref<!tpu.dma_semaphore, #tpu.memory_space<semaphore_mem>>
        %dma_start3A_166 = arith.constant 0 : i32
        %dma_start3A_167 = tpu.memref_slice %arg8[%dma_start3A, %dma_start3A_166] : memref<4x80xi32, #tpu.memory_space<vmem>> -> memref<1x80xi32, #tpu.memory_space<vmem>>
        %dma_start3A_168 = tpu.memref_squeeze %dma_start3A_167 : memref<1x80xi32, #tpu.memory_space<vmem>> -> memref<80xi32, #tpu.memory_space<vmem>>
        %dma_start3A_169 = tpu.memref_slice %arg3[%add3A_158] : memref<320000xi32, #tpu.memory_space<hbm>> -> memref<80xi32, #tpu.memory_space<hbm>>
        tpu.enqueue_dma source(%dma_start3A_169 : memref<80xi32, #tpu.memory_space<hbm>>) target(%dma_start3A_168 : memref<80xi32, #tpu.memory_space<vmem>>) target_semaphore(%dma_start3A_165 : memref<!tpu.dma_semaphore, #tpu.memory_space<semaphore_mem>>)
        %dma_start3A_170 = arith.constant 0 : i32
        %dma_start3A_171 = arith.constant 0 : i32
        %dma_start3A_172 = arith.constant 0 : i32
        %dma_start3A_173 = tpu.memref_slice %arg9[%dma_start3A_170, %dma_start3A_172] : memref<4x80xi32, #tpu.memory_space<vmem>> -> memref<1x80xi32, #tpu.memory_space<vmem>>
        %dma_start3A_174 = tpu.memref_squeeze %dma_start3A_173 : memref<1x80xi32, #tpu.memory_space<vmem>> -> memref<80xi32, #tpu.memory_space<vmem>>
        %dma_start3A_175 = tpu.memref_slice %arg4[%add3A_158] : memref<320000xi32, #tpu.memory_space<hbm>> -> memref<80xi32, #tpu.memory_space<hbm>>
        %dma_start3A_176 = tpu.memref_slice %arg11[%dma_start3A_171] : memref<4x!tpu.dma_semaphore, #tpu.memory_space<semaphore_mem>> -> memref<1x!tpu.dma_semaphore, #tpu.memory_space<semaphore_mem>>
        %dma_start3A_177 = tpu.memref_squeeze %dma_start3A_176 : memref<1x!tpu.dma_semaphore, #tpu.memory_space<semaphore_mem>> -> memref<!tpu.dma_semaphore, #tpu.memory_space<semaphore_mem>>
        %dma_start3A_178 = arith.constant 0 : i32
        %dma_start3A_179 = tpu.memref_slice %arg9[%dma_start3A_170, %dma_start3A_178] : memref<4x80xi32, #tpu.memory_space<vmem>> -> memref<1x80xi32, #tpu.memory_space<vmem>>
        %dma_start3A_180 = tpu.memref_squeeze %dma_start3A_179 : memref<1x80xi32, #tpu.memory_space<vmem>> -> memref<80xi32, #tpu.memory_space<vmem>>
        %dma_start3A_181 = tpu.memref_slice %arg4[%add3A_158] : memref<320000xi32, #tpu.memory_space<hbm>> -> memref<80xi32, #tpu.memory_space<hbm>>
        tpu.enqueue_dma source(%dma_start3A_181 : memref<80xi32, #tpu.memory_space<hbm>>) target(%dma_start3A_180 : memref<80xi32, #tpu.memory_space<vmem>>) target_semaphore(%dma_start3A_177 : memref<!tpu.dma_semaphore, #tpu.memory_space<semaphore_mem>>)
      } else {
      }
      %ge3A_41 = arith.constant 1 : i32
      %ge3A_42 = arith.cmpi sge, %add3A_30, %ge3A_41 : i32
      %lt3A_43 = arith.constant 126 : i32
      %lt3A_44 = arith.cmpi slt, %add3A_30, %lt3A_43 : i32
      %and3A_45 = arith.andi %ge3A_42, %lt3A_44 : i1
      %convert_element_type3A_46 = arith.extui %and3A_45 : i1 to i32
      %cond3A_47 = arith.constant 0 : i32
      %cond3A_48 = arith.cmpi ne, %convert_element_type3A_46, %cond3A_47 : i32
      scf.if %cond3A_48 {
        %dma_wait3A = arith.constant 3 : i32
        %dma_wait3A_156 = arith.constant 3 : i32
        %dma_wait3A_157 = arith.constant 0 : i32
        %dma_wait3A_158 = tpu.memref_slice %arg8[%dma_wait3A, %dma_wait3A_157] : memref<4x80xi32, #tpu.memory_space<vmem>> -> memref<1x80xi32, #tpu.memory_space<vmem>>
        %dma_wait3A_159 = tpu.memref_squeeze %dma_wait3A_158 : memref<1x80xi32, #tpu.memory_space<vmem>> -> memref<80xi32, #tpu.memory_space<vmem>>
        %dma_wait3A_160 = tpu.memref_slice %arg3[%mul3A_2] : memref<320000xi32, #tpu.memory_space<hbm>> -> memref<80xi32, #tpu.memory_space<hbm>>
        %dma_wait3A_161 = tpu.memref_slice %arg11[%dma_wait3A_156] : memref<4x!tpu.dma_semaphore, #tpu.memory_space<semaphore_mem>> -> memref<1x!tpu.dma_semaphore, #tpu.memory_space<semaphore_mem>>
        %dma_wait3A_162 = tpu.memref_squeeze %dma_wait3A_161 : memref<1x!tpu.dma_semaphore, #tpu.memory_space<semaphore_mem>> -> memref<!tpu.dma_semaphore, #tpu.memory_space<semaphore_mem>>
        %dma_wait3A_163 = arith.constant 0 : i32
        %dma_wait3A_164 = tpu.memref_slice %arg8[%dma_wait3A, %dma_wait3A_163] : memref<4x80xi32, #tpu.memory_space<vmem>> -> memref<1x80xi32, #tpu.memory_space<vmem>>
        %dma_wait3A_165 = tpu.memref_squeeze %dma_wait3A_164 : memref<1x80xi32, #tpu.memory_space<vmem>> -> memref<80xi32, #tpu.memory_space<vmem>>
        %dma_wait3A_166 = tpu.memref_slice %arg3[%mul3A_2] : memref<320000xi32, #tpu.memory_space<hbm>> -> memref<80xi32, #tpu.memory_space<hbm>>
        tpu.wait_dma2 semaphore(%dma_wait3A_162 : memref<!tpu.dma_semaphore, #tpu.memory_space<semaphore_mem>>) src(%dma_wait3A_166 : memref<80xi32, #tpu.memory_space<hbm>>) dst(%dma_wait3A_165 : memref<80xi32, #tpu.memory_space<vmem>>)
        %dma_wait3A_167 = arith.constant 3 : i32
        %dma_wait3A_168 = arith.constant 3 : i32
        %dma_wait3A_169 = arith.constant 0 : i32
        %dma_wait3A_170 = tpu.memref_slice %arg9[%dma_wait3A_167, %dma_wait3A_169] : memref<4x80xi32, #tpu.memory_space<vmem>> -> memref<1x80xi32, #tpu.memory_space<vmem>>
        %dma_wait3A_171 = tpu.memref_squeeze %dma_wait3A_170 : memref<1x80xi32, #tpu.memory_space<vmem>> -> memref<80xi32, #tpu.memory_space<vmem>>
        %dma_wait3A_172 = tpu.memref_slice %arg4[%mul3A_2] : memref<320000xi32, #tpu.memory_space<hbm>> -> memref<80xi32, #tpu.memory_space<hbm>>
        %dma_wait3A_173 = tpu.memref_slice %arg11[%dma_wait3A_168] : memref<4x!tpu.dma_semaphore, #tpu.memory_space<semaphore_mem>> -> memref<1x!tpu.dma_semaphore, #tpu.memory_space<semaphore_mem>>
        %dma_wait3A_174 = tpu.memref_squeeze %dma_wait3A_173 : memref<1x!tpu.dma_semaphore, #tpu.memory_space<semaphore_mem>> -> memref<!tpu.dma_semaphore, #tpu.memory_space<semaphore_mem>>
        %dma_wait3A_175 = arith.constant 0 : i32
        %dma_wait3A_176 = tpu.memref_slice %arg9[%dma_wait3A_167, %dma_wait3A_175] : memref<4x80xi32, #tpu.memory_space<vmem>> -> memref<1x80xi32, #tpu.memory_space<vmem>>
        %dma_wait3A_177 = tpu.memref_squeeze %dma_wait3A_176 : memref<1x80xi32, #tpu.memory_space<vmem>> -> memref<80xi32, #tpu.memory_space<vmem>>
        %dma_wait3A_178 = tpu.memref_slice %arg4[%mul3A_2] : memref<320000xi32, #tpu.memory_space<hbm>> -> memref<80xi32, #tpu.memory_space<hbm>>
        tpu.wait_dma2 semaphore(%dma_wait3A_174 : memref<!tpu.dma_semaphore, #tpu.memory_space<semaphore_mem>>) src(%dma_wait3A_178 : memref<80xi32, #tpu.memory_space<hbm>>) dst(%dma_wait3A_177 : memref<80xi32, #tpu.memory_space<vmem>>)
        %dma_start3A = arith.constant 3 : i32
        %dma_start3A_179 = arith.constant 3 : i32
        %dma_start3A_180 = arith.constant 3 : i32
        %dma_start3A_181 = arith.constant 0 : i32
        %dma_start3A_182 = arith.constant 0 : i32
        %dma_start3A_183 = tpu.memref_slice %arg10[%dma_start3A_179, %dma_start3A_181, %dma_start3A_182] : memref<4x80x128xf32, #tpu.memory_space<vmem>> -> memref<1x80x128xf32, #tpu.memory_space<vmem>>
        %dma_start3A_184 = tpu.memref_squeeze %dma_start3A_183 : memref<1x80x128xf32, #tpu.memory_space<vmem>> -> memref<80x128xf32, #tpu.memory_space<vmem>>
        %dma_start3A_185 = arith.constant 0 : i32
        %dma_start3A_186 = tpu.memref_slice %arg8[%dma_start3A, %dma_start3A_185] : memref<4x80xi32, #tpu.memory_space<vmem>> -> memref<1x80xi32, #tpu.memory_space<vmem>>
        %dma_start3A_187 = tpu.memref_squeeze %dma_start3A_186 : memref<1x80xi32, #tpu.memory_space<vmem>> -> memref<80xi32, #tpu.memory_space<vmem>>
        %dma_start3A_188 = arith.constant 0 : i32
        %dma_start3A_189 = arith.constant 0 : i32
        %dma_start3A_190 = tpu.memref_slice %arg2[%dma_start3A_188, %dma_start3A_189] : memref<10000x128xf32, #tpu.memory_space<hbm>> -> memref<10000x128xf32, #tpu.memory_space<hbm>>
        %dma_start3A_191 = tpu.memref_slice %arg12[%dma_start3A_180] : memref<4x!tpu.dma_semaphore, #tpu.memory_space<semaphore_mem>> -> memref<1x!tpu.dma_semaphore, #tpu.memory_space<semaphore_mem>>
        %dma_start3A_192 = tpu.memref_squeeze %dma_start3A_191 : memref<1x!tpu.dma_semaphore, #tpu.memory_space<semaphore_mem>> -> memref<!tpu.dma_semaphore, #tpu.memory_space<semaphore_mem>>
        tpu.enqueue_indirect_dma source(%dma_start3A_190 : memref<10000x128xf32, #tpu.memory_space<hbm>>) target(%dma_start3A_184 : memref<80x128xf32, #tpu.memory_space<vmem>>) offsets(%dma_start3A_187 : memref<80xi32, #tpu.memory_space<vmem>>) semaphore(%dma_start3A_192 : memref<!tpu.dma_semaphore, #tpu.memory_space<semaphore_mem>>)
      } else {
      }
      %ge3A_49 = arith.constant 2 : i32
      %ge3A_50 = arith.cmpi sge, %add3A_30, %ge3A_49 : i32
      %lt3A_51 = arith.constant 127 : i32
      %lt3A_52 = arith.cmpi slt, %add3A_30, %lt3A_51 : i32
      %and3A_53 = arith.andi %ge3A_50, %lt3A_52 : i1
      %convert_element_type3A_54 = arith.extui %and3A_53 : i1 to i32
      %cond3A_55 = arith.constant 0 : i32
      %cond3A_56 = arith.cmpi ne, %convert_element_type3A_54, %cond3A_55 : i32
      scf.if %cond3A_56 {
        %dma_wait3A = arith.constant 2 : i32
        %dma_wait3A_156 = arith.constant 2 : i32
        %dma_wait3A_157 = arith.constant 2 : i32
        %dma_wait3A_158 = arith.constant 0 : i32
        %dma_wait3A_159 = arith.constant 0 : i32
        %dma_wait3A_160 = tpu.memref_slice %arg10[%dma_wait3A_156, %dma_wait3A_158, %dma_wait3A_159] : memref<4x80x128xf32, #tpu.memory_space<vmem>> -> memref<1x80x128xf32, #tpu.memory_space<vmem>>
        %dma_wait3A_161 = tpu.memref_squeeze %dma_wait3A_160 : memref<1x80x128xf32, #tpu.memory_space<vmem>> -> memref<80x128xf32, #tpu.memory_space<vmem>>
        %dma_wait3A_162 = arith.constant 0 : i32
        %dma_wait3A_163 = tpu.memref_slice %arg8[%dma_wait3A, %dma_wait3A_162] : memref<4x80xi32, #tpu.memory_space<vmem>> -> memref<1x80xi32, #tpu.memory_space<vmem>>
        %dma_wait3A_164 = tpu.memref_squeeze %dma_wait3A_163 : memref<1x80xi32, #tpu.memory_space<vmem>> -> memref<80xi32, #tpu.memory_space<vmem>>
        %dma_wait3A_165 = arith.constant 0 : i32
        %dma_wait3A_166 = arith.constant 0 : i32
        %dma_wait3A_167 = tpu.memref_slice %arg2[%dma_wait3A_165, %dma_wait3A_166] : memref<10000x128xf32, #tpu.memory_space<hbm>> -> memref<10000x128xf32, #tpu.memory_space<hbm>>
        %dma_wait3A_168 = tpu.memref_slice %arg12[%dma_wait3A_157] : memref<4x!tpu.dma_semaphore, #tpu.memory_space<semaphore_mem>> -> memref<1x!tpu.dma_semaphore, #tpu.memory_space<semaphore_mem>>
        %dma_wait3A_169 = tpu.memref_squeeze %dma_wait3A_168 : memref<1x!tpu.dma_semaphore, #tpu.memory_space<semaphore_mem>> -> memref<!tpu.dma_semaphore, #tpu.memory_space<semaphore_mem>>
        tpu.wait_indirect_dma semaphore(%dma_wait3A_169 : memref<!tpu.dma_semaphore, #tpu.memory_space<semaphore_mem>>) src(%dma_wait3A_167 : memref<10000x128xf32, #tpu.memory_space<hbm>>) dst(%dma_wait3A_161 : memref<80x128xf32, #tpu.memory_space<vmem>>)
        %dma_start3A = arith.constant 2 : i32
        %dma_start3A_170 = arith.constant 2 : i32
        %dma_start3A_171 = arith.constant 2 : i32
        %dma_start3A_172 = arith.constant 0 : i32
        %dma_start3A_173 = arith.constant 0 : i32
        %dma_start3A_174 = tpu.memref_slice %arg10[%dma_start3A, %dma_start3A_172, %dma_start3A_173] : memref<4x80x128xf32, #tpu.memory_space<vmem>> -> memref<1x80x128xf32, #tpu.memory_space<vmem>>
        %dma_start3A_175 = tpu.memref_squeeze %dma_start3A_174 : memref<1x80x128xf32, #tpu.memory_space<vmem>> -> memref<80x128xf32, #tpu.memory_space<vmem>>
        %dma_start3A_176 = arith.constant 0 : i32
        %dma_start3A_177 = tpu.memref_slice %arg9[%dma_start3A_170, %dma_start3A_176] : memref<4x80xi32, #tpu.memory_space<vmem>> -> memref<1x80xi32, #tpu.memory_space<vmem>>
        %dma_start3A_178 = tpu.memref_squeeze %dma_start3A_177 : memref<1x80xi32, #tpu.memory_space<vmem>> -> memref<80xi32, #tpu.memory_space<vmem>>
        %dma_start3A_179 = arith.constant 0 : i32
        %dma_start3A_180 = arith.constant 0 : i32
        %dma_start3A_181 = tpu.memref_slice %arg7[%dma_start3A_179, %dma_start3A_180] : memref<10000x128xf32, #tpu.memory_space<vmem_shared>> -> memref<10000x128xf32, #tpu.memory_space<vmem_shared>>
        %dma_start3A_182 = tpu.memref_slice %arg13[%dma_start3A_171] : memref<4x!tpu.dma_semaphore, #tpu.memory_space<semaphore_mem>> -> memref<1x!tpu.dma_semaphore, #tpu.memory_space<semaphore_mem>>
        %dma_start3A_183 = tpu.memref_squeeze %dma_start3A_182 : memref<1x!tpu.dma_semaphore, #tpu.memory_space<semaphore_mem>> -> memref<!tpu.dma_semaphore, #tpu.memory_space<semaphore_mem>>
        tpu.enqueue_indirect_dma source(%dma_start3A_175 : memref<80x128xf32, #tpu.memory_space<vmem>>) target(%dma_start3A_181 : memref<10000x128xf32, #tpu.memory_space<vmem_shared>>) offsets(%dma_start3A_178 : memref<80xi32, #tpu.memory_space<vmem>>) semaphore(%dma_start3A_183 : memref<!tpu.dma_semaphore, #tpu.memory_space<semaphore_mem>>) {add = true}
      } else {
      }
      %mul3A_57 = arith.constant 4 : i32
      %mul3A_58 = arith.muli %add3A_26, %mul3A_57 : i32
      %add3A_59 = arith.constant 1 : i32
      %add3A_60 = arith.addi %mul3A_58, %add3A_59 : i32
      %ge3A_61 = arith.constant 4 : i32
      %ge3A_62 = arith.cmpi sge, %add3A_60, %ge3A_61 : i32
      %lt3A_63 = arith.constant 129 : i32
      %lt3A_64 = arith.cmpi slt, %add3A_60, %lt3A_63 : i32
      %and3A_65 = arith.andi %ge3A_62, %lt3A_64 : i1
      %convert_element_type3A_66 = arith.extui %and3A_65 : i1 to i32
      %cond3A_67 = arith.constant 0 : i32
      %cond3A_68 = arith.cmpi ne, %convert_element_type3A_66, %cond3A_67 : i32
      scf.if %cond3A_68 {
        %dma_wait3A = arith.constant 1 : i32
        %dma_wait3A_156 = arith.constant 1 : i32
        %dma_wait3A_157 = arith.constant 1 : i32
        %dma_wait3A_158 = arith.constant 0 : i32
        %dma_wait3A_159 = arith.constant 0 : i32
        %dma_wait3A_160 = tpu.memref_slice %arg10[%dma_wait3A, %dma_wait3A_158, %dma_wait3A_159] : memref<4x80x128xf32, #tpu.memory_space<vmem>> -> memref<1x80x128xf32, #tpu.memory_space<vmem>>
        %dma_wait3A_161 = tpu.memref_squeeze %dma_wait3A_160 : memref<1x80x128xf32, #tpu.memory_space<vmem>> -> memref<80x128xf32, #tpu.memory_space<vmem>>
        %dma_wait3A_162 = arith.constant 0 : i32
        %dma_wait3A_163 = tpu.memref_slice %arg9[%dma_wait3A_156, %dma_wait3A_162] : memref<4x80xi32, #tpu.memory_space<vmem>> -> memref<1x80xi32, #tpu.memory_space<vmem>>
        %dma_wait3A_164 = tpu.memref_squeeze %dma_wait3A_163 : memref<1x80xi32, #tpu.memory_space<vmem>> -> memref<80xi32, #tpu.memory_space<vmem>>
        %dma_wait3A_165 = arith.constant 0 : i32
        %dma_wait3A_166 = arith.constant 0 : i32
        %dma_wait3A_167 = tpu.memref_slice %arg7[%dma_wait3A_165, %dma_wait3A_166] : memref<10000x128xf32, #tpu.memory_space<vmem_shared>> -> memref<10000x128xf32, #tpu.memory_space<vmem_shared>>
        %dma_wait3A_168 = tpu.memref_slice %arg13[%dma_wait3A_157] : memref<4x!tpu.dma_semaphore, #tpu.memory_space<semaphore_mem>> -> memref<1x!tpu.dma_semaphore, #tpu.memory_space<semaphore_mem>>
        %dma_wait3A_169 = tpu.memref_squeeze %dma_wait3A_168 : memref<1x!tpu.dma_semaphore, #tpu.memory_space<semaphore_mem>> -> memref<!tpu.dma_semaphore, #tpu.memory_space<semaphore_mem>>
        tpu.wait_indirect_dma semaphore(%dma_wait3A_169 : memref<!tpu.dma_semaphore, #tpu.memory_space<semaphore_mem>>) src(%dma_wait3A_161 : memref<80x128xf32, #tpu.memory_space<vmem>>) dst(%dma_wait3A_167 : memref<10000x128xf32, #tpu.memory_space<vmem_shared>>)
      } else {
      }
      %lt3A_69 = arith.constant 125 : i32
      %lt3A_70 = arith.cmpi slt, %add3A_60, %lt3A_69 : i32
      %convert_element_type3A_71 = arith.extui %lt3A_70 : i1 to i32
      %cond3A_72 = arith.constant 0 : i32
      %cond3A_73 = arith.cmpi ne, %convert_element_type3A_71, %cond3A_72 : i32
      scf.if %cond3A_73 {
        %mul3A_156 = arith.constant 80 : i32
        %mul3A_157 = arith.muli %add3A_60, %mul3A_156 : i32
        %add3A_158 = arith.addi %mul3A_2, %mul3A_157 : i32
        %dma_start3A = arith.constant 1 : i32
        %dma_start3A_159 = arith.constant 1 : i32
        %dma_start3A_160 = arith.constant 0 : i32
        %dma_start3A_161 = tpu.memref_slice %arg8[%dma_start3A, %dma_start3A_160] : memref<4x80xi32, #tpu.memory_space<vmem>> -> memref<1x80xi32, #tpu.memory_space<vmem>>
        %dma_start3A_162 = tpu.memref_squeeze %dma_start3A_161 : memref<1x80xi32, #tpu.memory_space<vmem>> -> memref<80xi32, #tpu.memory_space<vmem>>
        %dma_start3A_163 = tpu.memref_slice %arg3[%add3A_158] : memref<320000xi32, #tpu.memory_space<hbm>> -> memref<80xi32, #tpu.memory_space<hbm>>
        %dma_start3A_164 = tpu.memref_slice %arg11[%dma_start3A_159] : memref<4x!tpu.dma_semaphore, #tpu.memory_space<semaphore_mem>> -> memref<1x!tpu.dma_semaphore, #tpu.memory_space<semaphore_mem>>
        %dma_start3A_165 = tpu.memref_squeeze %dma_start3A_164 : memref<1x!tpu.dma_semaphore, #tpu.memory_space<semaphore_mem>> -> memref<!tpu.dma_semaphore, #tpu.memory_space<semaphore_mem>>
        %dma_start3A_166 = arith.constant 0 : i32
        %dma_start3A_167 = tpu.memref_slice %arg8[%dma_start3A, %dma_start3A_166] : memref<4x80xi32, #tpu.memory_space<vmem>> -> memref<1x80xi32, #tpu.memory_space<vmem>>
        %dma_start3A_168 = tpu.memref_squeeze %dma_start3A_167 : memref<1x80xi32, #tpu.memory_space<vmem>> -> memref<80xi32, #tpu.memory_space<vmem>>
        %dma_start3A_169 = tpu.memref_slice %arg3[%add3A_158] : memref<320000xi32, #tpu.memory_space<hbm>> -> memref<80xi32, #tpu.memory_space<hbm>>
        tpu.enqueue_dma source(%dma_start3A_169 : memref<80xi32, #tpu.memory_space<hbm>>) target(%dma_start3A_168 : memref<80xi32, #tpu.memory_space<vmem>>) target_semaphore(%dma_start3A_165 : memref<!tpu.dma_semaphore, #tpu.memory_space<semaphore_mem>>)
        %dma_start3A_170 = arith.constant 1 : i32
        %dma_start3A_171 = arith.constant 1 : i32
        %dma_start3A_172 = arith.constant 0 : i32
        %dma_start3A_173 = tpu.memref_slice %arg9[%dma_start3A_170, %dma_start3A_172] : memref<4x80xi32, #tpu.memory_space<vmem>> -> memref<1x80xi32, #tpu.memory_space<vmem>>
        %dma_start3A_174 = tpu.memref_squeeze %dma_start3A_173 : memref<1x80xi32, #tpu.memory_space<vmem>> -> memref<80xi32, #tpu.memory_space<vmem>>
        %dma_start3A_175 = tpu.memref_slice %arg4[%add3A_158] : memref<320000xi32, #tpu.memory_space<hbm>> -> memref<80xi32, #tpu.memory_space<hbm>>
        %dma_start3A_176 = tpu.memref_slice %arg11[%dma_start3A_171] : memref<4x!tpu.dma_semaphore, #tpu.memory_space<semaphore_mem>> -> memref<1x!tpu.dma_semaphore, #tpu.memory_space<semaphore_mem>>
        %dma_start3A_177 = tpu.memref_squeeze %dma_start3A_176 : memref<1x!tpu.dma_semaphore, #tpu.memory_space<semaphore_mem>> -> memref<!tpu.dma_semaphore, #tpu.memory_space<semaphore_mem>>
        %dma_start3A_178 = arith.constant 0 : i32
        %dma_start3A_179 = tpu.memref_slice %arg9[%dma_start3A_170, %dma_start3A_178] : memref<4x80xi32, #tpu.memory_space<vmem>> -> memref<1x80xi32, #tpu.memory_space<vmem>>
        %dma_start3A_180 = tpu.memref_squeeze %dma_start3A_179 : memref<1x80xi32, #tpu.memory_space<vmem>> -> memref<80xi32, #tpu.memory_space<vmem>>
        %dma_start3A_181 = tpu.memref_slice %arg4[%add3A_158] : memref<320000xi32, #tpu.memory_space<hbm>> -> memref<80xi32, #tpu.memory_space<hbm>>
        tpu.enqueue_dma source(%dma_start3A_181 : memref<80xi32, #tpu.memory_space<hbm>>) target(%dma_start3A_180 : memref<80xi32, #tpu.memory_space<vmem>>) target_semaphore(%dma_start3A_177 : memref<!tpu.dma_semaphore, #tpu.memory_space<semaphore_mem>>)
      } else {
      }
      %ge3A_74 = arith.constant 1 : i32
      %ge3A_75 = arith.cmpi sge, %add3A_60, %ge3A_74 : i32
      %lt3A_76 = arith.constant 126 : i32
      %lt3A_77 = arith.cmpi slt, %add3A_60, %lt3A_76 : i32
      %and3A_78 = arith.andi %ge3A_75, %lt3A_77 : i1
      %convert_element_type3A_79 = arith.extui %and3A_78 : i1 to i32
      %cond3A_80 = arith.constant 0 : i32
      %cond3A_81 = arith.cmpi ne, %convert_element_type3A_79, %cond3A_80 : i32
      scf.if %cond3A_81 {
        %dma_wait3A = arith.constant 0 : i32
        %dma_wait3A_156 = arith.constant 0 : i32
        %dma_wait3A_157 = arith.constant 0 : i32
        %dma_wait3A_158 = tpu.memref_slice %arg8[%dma_wait3A, %dma_wait3A_157] : memref<4x80xi32, #tpu.memory_space<vmem>> -> memref<1x80xi32, #tpu.memory_space<vmem>>
        %dma_wait3A_159 = tpu.memref_squeeze %dma_wait3A_158 : memref<1x80xi32, #tpu.memory_space<vmem>> -> memref<80xi32, #tpu.memory_space<vmem>>
        %dma_wait3A_160 = tpu.memref_slice %arg3[%mul3A_2] : memref<320000xi32, #tpu.memory_space<hbm>> -> memref<80xi32, #tpu.memory_space<hbm>>
        %dma_wait3A_161 = tpu.memref_slice %arg11[%dma_wait3A_156] : memref<4x!tpu.dma_semaphore, #tpu.memory_space<semaphore_mem>> -> memref<1x!tpu.dma_semaphore, #tpu.memory_space<semaphore_mem>>
        %dma_wait3A_162 = tpu.memref_squeeze %dma_wait3A_161 : memref<1x!tpu.dma_semaphore, #tpu.memory_space<semaphore_mem>> -> memref<!tpu.dma_semaphore, #tpu.memory_space<semaphore_mem>>
        %dma_wait3A_163 = arith.constant 0 : i32
        %dma_wait3A_164 = tpu.memref_slice %arg8[%dma_wait3A, %dma_wait3A_163] : memref<4x80xi32, #tpu.memory_space<vmem>> -> memref<1x80xi32, #tpu.memory_space<vmem>>
        %dma_wait3A_165 = tpu.memref_squeeze %dma_wait3A_164 : memref<1x80xi32, #tpu.memory_space<vmem>> -> memref<80xi32, #tpu.memory_space<vmem>>
        %dma_wait3A_166 = tpu.memref_slice %arg3[%mul3A_2] : memref<320000xi32, #tpu.memory_space<hbm>> -> memref<80xi32, #tpu.memory_space<hbm>>
        tpu.wait_dma2 semaphore(%dma_wait3A_162 : memref<!tpu.dma_semaphore, #tpu.memory_space<semaphore_mem>>) src(%dma_wait3A_166 : memref<80xi32, #tpu.memory_space<hbm>>) dst(%dma_wait3A_165 : memref<80xi32, #tpu.memory_space<vmem>>)
        %dma_wait3A_167 = arith.constant 0 : i32
        %dma_wait3A_168 = arith.constant 0 : i32
        %dma_wait3A_169 = arith.constant 0 : i32
        %dma_wait3A_170 = tpu.memref_slice %arg9[%dma_wait3A_167, %dma_wait3A_169] : memref<4x80xi32, #tpu.memory_space<vmem>> -> memref<1x80xi32, #tpu.memory_space<vmem>>
        %dma_wait3A_171 = tpu.memref_squeeze %dma_wait3A_170 : memref<1x80xi32, #tpu.memory_space<vmem>> -> memref<80xi32, #tpu.memory_space<vmem>>
        %dma_wait3A_172 = tpu.memref_slice %arg4[%mul3A_2] : memref<320000xi32, #tpu.memory_space<hbm>> -> memref<80xi32, #tpu.memory_space<hbm>>
        %dma_wait3A_173 = tpu.memref_slice %arg11[%dma_wait3A_168] : memref<4x!tpu.dma_semaphore, #tpu.memory_space<semaphore_mem>> -> memref<1x!tpu.dma_semaphore, #tpu.memory_space<semaphore_mem>>
        %dma_wait3A_174 = tpu.memref_squeeze %dma_wait3A_173 : memref<1x!tpu.dma_semaphore, #tpu.memory_space<semaphore_mem>> -> memref<!tpu.dma_semaphore, #tpu.memory_space<semaphore_mem>>
        %dma_wait3A_175 = arith.constant 0 : i32
        %dma_wait3A_176 = tpu.memref_slice %arg9[%dma_wait3A_167, %dma_wait3A_175] : memref<4x80xi32, #tpu.memory_space<vmem>> -> memref<1x80xi32, #tpu.memory_space<vmem>>
        %dma_wait3A_177 = tpu.memref_squeeze %dma_wait3A_176 : memref<1x80xi32, #tpu.memory_space<vmem>> -> memref<80xi32, #tpu.memory_space<vmem>>
        %dma_wait3A_178 = tpu.memref_slice %arg4[%mul3A_2] : memref<320000xi32, #tpu.memory_space<hbm>> -> memref<80xi32, #tpu.memory_space<hbm>>
        tpu.wait_dma2 semaphore(%dma_wait3A_174 : memref<!tpu.dma_semaphore, #tpu.memory_space<semaphore_mem>>) src(%dma_wait3A_178 : memref<80xi32, #tpu.memory_space<hbm>>) dst(%dma_wait3A_177 : memref<80xi32, #tpu.memory_space<vmem>>)
        %dma_start3A = arith.constant 0 : i32
        %dma_start3A_179 = arith.constant 0 : i32
        %dma_start3A_180 = arith.constant 0 : i32
        %dma_start3A_181 = arith.constant 0 : i32
        %dma_start3A_182 = arith.constant 0 : i32
        %dma_start3A_183 = tpu.memref_slice %arg10[%dma_start3A_179, %dma_start3A_181, %dma_start3A_182] : memref<4x80x128xf32, #tpu.memory_space<vmem>> -> memref<1x80x128xf32, #tpu.memory_space<vmem>>
        %dma_start3A_184 = tpu.memref_squeeze %dma_start3A_183 : memref<1x80x128xf32, #tpu.memory_space<vmem>> -> memref<80x128xf32, #tpu.memory_space<vmem>>
        %dma_start3A_185 = arith.constant 0 : i32
        %dma_start3A_186 = tpu.memref_slice %arg8[%dma_start3A, %dma_start3A_185] : memref<4x80xi32, #tpu.memory_space<vmem>> -> memref<1x80xi32, #tpu.memory_space<vmem>>
        %dma_start3A_187 = tpu.memref_squeeze %dma_start3A_186 : memref<1x80xi32, #tpu.memory_space<vmem>> -> memref<80xi32, #tpu.memory_space<vmem>>
        %dma_start3A_188 = arith.constant 0 : i32
        %dma_start3A_189 = arith.constant 0 : i32
        %dma_start3A_190 = tpu.memref_slice %arg2[%dma_start3A_188, %dma_start3A_189] : memref<10000x128xf32, #tpu.memory_space<hbm>> -> memref<10000x128xf32, #tpu.memory_space<hbm>>
        %dma_start3A_191 = tpu.memref_slice %arg12[%dma_start3A_180] : memref<4x!tpu.dma_semaphore, #tpu.memory_space<semaphore_mem>> -> memref<1x!tpu.dma_semaphore, #tpu.memory_space<semaphore_mem>>
        %dma_start3A_192 = tpu.memref_squeeze %dma_start3A_191 : memref<1x!tpu.dma_semaphore, #tpu.memory_space<semaphore_mem>> -> memref<!tpu.dma_semaphore, #tpu.memory_space<semaphore_mem>>
        tpu.enqueue_indirect_dma source(%dma_start3A_190 : memref<10000x128xf32, #tpu.memory_space<hbm>>) target(%dma_start3A_184 : memref<80x128xf32, #tpu.memory_space<vmem>>) offsets(%dma_start3A_187 : memref<80xi32, #tpu.memory_space<vmem>>) semaphore(%dma_start3A_192 : memref<!tpu.dma_semaphore, #tpu.memory_space<semaphore_mem>>)
      } else {
      }
      %ge3A_82 = arith.constant 2 : i32
      %ge3A_83 = arith.cmpi sge, %add3A_60, %ge3A_82 : i32
      %lt3A_84 = arith.constant 127 : i32
      %lt3A_85 = arith.cmpi slt, %add3A_60, %lt3A_84 : i32
      %and3A_86 = arith.andi %ge3A_83, %lt3A_85 : i1
      %convert_element_type3A_87 = arith.extui %and3A_86 : i1 to i32
      %cond3A_88 = arith.constant 0 : i32
      %cond3A_89 = arith.cmpi ne, %convert_element_type3A_87, %cond3A_88 : i32
      scf.if %cond3A_89 {
        %dma_wait3A = arith.constant 3 : i32
        %dma_wait3A_156 = arith.constant 3 : i32
        %dma_wait3A_157 = arith.constant 3 : i32
        %dma_wait3A_158 = arith.constant 0 : i32
        %dma_wait3A_159 = arith.constant 0 : i32
        %dma_wait3A_160 = tpu.memref_slice %arg10[%dma_wait3A_156, %dma_wait3A_158, %dma_wait3A_159] : memref<4x80x128xf32, #tpu.memory_space<vmem>> -> memref<1x80x128xf32, #tpu.memory_space<vmem>>
        %dma_wait3A_161 = tpu.memref_squeeze %dma_wait3A_160 : memref<1x80x128xf32, #tpu.memory_space<vmem>> -> memref<80x128xf32, #tpu.memory_space<vmem>>
        %dma_wait3A_162 = arith.constant 0 : i32
        %dma_wait3A_163 = tpu.memref_slice %arg8[%dma_wait3A, %dma_wait3A_162] : memref<4x80xi32, #tpu.memory_space<vmem>> -> memref<1x80xi32, #tpu.memory_space<vmem>>
        %dma_wait3A_164 = tpu.memref_squeeze %dma_wait3A_163 : memref<1x80xi32, #tpu.memory_space<vmem>> -> memref<80xi32, #tpu.memory_space<vmem>>
        %dma_wait3A_165 = arith.constant 0 : i32
        %dma_wait3A_166 = arith.constant 0 : i32
        %dma_wait3A_167 = tpu.memref_slice %arg2[%dma_wait3A_165, %dma_wait3A_166] : memref<10000x128xf32, #tpu.memory_space<hbm>> -> memref<10000x128xf32, #tpu.memory_space<hbm>>
        %dma_wait3A_168 = tpu.memref_slice %arg12[%dma_wait3A_157] : memref<4x!tpu.dma_semaphore, #tpu.memory_space<semaphore_mem>> -> memref<1x!tpu.dma_semaphore, #tpu.memory_space<semaphore_mem>>
        %dma_wait3A_169 = tpu.memref_squeeze %dma_wait3A_168 : memref<1x!tpu.dma_semaphore, #tpu.memory_space<semaphore_mem>> -> memref<!tpu.dma_semaphore, #tpu.memory_space<semaphore_mem>>
        tpu.wait_indirect_dma semaphore(%dma_wait3A_169 : memref<!tpu.dma_semaphore, #tpu.memory_space<semaphore_mem>>) src(%dma_wait3A_167 : memref<10000x128xf32, #tpu.memory_space<hbm>>) dst(%dma_wait3A_161 : memref<80x128xf32, #tpu.memory_space<vmem>>)
        %dma_start3A = arith.constant 3 : i32
        %dma_start3A_170 = arith.constant 3 : i32
        %dma_start3A_171 = arith.constant 3 : i32
        %dma_start3A_172 = arith.constant 0 : i32
        %dma_start3A_173 = arith.constant 0 : i32
        %dma_start3A_174 = tpu.memref_slice %arg10[%dma_start3A, %dma_start3A_172, %dma_start3A_173] : memref<4x80x128xf32, #tpu.memory_space<vmem>> -> memref<1x80x128xf32, #tpu.memory_space<vmem>>
        %dma_start3A_175 = tpu.memref_squeeze %dma_start3A_174 : memref<1x80x128xf32, #tpu.memory_space<vmem>> -> memref<80x128xf32, #tpu.memory_space<vmem>>
        %dma_start3A_176 = arith.constant 0 : i32
        %dma_start3A_177 = tpu.memref_slice %arg9[%dma_start3A_170, %dma_start3A_176] : memref<4x80xi32, #tpu.memory_space<vmem>> -> memref<1x80xi32, #tpu.memory_space<vmem>>
        %dma_start3A_178 = tpu.memref_squeeze %dma_start3A_177 : memref<1x80xi32, #tpu.memory_space<vmem>> -> memref<80xi32, #tpu.memory_space<vmem>>
        %dma_start3A_179 = arith.constant 0 : i32
        %dma_start3A_180 = arith.constant 0 : i32
        %dma_start3A_181 = tpu.memref_slice %arg7[%dma_start3A_179, %dma_start3A_180] : memref<10000x128xf32, #tpu.memory_space<vmem_shared>> -> memref<10000x128xf32, #tpu.memory_space<vmem_shared>>
        %dma_start3A_182 = tpu.memref_slice %arg13[%dma_start3A_171] : memref<4x!tpu.dma_semaphore, #tpu.memory_space<semaphore_mem>> -> memref<1x!tpu.dma_semaphore, #tpu.memory_space<semaphore_mem>>
        %dma_start3A_183 = tpu.memref_squeeze %dma_start3A_182 : memref<1x!tpu.dma_semaphore, #tpu.memory_space<semaphore_mem>> -> memref<!tpu.dma_semaphore, #tpu.memory_space<semaphore_mem>>
        tpu.enqueue_indirect_dma source(%dma_start3A_175 : memref<80x128xf32, #tpu.memory_space<vmem>>) target(%dma_start3A_181 : memref<10000x128xf32, #tpu.memory_space<vmem_shared>>) offsets(%dma_start3A_178 : memref<80xi32, #tpu.memory_space<vmem>>) semaphore(%dma_start3A_183 : memref<!tpu.dma_semaphore, #tpu.memory_space<semaphore_mem>>) {add = true}
      } else {
      }
      %mul3A_90 = arith.constant 4 : i32
      %mul3A_91 = arith.muli %add3A_26, %mul3A_90 : i32
      %add3A_92 = arith.constant 2 : i32
      %add3A_93 = arith.addi %mul3A_91, %add3A_92 : i32
      %ge3A_94 = arith.constant 4 : i32
      %ge3A_95 = arith.cmpi sge, %add3A_93, %ge3A_94 : i32
      %lt3A_96 = arith.constant 129 : i32
      %lt3A_97 = arith.cmpi slt, %add3A_93, %lt3A_96 : i32
      %and3A_98 = arith.andi %ge3A_95, %lt3A_97 : i1
      %convert_element_type3A_99 = arith.extui %and3A_98 : i1 to i32
      %cond3A_100 = arith.constant 0 : i32
      %cond3A_101 = arith.cmpi ne, %convert_element_type3A_99, %cond3A_100 : i32
      scf.if %cond3A_101 {
        %dma_wait3A = arith.constant 2 : i32
        %dma_wait3A_156 = arith.constant 2 : i32
        %dma_wait3A_157 = arith.constant 2 : i32
        %dma_wait3A_158 = arith.constant 0 : i32
        %dma_wait3A_159 = arith.constant 0 : i32
        %dma_wait3A_160 = tpu.memref_slice %arg10[%dma_wait3A, %dma_wait3A_158, %dma_wait3A_159] : memref<4x80x128xf32, #tpu.memory_space<vmem>> -> memref<1x80x128xf32, #tpu.memory_space<vmem>>
        %dma_wait3A_161 = tpu.memref_squeeze %dma_wait3A_160 : memref<1x80x128xf32, #tpu.memory_space<vmem>> -> memref<80x128xf32, #tpu.memory_space<vmem>>
        %dma_wait3A_162 = arith.constant 0 : i32
        %dma_wait3A_163 = tpu.memref_slice %arg9[%dma_wait3A_156, %dma_wait3A_162] : memref<4x80xi32, #tpu.memory_space<vmem>> -> memref<1x80xi32, #tpu.memory_space<vmem>>
        %dma_wait3A_164 = tpu.memref_squeeze %dma_wait3A_163 : memref<1x80xi32, #tpu.memory_space<vmem>> -> memref<80xi32, #tpu.memory_space<vmem>>
        %dma_wait3A_165 = arith.constant 0 : i32
        %dma_wait3A_166 = arith.constant 0 : i32
        %dma_wait3A_167 = tpu.memref_slice %arg7[%dma_wait3A_165, %dma_wait3A_166] : memref<10000x128xf32, #tpu.memory_space<vmem_shared>> -> memref<10000x128xf32, #tpu.memory_space<vmem_shared>>
        %dma_wait3A_168 = tpu.memref_slice %arg13[%dma_wait3A_157] : memref<4x!tpu.dma_semaphore, #tpu.memory_space<semaphore_mem>> -> memref<1x!tpu.dma_semaphore, #tpu.memory_space<semaphore_mem>>
        %dma_wait3A_169 = tpu.memref_squeeze %dma_wait3A_168 : memref<1x!tpu.dma_semaphore, #tpu.memory_space<semaphore_mem>> -> memref<!tpu.dma_semaphore, #tpu.memory_space<semaphore_mem>>
        tpu.wait_indirect_dma semaphore(%dma_wait3A_169 : memref<!tpu.dma_semaphore, #tpu.memory_space<semaphore_mem>>) src(%dma_wait3A_161 : memref<80x128xf32, #tpu.memory_space<vmem>>) dst(%dma_wait3A_167 : memref<10000x128xf32, #tpu.memory_space<vmem_shared>>)
      } else {
      }
      %lt3A_102 = arith.constant 125 : i32
      %lt3A_103 = arith.cmpi slt, %add3A_93, %lt3A_102 : i32
      %convert_element_type3A_104 = arith.extui %lt3A_103 : i1 to i32
      %cond3A_105 = arith.constant 0 : i32
      %cond3A_106 = arith.cmpi ne, %convert_element_type3A_104, %cond3A_105 : i32
      scf.if %cond3A_106 {
        %mul3A_156 = arith.constant 80 : i32
        %mul3A_157 = arith.muli %add3A_93, %mul3A_156 : i32
        %add3A_158 = arith.addi %mul3A_2, %mul3A_157 : i32
        %dma_start3A = arith.constant 2 : i32
        %dma_start3A_159 = arith.constant 2 : i32
        %dma_start3A_160 = arith.constant 0 : i32
        %dma_start3A_161 = tpu.memref_slice %arg8[%dma_start3A, %dma_start3A_160] : memref<4x80xi32, #tpu.memory_space<vmem>> -> memref<1x80xi32, #tpu.memory_space<vmem>>
        %dma_start3A_162 = tpu.memref_squeeze %dma_start3A_161 : memref<1x80xi32, #tpu.memory_space<vmem>> -> memref<80xi32, #tpu.memory_space<vmem>>
        %dma_start3A_163 = tpu.memref_slice %arg3[%add3A_158] : memref<320000xi32, #tpu.memory_space<hbm>> -> memref<80xi32, #tpu.memory_space<hbm>>
        %dma_start3A_164 = tpu.memref_slice %arg11[%dma_start3A_159] : memref<4x!tpu.dma_semaphore, #tpu.memory_space<semaphore_mem>> -> memref<1x!tpu.dma_semaphore, #tpu.memory_space<semaphore_mem>>
        %dma_start3A_165 = tpu.memref_squeeze %dma_start3A_164 : memref<1x!tpu.dma_semaphore, #tpu.memory_space<semaphore_mem>> -> memref<!tpu.dma_semaphore, #tpu.memory_space<semaphore_mem>>
        %dma_start3A_166 = arith.constant 0 : i32
        %dma_start3A_167 = tpu.memref_slice %arg8[%dma_start3A, %dma_start3A_166] : memref<4x80xi32, #tpu.memory_space<vmem>> -> memref<1x80xi32, #tpu.memory_space<vmem>>
        %dma_start3A_168 = tpu.memref_squeeze %dma_start3A_167 : memref<1x80xi32, #tpu.memory_space<vmem>> -> memref<80xi32, #tpu.memory_space<vmem>>
        %dma_start3A_169 = tpu.memref_slice %arg3[%add3A_158] : memref<320000xi32, #tpu.memory_space<hbm>> -> memref<80xi32, #tpu.memory_space<hbm>>
        tpu.enqueue_dma source(%dma_start3A_169 : memref<80xi32, #tpu.memory_space<hbm>>) target(%dma_start3A_168 : memref<80xi32, #tpu.memory_space<vmem>>) target_semaphore(%dma_start3A_165 : memref<!tpu.dma_semaphore, #tpu.memory_space<semaphore_mem>>)
        %dma_start3A_170 = arith.constant 2 : i32
        %dma_start3A_171 = arith.constant 2 : i32
        %dma_start3A_172 = arith.constant 0 : i32
        %dma_start3A_173 = tpu.memref_slice %arg9[%dma_start3A_170, %dma_start3A_172] : memref<4x80xi32, #tpu.memory_space<vmem>> -> memref<1x80xi32, #tpu.memory_space<vmem>>
        %dma_start3A_174 = tpu.memref_squeeze %dma_start3A_173 : memref<1x80xi32, #tpu.memory_space<vmem>> -> memref<80xi32, #tpu.memory_space<vmem>>
        %dma_start3A_175 = tpu.memref_slice %arg4[%add3A_158] : memref<320000xi32, #tpu.memory_space<hbm>> -> memref<80xi32, #tpu.memory_space<hbm>>
        %dma_start3A_176 = tpu.memref_slice %arg11[%dma_start3A_171] : memref<4x!tpu.dma_semaphore, #tpu.memory_space<semaphore_mem>> -> memref<1x!tpu.dma_semaphore, #tpu.memory_space<semaphore_mem>>
        %dma_start3A_177 = tpu.memref_squeeze %dma_start3A_176 : memref<1x!tpu.dma_semaphore, #tpu.memory_space<semaphore_mem>> -> memref<!tpu.dma_semaphore, #tpu.memory_space<semaphore_mem>>
        %dma_start3A_178 = arith.constant 0 : i32
        %dma_start3A_179 = tpu.memref_slice %arg9[%dma_start3A_170, %dma_start3A_178] : memref<4x80xi32, #tpu.memory_space<vmem>> -> memref<1x80xi32, #tpu.memory_space<vmem>>
        %dma_start3A_180 = tpu.memref_squeeze %dma_start3A_179 : memref<1x80xi32, #tpu.memory_space<vmem>> -> memref<80xi32, #tpu.memory_space<vmem>>
        %dma_start3A_181 = tpu.memref_slice %arg4[%add3A_158] : memref<320000xi32, #tpu.memory_space<hbm>> -> memref<80xi32, #tpu.memory_space<hbm>>
        tpu.enqueue_dma source(%dma_start3A_181 : memref<80xi32, #tpu.memory_space<hbm>>) target(%dma_start3A_180 : memref<80xi32, #tpu.memory_space<vmem>>) target_semaphore(%dma_start3A_177 : memref<!tpu.dma_semaphore, #tpu.memory_space<semaphore_mem>>)
      } else {
      }
      %ge3A_107 = arith.constant 1 : i32
      %ge3A_108 = arith.cmpi sge, %add3A_93, %ge3A_107 : i32
      %lt3A_109 = arith.constant 126 : i32
      %lt3A_110 = arith.cmpi slt, %add3A_93, %lt3A_109 : i32
      %and3A_111 = arith.andi %ge3A_108, %lt3A_110 : i1
      %convert_element_type3A_112 = arith.extui %and3A_111 : i1 to i32
      %cond3A_113 = arith.constant 0 : i32
      %cond3A_114 = arith.cmpi ne, %convert_element_type3A_112, %cond3A_113 : i32
      scf.if %cond3A_114 {
        %dma_wait3A = arith.constant 1 : i32
        %dma_wait3A_156 = arith.constant 1 : i32
        %dma_wait3A_157 = arith.constant 0 : i32
        %dma_wait3A_158 = tpu.memref_slice %arg8[%dma_wait3A, %dma_wait3A_157] : memref<4x80xi32, #tpu.memory_space<vmem>> -> memref<1x80xi32, #tpu.memory_space<vmem>>
        %dma_wait3A_159 = tpu.memref_squeeze %dma_wait3A_158 : memref<1x80xi32, #tpu.memory_space<vmem>> -> memref<80xi32, #tpu.memory_space<vmem>>
        %dma_wait3A_160 = tpu.memref_slice %arg3[%mul3A_2] : memref<320000xi32, #tpu.memory_space<hbm>> -> memref<80xi32, #tpu.memory_space<hbm>>
        %dma_wait3A_161 = tpu.memref_slice %arg11[%dma_wait3A_156] : memref<4x!tpu.dma_semaphore, #tpu.memory_space<semaphore_mem>> -> memref<1x!tpu.dma_semaphore, #tpu.memory_space<semaphore_mem>>
        %dma_wait3A_162 = tpu.memref_squeeze %dma_wait3A_161 : memref<1x!tpu.dma_semaphore, #tpu.memory_space<semaphore_mem>> -> memref<!tpu.dma_semaphore, #tpu.memory_space<semaphore_mem>>
        %dma_wait3A_163 = arith.constant 0 : i32
        %dma_wait3A_164 = tpu.memref_slice %arg8[%dma_wait3A, %dma_wait3A_163] : memref<4x80xi32, #tpu.memory_space<vmem>> -> memref<1x80xi32, #tpu.memory_space<vmem>>
        %dma_wait3A_165 = tpu.memref_squeeze %dma_wait3A_164 : memref<1x80xi32, #tpu.memory_space<vmem>> -> memref<80xi32, #tpu.memory_space<vmem>>
        %dma_wait3A_166 = tpu.memref_slice %arg3[%mul3A_2] : memref<320000xi32, #tpu.memory_space<hbm>> -> memref<80xi32, #tpu.memory_space<hbm>>
        tpu.wait_dma2 semaphore(%dma_wait3A_162 : memref<!tpu.dma_semaphore, #tpu.memory_space<semaphore_mem>>) src(%dma_wait3A_166 : memref<80xi32, #tpu.memory_space<hbm>>) dst(%dma_wait3A_165 : memref<80xi32, #tpu.memory_space<vmem>>)
        %dma_wait3A_167 = arith.constant 1 : i32
        %dma_wait3A_168 = arith.constant 1 : i32
        %dma_wait3A_169 = arith.constant 0 : i32
        %dma_wait3A_170 = tpu.memref_slice %arg9[%dma_wait3A_167, %dma_wait3A_169] : memref<4x80xi32, #tpu.memory_space<vmem>> -> memref<1x80xi32, #tpu.memory_space<vmem>>
        %dma_wait3A_171 = tpu.memref_squeeze %dma_wait3A_170 : memref<1x80xi32, #tpu.memory_space<vmem>> -> memref<80xi32, #tpu.memory_space<vmem>>
        %dma_wait3A_172 = tpu.memref_slice %arg4[%mul3A_2] : memref<320000xi32, #tpu.memory_space<hbm>> -> memref<80xi32, #tpu.memory_space<hbm>>
        %dma_wait3A_173 = tpu.memref_slice %arg11[%dma_wait3A_168] : memref<4x!tpu.dma_semaphore, #tpu.memory_space<semaphore_mem>> -> memref<1x!tpu.dma_semaphore, #tpu.memory_space<semaphore_mem>>
        %dma_wait3A_174 = tpu.memref_squeeze %dma_wait3A_173 : memref<1x!tpu.dma_semaphore, #tpu.memory_space<semaphore_mem>> -> memref<!tpu.dma_semaphore, #tpu.memory_space<semaphore_mem>>
        %dma_wait3A_175 = arith.constant 0 : i32
        %dma_wait3A_176 = tpu.memref_slice %arg9[%dma_wait3A_167, %dma_wait3A_175] : memref<4x80xi32, #tpu.memory_space<vmem>> -> memref<1x80xi32, #tpu.memory_space<vmem>>
        %dma_wait3A_177 = tpu.memref_squeeze %dma_wait3A_176 : memref<1x80xi32, #tpu.memory_space<vmem>> -> memref<80xi32, #tpu.memory_space<vmem>>
        %dma_wait3A_178 = tpu.memref_slice %arg4[%mul3A_2] : memref<320000xi32, #tpu.memory_space<hbm>> -> memref<80xi32, #tpu.memory_space<hbm>>
        tpu.wait_dma2 semaphore(%dma_wait3A_174 : memref<!tpu.dma_semaphore, #tpu.memory_space<semaphore_mem>>) src(%dma_wait3A_178 : memref<80xi32, #tpu.memory_space<hbm>>) dst(%dma_wait3A_177 : memref<80xi32, #tpu.memory_space<vmem>>)
        %dma_start3A = arith.constant 1 : i32
        %dma_start3A_179 = arith.constant 1 : i32
        %dma_start3A_180 = arith.constant 1 : i32
        %dma_start3A_181 = arith.constant 0 : i32
        %dma_start3A_182 = arith.constant 0 : i32
        %dma_start3A_183 = tpu.memref_slice %arg10[%dma_start3A_179, %dma_start3A_181, %dma_start3A_182] : memref<4x80x128xf32, #tpu.memory_space<vmem>> -> memref<1x80x128xf32, #tpu.memory_space<vmem>>
        %dma_start3A_184 = tpu.memref_squeeze %dma_start3A_183 : memref<1x80x128xf32, #tpu.memory_space<vmem>> -> memref<80x128xf32, #tpu.memory_space<vmem>>
        %dma_start3A_185 = arith.constant 0 : i32
        %dma_start3A_186 = tpu.memref_slice %arg8[%dma_start3A, %dma_start3A_185] : memref<4x80xi32, #tpu.memory_space<vmem>> -> memref<1x80xi32, #tpu.memory_space<vmem>>
        %dma_start3A_187 = tpu.memref_squeeze %dma_start3A_186 : memref<1x80xi32, #tpu.memory_space<vmem>> -> memref<80xi32, #tpu.memory_space<vmem>>
        %dma_start3A_188 = arith.constant 0 : i32
        %dma_start3A_189 = arith.constant 0 : i32
        %dma_start3A_190 = tpu.memref_slice %arg2[%dma_start3A_188, %dma_start3A_189] : memref<10000x128xf32, #tpu.memory_space<hbm>> -> memref<10000x128xf32, #tpu.memory_space<hbm>>
        %dma_start3A_191 = tpu.memref_slice %arg12[%dma_start3A_180] : memref<4x!tpu.dma_semaphore, #tpu.memory_space<semaphore_mem>> -> memref<1x!tpu.dma_semaphore, #tpu.memory_space<semaphore_mem>>
        %dma_start3A_192 = tpu.memref_squeeze %dma_start3A_191 : memref<1x!tpu.dma_semaphore, #tpu.memory_space<semaphore_mem>> -> memref<!tpu.dma_semaphore, #tpu.memory_space<semaphore_mem>>
        tpu.enqueue_indirect_dma source(%dma_start3A_190 : memref<10000x128xf32, #tpu.memory_space<hbm>>) target(%dma_start3A_184 : memref<80x128xf32, #tpu.memory_space<vmem>>) offsets(%dma_start3A_187 : memref<80xi32, #tpu.memory_space<vmem>>) semaphore(%dma_start3A_192 : memref<!tpu.dma_semaphore, #tpu.memory_space<semaphore_mem>>)
      } else {
      }
      %ge3A_115 = arith.constant 2 : i32
      %ge3A_116 = arith.cmpi sge, %add3A_93, %ge3A_115 : i32
      %lt3A_117 = arith.constant 127 : i32
      %lt3A_118 = arith.cmpi slt, %add3A_93, %lt3A_117 : i32
      %and3A_119 = arith.andi %ge3A_116, %lt3A_118 : i1
      %convert_element_type3A_120 = arith.extui %and3A_119 : i1 to i32
      %cond3A_121 = arith.constant 0 : i32
      %cond3A_122 = arith.cmpi ne, %convert_element_type3A_120, %cond3A_121 : i32
      scf.if %cond3A_122 {
        %dma_wait3A = arith.constant 0 : i32
        %dma_wait3A_156 = arith.constant 0 : i32
        %dma_wait3A_157 = arith.constant 0 : i32
        %dma_wait3A_158 = arith.constant 0 : i32
        %dma_wait3A_159 = arith.constant 0 : i32
        %dma_wait3A_160 = tpu.memref_slice %arg10[%dma_wait3A_156, %dma_wait3A_158, %dma_wait3A_159] : memref<4x80x128xf32, #tpu.memory_space<vmem>> -> memref<1x80x128xf32, #tpu.memory_space<vmem>>
        %dma_wait3A_161 = tpu.memref_squeeze %dma_wait3A_160 : memref<1x80x128xf32, #tpu.memory_space<vmem>> -> memref<80x128xf32, #tpu.memory_space<vmem>>
        %dma_wait3A_162 = arith.constant 0 : i32
        %dma_wait3A_163 = tpu.memref_slice %arg8[%dma_wait3A, %dma_wait3A_162] : memref<4x80xi32, #tpu.memory_space<vmem>> -> memref<1x80xi32, #tpu.memory_space<vmem>>
        %dma_wait3A_164 = tpu.memref_squeeze %dma_wait3A_163 : memref<1x80xi32, #tpu.memory_space<vmem>> -> memref<80xi32, #tpu.memory_space<vmem>>
        %dma_wait3A_165 = arith.constant 0 : i32
        %dma_wait3A_166 = arith.constant 0 : i32
        %dma_wait3A_167 = tpu.memref_slice %arg2[%dma_wait3A_165, %dma_wait3A_166] : memref<10000x128xf32, #tpu.memory_space<hbm>> -> memref<10000x128xf32, #tpu.memory_space<hbm>>
        %dma_wait3A_168 = tpu.memref_slice %arg12[%dma_wait3A_157] : memref<4x!tpu.dma_semaphore, #tpu.memory_space<semaphore_mem>> -> memref<1x!tpu.dma_semaphore, #tpu.memory_space<semaphore_mem>>
        %dma_wait3A_169 = tpu.memref_squeeze %dma_wait3A_168 : memref<1x!tpu.dma_semaphore, #tpu.memory_space<semaphore_mem>> -> memref<!tpu.dma_semaphore, #tpu.memory_space<semaphore_mem>>
        tpu.wait_indirect_dma semaphore(%dma_wait3A_169 : memref<!tpu.dma_semaphore, #tpu.memory_space<semaphore_mem>>) src(%dma_wait3A_167 : memref<10000x128xf32, #tpu.memory_space<hbm>>) dst(%dma_wait3A_161 : memref<80x128xf32, #tpu.memory_space<vmem>>)
        %dma_start3A = arith.constant 0 : i32
        %dma_start3A_170 = arith.constant 0 : i32
        %dma_start3A_171 = arith.constant 0 : i32
        %dma_start3A_172 = arith.constant 0 : i32
        %dma_start3A_173 = arith.constant 0 : i32
        %dma_start3A_174 = tpu.memref_slice %arg10[%dma_start3A, %dma_start3A_172, %dma_start3A_173] : memref<4x80x128xf32, #tpu.memory_space<vmem>> -> memref<1x80x128xf32, #tpu.memory_space<vmem>>
        %dma_start3A_175 = tpu.memref_squeeze %dma_start3A_174 : memref<1x80x128xf32, #tpu.memory_space<vmem>> -> memref<80x128xf32, #tpu.memory_space<vmem>>
        %dma_start3A_176 = arith.constant 0 : i32
        %dma_start3A_177 = tpu.memref_slice %arg9[%dma_start3A_170, %dma_start3A_176] : memref<4x80xi32, #tpu.memory_space<vmem>> -> memref<1x80xi32, #tpu.memory_space<vmem>>
        %dma_start3A_178 = tpu.memref_squeeze %dma_start3A_177 : memref<1x80xi32, #tpu.memory_space<vmem>> -> memref<80xi32, #tpu.memory_space<vmem>>
        %dma_start3A_179 = arith.constant 0 : i32
        %dma_start3A_180 = arith.constant 0 : i32
        %dma_start3A_181 = tpu.memref_slice %arg7[%dma_start3A_179, %dma_start3A_180] : memref<10000x128xf32, #tpu.memory_space<vmem_shared>> -> memref<10000x128xf32, #tpu.memory_space<vmem_shared>>
        %dma_start3A_182 = tpu.memref_slice %arg13[%dma_start3A_171] : memref<4x!tpu.dma_semaphore, #tpu.memory_space<semaphore_mem>> -> memref<1x!tpu.dma_semaphore, #tpu.memory_space<semaphore_mem>>
        %dma_start3A_183 = tpu.memref_squeeze %dma_start3A_182 : memref<1x!tpu.dma_semaphore, #tpu.memory_space<semaphore_mem>> -> memref<!tpu.dma_semaphore, #tpu.memory_space<semaphore_mem>>
        tpu.enqueue_indirect_dma source(%dma_start3A_175 : memref<80x128xf32, #tpu.memory_space<vmem>>) target(%dma_start3A_181 : memref<10000x128xf32, #tpu.memory_space<vmem_shared>>) offsets(%dma_start3A_178 : memref<80xi32, #tpu.memory_space<vmem>>) semaphore(%dma_start3A_183 : memref<!tpu.dma_semaphore, #tpu.memory_space<semaphore_mem>>) {add = true}
      } else {
      }
      %mul3A_123 = arith.constant 4 : i32
      %mul3A_124 = arith.muli %add3A_26, %mul3A_123 : i32
      %add3A_125 = arith.constant 3 : i32
      %add3A_126 = arith.addi %mul3A_124, %add3A_125 : i32
      %ge3A_127 = arith.constant 4 : i32
      %ge3A_128 = arith.cmpi sge, %add3A_126, %ge3A_127 : i32
      %lt3A_129 = arith.constant 129 : i32
      %lt3A_130 = arith.cmpi slt, %add3A_126, %lt3A_129 : i32
      %and3A_131 = arith.andi %ge3A_128, %lt3A_130 : i1
      %convert_element_type3A_132 = arith.extui %and3A_131 : i1 to i32
      %cond3A_133 = arith.constant 0 : i32
      %cond3A_134 = arith.cmpi ne, %convert_element_type3A_132, %cond3A_133 : i32
      scf.if %cond3A_134 {
        %dma_wait3A = arith.constant 3 : i32
        %dma_wait3A_156 = arith.constant 3 : i32
        %dma_wait3A_157 = arith.constant 3 : i32
        %dma_wait3A_158 = arith.constant 0 : i32
        %dma_wait3A_159 = arith.constant 0 : i32
        %dma_wait3A_160 = tpu.memref_slice %arg10[%dma_wait3A, %dma_wait3A_158, %dma_wait3A_159] : memref<4x80x128xf32, #tpu.memory_space<vmem>> -> memref<1x80x128xf32, #tpu.memory_space<vmem>>
        %dma_wait3A_161 = tpu.memref_squeeze %dma_wait3A_160 : memref<1x80x128xf32, #tpu.memory_space<vmem>> -> memref<80x128xf32, #tpu.memory_space<vmem>>
        %dma_wait3A_162 = arith.constant 0 : i32
        %dma_wait3A_163 = tpu.memref_slice %arg9[%dma_wait3A_156, %dma_wait3A_162] : memref<4x80xi32, #tpu.memory_space<vmem>> -> memref<1x80xi32, #tpu.memory_space<vmem>>
        %dma_wait3A_164 = tpu.memref_squeeze %dma_wait3A_163 : memref<1x80xi32, #tpu.memory_space<vmem>> -> memref<80xi32, #tpu.memory_space<vmem>>
        %dma_wait3A_165 = arith.constant 0 : i32
        %dma_wait3A_166 = arith.constant 0 : i32
        %dma_wait3A_167 = tpu.memref_slice %arg7[%dma_wait3A_165, %dma_wait3A_166] : memref<10000x128xf32, #tpu.memory_space<vmem_shared>> -> memref<10000x128xf32, #tpu.memory_space<vmem_shared>>
        %dma_wait3A_168 = tpu.memref_slice %arg13[%dma_wait3A_157] : memref<4x!tpu.dma_semaphore, #tpu.memory_space<semaphore_mem>> -> memref<1x!tpu.dma_semaphore, #tpu.memory_space<semaphore_mem>>
        %dma_wait3A_169 = tpu.memref_squeeze %dma_wait3A_168 : memref<1x!tpu.dma_semaphore, #tpu.memory_space<semaphore_mem>> -> memref<!tpu.dma_semaphore, #tpu.memory_space<semaphore_mem>>
        tpu.wait_indirect_dma semaphore(%dma_wait3A_169 : memref<!tpu.dma_semaphore, #tpu.memory_space<semaphore_mem>>) src(%dma_wait3A_161 : memref<80x128xf32, #tpu.memory_space<vmem>>) dst(%dma_wait3A_167 : memref<10000x128xf32, #tpu.memory_space<vmem_shared>>)
      } else {
      }
      %lt3A_135 = arith.constant 125 : i32
      %lt3A_136 = arith.cmpi slt, %add3A_126, %lt3A_135 : i32
      %convert_element_type3A_137 = arith.extui %lt3A_136 : i1 to i32
      %cond3A_138 = arith.constant 0 : i32
      %cond3A_139 = arith.cmpi ne, %convert_element_type3A_137, %cond3A_138 : i32
      scf.if %cond3A_139 {
        %mul3A_156 = arith.constant 80 : i32
        %mul3A_157 = arith.muli %add3A_126, %mul3A_156 : i32
        %add3A_158 = arith.addi %mul3A_2, %mul3A_157 : i32
        %dma_start3A = arith.constant 3 : i32
        %dma_start3A_159 = arith.constant 3 : i32
        %dma_start3A_160 = arith.constant 0 : i32
        %dma_start3A_161 = tpu.memref_slice %arg8[%dma_start3A, %dma_start3A_160] : memref<4x80xi32, #tpu.memory_space<vmem>> -> memref<1x80xi32, #tpu.memory_space<vmem>>
        %dma_start3A_162 = tpu.memref_squeeze %dma_start3A_161 : memref<1x80xi32, #tpu.memory_space<vmem>> -> memref<80xi32, #tpu.memory_space<vmem>>
        %dma_start3A_163 = tpu.memref_slice %arg3[%add3A_158] : memref<320000xi32, #tpu.memory_space<hbm>> -> memref<80xi32, #tpu.memory_space<hbm>>
        %dma_start3A_164 = tpu.memref_slice %arg11[%dma_start3A_159] : memref<4x!tpu.dma_semaphore, #tpu.memory_space<semaphore_mem>> -> memref<1x!tpu.dma_semaphore, #tpu.memory_space<semaphore_mem>>
        %dma_start3A_165 = tpu.memref_squeeze %dma_start3A_164 : memref<1x!tpu.dma_semaphore, #tpu.memory_space<semaphore_mem>> -> memref<!tpu.dma_semaphore, #tpu.memory_space<semaphore_mem>>
        %dma_start3A_166 = arith.constant 0 : i32
        %dma_start3A_167 = tpu.memref_slice %arg8[%dma_start3A, %dma_start3A_166] : memref<4x80xi32, #tpu.memory_space<vmem>> -> memref<1x80xi32, #tpu.memory_space<vmem>>
        %dma_start3A_168 = tpu.memref_squeeze %dma_start3A_167 : memref<1x80xi32, #tpu.memory_space<vmem>> -> memref<80xi32, #tpu.memory_space<vmem>>
        %dma_start3A_169 = tpu.memref_slice %arg3[%add3A_158] : memref<320000xi32, #tpu.memory_space<hbm>> -> memref<80xi32, #tpu.memory_space<hbm>>
        tpu.enqueue_dma source(%dma_start3A_169 : memref<80xi32, #tpu.memory_space<hbm>>) target(%dma_start3A_168 : memref<80xi32, #tpu.memory_space<vmem>>) target_semaphore(%dma_start3A_165 : memref<!tpu.dma_semaphore, #tpu.memory_space<semaphore_mem>>)
        %dma_start3A_170 = arith.constant 3 : i32
        %dma_start3A_171 = arith.constant 3 : i32
        %dma_start3A_172 = arith.constant 0 : i32
        %dma_start3A_173 = tpu.memref_slice %arg9[%dma_start3A_170, %dma_start3A_172] : memref<4x80xi32, #tpu.memory_space<vmem>> -> memref<1x80xi32, #tpu.memory_space<vmem>>
        %dma_start3A_174 = tpu.memref_squeeze %dma_start3A_173 : memref<1x80xi32, #tpu.memory_space<vmem>> -> memref<80xi32, #tpu.memory_space<vmem>>
        %dma_start3A_175 = tpu.memref_slice %arg4[%add3A_158] : memref<320000xi32, #tpu.memory_space<hbm>> -> memref<80xi32, #tpu.memory_space<hbm>>
        %dma_start3A_176 = tpu.memref_slice %arg11[%dma_start3A_171] : memref<4x!tpu.dma_semaphore, #tpu.memory_space<semaphore_mem>> -> memref<1x!tpu.dma_semaphore, #tpu.memory_space<semaphore_mem>>
        %dma_start3A_177 = tpu.memref_squeeze %dma_start3A_176 : memref<1x!tpu.dma_semaphore, #tpu.memory_space<semaphore_mem>> -> memref<!tpu.dma_semaphore, #tpu.memory_space<semaphore_mem>>
        %dma_start3A_178 = arith.constant 0 : i32
        %dma_start3A_179 = tpu.memref_slice %arg9[%dma_start3A_170, %dma_start3A_178] : memref<4x80xi32, #tpu.memory_space<vmem>> -> memref<1x80xi32, #tpu.memory_space<vmem>>
        %dma_start3A_180 = tpu.memref_squeeze %dma_start3A_179 : memref<1x80xi32, #tpu.memory_space<vmem>> -> memref<80xi32, #tpu.memory_space<vmem>>
        %dma_start3A_181 = tpu.memref_slice %arg4[%add3A_158] : memref<320000xi32, #tpu.memory_space<hbm>> -> memref<80xi32, #tpu.memory_space<hbm>>
        tpu.enqueue_dma source(%dma_start3A_181 : memref<80xi32, #tpu.memory_space<hbm>>) target(%dma_start3A_180 : memref<80xi32, #tpu.memory_space<vmem>>) target_semaphore(%dma_start3A_177 : memref<!tpu.dma_semaphore, #tpu.memory_space<semaphore_mem>>)
      } else {
      }
      %ge3A_140 = arith.constant 1 : i32
      %ge3A_141 = arith.cmpi sge, %add3A_126, %ge3A_140 : i32
      %lt3A_142 = arith.constant 126 : i32
      %lt3A_143 = arith.cmpi slt, %add3A_126, %lt3A_142 : i32
      %and3A_144 = arith.andi %ge3A_141, %lt3A_143 : i1
      %convert_element_type3A_145 = arith.extui %and3A_144 : i1 to i32
      %cond3A_146 = arith.constant 0 : i32
      %cond3A_147 = arith.cmpi ne, %convert_element_type3A_145, %cond3A_146 : i32
      scf.if %cond3A_147 {
        %dma_wait3A = arith.constant 2 : i32
        %dma_wait3A_156 = arith.constant 2 : i32
        %dma_wait3A_157 = arith.constant 0 : i32
        %dma_wait3A_158 = tpu.memref_slice %arg8[%dma_wait3A, %dma_wait3A_157] : memref<4x80xi32, #tpu.memory_space<vmem>> -> memref<1x80xi32, #tpu.memory_space<vmem>>
        %dma_wait3A_159 = tpu.memref_squeeze %dma_wait3A_158 : memref<1x80xi32, #tpu.memory_space<vmem>> -> memref<80xi32, #tpu.memory_space<vmem>>
        %dma_wait3A_160 = tpu.memref_slice %arg3[%mul3A_2] : memref<320000xi32, #tpu.memory_space<hbm>> -> memref<80xi32, #tpu.memory_space<hbm>>
        %dma_wait3A_161 = tpu.memref_slice %arg11[%dma_wait3A_156] : memref<4x!tpu.dma_semaphore, #tpu.memory_space<semaphore_mem>> -> memref<1x!tpu.dma_semaphore, #tpu.memory_space<semaphore_mem>>
        %dma_wait3A_162 = tpu.memref_squeeze %dma_wait3A_161 : memref<1x!tpu.dma_semaphore, #tpu.memory_space<semaphore_mem>> -> memref<!tpu.dma_semaphore, #tpu.memory_space<semaphore_mem>>
        %dma_wait3A_163 = arith.constant 0 : i32
        %dma_wait3A_164 = tpu.memref_slice %arg8[%dma_wait3A, %dma_wait3A_163] : memref<4x80xi32, #tpu.memory_space<vmem>> -> memref<1x80xi32, #tpu.memory_space<vmem>>
        %dma_wait3A_165 = tpu.memref_squeeze %dma_wait3A_164 : memref<1x80xi32, #tpu.memory_space<vmem>> -> memref<80xi32, #tpu.memory_space<vmem>>
        %dma_wait3A_166 = tpu.memref_slice %arg3[%mul3A_2] : memref<320000xi32, #tpu.memory_space<hbm>> -> memref<80xi32, #tpu.memory_space<hbm>>
        tpu.wait_dma2 semaphore(%dma_wait3A_162 : memref<!tpu.dma_semaphore, #tpu.memory_space<semaphore_mem>>) src(%dma_wait3A_166 : memref<80xi32, #tpu.memory_space<hbm>>) dst(%dma_wait3A_165 : memref<80xi32, #tpu.memory_space<vmem>>)
        %dma_wait3A_167 = arith.constant 2 : i32
        %dma_wait3A_168 = arith.constant 2 : i32
        %dma_wait3A_169 = arith.constant 0 : i32
        %dma_wait3A_170 = tpu.memref_slice %arg9[%dma_wait3A_167, %dma_wait3A_169] : memref<4x80xi32, #tpu.memory_space<vmem>> -> memref<1x80xi32, #tpu.memory_space<vmem>>
        %dma_wait3A_171 = tpu.memref_squeeze %dma_wait3A_170 : memref<1x80xi32, #tpu.memory_space<vmem>> -> memref<80xi32, #tpu.memory_space<vmem>>
        %dma_wait3A_172 = tpu.memref_slice %arg4[%mul3A_2] : memref<320000xi32, #tpu.memory_space<hbm>> -> memref<80xi32, #tpu.memory_space<hbm>>
        %dma_wait3A_173 = tpu.memref_slice %arg11[%dma_wait3A_168] : memref<4x!tpu.dma_semaphore, #tpu.memory_space<semaphore_mem>> -> memref<1x!tpu.dma_semaphore, #tpu.memory_space<semaphore_mem>>
        %dma_wait3A_174 = tpu.memref_squeeze %dma_wait3A_173 : memref<1x!tpu.dma_semaphore, #tpu.memory_space<semaphore_mem>> -> memref<!tpu.dma_semaphore, #tpu.memory_space<semaphore_mem>>
        %dma_wait3A_175 = arith.constant 0 : i32
        %dma_wait3A_176 = tpu.memref_slice %arg9[%dma_wait3A_167, %dma_wait3A_175] : memref<4x80xi32, #tpu.memory_space<vmem>> -> memref<1x80xi32, #tpu.memory_space<vmem>>
        %dma_wait3A_177 = tpu.memref_squeeze %dma_wait3A_176 : memref<1x80xi32, #tpu.memory_space<vmem>> -> memref<80xi32, #tpu.memory_space<vmem>>
        %dma_wait3A_178 = tpu.memref_slice %arg4[%mul3A_2] : memref<320000xi32, #tpu.memory_space<hbm>> -> memref<80xi32, #tpu.memory_space<hbm>>
        tpu.wait_dma2 semaphore(%dma_wait3A_174 : memref<!tpu.dma_semaphore, #tpu.memory_space<semaphore_mem>>) src(%dma_wait3A_178 : memref<80xi32, #tpu.memory_space<hbm>>) dst(%dma_wait3A_177 : memref<80xi32, #tpu.memory_space<vmem>>)
        %dma_start3A = arith.constant 2 : i32
        %dma_start3A_179 = arith.constant 2 : i32
        %dma_start3A_180 = arith.constant 2 : i32
        %dma_start3A_181 = arith.constant 0 : i32
        %dma_start3A_182 = arith.constant 0 : i32
        %dma_start3A_183 = tpu.memref_slice %arg10[%dma_start3A_179, %dma_start3A_181, %dma_start3A_182] : memref<4x80x128xf32, #tpu.memory_space<vmem>> -> memref<1x80x128xf32, #tpu.memory_space<vmem>>
        %dma_start3A_184 = tpu.memref_squeeze %dma_start3A_183 : memref<1x80x128xf32, #tpu.memory_space<vmem>> -> memref<80x128xf32, #tpu.memory_space<vmem>>
        %dma_start3A_185 = arith.constant 0 : i32
        %dma_start3A_186 = tpu.memref_slice %arg8[%dma_start3A, %dma_start3A_185] : memref<4x80xi32, #tpu.memory_space<vmem>> -> memref<1x80xi32, #tpu.memory_space<vmem>>
        %dma_start3A_187 = tpu.memref_squeeze %dma_start3A_186 : memref<1x80xi32, #tpu.memory_space<vmem>> -> memref<80xi32, #tpu.memory_space<vmem>>
        %dma_start3A_188 = arith.constant 0 : i32
        %dma_start3A_189 = arith.constant 0 : i32
        %dma_start3A_190 = tpu.memref_slice %arg2[%dma_start3A_188, %dma_start3A_189] : memref<10000x128xf32, #tpu.memory_space<hbm>> -> memref<10000x128xf32, #tpu.memory_space<hbm>>
        %dma_start3A_191 = tpu.memref_slice %arg12[%dma_start3A_180] : memref<4x!tpu.dma_semaphore, #tpu.memory_space<semaphore_mem>> -> memref<1x!tpu.dma_semaphore, #tpu.memory_space<semaphore_mem>>
        %dma_start3A_192 = tpu.memref_squeeze %dma_start3A_191 : memref<1x!tpu.dma_semaphore, #tpu.memory_space<semaphore_mem>> -> memref<!tpu.dma_semaphore, #tpu.memory_space<semaphore_mem>>
        tpu.enqueue_indirect_dma source(%dma_start3A_190 : memref<10000x128xf32, #tpu.memory_space<hbm>>) target(%dma_start3A_184 : memref<80x128xf32, #tpu.memory_space<vmem>>) offsets(%dma_start3A_187 : memref<80xi32, #tpu.memory_space<vmem>>) semaphore(%dma_start3A_192 : memref<!tpu.dma_semaphore, #tpu.memory_space<semaphore_mem>>)
      } else {
      }
      %ge3A_148 = arith.constant 2 : i32
      %ge3A_149 = arith.cmpi sge, %add3A_126, %ge3A_148 : i32
      %lt3A_150 = arith.constant 127 : i32
      %lt3A_151 = arith.cmpi slt, %add3A_126, %lt3A_150 : i32
      %and3A_152 = arith.andi %ge3A_149, %lt3A_151 : i1
      %convert_element_type3A_153 = arith.extui %and3A_152 : i1 to i32
      %cond3A_154 = arith.constant 0 : i32
      %cond3A_155 = arith.cmpi ne, %convert_element_type3A_153, %cond3A_154 : i32
      scf.if %cond3A_155 {
        %dma_wait3A = arith.constant 1 : i32
        %dma_wait3A_156 = arith.constant 1 : i32
        %dma_wait3A_157 = arith.constant 1 : i32
        %dma_wait3A_158 = arith.constant 0 : i32
        %dma_wait3A_159 = arith.constant 0 : i32
        %dma_wait3A_160 = tpu.memref_slice %arg10[%dma_wait3A_156, %dma_wait3A_158, %dma_wait3A_159] : memref<4x80x128xf32, #tpu.memory_space<vmem>> -> memref<1x80x128xf32, #tpu.memory_space<vmem>>
        %dma_wait3A_161 = tpu.memref_squeeze %dma_wait3A_160 : memref<1x80x128xf32, #tpu.memory_space<vmem>> -> memref<80x128xf32, #tpu.memory_space<vmem>>
        %dma_wait3A_162 = arith.constant 0 : i32
        %dma_wait3A_163 = tpu.memref_slice %arg8[%dma_wait3A, %dma_wait3A_162] : memref<4x80xi32, #tpu.memory_space<vmem>> -> memref<1x80xi32, #tpu.memory_space<vmem>>
        %dma_wait3A_164 = tpu.memref_squeeze %dma_wait3A_163 : memref<1x80xi32, #tpu.memory_space<vmem>> -> memref<80xi32, #tpu.memory_space<vmem>>
        %dma_wait3A_165 = arith.constant 0 : i32
        %dma_wait3A_166 = arith.constant 0 : i32
        %dma_wait3A_167 = tpu.memref_slice %arg2[%dma_wait3A_165, %dma_wait3A_166] : memref<10000x128xf32, #tpu.memory_space<hbm>> -> memref<10000x128xf32, #tpu.memory_space<hbm>>
        %dma_wait3A_168 = tpu.memref_slice %arg12[%dma_wait3A_157] : memref<4x!tpu.dma_semaphore, #tpu.memory_space<semaphore_mem>> -> memref<1x!tpu.dma_semaphore, #tpu.memory_space<semaphore_mem>>
        %dma_wait3A_169 = tpu.memref_squeeze %dma_wait3A_168 : memref<1x!tpu.dma_semaphore, #tpu.memory_space<semaphore_mem>> -> memref<!tpu.dma_semaphore, #tpu.memory_space<semaphore_mem>>
        tpu.wait_indirect_dma semaphore(%dma_wait3A_169 : memref<!tpu.dma_semaphore, #tpu.memory_space<semaphore_mem>>) src(%dma_wait3A_167 : memref<10000x128xf32, #tpu.memory_space<hbm>>) dst(%dma_wait3A_161 : memref<80x128xf32, #tpu.memory_space<vmem>>)
        %dma_start3A = arith.constant 1 : i32
        %dma_start3A_170 = arith.constant 1 : i32
        %dma_start3A_171 = arith.constant 1 : i32
        %dma_start3A_172 = arith.constant 0 : i32
        %dma_start3A_173 = arith.constant 0 : i32
        %dma_start3A_174 = tpu.memref_slice %arg10[%dma_start3A, %dma_start3A_172, %dma_start3A_173] : memref<4x80x128xf32, #tpu.memory_space<vmem>> -> memref<1x80x128xf32, #tpu.memory_space<vmem>>
        %dma_start3A_175 = tpu.memref_squeeze %dma_start3A_174 : memref<1x80x128xf32, #tpu.memory_space<vmem>> -> memref<80x128xf32, #tpu.memory_space<vmem>>
        %dma_start3A_176 = arith.constant 0 : i32
        %dma_start3A_177 = tpu.memref_slice %arg9[%dma_start3A_170, %dma_start3A_176] : memref<4x80xi32, #tpu.memory_space<vmem>> -> memref<1x80xi32, #tpu.memory_space<vmem>>
        %dma_start3A_178 = tpu.memref_squeeze %dma_start3A_177 : memref<1x80xi32, #tpu.memory_space<vmem>> -> memref<80xi32, #tpu.memory_space<vmem>>
        %dma_start3A_179 = arith.constant 0 : i32
        %dma_start3A_180 = arith.constant 0 : i32
        %dma_start3A_181 = tpu.memref_slice %arg7[%dma_start3A_179, %dma_start3A_180] : memref<10000x128xf32, #tpu.memory_space<vmem_shared>> -> memref<10000x128xf32, #tpu.memory_space<vmem_shared>>
        %dma_start3A_182 = tpu.memref_slice %arg13[%dma_start3A_171] : memref<4x!tpu.dma_semaphore, #tpu.memory_space<semaphore_mem>> -> memref<1x!tpu.dma_semaphore, #tpu.memory_space<semaphore_mem>>
        %dma_start3A_183 = tpu.memref_squeeze %dma_start3A_182 : memref<1x!tpu.dma_semaphore, #tpu.memory_space<semaphore_mem>> -> memref<!tpu.dma_semaphore, #tpu.memory_space<semaphore_mem>>
        tpu.enqueue_indirect_dma source(%dma_start3A_175 : memref<80x128xf32, #tpu.memory_space<vmem>>) target(%dma_start3A_181 : memref<10000x128xf32, #tpu.memory_space<vmem_shared>>) offsets(%dma_start3A_178 : memref<80xi32, #tpu.memory_space<vmem>>) semaphore(%dma_start3A_183 : memref<!tpu.dma_semaphore, #tpu.memory_space<semaphore_mem>>) {add = true}
      } else {
      }
    }
    %scan3A_15 = arith.constant 33 : i32
    %barrier3A_16 = arith.constant 0 : index
    tpu.barrier barrier_id(%barrier3A_16)
    "tpu.region"() ({
      %run_scoped3A = tpu.sem_alloc : memref<!tpu.dma_semaphore, #tpu.memory_space<semaphore_mem>>
      %dma_start3A = arith.constant 0 : i32
      %dma_start3A_22 = tpu.memref_slice %arg6[%arg0, %mul3A_4, %dma_start3A] : memref<2x10000x128xf32, #tpu.memory_space<hbm>> -> memref<1x624x128xf32, #tpu.memory_space<hbm>>
      %dma_start3A_23 = tpu.memref_squeeze %dma_start3A_22 : memref<1x624x128xf32, #tpu.memory_space<hbm>> -> memref<624x128xf32, #tpu.memory_space<hbm>>
      %dma_start3A_24 = arith.constant 0 : i32
      %dma_start3A_25 = tpu.memref_slice %arg7[%mul3A_4, %dma_start3A_24] : memref<10000x128xf32, #tpu.memory_space<vmem_shared>> -> memref<624x128xf32, #tpu.memory_space<vmem_shared>>
      tpu.enqueue_dma source(%dma_start3A_25 : memref<624x128xf32, #tpu.memory_space<vmem_shared>>) target(%dma_start3A_23 : memref<624x128xf32, #tpu.memory_space<hbm>>) target_semaphore(%run_scoped3A : memref<!tpu.dma_semaphore, #tpu.memory_space<semaphore_mem>>)
      %dma_wait3A = arith.constant 0 : i32
      %dma_wait3A_26 = tpu.memref_slice %arg6[%arg0, %mul3A_4, %dma_wait3A] : memref<2x10000x128xf32, #tpu.memory_space<hbm>> -> memref<1x624x128xf32, #tpu.memory_space<hbm>>
      %dma_wait3A_27 = tpu.memref_squeeze %dma_wait3A_26 : memref<1x624x128xf32, #tpu.memory_space<hbm>> -> memref<624x128xf32, #tpu.memory_space<hbm>>
      %dma_wait3A_28 = arith.constant 0 : i32
      %dma_wait3A_29 = tpu.memref_slice %arg7[%mul3A_4, %dma_wait3A_28] : memref<10000x128xf32, #tpu.memory_space<vmem_shared>> -> memref<624x128xf32, #tpu.memory_space<vmem_shared>>
      tpu.wait_dma2 semaphore(%run_scoped3A : memref<!tpu.dma_semaphore, #tpu.memory_space<semaphore_mem>>) src(%dma_wait3A_29 : memref<624x128xf32, #tpu.memory_space<vmem_shared>>) dst(%dma_wait3A_27 : memref<624x128xf32, #tpu.memory_space<hbm>>)
      tpu.yield
    }) : () -> ()
    %eq3A_17 = arith.constant 15 : i32
    %eq3A_18 = arith.cmpi eq, %arg1, %eq3A_17 : i32
    %convert_element_type3A_19 = arith.extui %eq3A_18 : i1 to i32
    %cond3A_20 = arith.constant 0 : i32
    %cond3A_21 = arith.cmpi ne, %convert_element_type3A_19, %cond3A_20 : i32
    scf.if %cond3A_21 {
      "tpu.region"() ({
        %run_scoped3A = tpu.sem_alloc : memref<!tpu.dma_semaphore, #tpu.memory_space<semaphore_mem>>
        %dma_start3A = arith.constant 9984 : i32
        %dma_start3A_22 = arith.constant 0 : i32
        %dma_start3A_23 = tpu.memref_slice %arg6[%arg0, %dma_start3A, %dma_start3A_22] : memref<2x10000x128xf32, #tpu.memory_space<hbm>> -> memref<1x16x128xf32, #tpu.memory_space<hbm>>
        %dma_start3A_24 = tpu.memref_squeeze %dma_start3A_23 : memref<1x16x128xf32, #tpu.memory_space<hbm>> -> memref<16x128xf32, #tpu.memory_space<hbm>>
        %dma_start3A_25 = arith.constant 9984 : i32
        %dma_start3A_26 = arith.constant 0 : i32
        %dma_start3A_27 = tpu.memref_slice %arg7[%dma_start3A_25, %dma_start3A_26] : memref<10000x128xf32, #tpu.memory_space<vmem_shared>> -> memref<16x128xf32, #tpu.memory_space<vmem_shared>>
        tpu.enqueue_dma source(%dma_start3A_27 : memref<16x128xf32, #tpu.memory_space<vmem_shared>>) target(%dma_start3A_24 : memref<16x128xf32, #tpu.memory_space<hbm>>) target_semaphore(%run_scoped3A : memref<!tpu.dma_semaphore, #tpu.memory_space<semaphore_mem>>)
        %dma_wait3A = arith.constant 9984 : i32
        %dma_wait3A_28 = arith.constant 0 : i32
        %dma_wait3A_29 = tpu.memref_slice %arg6[%arg0, %dma_wait3A, %dma_wait3A_28] : memref<2x10000x128xf32, #tpu.memory_space<hbm>> -> memref<1x16x128xf32, #tpu.memory_space<hbm>>
        %dma_wait3A_30 = tpu.memref_squeeze %dma_wait3A_29 : memref<1x16x128xf32, #tpu.memory_space<hbm>> -> memref<16x128xf32, #tpu.memory_space<hbm>>
        %dma_wait3A_31 = arith.constant 9984 : i32
        %dma_wait3A_32 = arith.constant 0 : i32
        %dma_wait3A_33 = tpu.memref_slice %arg7[%dma_wait3A_31, %dma_wait3A_32] : memref<10000x128xf32, #tpu.memory_space<vmem_shared>> -> memref<16x128xf32, #tpu.memory_space<vmem_shared>>
        tpu.wait_dma2 semaphore(%run_scoped3A : memref<!tpu.dma_semaphore, #tpu.memory_space<semaphore_mem>>) src(%dma_wait3A_33 : memref<16x128xf32, #tpu.memory_space<vmem_shared>>) dst(%dma_wait3A_30 : memref<16x128xf32, #tpu.memory_space<hbm>>)
        tpu.yield
      }) : () -> ()
    } else {
    }
    return
  }
}

#map = affine_map<(d0, d1) -> (0, 0)>
#map1 = affine_map<(d0, d1) -> (0)>
#map2 = affine_map<(d0, d1) -> (0, 0, 0)>
module attributes {stable_mosaic.version = 14 : i64} {
  func.func @k(%arg0: i32, %arg1: i32, %arg2: memref<10000x128xf32, #tpu.memory_space<hbm>>, %arg3: memref<320000xi32, #tpu.memory_space<hbm>>, %arg4: memref<320000xi32, #tpu.memory_space<hbm>>, %arg5: memref<10000x128xf32, #tpu.memory_space<hbm>>, %arg6: memref<2x10000x128xf32, #tpu.memory_space<hbm>>, %arg7: memref<10000x128xf32, #tpu.memory_space<vmem_shared>>, %arg8: memref<4x80xi32, #tpu.memory_space<vmem>>, %arg9: memref<4x80xi32, #tpu.memory_space<vmem>>, %arg10: memref<4x80x128xf32, #tpu.memory_space<vmem>>, %arg11: memref<4x!tpu.dma_semaphore, #tpu.memory_space<semaphore_mem>>, %arg12: memref<4x!tpu.dma_semaphore, #tpu.memory_space<semaphore_mem>>, %arg13: memref<4x!tpu.dma_semaphore, #tpu.memory_space<semaphore_mem>>) attributes {dimension_semantics = [#tpu.dimension_semantics<core_parallel>, #tpu.dimension_semantics<subcore_parallel>], iteration_bounds = array<i64: 2, 16>, scalar_prefetch = 0 : i64, scratch_operands = 7 : i64, tpu.core_type = #tpu.core_type<sc_vector_subcore>, window_params = [{transform_indices = #map}, {transform_indices = #map1}, {transform_indices = #map1}, {transform_indices = #map}, {transform_indices = #map2}]} {
    %mul3A = arith.constant 16 : i32
    %mul3A_0 = arith.muli %arg0, %mul3A : i32
    %add3A = arith.addi %mul3A_0, %arg1 : i32
    %mul3A_1 = arith.constant 10000 : i32
    %mul3A_2 = arith.muli %add3A, %mul3A_1 : i32
    %mul3A_3 = arith.constant 624 : i32
    %mul3A_4 = arith.muli %arg1, %mul3A_3 : i32
    %eq3A = arith.constant 0 : i32
    %eq3A_5 = arith.cmpi eq, %arg0, %eq3A : i32
    %convert_element_type3A = arith.extui %eq3A_5 : i1 to i32
    %cond3A = arith.constant 0 : i32
    %cond3A_6 = arith.cmpi ne, %convert_element_type3A, %cond3A : i32
    scf.if %cond3A_6 {
      "tpu.region"() ({
        %run_scoped3A = tpu.sem_alloc : memref<!tpu.dma_semaphore, #tpu.memory_space<semaphore_mem>>
        %dma_start3A = arith.constant 0 : i32
        %dma_start3A_27 = tpu.memref_slice %arg7[%mul3A_4, %dma_start3A] : memref<10000x128xf32, #tpu.memory_space<vmem_shared>> -> memref<624x128xf32, #tpu.memory_space<vmem_shared>>
        %dma_start3A_28 = arith.constant 0 : i32
        %dma_start3A_29 = tpu.memref_slice %arg2[%mul3A_4, %dma_start3A_28] : memref<10000x128xf32, #tpu.memory_space<hbm>> -> memref<624x128xf32, #tpu.memory_space<hbm>>
        tpu.enqueue_dma source(%dma_start3A_29 : memref<624x128xf32, #tpu.memory_space<hbm>>) target(%dma_start3A_27 : memref<624x128xf32, #tpu.memory_space<vmem_shared>>) target_semaphore(%run_scoped3A : memref<!tpu.dma_semaphore, #tpu.memory_space<semaphore_mem>>)
        %dma_wait3A = arith.constant 0 : i32
        %dma_wait3A_30 = tpu.memref_slice %arg7[%mul3A_4, %dma_wait3A] : memref<10000x128xf32, #tpu.memory_space<vmem_shared>> -> memref<624x128xf32, #tpu.memory_space<vmem_shared>>
        %dma_wait3A_31 = arith.constant 0 : i32
        %dma_wait3A_32 = tpu.memref_slice %arg2[%mul3A_4, %dma_wait3A_31] : memref<10000x128xf32, #tpu.memory_space<hbm>> -> memref<624x128xf32, #tpu.memory_space<hbm>>
        tpu.wait_dma2 semaphore(%run_scoped3A : memref<!tpu.dma_semaphore, #tpu.memory_space<semaphore_mem>>) src(%dma_wait3A_32 : memref<624x128xf32, #tpu.memory_space<hbm>>) dst(%dma_wait3A_30 : memref<624x128xf32, #tpu.memory_space<vmem_shared>>)
        tpu.yield
      }) : () -> ()
      %eq3A_22 = arith.constant 15 : i32
      %eq3A_23 = arith.cmpi eq, %arg1, %eq3A_22 : i32
      %convert_element_type3A_24 = arith.extui %eq3A_23 : i1 to i32
      %cond3A_25 = arith.constant 0 : i32
      %cond3A_26 = arith.cmpi ne, %convert_element_type3A_24, %cond3A_25 : i32
      scf.if %cond3A_26 {
        "tpu.region"() ({
          %run_scoped3A = tpu.sem_alloc : memref<!tpu.dma_semaphore, #tpu.memory_space<semaphore_mem>>
          %dma_start3A = arith.constant 9984 : i32
          %dma_start3A_27 = arith.constant 0 : i32
          %dma_start3A_28 = tpu.memref_slice %arg7[%dma_start3A, %dma_start3A_27] : memref<10000x128xf32, #tpu.memory_space<vmem_shared>> -> memref<16x128xf32, #tpu.memory_space<vmem_shared>>
          %dma_start3A_29 = arith.constant 9984 : i32
          %dma_start3A_30 = arith.constant 0 : i32
          %dma_start3A_31 = tpu.memref_slice %arg2[%dma_start3A_29, %dma_start3A_30] : memref<10000x128xf32, #tpu.memory_space<hbm>> -> memref<16x128xf32, #tpu.memory_space<hbm>>
          tpu.enqueue_dma source(%dma_start3A_31 : memref<16x128xf32, #tpu.memory_space<hbm>>) target(%dma_start3A_28 : memref<16x128xf32, #tpu.memory_space<vmem_shared>>) target_semaphore(%run_scoped3A : memref<!tpu.dma_semaphore, #tpu.memory_space<semaphore_mem>>)
          %dma_wait3A = arith.constant 9984 : i32
          %dma_wait3A_32 = arith.constant 0 : i32
          %dma_wait3A_33 = tpu.memref_slice %arg7[%dma_wait3A, %dma_wait3A_32] : memref<10000x128xf32, #tpu.memory_space<vmem_shared>> -> memref<16x128xf32, #tpu.memory_space<vmem_shared>>
          %dma_wait3A_34 = arith.constant 9984 : i32
          %dma_wait3A_35 = arith.constant 0 : i32
          %dma_wait3A_36 = tpu.memref_slice %arg2[%dma_wait3A_34, %dma_wait3A_35] : memref<10000x128xf32, #tpu.memory_space<hbm>> -> memref<16x128xf32, #tpu.memory_space<hbm>>
          tpu.wait_dma2 semaphore(%run_scoped3A : memref<!tpu.dma_semaphore, #tpu.memory_space<semaphore_mem>>) src(%dma_wait3A_36 : memref<16x128xf32, #tpu.memory_space<hbm>>) dst(%dma_wait3A_33 : memref<16x128xf32, #tpu.memory_space<vmem_shared>>)
          tpu.yield
        }) : () -> ()
      } else {
      }
    } else {
    }
    %eq3A_7 = arith.constant 1 : i32
    %eq3A_8 = arith.cmpi eq, %arg0, %eq3A_7 : i32
    %convert_element_type3A_9 = arith.extui %eq3A_8 : i1 to i32
    %cond3A_10 = arith.constant 0 : i32
    %cond3A_11 = arith.cmpi ne, %convert_element_type3A_9, %cond3A_10 : i32
    scf.if %cond3A_11 {
      "tpu.region"() ({
        %run_scoped3A = tpu.sem_alloc : memref<!tpu.dma_semaphore, #tpu.memory_space<semaphore_mem>>
        %dma_start3A = arith.constant 0 : i32
        %dma_start3A_27 = tpu.memref_slice %arg7[%mul3A_4, %dma_start3A] : memref<10000x128xf32, #tpu.memory_space<vmem_shared>> -> memref<624x128xf32, #tpu.memory_space<vmem_shared>>
        %dma_start3A_28 = arith.constant 0 : i32
        %dma_start3A_29 = tpu.memref_slice %arg5[%mul3A_4, %dma_start3A_28] : memref<10000x128xf32, #tpu.memory_space<hbm>> -> memref<624x128xf32, #tpu.memory_space<hbm>>
        tpu.enqueue_dma source(%dma_start3A_29 : memref<624x128xf32, #tpu.memory_space<hbm>>) target(%dma_start3A_27 : memref<624x128xf32, #tpu.memory_space<vmem_shared>>) target_semaphore(%run_scoped3A : memref<!tpu.dma_semaphore, #tpu.memory_space<semaphore_mem>>)
        %dma_wait3A = arith.constant 0 : i32
        %dma_wait3A_30 = tpu.memref_slice %arg7[%mul3A_4, %dma_wait3A] : memref<10000x128xf32, #tpu.memory_space<vmem_shared>> -> memref<624x128xf32, #tpu.memory_space<vmem_shared>>
        %dma_wait3A_31 = arith.constant 0 : i32
        %dma_wait3A_32 = tpu.memref_slice %arg5[%mul3A_4, %dma_wait3A_31] : memref<10000x128xf32, #tpu.memory_space<hbm>> -> memref<624x128xf32, #tpu.memory_space<hbm>>
        tpu.wait_dma2 semaphore(%run_scoped3A : memref<!tpu.dma_semaphore, #tpu.memory_space<semaphore_mem>>) src(%dma_wait3A_32 : memref<624x128xf32, #tpu.memory_space<hbm>>) dst(%dma_wait3A_30 : memref<624x128xf32, #tpu.memory_space<vmem_shared>>)
        tpu.yield
      }) : () -> ()
      %eq3A_22 = arith.constant 15 : i32
      %eq3A_23 = arith.cmpi eq, %arg1, %eq3A_22 : i32
      %convert_element_type3A_24 = arith.extui %eq3A_23 : i1 to i32
      %cond3A_25 = arith.constant 0 : i32
      %cond3A_26 = arith.cmpi ne, %convert_element_type3A_24, %cond3A_25 : i32
      scf.if %cond3A_26 {
        "tpu.region"() ({
          %run_scoped3A = tpu.sem_alloc : memref<!tpu.dma_semaphore, #tpu.memory_space<semaphore_mem>>
          %dma_start3A = arith.constant 9984 : i32
          %dma_start3A_27 = arith.constant 0 : i32
          %dma_start3A_28 = tpu.memref_slice %arg7[%dma_start3A, %dma_start3A_27] : memref<10000x128xf32, #tpu.memory_space<vmem_shared>> -> memref<16x128xf32, #tpu.memory_space<vmem_shared>>
          %dma_start3A_29 = arith.constant 9984 : i32
          %dma_start3A_30 = arith.constant 0 : i32
          %dma_start3A_31 = tpu.memref_slice %arg5[%dma_start3A_29, %dma_start3A_30] : memref<10000x128xf32, #tpu.memory_space<hbm>> -> memref<16x128xf32, #tpu.memory_space<hbm>>
          tpu.enqueue_dma source(%dma_start3A_31 : memref<16x128xf32, #tpu.memory_space<hbm>>) target(%dma_start3A_28 : memref<16x128xf32, #tpu.memory_space<vmem_shared>>) target_semaphore(%run_scoped3A : memref<!tpu.dma_semaphore, #tpu.memory_space<semaphore_mem>>)
          %dma_wait3A = arith.constant 9984 : i32
          %dma_wait3A_32 = arith.constant 0 : i32
          %dma_wait3A_33 = tpu.memref_slice %arg7[%dma_wait3A, %dma_wait3A_32] : memref<10000x128xf32, #tpu.memory_space<vmem_shared>> -> memref<16x128xf32, #tpu.memory_space<vmem_shared>>
          %dma_wait3A_34 = arith.constant 9984 : i32
          %dma_wait3A_35 = arith.constant 0 : i32
          %dma_wait3A_36 = tpu.memref_slice %arg5[%dma_wait3A_34, %dma_wait3A_35] : memref<10000x128xf32, #tpu.memory_space<hbm>> -> memref<16x128xf32, #tpu.memory_space<hbm>>
          tpu.wait_dma2 semaphore(%run_scoped3A : memref<!tpu.dma_semaphore, #tpu.memory_space<semaphore_mem>>) src(%dma_wait3A_36 : memref<16x128xf32, #tpu.memory_space<hbm>>) dst(%dma_wait3A_33 : memref<16x128xf32, #tpu.memory_space<vmem_shared>>)
          tpu.yield
        }) : () -> ()
      } else {
      }
    } else {
    }
    %barrier3A = arith.constant 0 : index
    tpu.barrier barrier_id(%barrier3A)
    %scan3A = arith.constant 0 : i32
    %scan3A_12 = arith.constant 33 : i32
    %scan3A_13 = arith.addi %scan3A, %scan3A_12 : i32
    %scan3A_14 = arith.constant 1 : i32
    scf.for %scan3A_22 = %scan3A to %scan3A_13 step %scan3A_14  : i32 {
      %mul3A_23 = arith.constant 1 : i32
      %mul3A_24 = arith.muli %scan3A_22, %mul3A_23 : i32
      %add3A_25 = arith.constant 0 : i32
      %add3A_26 = arith.addi %add3A_25, %mul3A_24 : i32
      %mul3A_27 = arith.constant 4 : i32
      %mul3A_28 = arith.muli %add3A_26, %mul3A_27 : i32
      %add3A_29 = arith.constant 0 : i32
      %add3A_30 = arith.addi %mul3A_28, %add3A_29 : i32
      %ge3A = arith.constant 4 : i32
      %ge3A_31 = arith.cmpi sge, %add3A_30, %ge3A : i32
      %lt3A = arith.constant 129 : i32
      %lt3A_32 = arith.cmpi slt, %add3A_30, %lt3A : i32
      %and3A = arith.andi %ge3A_31, %lt3A_32 : i1
      %convert_element_type3A_33 = arith.extui %and3A : i1 to i32
      %cond3A_34 = arith.constant 0 : i32
      %cond3A_35 = arith.cmpi ne, %convert_element_type3A_33, %cond3A_34 : i32
      scf.if %cond3A_35 {
        %dma_wait3A = arith.constant 0 : i32
        %dma_wait3A_156 = arith.constant 0 : i32
        %dma_wait3A_157 = arith.constant 0 : i32
        %dma_wait3A_158 = arith.constant 0 : i32
        %dma_wait3A_159 = arith.constant 0 : i32
        %dma_wait3A_160 = tpu.memref_slice %arg10[%dma_wait3A, %dma_wait3A_158, %dma_wait3A_159] : memref<4x80x128xf32, #tpu.memory_space<vmem>> -> memref<1x80x128xf32, #tpu.memory_space<vmem>>
        %dma_wait3A_161 = tpu.memref_squeeze %dma_wait3A_160 : memref<1x80x128xf32, #tpu.memory_space<vmem>> -> memref<80x128xf32, #tpu.memory_space<vmem>>
        %dma_wait3A_162 = arith.constant 0 : i32
        %dma_wait3A_163 = tpu.memref_slice %arg9[%dma_wait3A_156, %dma_wait3A_162] : memref<4x80xi32, #tpu.memory_space<vmem>> -> memref<1x80xi32, #tpu.memory_space<vmem>>
        %dma_wait3A_164 = tpu.memref_squeeze %dma_wait3A_163 : memref<1x80xi32, #tpu.memory_space<vmem>> -> memref<80xi32, #tpu.memory_space<vmem>>
        %dma_wait3A_165 = arith.constant 0 : i32
        %dma_wait3A_166 = arith.constant 0 : i32
        %dma_wait3A_167 = tpu.memref_slice %arg7[%dma_wait3A_165, %dma_wait3A_166] : memref<10000x128xf32, #tpu.memory_space<vmem_shared>> -> memref<10000x128xf32, #tpu.memory_space<vmem_shared>>
        %dma_wait3A_168 = tpu.memref_slice %arg13[%dma_wait3A_157] : memref<4x!tpu.dma_semaphore, #tpu.memory_space<semaphore_mem>> -> memref<1x!tpu.dma_semaphore, #tpu.memory_space<semaphore_mem>>
        %dma_wait3A_169 = tpu.memref_squeeze %dma_wait3A_168 : memref<1x!tpu.dma_semaphore, #tpu.memory_space<semaphore_mem>> -> memref<!tpu.dma_semaphore, #tpu.memory_space<semaphore_mem>>
        tpu.wait_indirect_dma semaphore(%dma_wait3A_169 : memref<!tpu.dma_semaphore, #tpu.memory_space<semaphore_mem>>) src(%dma_wait3A_161 : memref<80x128xf32, #tpu.memory_space<vmem>>) dst(%dma_wait3A_167 : memref<10000x128xf32, #tpu.memory_space<vmem_shared>>)
      } else {
      }
      %lt3A_36 = arith.constant 125 : i32
      %lt3A_37 = arith.cmpi slt, %add3A_30, %lt3A_36 : i32
      %convert_element_type3A_38 = arith.extui %lt3A_37 : i1 to i32
      %cond3A_39 = arith.constant 0 : i32
      %cond3A_40 = arith.cmpi ne, %convert_element_type3A_38, %cond3A_39 : i32
      scf.if %cond3A_40 {
        %mul3A_156 = arith.constant 80 : i32
        %mul3A_157 = arith.muli %add3A_30, %mul3A_156 : i32
        %add3A_158 = arith.addi %mul3A_2, %mul3A_157 : i32
        %dma_start3A = arith.constant 0 : i32
        %dma_start3A_159 = arith.constant 0 : i32
        %dma_start3A_160 = arith.constant 0 : i32
        %dma_start3A_161 = tpu.memref_slice %arg8[%dma_start3A, %dma_start3A_160] : memref<4x80xi32, #tpu.memory_space<vmem>> -> memref<1x80xi32, #tpu.memory_space<vmem>>
        %dma_start3A_162 = tpu.memref_squeeze %dma_start3A_161 : memref<1x80xi32, #tpu.memory_space<vmem>> -> memref<80xi32, #tpu.memory_space<vmem>>
        %dma_start3A_163 = tpu.memref_slice %arg3[%add3A_158] : memref<320000xi32, #tpu.memory_space<hbm>> -> memref<80xi32, #tpu.memory_space<hbm>>
        %dma_start3A_164 = tpu.memref_slice %arg11[%dma_start3A_159] : memref<4x!tpu.dma_semaphore, #tpu.memory_space<semaphore_mem>> -> memref<1x!tpu.dma_semaphore, #tpu.memory_space<semaphore_mem>>
        %dma_start3A_165 = tpu.memref_squeeze %dma_start3A_164 : memref<1x!tpu.dma_semaphore, #tpu.memory_space<semaphore_mem>> -> memref<!tpu.dma_semaphore, #tpu.memory_space<semaphore_mem>>
        %dma_start3A_166 = arith.constant 0 : i32
        %dma_start3A_167 = tpu.memref_slice %arg8[%dma_start3A, %dma_start3A_166] : memref<4x80xi32, #tpu.memory_space<vmem>> -> memref<1x80xi32, #tpu.memory_space<vmem>>
        %dma_start3A_168 = tpu.memref_squeeze %dma_start3A_167 : memref<1x80xi32, #tpu.memory_space<vmem>> -> memref<80xi32, #tpu.memory_space<vmem>>
        %dma_start3A_169 = tpu.memref_slice %arg3[%add3A_158] : memref<320000xi32, #tpu.memory_space<hbm>> -> memref<80xi32, #tpu.memory_space<hbm>>
        tpu.enqueue_dma source(%dma_start3A_169 : memref<80xi32, #tpu.memory_space<hbm>>) target(%dma_start3A_168 : memref<80xi32, #tpu.memory_space<vmem>>) target_semaphore(%dma_start3A_165 : memref<!tpu.dma_semaphore, #tpu.memory_space<semaphore_mem>>)
        %dma_start3A_170 = arith.constant 0 : i32
        %dma_start3A_171 = arith.constant 0 : i32
        %dma_start3A_172 = arith.constant 0 : i32
        %dma_start3A_173 = tpu.memref_slice %arg9[%dma_start3A_170, %dma_start3A_172] : memref<4x80xi32, #tpu.memory_space<vmem>> -> memref<1x80xi32, #tpu.memory_space<vmem>>
        %dma_start3A_174 = tpu.memref_squeeze %dma_start3A_173 : memref<1x80xi32, #tpu.memory_space<vmem>> -> memref<80xi32, #tpu.memory_space<vmem>>
        %dma_start3A_175 = tpu.memref_slice %arg4[%add3A_158] : memref<320000xi32, #tpu.memory_space<hbm>> -> memref<80xi32, #tpu.memory_space<hbm>>
        %dma_start3A_176 = tpu.memref_slice %arg11[%dma_start3A_171] : memref<4x!tpu.dma_semaphore, #tpu.memory_space<semaphore_mem>> -> memref<1x!tpu.dma_semaphore, #tpu.memory_space<semaphore_mem>>
        %dma_start3A_177 = tpu.memref_squeeze %dma_start3A_176 : memref<1x!tpu.dma_semaphore, #tpu.memory_space<semaphore_mem>> -> memref<!tpu.dma_semaphore, #tpu.memory_space<semaphore_mem>>
        %dma_start3A_178 = arith.constant 0 : i32
        %dma_start3A_179 = tpu.memref_slice %arg9[%dma_start3A_170, %dma_start3A_178] : memref<4x80xi32, #tpu.memory_space<vmem>> -> memref<1x80xi32, #tpu.memory_space<vmem>>
        %dma_start3A_180 = tpu.memref_squeeze %dma_start3A_179 : memref<1x80xi32, #tpu.memory_space<vmem>> -> memref<80xi32, #tpu.memory_space<vmem>>
        %dma_start3A_181 = tpu.memref_slice %arg4[%add3A_158] : memref<320000xi32, #tpu.memory_space<hbm>> -> memref<80xi32, #tpu.memory_space<hbm>>
        tpu.enqueue_dma source(%dma_start3A_181 : memref<80xi32, #tpu.memory_space<hbm>>) target(%dma_start3A_180 : memref<80xi32, #tpu.memory_space<vmem>>) target_semaphore(%dma_start3A_177 : memref<!tpu.dma_semaphore, #tpu.memory_space<semaphore_mem>>)
      } else {
      }
      %ge3A_41 = arith.constant 1 : i32
      %ge3A_42 = arith.cmpi sge, %add3A_30, %ge3A_41 : i32
      %lt3A_43 = arith.constant 126 : i32
      %lt3A_44 = arith.cmpi slt, %add3A_30, %lt3A_43 : i32
      %and3A_45 = arith.andi %ge3A_42, %lt3A_44 : i1
      %convert_element_type3A_46 = arith.extui %and3A_45 : i1 to i32
      %cond3A_47 = arith.constant 0 : i32
      %cond3A_48 = arith.cmpi ne, %convert_element_type3A_46, %cond3A_47 : i32
      scf.if %cond3A_48 {
        %dma_wait3A = arith.constant 3 : i32
        %dma_wait3A_156 = arith.constant 3 : i32
        %dma_wait3A_157 = arith.constant 0 : i32
        %dma_wait3A_158 = tpu.memref_slice %arg8[%dma_wait3A, %dma_wait3A_157] : memref<4x80xi32, #tpu.memory_space<vmem>> -> memref<1x80xi32, #tpu.memory_space<vmem>>
        %dma_wait3A_159 = tpu.memref_squeeze %dma_wait3A_158 : memref<1x80xi32, #tpu.memory_space<vmem>> -> memref<80xi32, #tpu.memory_space<vmem>>
        %dma_wait3A_160 = tpu.memref_slice %arg3[%mul3A_2] : memref<320000xi32, #tpu.memory_space<hbm>> -> memref<80xi32, #tpu.memory_space<hbm>>
        %dma_wait3A_161 = tpu.memref_slice %arg11[%dma_wait3A_156] : memref<4x!tpu.dma_semaphore, #tpu.memory_space<semaphore_mem>> -> memref<1x!tpu.dma_semaphore, #tpu.memory_space<semaphore_mem>>
        %dma_wait3A_162 = tpu.memref_squeeze %dma_wait3A_161 : memref<1x!tpu.dma_semaphore, #tpu.memory_space<semaphore_mem>> -> memref<!tpu.dma_semaphore, #tpu.memory_space<semaphore_mem>>
        %dma_wait3A_163 = arith.constant 0 : i32
        %dma_wait3A_164 = tpu.memref_slice %arg8[%dma_wait3A, %dma_wait3A_163] : memref<4x80xi32, #tpu.memory_space<vmem>> -> memref<1x80xi32, #tpu.memory_space<vmem>>
        %dma_wait3A_165 = tpu.memref_squeeze %dma_wait3A_164 : memref<1x80xi32, #tpu.memory_space<vmem>> -> memref<80xi32, #tpu.memory_space<vmem>>
        %dma_wait3A_166 = tpu.memref_slice %arg3[%mul3A_2] : memref<320000xi32, #tpu.memory_space<hbm>> -> memref<80xi32, #tpu.memory_space<hbm>>
        tpu.wait_dma2 semaphore(%dma_wait3A_162 : memref<!tpu.dma_semaphore, #tpu.memory_space<semaphore_mem>>) src(%dma_wait3A_166 : memref<80xi32, #tpu.memory_space<hbm>>) dst(%dma_wait3A_165 : memref<80xi32, #tpu.memory_space<vmem>>)
        %dma_wait3A_167 = arith.constant 3 : i32
        %dma_wait3A_168 = arith.constant 3 : i32
        %dma_wait3A_169 = arith.constant 0 : i32
        %dma_wait3A_170 = tpu.memref_slice %arg9[%dma_wait3A_167, %dma_wait3A_169] : memref<4x80xi32, #tpu.memory_space<vmem>> -> memref<1x80xi32, #tpu.memory_space<vmem>>
        %dma_wait3A_171 = tpu.memref_squeeze %dma_wait3A_170 : memref<1x80xi32, #tpu.memory_space<vmem>> -> memref<80xi32, #tpu.memory_space<vmem>>
        %dma_wait3A_172 = tpu.memref_slice %arg4[%mul3A_2] : memref<320000xi32, #tpu.memory_space<hbm>> -> memref<80xi32, #tpu.memory_space<hbm>>
        %dma_wait3A_173 = tpu.memref_slice %arg11[%dma_wait3A_168] : memref<4x!tpu.dma_semaphore, #tpu.memory_space<semaphore_mem>> -> memref<1x!tpu.dma_semaphore, #tpu.memory_space<semaphore_mem>>
        %dma_wait3A_174 = tpu.memref_squeeze %dma_wait3A_173 : memref<1x!tpu.dma_semaphore, #tpu.memory_space<semaphore_mem>> -> memref<!tpu.dma_semaphore, #tpu.memory_space<semaphore_mem>>
        %dma_wait3A_175 = arith.constant 0 : i32
        %dma_wait3A_176 = tpu.memref_slice %arg9[%dma_wait3A_167, %dma_wait3A_175] : memref<4x80xi32, #tpu.memory_space<vmem>> -> memref<1x80xi32, #tpu.memory_space<vmem>>
        %dma_wait3A_177 = tpu.memref_squeeze %dma_wait3A_176 : memref<1x80xi32, #tpu.memory_space<vmem>> -> memref<80xi32, #tpu.memory_space<vmem>>
        %dma_wait3A_178 = tpu.memref_slice %arg4[%mul3A_2] : memref<320000xi32, #tpu.memory_space<hbm>> -> memref<80xi32, #tpu.memory_space<hbm>>
        tpu.wait_dma2 semaphore(%dma_wait3A_174 : memref<!tpu.dma_semaphore, #tpu.memory_space<semaphore_mem>>) src(%dma_wait3A_178 : memref<80xi32, #tpu.memory_space<hbm>>) dst(%dma_wait3A_177 : memref<80xi32, #tpu.memory_space<vmem>>)
        %dma_start3A = arith.constant 3 : i32
        %dma_start3A_179 = arith.constant 3 : i32
        %dma_start3A_180 = arith.constant 3 : i32
        %dma_start3A_181 = arith.constant 0 : i32
        %dma_start3A_182 = arith.constant 0 : i32
        %dma_start3A_183 = tpu.memref_slice %arg10[%dma_start3A_179, %dma_start3A_181, %dma_start3A_182] : memref<4x80x128xf32, #tpu.memory_space<vmem>> -> memref<1x80x128xf32, #tpu.memory_space<vmem>>
        %dma_start3A_184 = tpu.memref_squeeze %dma_start3A_183 : memref<1x80x128xf32, #tpu.memory_space<vmem>> -> memref<80x128xf32, #tpu.memory_space<vmem>>
        %dma_start3A_185 = arith.constant 0 : i32
        %dma_start3A_186 = tpu.memref_slice %arg8[%dma_start3A, %dma_start3A_185] : memref<4x80xi32, #tpu.memory_space<vmem>> -> memref<1x80xi32, #tpu.memory_space<vmem>>
        %dma_start3A_187 = tpu.memref_squeeze %dma_start3A_186 : memref<1x80xi32, #tpu.memory_space<vmem>> -> memref<80xi32, #tpu.memory_space<vmem>>
        %dma_start3A_188 = arith.constant 0 : i32
        %dma_start3A_189 = arith.constant 0 : i32
        %dma_start3A_190 = tpu.memref_slice %arg2[%dma_start3A_188, %dma_start3A_189] : memref<10000x128xf32, #tpu.memory_space<hbm>> -> memref<10000x128xf32, #tpu.memory_space<hbm>>
        %dma_start3A_191 = tpu.memref_slice %arg12[%dma_start3A_180] : memref<4x!tpu.dma_semaphore, #tpu.memory_space<semaphore_mem>> -> memref<1x!tpu.dma_semaphore, #tpu.memory_space<semaphore_mem>>
        %dma_start3A_192 = tpu.memref_squeeze %dma_start3A_191 : memref<1x!tpu.dma_semaphore, #tpu.memory_space<semaphore_mem>> -> memref<!tpu.dma_semaphore, #tpu.memory_space<semaphore_mem>>
        tpu.enqueue_indirect_dma source(%dma_start3A_190 : memref<10000x128xf32, #tpu.memory_space<hbm>>) target(%dma_start3A_184 : memref<80x128xf32, #tpu.memory_space<vmem>>) offsets(%dma_start3A_187 : memref<80xi32, #tpu.memory_space<vmem>>) semaphore(%dma_start3A_192 : memref<!tpu.dma_semaphore, #tpu.memory_space<semaphore_mem>>)
      } else {
      }
      %ge3A_49 = arith.constant 2 : i32
      %ge3A_50 = arith.cmpi sge, %add3A_30, %ge3A_49 : i32
      %lt3A_51 = arith.constant 127 : i32
      %lt3A_52 = arith.cmpi slt, %add3A_30, %lt3A_51 : i32
      %and3A_53 = arith.andi %ge3A_50, %lt3A_52 : i1
      %convert_element_type3A_54 = arith.extui %and3A_53 : i1 to i32
      %cond3A_55 = arith.constant 0 : i32
      %cond3A_56 = arith.cmpi ne, %convert_element_type3A_54, %cond3A_55 : i32
      scf.if %cond3A_56 {
        %dma_wait3A = arith.constant 2 : i32
        %dma_wait3A_156 = arith.constant 2 : i32
        %dma_wait3A_157 = arith.constant 2 : i32
        %dma_wait3A_158 = arith.constant 0 : i32
        %dma_wait3A_159 = arith.constant 0 : i32
        %dma_wait3A_160 = tpu.memref_slice %arg10[%dma_wait3A_156, %dma_wait3A_158, %dma_wait3A_159] : memref<4x80x128xf32, #tpu.memory_space<vmem>> -> memref<1x80x128xf32, #tpu.memory_space<vmem>>
        %dma_wait3A_161 = tpu.memref_squeeze %dma_wait3A_160 : memref<1x80x128xf32, #tpu.memory_space<vmem>> -> memref<80x128xf32, #tpu.memory_space<vmem>>
        %dma_wait3A_162 = arith.constant 0 : i32
        %dma_wait3A_163 = tpu.memref_slice %arg8[%dma_wait3A, %dma_wait3A_162] : memref<4x80xi32, #tpu.memory_space<vmem>> -> memref<1x80xi32, #tpu.memory_space<vmem>>
        %dma_wait3A_164 = tpu.memref_squeeze %dma_wait3A_163 : memref<1x80xi32, #tpu.memory_space<vmem>> -> memref<80xi32, #tpu.memory_space<vmem>>
        %dma_wait3A_165 = arith.constant 0 : i32
        %dma_wait3A_166 = arith.constant 0 : i32
        %dma_wait3A_167 = tpu.memref_slice %arg2[%dma_wait3A_165, %dma_wait3A_166] : memref<10000x128xf32, #tpu.memory_space<hbm>> -> memref<10000x128xf32, #tpu.memory_space<hbm>>
        %dma_wait3A_168 = tpu.memref_slice %arg12[%dma_wait3A_157] : memref<4x!tpu.dma_semaphore, #tpu.memory_space<semaphore_mem>> -> memref<1x!tpu.dma_semaphore, #tpu.memory_space<semaphore_mem>>
        %dma_wait3A_169 = tpu.memref_squeeze %dma_wait3A_168 : memref<1x!tpu.dma_semaphore, #tpu.memory_space<semaphore_mem>> -> memref<!tpu.dma_semaphore, #tpu.memory_space<semaphore_mem>>
        tpu.wait_indirect_dma semaphore(%dma_wait3A_169 : memref<!tpu.dma_semaphore, #tpu.memory_space<semaphore_mem>>) src(%dma_wait3A_167 : memref<10000x128xf32, #tpu.memory_space<hbm>>) dst(%dma_wait3A_161 : memref<80x128xf32, #tpu.memory_space<vmem>>)
        %dma_start3A = arith.constant 2 : i32
        %dma_start3A_170 = arith.constant 2 : i32
        %dma_start3A_171 = arith.constant 2 : i32
        %dma_start3A_172 = arith.constant 0 : i32
        %dma_start3A_173 = arith.constant 0 : i32
        %dma_start3A_174 = tpu.memref_slice %arg10[%dma_start3A, %dma_start3A_172, %dma_start3A_173] : memref<4x80x128xf32, #tpu.memory_space<vmem>> -> memref<1x80x128xf32, #tpu.memory_space<vmem>>
        %dma_start3A_175 = tpu.memref_squeeze %dma_start3A_174 : memref<1x80x128xf32, #tpu.memory_space<vmem>> -> memref<80x128xf32, #tpu.memory_space<vmem>>
        %dma_start3A_176 = arith.constant 0 : i32
        %dma_start3A_177 = tpu.memref_slice %arg9[%dma_start3A_170, %dma_start3A_176] : memref<4x80xi32, #tpu.memory_space<vmem>> -> memref<1x80xi32, #tpu.memory_space<vmem>>
        %dma_start3A_178 = tpu.memref_squeeze %dma_start3A_177 : memref<1x80xi32, #tpu.memory_space<vmem>> -> memref<80xi32, #tpu.memory_space<vmem>>
        %dma_start3A_179 = arith.constant 0 : i32
        %dma_start3A_180 = arith.constant 0 : i32
        %dma_start3A_181 = tpu.memref_slice %arg7[%dma_start3A_179, %dma_start3A_180] : memref<10000x128xf32, #tpu.memory_space<vmem_shared>> -> memref<10000x128xf32, #tpu.memory_space<vmem_shared>>
        %dma_start3A_182 = tpu.memref_slice %arg13[%dma_start3A_171] : memref<4x!tpu.dma_semaphore, #tpu.memory_space<semaphore_mem>> -> memref<1x!tpu.dma_semaphore, #tpu.memory_space<semaphore_mem>>
        %dma_start3A_183 = tpu.memref_squeeze %dma_start3A_182 : memref<1x!tpu.dma_semaphore, #tpu.memory_space<semaphore_mem>> -> memref<!tpu.dma_semaphore, #tpu.memory_space<semaphore_mem>>
        tpu.enqueue_indirect_dma source(%dma_start3A_175 : memref<80x128xf32, #tpu.memory_space<vmem>>) target(%dma_start3A_181 : memref<10000x128xf32, #tpu.memory_space<vmem_shared>>) offsets(%dma_start3A_178 : memref<80xi32, #tpu.memory_space<vmem>>) semaphore(%dma_start3A_183 : memref<!tpu.dma_semaphore, #tpu.memory_space<semaphore_mem>>) {add = true}
      } else {
      }
      %mul3A_57 = arith.constant 4 : i32
      %mul3A_58 = arith.muli %add3A_26, %mul3A_57 : i32
      %add3A_59 = arith.constant 1 : i32
      %add3A_60 = arith.addi %mul3A_58, %add3A_59 : i32
      %ge3A_61 = arith.constant 4 : i32
      %ge3A_62 = arith.cmpi sge, %add3A_60, %ge3A_61 : i32
      %lt3A_63 = arith.constant 129 : i32
      %lt3A_64 = arith.cmpi slt, %add3A_60, %lt3A_63 : i32
      %and3A_65 = arith.andi %ge3A_62, %lt3A_64 : i1
      %convert_element_type3A_66 = arith.extui %and3A_65 : i1 to i32
      %cond3A_67 = arith.constant 0 : i32
      %cond3A_68 = arith.cmpi ne, %convert_element_type3A_66, %cond3A_67 : i32
      scf.if %cond3A_68 {
        %dma_wait3A = arith.constant 1 : i32
        %dma_wait3A_156 = arith.constant 1 : i32
        %dma_wait3A_157 = arith.constant 1 : i32
        %dma_wait3A_158 = arith.constant 0 : i32
        %dma_wait3A_159 = arith.constant 0 : i32
        %dma_wait3A_160 = tpu.memref_slice %arg10[%dma_wait3A, %dma_wait3A_158, %dma_wait3A_159] : memref<4x80x128xf32, #tpu.memory_space<vmem>> -> memref<1x80x128xf32, #tpu.memory_space<vmem>>
        %dma_wait3A_161 = tpu.memref_squeeze %dma_wait3A_160 : memref<1x80x128xf32, #tpu.memory_space<vmem>> -> memref<80x128xf32, #tpu.memory_space<vmem>>
        %dma_wait3A_162 = arith.constant 0 : i32
        %dma_wait3A_163 = tpu.memref_slice %arg9[%dma_wait3A_156, %dma_wait3A_162] : memref<4x80xi32, #tpu.memory_space<vmem>> -> memref<1x80xi32, #tpu.memory_space<vmem>>
        %dma_wait3A_164 = tpu.memref_squeeze %dma_wait3A_163 : memref<1x80xi32, #tpu.memory_space<vmem>> -> memref<80xi32, #tpu.memory_space<vmem>>
        %dma_wait3A_165 = arith.constant 0 : i32
        %dma_wait3A_166 = arith.constant 0 : i32
        %dma_wait3A_167 = tpu.memref_slice %arg7[%dma_wait3A_165, %dma_wait3A_166] : memref<10000x128xf32, #tpu.memory_space<vmem_shared>> -> memref<10000x128xf32, #tpu.memory_space<vmem_shared>>
        %dma_wait3A_168 = tpu.memref_slice %arg13[%dma_wait3A_157] : memref<4x!tpu.dma_semaphore, #tpu.memory_space<semaphore_mem>> -> memref<1x!tpu.dma_semaphore, #tpu.memory_space<semaphore_mem>>
        %dma_wait3A_169 = tpu.memref_squeeze %dma_wait3A_168 : memref<1x!tpu.dma_semaphore, #tpu.memory_space<semaphore_mem>> -> memref<!tpu.dma_semaphore, #tpu.memory_space<semaphore_mem>>
        tpu.wait_indirect_dma semaphore(%dma_wait3A_169 : memref<!tpu.dma_semaphore, #tpu.memory_space<semaphore_mem>>) src(%dma_wait3A_161 : memref<80x128xf32, #tpu.memory_space<vmem>>) dst(%dma_wait3A_167 : memref<10000x128xf32, #tpu.memory_space<vmem_shared>>)
      } else {
      }
      %lt3A_69 = arith.constant 125 : i32
      %lt3A_70 = arith.cmpi slt, %add3A_60, %lt3A_69 : i32
      %convert_element_type3A_71 = arith.extui %lt3A_70 : i1 to i32
      %cond3A_72 = arith.constant 0 : i32
      %cond3A_73 = arith.cmpi ne, %convert_element_type3A_71, %cond3A_72 : i32
      scf.if %cond3A_73 {
        %mul3A_156 = arith.constant 80 : i32
        %mul3A_157 = arith.muli %add3A_60, %mul3A_156 : i32
        %add3A_158 = arith.addi %mul3A_2, %mul3A_157 : i32
        %dma_start3A = arith.constant 1 : i32
        %dma_start3A_159 = arith.constant 1 : i32
        %dma_start3A_160 = arith.constant 0 : i32
        %dma_start3A_161 = tpu.memref_slice %arg8[%dma_start3A, %dma_start3A_160] : memref<4x80xi32, #tpu.memory_space<vmem>> -> memref<1x80xi32, #tpu.memory_space<vmem>>
        %dma_start3A_162 = tpu.memref_squeeze %dma_start3A_161 : memref<1x80xi32, #tpu.memory_space<vmem>> -> memref<80xi32, #tpu.memory_space<vmem>>
        %dma_start3A_163 = tpu.memref_slice %arg3[%add3A_158] : memref<320000xi32, #tpu.memory_space<hbm>> -> memref<80xi32, #tpu.memory_space<hbm>>
        %dma_start3A_164 = tpu.memref_slice %arg11[%dma_start3A_159] : memref<4x!tpu.dma_semaphore, #tpu.memory_space<semaphore_mem>> -> memref<1x!tpu.dma_semaphore, #tpu.memory_space<semaphore_mem>>
        %dma_start3A_165 = tpu.memref_squeeze %dma_start3A_164 : memref<1x!tpu.dma_semaphore, #tpu.memory_space<semaphore_mem>> -> memref<!tpu.dma_semaphore, #tpu.memory_space<semaphore_mem>>
        %dma_start3A_166 = arith.constant 0 : i32
        %dma_start3A_167 = tpu.memref_slice %arg8[%dma_start3A, %dma_start3A_166] : memref<4x80xi32, #tpu.memory_space<vmem>> -> memref<1x80xi32, #tpu.memory_space<vmem>>
        %dma_start3A_168 = tpu.memref_squeeze %dma_start3A_167 : memref<1x80xi32, #tpu.memory_space<vmem>> -> memref<80xi32, #tpu.memory_space<vmem>>
        %dma_start3A_169 = tpu.memref_slice %arg3[%add3A_158] : memref<320000xi32, #tpu.memory_space<hbm>> -> memref<80xi32, #tpu.memory_space<hbm>>
        tpu.enqueue_dma source(%dma_start3A_169 : memref<80xi32, #tpu.memory_space<hbm>>) target(%dma_start3A_168 : memref<80xi32, #tpu.memory_space<vmem>>) target_semaphore(%dma_start3A_165 : memref<!tpu.dma_semaphore, #tpu.memory_space<semaphore_mem>>)
        %dma_start3A_170 = arith.constant 1 : i32
        %dma_start3A_171 = arith.constant 1 : i32
        %dma_start3A_172 = arith.constant 0 : i32
        %dma_start3A_173 = tpu.memref_slice %arg9[%dma_start3A_170, %dma_start3A_172] : memref<4x80xi32, #tpu.memory_space<vmem>> -> memref<1x80xi32, #tpu.memory_space<vmem>>
        %dma_start3A_174 = tpu.memref_squeeze %dma_start3A_173 : memref<1x80xi32, #tpu.memory_space<vmem>> -> memref<80xi32, #tpu.memory_space<vmem>>
        %dma_start3A_175 = tpu.memref_slice %arg4[%add3A_158] : memref<320000xi32, #tpu.memory_space<hbm>> -> memref<80xi32, #tpu.memory_space<hbm>>
        %dma_start3A_176 = tpu.memref_slice %arg11[%dma_start3A_171] : memref<4x!tpu.dma_semaphore, #tpu.memory_space<semaphore_mem>> -> memref<1x!tpu.dma_semaphore, #tpu.memory_space<semaphore_mem>>
        %dma_start3A_177 = tpu.memref_squeeze %dma_start3A_176 : memref<1x!tpu.dma_semaphore, #tpu.memory_space<semaphore_mem>> -> memref<!tpu.dma_semaphore, #tpu.memory_space<semaphore_mem>>
        %dma_start3A_178 = arith.constant 0 : i32
        %dma_start3A_179 = tpu.memref_slice %arg9[%dma_start3A_170, %dma_start3A_178] : memref<4x80xi32, #tpu.memory_space<vmem>> -> memref<1x80xi32, #tpu.memory_space<vmem>>
        %dma_start3A_180 = tpu.memref_squeeze %dma_start3A_179 : memref<1x80xi32, #tpu.memory_space<vmem>> -> memref<80xi32, #tpu.memory_space<vmem>>
        %dma_start3A_181 = tpu.memref_slice %arg4[%add3A_158] : memref<320000xi32, #tpu.memory_space<hbm>> -> memref<80xi32, #tpu.memory_space<hbm>>
        tpu.enqueue_dma source(%dma_start3A_181 : memref<80xi32, #tpu.memory_space<hbm>>) target(%dma_start3A_180 : memref<80xi32, #tpu.memory_space<vmem>>) target_semaphore(%dma_start3A_177 : memref<!tpu.dma_semaphore, #tpu.memory_space<semaphore_mem>>)
      } else {
      }
      %ge3A_74 = arith.constant 1 : i32
      %ge3A_75 = arith.cmpi sge, %add3A_60, %ge3A_74 : i32
      %lt3A_76 = arith.constant 126 : i32
      %lt3A_77 = arith.cmpi slt, %add3A_60, %lt3A_76 : i32
      %and3A_78 = arith.andi %ge3A_75, %lt3A_77 : i1
      %convert_element_type3A_79 = arith.extui %and3A_78 : i1 to i32
      %cond3A_80 = arith.constant 0 : i32
      %cond3A_81 = arith.cmpi ne, %convert_element_type3A_79, %cond3A_80 : i32
      scf.if %cond3A_81 {
        %dma_wait3A = arith.constant 0 : i32
        %dma_wait3A_156 = arith.constant 0 : i32
        %dma_wait3A_157 = arith.constant 0 : i32
        %dma_wait3A_158 = tpu.memref_slice %arg8[%dma_wait3A, %dma_wait3A_157] : memref<4x80xi32, #tpu.memory_space<vmem>> -> memref<1x80xi32, #tpu.memory_space<vmem>>
        %dma_wait3A_159 = tpu.memref_squeeze %dma_wait3A_158 : memref<1x80xi32, #tpu.memory_space<vmem>> -> memref<80xi32, #tpu.memory_space<vmem>>
        %dma_wait3A_160 = tpu.memref_slice %arg3[%mul3A_2] : memref<320000xi32, #tpu.memory_space<hbm>> -> memref<80xi32, #tpu.memory_space<hbm>>
        %dma_wait3A_161 = tpu.memref_slice %arg11[%dma_wait3A_156] : memref<4x!tpu.dma_semaphore, #tpu.memory_space<semaphore_mem>> -> memref<1x!tpu.dma_semaphore, #tpu.memory_space<semaphore_mem>>
        %dma_wait3A_162 = tpu.memref_squeeze %dma_wait3A_161 : memref<1x!tpu.dma_semaphore, #tpu.memory_space<semaphore_mem>> -> memref<!tpu.dma_semaphore, #tpu.memory_space<semaphore_mem>>
        %dma_wait3A_163 = arith.constant 0 : i32
        %dma_wait3A_164 = tpu.memref_slice %arg8[%dma_wait3A, %dma_wait3A_163] : memref<4x80xi32, #tpu.memory_space<vmem>> -> memref<1x80xi32, #tpu.memory_space<vmem>>
        %dma_wait3A_165 = tpu.memref_squeeze %dma_wait3A_164 : memref<1x80xi32, #tpu.memory_space<vmem>> -> memref<80xi32, #tpu.memory_space<vmem>>
        %dma_wait3A_166 = tpu.memref_slice %arg3[%mul3A_2] : memref<320000xi32, #tpu.memory_space<hbm>> -> memref<80xi32, #tpu.memory_space<hbm>>
        tpu.wait_dma2 semaphore(%dma_wait3A_162 : memref<!tpu.dma_semaphore, #tpu.memory_space<semaphore_mem>>) src(%dma_wait3A_166 : memref<80xi32, #tpu.memory_space<hbm>>) dst(%dma_wait3A_165 : memref<80xi32, #tpu.memory_space<vmem>>)
        %dma_wait3A_167 = arith.constant 0 : i32
        %dma_wait3A_168 = arith.constant 0 : i32
        %dma_wait3A_169 = arith.constant 0 : i32
        %dma_wait3A_170 = tpu.memref_slice %arg9[%dma_wait3A_167, %dma_wait3A_169] : memref<4x80xi32, #tpu.memory_space<vmem>> -> memref<1x80xi32, #tpu.memory_space<vmem>>
        %dma_wait3A_171 = tpu.memref_squeeze %dma_wait3A_170 : memref<1x80xi32, #tpu.memory_space<vmem>> -> memref<80xi32, #tpu.memory_space<vmem>>
        %dma_wait3A_172 = tpu.memref_slice %arg4[%mul3A_2] : memref<320000xi32, #tpu.memory_space<hbm>> -> memref<80xi32, #tpu.memory_space<hbm>>
        %dma_wait3A_173 = tpu.memref_slice %arg11[%dma_wait3A_168] : memref<4x!tpu.dma_semaphore, #tpu.memory_space<semaphore_mem>> -> memref<1x!tpu.dma_semaphore, #tpu.memory_space<semaphore_mem>>
        %dma_wait3A_174 = tpu.memref_squeeze %dma_wait3A_173 : memref<1x!tpu.dma_semaphore, #tpu.memory_space<semaphore_mem>> -> memref<!tpu.dma_semaphore, #tpu.memory_space<semaphore_mem>>
        %dma_wait3A_175 = arith.constant 0 : i32
        %dma_wait3A_176 = tpu.memref_slice %arg9[%dma_wait3A_167, %dma_wait3A_175] : memref<4x80xi32, #tpu.memory_space<vmem>> -> memref<1x80xi32, #tpu.memory_space<vmem>>
        %dma_wait3A_177 = tpu.memref_squeeze %dma_wait3A_176 : memref<1x80xi32, #tpu.memory_space<vmem>> -> memref<80xi32, #tpu.memory_space<vmem>>
        %dma_wait3A_178 = tpu.memref_slice %arg4[%mul3A_2] : memref<320000xi32, #tpu.memory_space<hbm>> -> memref<80xi32, #tpu.memory_space<hbm>>
        tpu.wait_dma2 semaphore(%dma_wait3A_174 : memref<!tpu.dma_semaphore, #tpu.memory_space<semaphore_mem>>) src(%dma_wait3A_178 : memref<80xi32, #tpu.memory_space<hbm>>) dst(%dma_wait3A_177 : memref<80xi32, #tpu.memory_space<vmem>>)
        %dma_start3A = arith.constant 0 : i32
        %dma_start3A_179 = arith.constant 0 : i32
        %dma_start3A_180 = arith.constant 0 : i32
        %dma_start3A_181 = arith.constant 0 : i32
        %dma_start3A_182 = arith.constant 0 : i32
        %dma_start3A_183 = tpu.memref_slice %arg10[%dma_start3A_179, %dma_start3A_181, %dma_start3A_182] : memref<4x80x128xf32, #tpu.memory_space<vmem>> -> memref<1x80x128xf32, #tpu.memory_space<vmem>>
        %dma_start3A_184 = tpu.memref_squeeze %dma_start3A_183 : memref<1x80x128xf32, #tpu.memory_space<vmem>> -> memref<80x128xf32, #tpu.memory_space<vmem>>
        %dma_start3A_185 = arith.constant 0 : i32
        %dma_start3A_186 = tpu.memref_slice %arg8[%dma_start3A, %dma_start3A_185] : memref<4x80xi32, #tpu.memory_space<vmem>> -> memref<1x80xi32, #tpu.memory_space<vmem>>
        %dma_start3A_187 = tpu.memref_squeeze %dma_start3A_186 : memref<1x80xi32, #tpu.memory_space<vmem>> -> memref<80xi32, #tpu.memory_space<vmem>>
        %dma_start3A_188 = arith.constant 0 : i32
        %dma_start3A_189 = arith.constant 0 : i32
        %dma_start3A_190 = tpu.memref_slice %arg2[%dma_start3A_188, %dma_start3A_189] : memref<10000x128xf32, #tpu.memory_space<hbm>> -> memref<10000x128xf32, #tpu.memory_space<hbm>>
        %dma_start3A_191 = tpu.memref_slice %arg12[%dma_start3A_180] : memref<4x!tpu.dma_semaphore, #tpu.memory_space<semaphore_mem>> -> memref<1x!tpu.dma_semaphore, #tpu.memory_space<semaphore_mem>>
        %dma_start3A_192 = tpu.memref_squeeze %dma_start3A_191 : memref<1x!tpu.dma_semaphore, #tpu.memory_space<semaphore_mem>> -> memref<!tpu.dma_semaphore, #tpu.memory_space<semaphore_mem>>
        tpu.enqueue_indirect_dma source(%dma_start3A_190 : memref<10000x128xf32, #tpu.memory_space<hbm>>) target(%dma_start3A_184 : memref<80x128xf32, #tpu.memory_space<vmem>>) offsets(%dma_start3A_187 : memref<80xi32, #tpu.memory_space<vmem>>) semaphore(%dma_start3A_192 : memref<!tpu.dma_semaphore, #tpu.memory_space<semaphore_mem>>)
      } else {
      }
      %ge3A_82 = arith.constant 2 : i32
      %ge3A_83 = arith.cmpi sge, %add3A_60, %ge3A_82 : i32
      %lt3A_84 = arith.constant 127 : i32
      %lt3A_85 = arith.cmpi slt, %add3A_60, %lt3A_84 : i32
      %and3A_86 = arith.andi %ge3A_83, %lt3A_85 : i1
      %convert_element_type3A_87 = arith.extui %and3A_86 : i1 to i32
      %cond3A_88 = arith.constant 0 : i32
      %cond3A_89 = arith.cmpi ne, %convert_element_type3A_87, %cond3A_88 : i32
      scf.if %cond3A_89 {
        %dma_wait3A = arith.constant 3 : i32
        %dma_wait3A_156 = arith.constant 3 : i32
        %dma_wait3A_157 = arith.constant 3 : i32
        %dma_wait3A_158 = arith.constant 0 : i32
        %dma_wait3A_159 = arith.constant 0 : i32
        %dma_wait3A_160 = tpu.memref_slice %arg10[%dma_wait3A_156, %dma_wait3A_158, %dma_wait3A_159] : memref<4x80x128xf32, #tpu.memory_space<vmem>> -> memref<1x80x128xf32, #tpu.memory_space<vmem>>
        %dma_wait3A_161 = tpu.memref_squeeze %dma_wait3A_160 : memref<1x80x128xf32, #tpu.memory_space<vmem>> -> memref<80x128xf32, #tpu.memory_space<vmem>>
        %dma_wait3A_162 = arith.constant 0 : i32
        %dma_wait3A_163 = tpu.memref_slice %arg8[%dma_wait3A, %dma_wait3A_162] : memref<4x80xi32, #tpu.memory_space<vmem>> -> memref<1x80xi32, #tpu.memory_space<vmem>>
        %dma_wait3A_164 = tpu.memref_squeeze %dma_wait3A_163 : memref<1x80xi32, #tpu.memory_space<vmem>> -> memref<80xi32, #tpu.memory_space<vmem>>
        %dma_wait3A_165 = arith.constant 0 : i32
        %dma_wait3A_166 = arith.constant 0 : i32
        %dma_wait3A_167 = tpu.memref_slice %arg2[%dma_wait3A_165, %dma_wait3A_166] : memref<10000x128xf32, #tpu.memory_space<hbm>> -> memref<10000x128xf32, #tpu.memory_space<hbm>>
        %dma_wait3A_168 = tpu.memref_slice %arg12[%dma_wait3A_157] : memref<4x!tpu.dma_semaphore, #tpu.memory_space<semaphore_mem>> -> memref<1x!tpu.dma_semaphore, #tpu.memory_space<semaphore_mem>>
        %dma_wait3A_169 = tpu.memref_squeeze %dma_wait3A_168 : memref<1x!tpu.dma_semaphore, #tpu.memory_space<semaphore_mem>> -> memref<!tpu.dma_semaphore, #tpu.memory_space<semaphore_mem>>
        tpu.wait_indirect_dma semaphore(%dma_wait3A_169 : memref<!tpu.dma_semaphore, #tpu.memory_space<semaphore_mem>>) src(%dma_wait3A_167 : memref<10000x128xf32, #tpu.memory_space<hbm>>) dst(%dma_wait3A_161 : memref<80x128xf32, #tpu.memory_space<vmem>>)
        %dma_start3A = arith.constant 3 : i32
        %dma_start3A_170 = arith.constant 3 : i32
        %dma_start3A_171 = arith.constant 3 : i32
        %dma_start3A_172 = arith.constant 0 : i32
        %dma_start3A_173 = arith.constant 0 : i32
        %dma_start3A_174 = tpu.memref_slice %arg10[%dma_start3A, %dma_start3A_172, %dma_start3A_173] : memref<4x80x128xf32, #tpu.memory_space<vmem>> -> memref<1x80x128xf32, #tpu.memory_space<vmem>>
        %dma_start3A_175 = tpu.memref_squeeze %dma_start3A_174 : memref<1x80x128xf32, #tpu.memory_space<vmem>> -> memref<80x128xf32, #tpu.memory_space<vmem>>
        %dma_start3A_176 = arith.constant 0 : i32
        %dma_start3A_177 = tpu.memref_slice %arg9[%dma_start3A_170, %dma_start3A_176] : memref<4x80xi32, #tpu.memory_space<vmem>> -> memref<1x80xi32, #tpu.memory_space<vmem>>
        %dma_start3A_178 = tpu.memref_squeeze %dma_start3A_177 : memref<1x80xi32, #tpu.memory_space<vmem>> -> memref<80xi32, #tpu.memory_space<vmem>>
        %dma_start3A_179 = arith.constant 0 : i32
        %dma_start3A_180 = arith.constant 0 : i32
        %dma_start3A_181 = tpu.memref_slice %arg7[%dma_start3A_179, %dma_start3A_180] : memref<10000x128xf32, #tpu.memory_space<vmem_shared>> -> memref<10000x128xf32, #tpu.memory_space<vmem_shared>>
        %dma_start3A_182 = tpu.memref_slice %arg13[%dma_start3A_171] : memref<4x!tpu.dma_semaphore, #tpu.memory_space<semaphore_mem>> -> memref<1x!tpu.dma_semaphore, #tpu.memory_space<semaphore_mem>>
        %dma_start3A_183 = tpu.memref_squeeze %dma_start3A_182 : memref<1x!tpu.dma_semaphore, #tpu.memory_space<semaphore_mem>> -> memref<!tpu.dma_semaphore, #tpu.memory_space<semaphore_mem>>
        tpu.enqueue_indirect_dma source(%dma_start3A_175 : memref<80x128xf32, #tpu.memory_space<vmem>>) target(%dma_start3A_181 : memref<10000x128xf32, #tpu.memory_space<vmem_shared>>) offsets(%dma_start3A_178 : memref<80xi32, #tpu.memory_space<vmem>>) semaphore(%dma_start3A_183 : memref<!tpu.dma_semaphore, #tpu.memory_space<semaphore_mem>>) {add = true}
      } else {
      }
      %mul3A_90 = arith.constant 4 : i32
      %mul3A_91 = arith.muli %add3A_26, %mul3A_90 : i32
      %add3A_92 = arith.constant 2 : i32
      %add3A_93 = arith.addi %mul3A_91, %add3A_92 : i32
      %ge3A_94 = arith.constant 4 : i32
      %ge3A_95 = arith.cmpi sge, %add3A_93, %ge3A_94 : i32
      %lt3A_96 = arith.constant 129 : i32
      %lt3A_97 = arith.cmpi slt, %add3A_93, %lt3A_96 : i32
      %and3A_98 = arith.andi %ge3A_95, %lt3A_97 : i1
      %convert_element_type3A_99 = arith.extui %and3A_98 : i1 to i32
      %cond3A_100 = arith.constant 0 : i32
      %cond3A_101 = arith.cmpi ne, %convert_element_type3A_99, %cond3A_100 : i32
      scf.if %cond3A_101 {
        %dma_wait3A = arith.constant 2 : i32
        %dma_wait3A_156 = arith.constant 2 : i32
        %dma_wait3A_157 = arith.constant 2 : i32
        %dma_wait3A_158 = arith.constant 0 : i32
        %dma_wait3A_159 = arith.constant 0 : i32
        %dma_wait3A_160 = tpu.memref_slice %arg10[%dma_wait3A, %dma_wait3A_158, %dma_wait3A_159] : memref<4x80x128xf32, #tpu.memory_space<vmem>> -> memref<1x80x128xf32, #tpu.memory_space<vmem>>
        %dma_wait3A_161 = tpu.memref_squeeze %dma_wait3A_160 : memref<1x80x128xf32, #tpu.memory_space<vmem>> -> memref<80x128xf32, #tpu.memory_space<vmem>>
        %dma_wait3A_162 = arith.constant 0 : i32
        %dma_wait3A_163 = tpu.memref_slice %arg9[%dma_wait3A_156, %dma_wait3A_162] : memref<4x80xi32, #tpu.memory_space<vmem>> -> memref<1x80xi32, #tpu.memory_space<vmem>>
        %dma_wait3A_164 = tpu.memref_squeeze %dma_wait3A_163 : memref<1x80xi32, #tpu.memory_space<vmem>> -> memref<80xi32, #tpu.memory_space<vmem>>
        %dma_wait3A_165 = arith.constant 0 : i32
        %dma_wait3A_166 = arith.constant 0 : i32
        %dma_wait3A_167 = tpu.memref_slice %arg7[%dma_wait3A_165, %dma_wait3A_166] : memref<10000x128xf32, #tpu.memory_space<vmem_shared>> -> memref<10000x128xf32, #tpu.memory_space<vmem_shared>>
        %dma_wait3A_168 = tpu.memref_slice %arg13[%dma_wait3A_157] : memref<4x!tpu.dma_semaphore, #tpu.memory_space<semaphore_mem>> -> memref<1x!tpu.dma_semaphore, #tpu.memory_space<semaphore_mem>>
        %dma_wait3A_169 = tpu.memref_squeeze %dma_wait3A_168 : memref<1x!tpu.dma_semaphore, #tpu.memory_space<semaphore_mem>> -> memref<!tpu.dma_semaphore, #tpu.memory_space<semaphore_mem>>
        tpu.wait_indirect_dma semaphore(%dma_wait3A_169 : memref<!tpu.dma_semaphore, #tpu.memory_space<semaphore_mem>>) src(%dma_wait3A_161 : memref<80x128xf32, #tpu.memory_space<vmem>>) dst(%dma_wait3A_167 : memref<10000x128xf32, #tpu.memory_space<vmem_shared>>)
      } else {
      }
      %lt3A_102 = arith.constant 125 : i32
      %lt3A_103 = arith.cmpi slt, %add3A_93, %lt3A_102 : i32
      %convert_element_type3A_104 = arith.extui %lt3A_103 : i1 to i32
      %cond3A_105 = arith.constant 0 : i32
      %cond3A_106 = arith.cmpi ne, %convert_element_type3A_104, %cond3A_105 : i32
      scf.if %cond3A_106 {
        %mul3A_156 = arith.constant 80 : i32
        %mul3A_157 = arith.muli %add3A_93, %mul3A_156 : i32
        %add3A_158 = arith.addi %mul3A_2, %mul3A_157 : i32
        %dma_start3A = arith.constant 2 : i32
        %dma_start3A_159 = arith.constant 2 : i32
        %dma_start3A_160 = arith.constant 0 : i32
        %dma_start3A_161 = tpu.memref_slice %arg8[%dma_start3A, %dma_start3A_160] : memref<4x80xi32, #tpu.memory_space<vmem>> -> memref<1x80xi32, #tpu.memory_space<vmem>>
        %dma_start3A_162 = tpu.memref_squeeze %dma_start3A_161 : memref<1x80xi32, #tpu.memory_space<vmem>> -> memref<80xi32, #tpu.memory_space<vmem>>
        %dma_start3A_163 = tpu.memref_slice %arg3[%add3A_158] : memref<320000xi32, #tpu.memory_space<hbm>> -> memref<80xi32, #tpu.memory_space<hbm>>
        %dma_start3A_164 = tpu.memref_slice %arg11[%dma_start3A_159] : memref<4x!tpu.dma_semaphore, #tpu.memory_space<semaphore_mem>> -> memref<1x!tpu.dma_semaphore, #tpu.memory_space<semaphore_mem>>
        %dma_start3A_165 = tpu.memref_squeeze %dma_start3A_164 : memref<1x!tpu.dma_semaphore, #tpu.memory_space<semaphore_mem>> -> memref<!tpu.dma_semaphore, #tpu.memory_space<semaphore_mem>>
        %dma_start3A_166 = arith.constant 0 : i32
        %dma_start3A_167 = tpu.memref_slice %arg8[%dma_start3A, %dma_start3A_166] : memref<4x80xi32, #tpu.memory_space<vmem>> -> memref<1x80xi32, #tpu.memory_space<vmem>>
        %dma_start3A_168 = tpu.memref_squeeze %dma_start3A_167 : memref<1x80xi32, #tpu.memory_space<vmem>> -> memref<80xi32, #tpu.memory_space<vmem>>
        %dma_start3A_169 = tpu.memref_slice %arg3[%add3A_158] : memref<320000xi32, #tpu.memory_space<hbm>> -> memref<80xi32, #tpu.memory_space<hbm>>
        tpu.enqueue_dma source(%dma_start3A_169 : memref<80xi32, #tpu.memory_space<hbm>>) target(%dma_start3A_168 : memref<80xi32, #tpu.memory_space<vmem>>) target_semaphore(%dma_start3A_165 : memref<!tpu.dma_semaphore, #tpu.memory_space<semaphore_mem>>)
        %dma_start3A_170 = arith.constant 2 : i32
        %dma_start3A_171 = arith.constant 2 : i32
        %dma_start3A_172 = arith.constant 0 : i32
        %dma_start3A_173 = tpu.memref_slice %arg9[%dma_start3A_170, %dma_start3A_172] : memref<4x80xi32, #tpu.memory_space<vmem>> -> memref<1x80xi32, #tpu.memory_space<vmem>>
        %dma_start3A_174 = tpu.memref_squeeze %dma_start3A_173 : memref<1x80xi32, #tpu.memory_space<vmem>> -> memref<80xi32, #tpu.memory_space<vmem>>
        %dma_start3A_175 = tpu.memref_slice %arg4[%add3A_158] : memref<320000xi32, #tpu.memory_space<hbm>> -> memref<80xi32, #tpu.memory_space<hbm>>
        %dma_start3A_176 = tpu.memref_slice %arg11[%dma_start3A_171] : memref<4x!tpu.dma_semaphore, #tpu.memory_space<semaphore_mem>> -> memref<1x!tpu.dma_semaphore, #tpu.memory_space<semaphore_mem>>
        %dma_start3A_177 = tpu.memref_squeeze %dma_start3A_176 : memref<1x!tpu.dma_semaphore, #tpu.memory_space<semaphore_mem>> -> memref<!tpu.dma_semaphore, #tpu.memory_space<semaphore_mem>>
        %dma_start3A_178 = arith.constant 0 : i32
        %dma_start3A_179 = tpu.memref_slice %arg9[%dma_start3A_170, %dma_start3A_178] : memref<4x80xi32, #tpu.memory_space<vmem>> -> memref<1x80xi32, #tpu.memory_space<vmem>>
        %dma_start3A_180 = tpu.memref_squeeze %dma_start3A_179 : memref<1x80xi32, #tpu.memory_space<vmem>> -> memref<80xi32, #tpu.memory_space<vmem>>
        %dma_start3A_181 = tpu.memref_slice %arg4[%add3A_158] : memref<320000xi32, #tpu.memory_space<hbm>> -> memref<80xi32, #tpu.memory_space<hbm>>
        tpu.enqueue_dma source(%dma_start3A_181 : memref<80xi32, #tpu.memory_space<hbm>>) target(%dma_start3A_180 : memref<80xi32, #tpu.memory_space<vmem>>) target_semaphore(%dma_start3A_177 : memref<!tpu.dma_semaphore, #tpu.memory_space<semaphore_mem>>)
      } else {
      }
      %ge3A_107 = arith.constant 1 : i32
      %ge3A_108 = arith.cmpi sge, %add3A_93, %ge3A_107 : i32
      %lt3A_109 = arith.constant 126 : i32
      %lt3A_110 = arith.cmpi slt, %add3A_93, %lt3A_109 : i32
      %and3A_111 = arith.andi %ge3A_108, %lt3A_110 : i1
      %convert_element_type3A_112 = arith.extui %and3A_111 : i1 to i32
      %cond3A_113 = arith.constant 0 : i32
      %cond3A_114 = arith.cmpi ne, %convert_element_type3A_112, %cond3A_113 : i32
      scf.if %cond3A_114 {
        %dma_wait3A = arith.constant 1 : i32
        %dma_wait3A_156 = arith.constant 1 : i32
        %dma_wait3A_157 = arith.constant 0 : i32
        %dma_wait3A_158 = tpu.memref_slice %arg8[%dma_wait3A, %dma_wait3A_157] : memref<4x80xi32, #tpu.memory_space<vmem>> -> memref<1x80xi32, #tpu.memory_space<vmem>>
        %dma_wait3A_159 = tpu.memref_squeeze %dma_wait3A_158 : memref<1x80xi32, #tpu.memory_space<vmem>> -> memref<80xi32, #tpu.memory_space<vmem>>
        %dma_wait3A_160 = tpu.memref_slice %arg3[%mul3A_2] : memref<320000xi32, #tpu.memory_space<hbm>> -> memref<80xi32, #tpu.memory_space<hbm>>
        %dma_wait3A_161 = tpu.memref_slice %arg11[%dma_wait3A_156] : memref<4x!tpu.dma_semaphore, #tpu.memory_space<semaphore_mem>> -> memref<1x!tpu.dma_semaphore, #tpu.memory_space<semaphore_mem>>
        %dma_wait3A_162 = tpu.memref_squeeze %dma_wait3A_161 : memref<1x!tpu.dma_semaphore, #tpu.memory_space<semaphore_mem>> -> memref<!tpu.dma_semaphore, #tpu.memory_space<semaphore_mem>>
        %dma_wait3A_163 = arith.constant 0 : i32
        %dma_wait3A_164 = tpu.memref_slice %arg8[%dma_wait3A, %dma_wait3A_163] : memref<4x80xi32, #tpu.memory_space<vmem>> -> memref<1x80xi32, #tpu.memory_space<vmem>>
        %dma_wait3A_165 = tpu.memref_squeeze %dma_wait3A_164 : memref<1x80xi32, #tpu.memory_space<vmem>> -> memref<80xi32, #tpu.memory_space<vmem>>
        %dma_wait3A_166 = tpu.memref_slice %arg3[%mul3A_2] : memref<320000xi32, #tpu.memory_space<hbm>> -> memref<80xi32, #tpu.memory_space<hbm>>
        tpu.wait_dma2 semaphore(%dma_wait3A_162 : memref<!tpu.dma_semaphore, #tpu.memory_space<semaphore_mem>>) src(%dma_wait3A_166 : memref<80xi32, #tpu.memory_space<hbm>>) dst(%dma_wait3A_165 : memref<80xi32, #tpu.memory_space<vmem>>)
        %dma_wait3A_167 = arith.constant 1 : i32
        %dma_wait3A_168 = arith.constant 1 : i32
        %dma_wait3A_169 = arith.constant 0 : i32
        %dma_wait3A_170 = tpu.memref_slice %arg9[%dma_wait3A_167, %dma_wait3A_169] : memref<4x80xi32, #tpu.memory_space<vmem>> -> memref<1x80xi32, #tpu.memory_space<vmem>>
        %dma_wait3A_171 = tpu.memref_squeeze %dma_wait3A_170 : memref<1x80xi32, #tpu.memory_space<vmem>> -> memref<80xi32, #tpu.memory_space<vmem>>
        %dma_wait3A_172 = tpu.memref_slice %arg4[%mul3A_2] : memref<320000xi32, #tpu.memory_space<hbm>> -> memref<80xi32, #tpu.memory_space<hbm>>
        %dma_wait3A_173 = tpu.memref_slice %arg11[%dma_wait3A_168] : memref<4x!tpu.dma_semaphore, #tpu.memory_space<semaphore_mem>> -> memref<1x!tpu.dma_semaphore, #tpu.memory_space<semaphore_mem>>
        %dma_wait3A_174 = tpu.memref_squeeze %dma_wait3A_173 : memref<1x!tpu.dma_semaphore, #tpu.memory_space<semaphore_mem>> -> memref<!tpu.dma_semaphore, #tpu.memory_space<semaphore_mem>>
        %dma_wait3A_175 = arith.constant 0 : i32
        %dma_wait3A_176 = tpu.memref_slice %arg9[%dma_wait3A_167, %dma_wait3A_175] : memref<4x80xi32, #tpu.memory_space<vmem>> -> memref<1x80xi32, #tpu.memory_space<vmem>>
        %dma_wait3A_177 = tpu.memref_squeeze %dma_wait3A_176 : memref<1x80xi32, #tpu.memory_space<vmem>> -> memref<80xi32, #tpu.memory_space<vmem>>
        %dma_wait3A_178 = tpu.memref_slice %arg4[%mul3A_2] : memref<320000xi32, #tpu.memory_space<hbm>> -> memref<80xi32, #tpu.memory_space<hbm>>
        tpu.wait_dma2 semaphore(%dma_wait3A_174 : memref<!tpu.dma_semaphore, #tpu.memory_space<semaphore_mem>>) src(%dma_wait3A_178 : memref<80xi32, #tpu.memory_space<hbm>>) dst(%dma_wait3A_177 : memref<80xi32, #tpu.memory_space<vmem>>)
        %dma_start3A = arith.constant 1 : i32
        %dma_start3A_179 = arith.constant 1 : i32
        %dma_start3A_180 = arith.constant 1 : i32
        %dma_start3A_181 = arith.constant 0 : i32
        %dma_start3A_182 = arith.constant 0 : i32
        %dma_start3A_183 = tpu.memref_slice %arg10[%dma_start3A_179, %dma_start3A_181, %dma_start3A_182] : memref<4x80x128xf32, #tpu.memory_space<vmem>> -> memref<1x80x128xf32, #tpu.memory_space<vmem>>
        %dma_start3A_184 = tpu.memref_squeeze %dma_start3A_183 : memref<1x80x128xf32, #tpu.memory_space<vmem>> -> memref<80x128xf32, #tpu.memory_space<vmem>>
        %dma_start3A_185 = arith.constant 0 : i32
        %dma_start3A_186 = tpu.memref_slice %arg8[%dma_start3A, %dma_start3A_185] : memref<4x80xi32, #tpu.memory_space<vmem>> -> memref<1x80xi32, #tpu.memory_space<vmem>>
        %dma_start3A_187 = tpu.memref_squeeze %dma_start3A_186 : memref<1x80xi32, #tpu.memory_space<vmem>> -> memref<80xi32, #tpu.memory_space<vmem>>
        %dma_start3A_188 = arith.constant 0 : i32
        %dma_start3A_189 = arith.constant 0 : i32
        %dma_start3A_190 = tpu.memref_slice %arg2[%dma_start3A_188, %dma_start3A_189] : memref<10000x128xf32, #tpu.memory_space<hbm>> -> memref<10000x128xf32, #tpu.memory_space<hbm>>
        %dma_start3A_191 = tpu.memref_slice %arg12[%dma_start3A_180] : memref<4x!tpu.dma_semaphore, #tpu.memory_space<semaphore_mem>> -> memref<1x!tpu.dma_semaphore, #tpu.memory_space<semaphore_mem>>
        %dma_start3A_192 = tpu.memref_squeeze %dma_start3A_191 : memref<1x!tpu.dma_semaphore, #tpu.memory_space<semaphore_mem>> -> memref<!tpu.dma_semaphore, #tpu.memory_space<semaphore_mem>>
        tpu.enqueue_indirect_dma source(%dma_start3A_190 : memref<10000x128xf32, #tpu.memory_space<hbm>>) target(%dma_start3A_184 : memref<80x128xf32, #tpu.memory_space<vmem>>) offsets(%dma_start3A_187 : memref<80xi32, #tpu.memory_space<vmem>>) semaphore(%dma_start3A_192 : memref<!tpu.dma_semaphore, #tpu.memory_space<semaphore_mem>>)
      } else {
      }
      %ge3A_115 = arith.constant 2 : i32
      %ge3A_116 = arith.cmpi sge, %add3A_93, %ge3A_115 : i32
      %lt3A_117 = arith.constant 127 : i32
      %lt3A_118 = arith.cmpi slt, %add3A_93, %lt3A_117 : i32
      %and3A_119 = arith.andi %ge3A_116, %lt3A_118 : i1
      %convert_element_type3A_120 = arith.extui %and3A_119 : i1 to i32
      %cond3A_121 = arith.constant 0 : i32
      %cond3A_122 = arith.cmpi ne, %convert_element_type3A_120, %cond3A_121 : i32
      scf.if %cond3A_122 {
        %dma_wait3A = arith.constant 0 : i32
        %dma_wait3A_156 = arith.constant 0 : i32
        %dma_wait3A_157 = arith.constant 0 : i32
        %dma_wait3A_158 = arith.constant 0 : i32
        %dma_wait3A_159 = arith.constant 0 : i32
        %dma_wait3A_160 = tpu.memref_slice %arg10[%dma_wait3A_156, %dma_wait3A_158, %dma_wait3A_159] : memref<4x80x128xf32, #tpu.memory_space<vmem>> -> memref<1x80x128xf32, #tpu.memory_space<vmem>>
        %dma_wait3A_161 = tpu.memref_squeeze %dma_wait3A_160 : memref<1x80x128xf32, #tpu.memory_space<vmem>> -> memref<80x128xf32, #tpu.memory_space<vmem>>
        %dma_wait3A_162 = arith.constant 0 : i32
        %dma_wait3A_163 = tpu.memref_slice %arg8[%dma_wait3A, %dma_wait3A_162] : memref<4x80xi32, #tpu.memory_space<vmem>> -> memref<1x80xi32, #tpu.memory_space<vmem>>
        %dma_wait3A_164 = tpu.memref_squeeze %dma_wait3A_163 : memref<1x80xi32, #tpu.memory_space<vmem>> -> memref<80xi32, #tpu.memory_space<vmem>>
        %dma_wait3A_165 = arith.constant 0 : i32
        %dma_wait3A_166 = arith.constant 0 : i32
        %dma_wait3A_167 = tpu.memref_slice %arg2[%dma_wait3A_165, %dma_wait3A_166] : memref<10000x128xf32, #tpu.memory_space<hbm>> -> memref<10000x128xf32, #tpu.memory_space<hbm>>
        %dma_wait3A_168 = tpu.memref_slice %arg12[%dma_wait3A_157] : memref<4x!tpu.dma_semaphore, #tpu.memory_space<semaphore_mem>> -> memref<1x!tpu.dma_semaphore, #tpu.memory_space<semaphore_mem>>
        %dma_wait3A_169 = tpu.memref_squeeze %dma_wait3A_168 : memref<1x!tpu.dma_semaphore, #tpu.memory_space<semaphore_mem>> -> memref<!tpu.dma_semaphore, #tpu.memory_space<semaphore_mem>>
        tpu.wait_indirect_dma semaphore(%dma_wait3A_169 : memref<!tpu.dma_semaphore, #tpu.memory_space<semaphore_mem>>) src(%dma_wait3A_167 : memref<10000x128xf32, #tpu.memory_space<hbm>>) dst(%dma_wait3A_161 : memref<80x128xf32, #tpu.memory_space<vmem>>)
        %dma_start3A = arith.constant 0 : i32
        %dma_start3A_170 = arith.constant 0 : i32
        %dma_start3A_171 = arith.constant 0 : i32
        %dma_start3A_172 = arith.constant 0 : i32
        %dma_start3A_173 = arith.constant 0 : i32
        %dma_start3A_174 = tpu.memref_slice %arg10[%dma_start3A, %dma_start3A_172, %dma_start3A_173] : memref<4x80x128xf32, #tpu.memory_space<vmem>> -> memref<1x80x128xf32, #tpu.memory_space<vmem>>
        %dma_start3A_175 = tpu.memref_squeeze %dma_start3A_174 : memref<1x80x128xf32, #tpu.memory_space<vmem>> -> memref<80x128xf32, #tpu.memory_space<vmem>>
        %dma_start3A_176 = arith.constant 0 : i32
        %dma_start3A_177 = tpu.memref_slice %arg9[%dma_start3A_170, %dma_start3A_176] : memref<4x80xi32, #tpu.memory_space<vmem>> -> memref<1x80xi32, #tpu.memory_space<vmem>>
        %dma_start3A_178 = tpu.memref_squeeze %dma_start3A_177 : memref<1x80xi32, #tpu.memory_space<vmem>> -> memref<80xi32, #tpu.memory_space<vmem>>
        %dma_start3A_179 = arith.constant 0 : i32
        %dma_start3A_180 = arith.constant 0 : i32
        %dma_start3A_181 = tpu.memref_slice %arg7[%dma_start3A_179, %dma_start3A_180] : memref<10000x128xf32, #tpu.memory_space<vmem_shared>> -> memref<10000x128xf32, #tpu.memory_space<vmem_shared>>
        %dma_start3A_182 = tpu.memref_slice %arg13[%dma_start3A_171] : memref<4x!tpu.dma_semaphore, #tpu.memory_space<semaphore_mem>> -> memref<1x!tpu.dma_semaphore, #tpu.memory_space<semaphore_mem>>
        %dma_start3A_183 = tpu.memref_squeeze %dma_start3A_182 : memref<1x!tpu.dma_semaphore, #tpu.memory_space<semaphore_mem>> -> memref<!tpu.dma_semaphore, #tpu.memory_space<semaphore_mem>>
        tpu.enqueue_indirect_dma source(%dma_start3A_175 : memref<80x128xf32, #tpu.memory_space<vmem>>) target(%dma_start3A_181 : memref<10000x128xf32, #tpu.memory_space<vmem_shared>>) offsets(%dma_start3A_178 : memref<80xi32, #tpu.memory_space<vmem>>) semaphore(%dma_start3A_183 : memref<!tpu.dma_semaphore, #tpu.memory_space<semaphore_mem>>) {add = true}
      } else {
      }
      %mul3A_123 = arith.constant 4 : i32
      %mul3A_124 = arith.muli %add3A_26, %mul3A_123 : i32
      %add3A_125 = arith.constant 3 : i32
      %add3A_126 = arith.addi %mul3A_124, %add3A_125 : i32
      %ge3A_127 = arith.constant 4 : i32
      %ge3A_128 = arith.cmpi sge, %add3A_126, %ge3A_127 : i32
      %lt3A_129 = arith.constant 129 : i32
      %lt3A_130 = arith.cmpi slt, %add3A_126, %lt3A_129 : i32
      %and3A_131 = arith.andi %ge3A_128, %lt3A_130 : i1
      %convert_element_type3A_132 = arith.extui %and3A_131 : i1 to i32
      %cond3A_133 = arith.constant 0 : i32
      %cond3A_134 = arith.cmpi ne, %convert_element_type3A_132, %cond3A_133 : i32
      scf.if %cond3A_134 {
        %dma_wait3A = arith.constant 3 : i32
        %dma_wait3A_156 = arith.constant 3 : i32
        %dma_wait3A_157 = arith.constant 3 : i32
        %dma_wait3A_158 = arith.constant 0 : i32
        %dma_wait3A_159 = arith.constant 0 : i32
        %dma_wait3A_160 = tpu.memref_slice %arg10[%dma_wait3A, %dma_wait3A_158, %dma_wait3A_159] : memref<4x80x128xf32, #tpu.memory_space<vmem>> -> memref<1x80x128xf32, #tpu.memory_space<vmem>>
        %dma_wait3A_161 = tpu.memref_squeeze %dma_wait3A_160 : memref<1x80x128xf32, #tpu.memory_space<vmem>> -> memref<80x128xf32, #tpu.memory_space<vmem>>
        %dma_wait3A_162 = arith.constant 0 : i32
        %dma_wait3A_163 = tpu.memref_slice %arg9[%dma_wait3A_156, %dma_wait3A_162] : memref<4x80xi32, #tpu.memory_space<vmem>> -> memref<1x80xi32, #tpu.memory_space<vmem>>
        %dma_wait3A_164 = tpu.memref_squeeze %dma_wait3A_163 : memref<1x80xi32, #tpu.memory_space<vmem>> -> memref<80xi32, #tpu.memory_space<vmem>>
        %dma_wait3A_165 = arith.constant 0 : i32
        %dma_wait3A_166 = arith.constant 0 : i32
        %dma_wait3A_167 = tpu.memref_slice %arg7[%dma_wait3A_165, %dma_wait3A_166] : memref<10000x128xf32, #tpu.memory_space<vmem_shared>> -> memref<10000x128xf32, #tpu.memory_space<vmem_shared>>
        %dma_wait3A_168 = tpu.memref_slice %arg13[%dma_wait3A_157] : memref<4x!tpu.dma_semaphore, #tpu.memory_space<semaphore_mem>> -> memref<1x!tpu.dma_semaphore, #tpu.memory_space<semaphore_mem>>
        %dma_wait3A_169 = tpu.memref_squeeze %dma_wait3A_168 : memref<1x!tpu.dma_semaphore, #tpu.memory_space<semaphore_mem>> -> memref<!tpu.dma_semaphore, #tpu.memory_space<semaphore_mem>>
        tpu.wait_indirect_dma semaphore(%dma_wait3A_169 : memref<!tpu.dma_semaphore, #tpu.memory_space<semaphore_mem>>) src(%dma_wait3A_161 : memref<80x128xf32, #tpu.memory_space<vmem>>) dst(%dma_wait3A_167 : memref<10000x128xf32, #tpu.memory_space<vmem_shared>>)
      } else {
      }
      %lt3A_135 = arith.constant 125 : i32
      %lt3A_136 = arith.cmpi slt, %add3A_126, %lt3A_135 : i32
      %convert_element_type3A_137 = arith.extui %lt3A_136 : i1 to i32
      %cond3A_138 = arith.constant 0 : i32
      %cond3A_139 = arith.cmpi ne, %convert_element_type3A_137, %cond3A_138 : i32
      scf.if %cond3A_139 {
        %mul3A_156 = arith.constant 80 : i32
        %mul3A_157 = arith.muli %add3A_126, %mul3A_156 : i32
        %add3A_158 = arith.addi %mul3A_2, %mul3A_157 : i32
        %dma_start3A = arith.constant 3 : i32
        %dma_start3A_159 = arith.constant 3 : i32
        %dma_start3A_160 = arith.constant 0 : i32
        %dma_start3A_161 = tpu.memref_slice %arg8[%dma_start3A, %dma_start3A_160] : memref<4x80xi32, #tpu.memory_space<vmem>> -> memref<1x80xi32, #tpu.memory_space<vmem>>
        %dma_start3A_162 = tpu.memref_squeeze %dma_start3A_161 : memref<1x80xi32, #tpu.memory_space<vmem>> -> memref<80xi32, #tpu.memory_space<vmem>>
        %dma_start3A_163 = tpu.memref_slice %arg3[%add3A_158] : memref<320000xi32, #tpu.memory_space<hbm>> -> memref<80xi32, #tpu.memory_space<hbm>>
        %dma_start3A_164 = tpu.memref_slice %arg11[%dma_start3A_159] : memref<4x!tpu.dma_semaphore, #tpu.memory_space<semaphore_mem>> -> memref<1x!tpu.dma_semaphore, #tpu.memory_space<semaphore_mem>>
        %dma_start3A_165 = tpu.memref_squeeze %dma_start3A_164 : memref<1x!tpu.dma_semaphore, #tpu.memory_space<semaphore_mem>> -> memref<!tpu.dma_semaphore, #tpu.memory_space<semaphore_mem>>
        %dma_start3A_166 = arith.constant 0 : i32
        %dma_start3A_167 = tpu.memref_slice %arg8[%dma_start3A, %dma_start3A_166] : memref<4x80xi32, #tpu.memory_space<vmem>> -> memref<1x80xi32, #tpu.memory_space<vmem>>
        %dma_start3A_168 = tpu.memref_squeeze %dma_start3A_167 : memref<1x80xi32, #tpu.memory_space<vmem>> -> memref<80xi32, #tpu.memory_space<vmem>>
        %dma_start3A_169 = tpu.memref_slice %arg3[%add3A_158] : memref<320000xi32, #tpu.memory_space<hbm>> -> memref<80xi32, #tpu.memory_space<hbm>>
        tpu.enqueue_dma source(%dma_start3A_169 : memref<80xi32, #tpu.memory_space<hbm>>) target(%dma_start3A_168 : memref<80xi32, #tpu.memory_space<vmem>>) target_semaphore(%dma_start3A_165 : memref<!tpu.dma_semaphore, #tpu.memory_space<semaphore_mem>>)
        %dma_start3A_170 = arith.constant 3 : i32
        %dma_start3A_171 = arith.constant 3 : i32
        %dma_start3A_172 = arith.constant 0 : i32
        %dma_start3A_173 = tpu.memref_slice %arg9[%dma_start3A_170, %dma_start3A_172] : memref<4x80xi32, #tpu.memory_space<vmem>> -> memref<1x80xi32, #tpu.memory_space<vmem>>
        %dma_start3A_174 = tpu.memref_squeeze %dma_start3A_173 : memref<1x80xi32, #tpu.memory_space<vmem>> -> memref<80xi32, #tpu.memory_space<vmem>>
        %dma_start3A_175 = tpu.memref_slice %arg4[%add3A_158] : memref<320000xi32, #tpu.memory_space<hbm>> -> memref<80xi32, #tpu.memory_space<hbm>>
        %dma_start3A_176 = tpu.memref_slice %arg11[%dma_start3A_171] : memref<4x!tpu.dma_semaphore, #tpu.memory_space<semaphore_mem>> -> memref<1x!tpu.dma_semaphore, #tpu.memory_space<semaphore_mem>>
        %dma_start3A_177 = tpu.memref_squeeze %dma_start3A_176 : memref<1x!tpu.dma_semaphore, #tpu.memory_space<semaphore_mem>> -> memref<!tpu.dma_semaphore, #tpu.memory_space<semaphore_mem>>
        %dma_start3A_178 = arith.constant 0 : i32
        %dma_start3A_179 = tpu.memref_slice %arg9[%dma_start3A_170, %dma_start3A_178] : memref<4x80xi32, #tpu.memory_space<vmem>> -> memref<1x80xi32, #tpu.memory_space<vmem>>
        %dma_start3A_180 = tpu.memref_squeeze %dma_start3A_179 : memref<1x80xi32, #tpu.memory_space<vmem>> -> memref<80xi32, #tpu.memory_space<vmem>>
        %dma_start3A_181 = tpu.memref_slice %arg4[%add3A_158] : memref<320000xi32, #tpu.memory_space<hbm>> -> memref<80xi32, #tpu.memory_space<hbm>>
        tpu.enqueue_dma source(%dma_start3A_181 : memref<80xi32, #tpu.memory_space<hbm>>) target(%dma_start3A_180 : memref<80xi32, #tpu.memory_space<vmem>>) target_semaphore(%dma_start3A_177 : memref<!tpu.dma_semaphore, #tpu.memory_space<semaphore_mem>>)
      } else {
      }
      %ge3A_140 = arith.constant 1 : i32
      %ge3A_141 = arith.cmpi sge, %add3A_126, %ge3A_140 : i32
      %lt3A_142 = arith.constant 126 : i32
      %lt3A_143 = arith.cmpi slt, %add3A_126, %lt3A_142 : i32
      %and3A_144 = arith.andi %ge3A_141, %lt3A_143 : i1
      %convert_element_type3A_145 = arith.extui %and3A_144 : i1 to i32
      %cond3A_146 = arith.constant 0 : i32
      %cond3A_147 = arith.cmpi ne, %convert_element_type3A_145, %cond3A_146 : i32
      scf.if %cond3A_147 {
        %dma_wait3A = arith.constant 2 : i32
        %dma_wait3A_156 = arith.constant 2 : i32
        %dma_wait3A_157 = arith.constant 0 : i32
        %dma_wait3A_158 = tpu.memref_slice %arg8[%dma_wait3A, %dma_wait3A_157] : memref<4x80xi32, #tpu.memory_space<vmem>> -> memref<1x80xi32, #tpu.memory_space<vmem>>
        %dma_wait3A_159 = tpu.memref_squeeze %dma_wait3A_158 : memref<1x80xi32, #tpu.memory_space<vmem>> -> memref<80xi32, #tpu.memory_space<vmem>>
        %dma_wait3A_160 = tpu.memref_slice %arg3[%mul3A_2] : memref<320000xi32, #tpu.memory_space<hbm>> -> memref<80xi32, #tpu.memory_space<hbm>>
        %dma_wait3A_161 = tpu.memref_slice %arg11[%dma_wait3A_156] : memref<4x!tpu.dma_semaphore, #tpu.memory_space<semaphore_mem>> -> memref<1x!tpu.dma_semaphore, #tpu.memory_space<semaphore_mem>>
        %dma_wait3A_162 = tpu.memref_squeeze %dma_wait3A_161 : memref<1x!tpu.dma_semaphore, #tpu.memory_space<semaphore_mem>> -> memref<!tpu.dma_semaphore, #tpu.memory_space<semaphore_mem>>
        %dma_wait3A_163 = arith.constant 0 : i32
        %dma_wait3A_164 = tpu.memref_slice %arg8[%dma_wait3A, %dma_wait3A_163] : memref<4x80xi32, #tpu.memory_space<vmem>> -> memref<1x80xi32, #tpu.memory_space<vmem>>
        %dma_wait3A_165 = tpu.memref_squeeze %dma_wait3A_164 : memref<1x80xi32, #tpu.memory_space<vmem>> -> memref<80xi32, #tpu.memory_space<vmem>>
        %dma_wait3A_166 = tpu.memref_slice %arg3[%mul3A_2] : memref<320000xi32, #tpu.memory_space<hbm>> -> memref<80xi32, #tpu.memory_space<hbm>>
        tpu.wait_dma2 semaphore(%dma_wait3A_162 : memref<!tpu.dma_semaphore, #tpu.memory_space<semaphore_mem>>) src(%dma_wait3A_166 : memref<80xi32, #tpu.memory_space<hbm>>) dst(%dma_wait3A_165 : memref<80xi32, #tpu.memory_space<vmem>>)
        %dma_wait3A_167 = arith.constant 2 : i32
        %dma_wait3A_168 = arith.constant 2 : i32
        %dma_wait3A_169 = arith.constant 0 : i32
        %dma_wait3A_170 = tpu.memref_slice %arg9[%dma_wait3A_167, %dma_wait3A_169] : memref<4x80xi32, #tpu.memory_space<vmem>> -> memref<1x80xi32, #tpu.memory_space<vmem>>
        %dma_wait3A_171 = tpu.memref_squeeze %dma_wait3A_170 : memref<1x80xi32, #tpu.memory_space<vmem>> -> memref<80xi32, #tpu.memory_space<vmem>>
        %dma_wait3A_172 = tpu.memref_slice %arg4[%mul3A_2] : memref<320000xi32, #tpu.memory_space<hbm>> -> memref<80xi32, #tpu.memory_space<hbm>>
        %dma_wait3A_173 = tpu.memref_slice %arg11[%dma_wait3A_168] : memref<4x!tpu.dma_semaphore, #tpu.memory_space<semaphore_mem>> -> memref<1x!tpu.dma_semaphore, #tpu.memory_space<semaphore_mem>>
        %dma_wait3A_174 = tpu.memref_squeeze %dma_wait3A_173 : memref<1x!tpu.dma_semaphore, #tpu.memory_space<semaphore_mem>> -> memref<!tpu.dma_semaphore, #tpu.memory_space<semaphore_mem>>
        %dma_wait3A_175 = arith.constant 0 : i32
        %dma_wait3A_176 = tpu.memref_slice %arg9[%dma_wait3A_167, %dma_wait3A_175] : memref<4x80xi32, #tpu.memory_space<vmem>> -> memref<1x80xi32, #tpu.memory_space<vmem>>
        %dma_wait3A_177 = tpu.memref_squeeze %dma_wait3A_176 : memref<1x80xi32, #tpu.memory_space<vmem>> -> memref<80xi32, #tpu.memory_space<vmem>>
        %dma_wait3A_178 = tpu.memref_slice %arg4[%mul3A_2] : memref<320000xi32, #tpu.memory_space<hbm>> -> memref<80xi32, #tpu.memory_space<hbm>>
        tpu.wait_dma2 semaphore(%dma_wait3A_174 : memref<!tpu.dma_semaphore, #tpu.memory_space<semaphore_mem>>) src(%dma_wait3A_178 : memref<80xi32, #tpu.memory_space<hbm>>) dst(%dma_wait3A_177 : memref<80xi32, #tpu.memory_space<vmem>>)
        %dma_start3A = arith.constant 2 : i32
        %dma_start3A_179 = arith.constant 2 : i32
        %dma_start3A_180 = arith.constant 2 : i32
        %dma_start3A_181 = arith.constant 0 : i32
        %dma_start3A_182 = arith.constant 0 : i32
        %dma_start3A_183 = tpu.memref_slice %arg10[%dma_start3A_179, %dma_start3A_181, %dma_start3A_182] : memref<4x80x128xf32, #tpu.memory_space<vmem>> -> memref<1x80x128xf32, #tpu.memory_space<vmem>>
        %dma_start3A_184 = tpu.memref_squeeze %dma_start3A_183 : memref<1x80x128xf32, #tpu.memory_space<vmem>> -> memref<80x128xf32, #tpu.memory_space<vmem>>
        %dma_start3A_185 = arith.constant 0 : i32
        %dma_start3A_186 = tpu.memref_slice %arg8[%dma_start3A, %dma_start3A_185] : memref<4x80xi32, #tpu.memory_space<vmem>> -> memref<1x80xi32, #tpu.memory_space<vmem>>
        %dma_start3A_187 = tpu.memref_squeeze %dma_start3A_186 : memref<1x80xi32, #tpu.memory_space<vmem>> -> memref<80xi32, #tpu.memory_space<vmem>>
        %dma_start3A_188 = arith.constant 0 : i32
        %dma_start3A_189 = arith.constant 0 : i32
        %dma_start3A_190 = tpu.memref_slice %arg2[%dma_start3A_188, %dma_start3A_189] : memref<10000x128xf32, #tpu.memory_space<hbm>> -> memref<10000x128xf32, #tpu.memory_space<hbm>>
        %dma_start3A_191 = tpu.memref_slice %arg12[%dma_start3A_180] : memref<4x!tpu.dma_semaphore, #tpu.memory_space<semaphore_mem>> -> memref<1x!tpu.dma_semaphore, #tpu.memory_space<semaphore_mem>>
        %dma_start3A_192 = tpu.memref_squeeze %dma_start3A_191 : memref<1x!tpu.dma_semaphore, #tpu.memory_space<semaphore_mem>> -> memref<!tpu.dma_semaphore, #tpu.memory_space<semaphore_mem>>
        tpu.enqueue_indirect_dma source(%dma_start3A_190 : memref<10000x128xf32, #tpu.memory_space<hbm>>) target(%dma_start3A_184 : memref<80x128xf32, #tpu.memory_space<vmem>>) offsets(%dma_start3A_187 : memref<80xi32, #tpu.memory_space<vmem>>) semaphore(%dma_start3A_192 : memref<!tpu.dma_semaphore, #tpu.memory_space<semaphore_mem>>)
      } else {
      }
      %ge3A_148 = arith.constant 2 : i32
      %ge3A_149 = arith.cmpi sge, %add3A_126, %ge3A_148 : i32
      %lt3A_150 = arith.constant 127 : i32
      %lt3A_151 = arith.cmpi slt, %add3A_126, %lt3A_150 : i32
      %and3A_152 = arith.andi %ge3A_149, %lt3A_151 : i1
      %convert_element_type3A_153 = arith.extui %and3A_152 : i1 to i32
      %cond3A_154 = arith.constant 0 : i32
      %cond3A_155 = arith.cmpi ne, %convert_element_type3A_153, %cond3A_154 : i32
      scf.if %cond3A_155 {
        %dma_wait3A = arith.constant 1 : i32
        %dma_wait3A_156 = arith.constant 1 : i32
        %dma_wait3A_157 = arith.constant 1 : i32
        %dma_wait3A_158 = arith.constant 0 : i32
        %dma_wait3A_159 = arith.constant 0 : i32
        %dma_wait3A_160 = tpu.memref_slice %arg10[%dma_wait3A_156, %dma_wait3A_158, %dma_wait3A_159] : memref<4x80x128xf32, #tpu.memory_space<vmem>> -> memref<1x80x128xf32, #tpu.memory_space<vmem>>
        %dma_wait3A_161 = tpu.memref_squeeze %dma_wait3A_160 : memref<1x80x128xf32, #tpu.memory_space<vmem>> -> memref<80x128xf32, #tpu.memory_space<vmem>>
        %dma_wait3A_162 = arith.constant 0 : i32
        %dma_wait3A_163 = tpu.memref_slice %arg8[%dma_wait3A, %dma_wait3A_162] : memref<4x80xi32, #tpu.memory_space<vmem>> -> memref<1x80xi32, #tpu.memory_space<vmem>>
        %dma_wait3A_164 = tpu.memref_squeeze %dma_wait3A_163 : memref<1x80xi32, #tpu.memory_space<vmem>> -> memref<80xi32, #tpu.memory_space<vmem>>
        %dma_wait3A_165 = arith.constant 0 : i32
        %dma_wait3A_166 = arith.constant 0 : i32
        %dma_wait3A_167 = tpu.memref_slice %arg2[%dma_wait3A_165, %dma_wait3A_166] : memref<10000x128xf32, #tpu.memory_space<hbm>> -> memref<10000x128xf32, #tpu.memory_space<hbm>>
        %dma_wait3A_168 = tpu.memref_slice %arg12[%dma_wait3A_157] : memref<4x!tpu.dma_semaphore, #tpu.memory_space<semaphore_mem>> -> memref<1x!tpu.dma_semaphore, #tpu.memory_space<semaphore_mem>>
        %dma_wait3A_169 = tpu.memref_squeeze %dma_wait3A_168 : memref<1x!tpu.dma_semaphore, #tpu.memory_space<semaphore_mem>> -> memref<!tpu.dma_semaphore, #tpu.memory_space<semaphore_mem>>
        tpu.wait_indirect_dma semaphore(%dma_wait3A_169 : memref<!tpu.dma_semaphore, #tpu.memory_space<semaphore_mem>>) src(%dma_wait3A_167 : memref<10000x128xf32, #tpu.memory_space<hbm>>) dst(%dma_wait3A_161 : memref<80x128xf32, #tpu.memory_space<vmem>>)
        %dma_start3A = arith.constant 1 : i32
        %dma_start3A_170 = arith.constant 1 : i32
        %dma_start3A_171 = arith.constant 1 : i32
        %dma_start3A_172 = arith.constant 0 : i32
        %dma_start3A_173 = arith.constant 0 : i32
        %dma_start3A_174 = tpu.memref_slice %arg10[%dma_start3A, %dma_start3A_172, %dma_start3A_173] : memref<4x80x128xf32, #tpu.memory_space<vmem>> -> memref<1x80x128xf32, #tpu.memory_space<vmem>>
        %dma_start3A_175 = tpu.memref_squeeze %dma_start3A_174 : memref<1x80x128xf32, #tpu.memory_space<vmem>> -> memref<80x128xf32, #tpu.memory_space<vmem>>
        %dma_start3A_176 = arith.constant 0 : i32
        %dma_start3A_177 = tpu.memref_slice %arg9[%dma_start3A_170, %dma_start3A_176] : memref<4x80xi32, #tpu.memory_space<vmem>> -> memref<1x80xi32, #tpu.memory_space<vmem>>
        %dma_start3A_178 = tpu.memref_squeeze %dma_start3A_177 : memref<1x80xi32, #tpu.memory_space<vmem>> -> memref<80xi32, #tpu.memory_space<vmem>>
        %dma_start3A_179 = arith.constant 0 : i32
        %dma_start3A_180 = arith.constant 0 : i32
        %dma_start3A_181 = tpu.memref_slice %arg7[%dma_start3A_179, %dma_start3A_180] : memref<10000x128xf32, #tpu.memory_space<vmem_shared>> -> memref<10000x128xf32, #tpu.memory_space<vmem_shared>>
        %dma_start3A_182 = tpu.memref_slice %arg13[%dma_start3A_171] : memref<4x!tpu.dma_semaphore, #tpu.memory_space<semaphore_mem>> -> memref<1x!tpu.dma_semaphore, #tpu.memory_space<semaphore_mem>>
        %dma_start3A_183 = tpu.memref_squeeze %dma_start3A_182 : memref<1x!tpu.dma_semaphore, #tpu.memory_space<semaphore_mem>> -> memref<!tpu.dma_semaphore, #tpu.memory_space<semaphore_mem>>
        tpu.enqueue_indirect_dma source(%dma_start3A_175 : memref<80x128xf32, #tpu.memory_space<vmem>>) target(%dma_start3A_181 : memref<10000x128xf32, #tpu.memory_space<vmem_shared>>) offsets(%dma_start3A_178 : memref<80xi32, #tpu.memory_space<vmem>>) semaphore(%dma_start3A_183 : memref<!tpu.dma_semaphore, #tpu.memory_space<semaphore_mem>>) {add = true}
      } else {
      }
    }
    %scan3A_15 = arith.constant 33 : i32
    %barrier3A_16 = arith.constant 0 : index
    tpu.barrier barrier_id(%barrier3A_16)
    "tpu.region"() ({
      %run_scoped3A = tpu.sem_alloc : memref<!tpu.dma_semaphore, #tpu.memory_space<semaphore_mem>>
      %dma_start3A = arith.constant 0 : i32
      %dma_start3A_22 = tpu.memref_slice %arg6[%arg0, %mul3A_4, %dma_start3A] : memref<2x10000x128xf32, #tpu.memory_space<hbm>> -> memref<1x624x128xf32, #tpu.memory_space<hbm>>
      %dma_start3A_23 = tpu.memref_squeeze %dma_start3A_22 : memref<1x624x128xf32, #tpu.memory_space<hbm>> -> memref<624x128xf32, #tpu.memory_space<hbm>>
      %dma_start3A_24 = arith.constant 0 : i32
      %dma_start3A_25 = tpu.memref_slice %arg7[%mul3A_4, %dma_start3A_24] : memref<10000x128xf32, #tpu.memory_space<vmem_shared>> -> memref<624x128xf32, #tpu.memory_space<vmem_shared>>
      tpu.enqueue_dma source(%dma_start3A_25 : memref<624x128xf32, #tpu.memory_space<vmem_shared>>) target(%dma_start3A_23 : memref<624x128xf32, #tpu.memory_space<hbm>>) target_semaphore(%run_scoped3A : memref<!tpu.dma_semaphore, #tpu.memory_space<semaphore_mem>>)
      %dma_wait3A = arith.constant 0 : i32
      %dma_wait3A_26 = tpu.memref_slice %arg6[%arg0, %mul3A_4, %dma_wait3A] : memref<2x10000x128xf32, #tpu.memory_space<hbm>> -> memref<1x624x128xf32, #tpu.memory_space<hbm>>
      %dma_wait3A_27 = tpu.memref_squeeze %dma_wait3A_26 : memref<1x624x128xf32, #tpu.memory_space<hbm>> -> memref<624x128xf32, #tpu.memory_space<hbm>>
      %dma_wait3A_28 = arith.constant 0 : i32
      %dma_wait3A_29 = tpu.memref_slice %arg7[%mul3A_4, %dma_wait3A_28] : memref<10000x128xf32, #tpu.memory_space<vmem_shared>> -> memref<624x128xf32, #tpu.memory_space<vmem_shared>>
      tpu.wait_dma2 semaphore(%run_scoped3A : memref<!tpu.dma_semaphore, #tpu.memory_space<semaphore_mem>>) src(%dma_wait3A_29 : memref<624x128xf32, #tpu.memory_space<vmem_shared>>) dst(%dma_wait3A_27 : memref<624x128xf32, #tpu.memory_space<hbm>>)
      tpu.yield
    }) : () -> ()
    %eq3A_17 = arith.constant 15 : i32
    %eq3A_18 = arith.cmpi eq, %arg1, %eq3A_17 : i32
    %convert_element_type3A_19 = arith.extui %eq3A_18 : i1 to i32
    %cond3A_20 = arith.constant 0 : i32
    %cond3A_21 = arith.cmpi ne, %convert_element_type3A_19, %cond3A_20 : i32
    scf.if %cond3A_21 {
      "tpu.region"() ({
        %run_scoped3A = tpu.sem_alloc : memref<!tpu.dma_semaphore, #tpu.memory_space<semaphore_mem>>
        %dma_start3A = arith.constant 9984 : i32
        %dma_start3A_22 = arith.constant 0 : i32
        %dma_start3A_23 = tpu.memref_slice %arg6[%arg0, %dma_start3A, %dma_start3A_22] : memref<2x10000x128xf32, #tpu.memory_space<hbm>> -> memref<1x16x128xf32, #tpu.memory_space<hbm>>
        %dma_start3A_24 = tpu.memref_squeeze %dma_start3A_23 : memref<1x16x128xf32, #tpu.memory_space<hbm>> -> memref<16x128xf32, #tpu.memory_space<hbm>>
        %dma_start3A_25 = arith.constant 9984 : i32
        %dma_start3A_26 = arith.constant 0 : i32
        %dma_start3A_27 = tpu.memref_slice %arg7[%dma_start3A_25, %dma_start3A_26] : memref<10000x128xf32, #tpu.memory_space<vmem_shared>> -> memref<16x128xf32, #tpu.memory_space<vmem_shared>>
        tpu.enqueue_dma source(%dma_start3A_27 : memref<16x128xf32, #tpu.memory_space<vmem_shared>>) target(%dma_start3A_24 : memref<16x128xf32, #tpu.memory_space<hbm>>) target_semaphore(%run_scoped3A : memref<!tpu.dma_semaphore, #tpu.memory_space<semaphore_mem>>)
        %dma_wait3A = arith.constant 9984 : i32
        %dma_wait3A_28 = arith.constant 0 : i32
        %dma_wait3A_29 = tpu.memref_slice %arg6[%arg0, %dma_wait3A, %dma_wait3A_28] : memref<2x10000x128xf32, #tpu.memory_space<hbm>> -> memref<1x16x128xf32, #tpu.memory_space<hbm>>
        %dma_wait3A_30 = tpu.memref_squeeze %dma_wait3A_29 : memref<1x16x128xf32, #tpu.memory_space<hbm>> -> memref<16x128xf32, #tpu.memory_space<hbm>>
        %dma_wait3A_31 = arith.constant 9984 : i32
        %dma_wait3A_32 = arith.constant 0 : i32
        %dma_wait3A_33 = tpu.memref_slice %arg7[%dma_wait3A_31, %dma_wait3A_32] : memref<10000x128xf32, #tpu.memory_space<vmem_shared>> -> memref<16x128xf32, #tpu.memory_space<vmem_shared>>
        tpu.wait_dma2 semaphore(%run_scoped3A : memref<!tpu.dma_semaphore, #tpu.memory_space<semaphore_mem>>) src(%dma_wait3A_33 : memref<16x128xf32, #tpu.memory_space<vmem_shared>>) dst(%dma_wait3A_30 : memref<16x128xf32, #tpu.memory_space<hbm>>)
        tpu.yield
      }) : () -> ()
    } else {
    }
    return
  }
}

module attributes {stable_mosaic.version = 14 : i64} {
  func.func @_prep_body(%arg0: i32, %arg1: memref<1000x128xf32, #tpu.memory_space<vmem>>, %arg2: memref<2x1000x128xf32, #tpu.memory_space<vmem>>, %arg3: memref<1000x128xf32, #tpu.memory_space<vmem>>, %arg4: memref<1000x1xf32, #tpu.memory_space<vmem>>) attributes {dimension_semantics = [#tpu.dimension_semantics<arbitrary>], iteration_bounds = array<i64: 10>, scalar_prefetch = 0 : i64, scratch_operands = 0 : i64, tpu.core_type = #tpu.core_type<tc>, window_params = [{transform_indices = @transform_0, window_bounds = array<i64: 1000, 128>}, {transform_indices = @transform_1, window_bounds = array<i64: 2, 1000, 128>}, {transform_indices = @transform_2, window_bounds = array<i64: 1000, 128>}, {transform_indices = @transform_3, window_bounds = array<i64: 1000, 1>}]} {
    %get3A = arith.constant 0 : index
    %get3A_0 = arith.constant 0 : index
    %get3A_1 = arith.constant 0 : index
    %get3A_2 = vector.load %arg2[%get3A, %get3A_0, %get3A_1] : memref<2x1000x128xf32, #tpu.memory_space<vmem>>, vector<1x1000x1xf32>
    %get3A_3 = vector.shape_cast %get3A_2 : vector<1x1000x1xf32> to vector<1000x1xf32>
    %get3A_4 = arith.constant 1 : index
    %get3A_5 = arith.constant 0 : index
    %get3A_6 = arith.constant 0 : index
    %get3A_7 = vector.load %arg2[%get3A_4, %get3A_5, %get3A_6] : memref<2x1000x128xf32, #tpu.memory_space<vmem>>, vector<1x1000x1xf32>
    %get3A_8 = vector.shape_cast %get3A_7 : vector<1x1000x1xf32> to vector<1000x1xf32>
    %add3A = arith.addf %get3A_3, %get3A_8 : vector<1000x1xf32>
    %add3A_9 = arith.constant 1.000000e+00 : f32
    %add3A_10 = vector.broadcast %add3A_9 : f32 to vector<1000x1xf32>
    %add3A_11 = arith.addf %add3A, %add3A_10 : vector<1000x1xf32>
    %rsqrt3A = math.rsqrt %add3A_11 : vector<1000x1xf32>
    %mul3A = arith.constant 5.000000e-01 : f32
    %mul3A_12 = vector.broadcast %mul3A : f32 to vector<1000x1xf32>
    %mul3A_13 = arith.mulf %mul3A_12, %add3A_11 : vector<1000x1xf32>
    %mul3A_14 = arith.mulf %mul3A_13, %rsqrt3A : vector<1000x1xf32>
    %mul3A_15 = arith.mulf %mul3A_14, %rsqrt3A : vector<1000x1xf32>
    %sub3A = arith.constant 1.500000e+00 : f32
    %sub3A_16 = vector.broadcast %sub3A : f32 to vector<1000x1xf32>
    %sub3A_17 = arith.subf %sub3A_16, %mul3A_15 : vector<1000x1xf32>
    %mul3A_18 = arith.mulf %rsqrt3A, %sub3A_17 : vector<1000x1xf32>
    %get3A_19 = arith.constant 0 : index
    %get3A_20 = arith.constant 0 : index
    %get3A_21 = vector.load %arg1[%get3A_19, %get3A_20] : memref<1000x128xf32, #tpu.memory_space<vmem>>, vector<1000x128xf32>
    %mul3A_22 = vector.broadcast %mul3A_18 : vector<1000x1xf32> to vector<1000x128xf32>
    %mul3A_23 = arith.mulf %get3A_21, %mul3A_22 : vector<1000x128xf32>
    %swap3A = arith.constant 0 : index
    %swap3A_24 = arith.constant 0 : index
    %swap3A_25 = vector.load %arg3[%swap3A, %swap3A_24] : memref<1000x128xf32, #tpu.memory_space<vmem>>, vector<1000x128xf32>
    tpu.vector_store %arg3[%swap3A, %swap3A_24], %mul3A_23 {strides = array<i32>} : memref<1000x128xf32, #tpu.memory_space<vmem>>, vector<1000x128xf32>,
    %swap3A_26 = arith.constant 0 : index
    %swap3A_27 = arith.constant 0 : index
    %swap3A_28 = vector.load %arg4[%swap3A_26, %swap3A_27] : memref<1000x1xf32, #tpu.memory_space<vmem>>, vector<1000x1xf32>
    tpu.vector_store %arg4[%swap3A_26, %swap3A_27], %mul3A_18 {strides = array<i32>} : memref<1000x1xf32, #tpu.memory_space<vmem>>, vector<1000x1xf32>,
    return
  }
  func.func @transform_0(%arg0: i32) -> (i32, i32) {
    %c0_i32 = arith.constant 0 : i32
    %c0_i32_0 = arith.constant 0 : i32
    return %arg0, %c0_i32 : i32, i32
  }
  func.func @transform_1(%arg0: i32) -> (i32, i32, i32) {
    %c0_i32 = arith.constant 0 : i32
    %c0_i32_0 = arith.constant 0 : i32
    %c0_i32_1 = arith.constant 0 : i32
    return %c0_i32, %arg0, %c0_i32_0 : i32, i32, i32
  }
  func.func @transform_2(%arg0: i32) -> (i32, i32) {
    %c0_i32 = arith.constant 0 : i32
    %c0_i32_0 = arith.constant 0 : i32
    return %arg0, %c0_i32 : i32, i32
  }
  func.func @transform_3(%arg0: i32) -> (i32, i32) {
    %c0_i32 = arith.constant 0 : i32
    %c0_i32_0 = arith.constant 0 : i32
    return %arg0, %c0_i32 : i32, i32
  }
}

module attributes {stable_mosaic.version = 14 : i64} {
  func.func @_merge_body(%arg0: i32, %arg1: i32, %arg2: memref<2x1000x128xf32, #tpu.memory_space<vmem>>, %arg3: memref<1000x1xf32, #tpu.memory_space<vmem>>, %arg4: memref<128x128xf32, #tpu.memory_space<vmem>>, %arg5: memref<1x128xf32, #tpu.memory_space<vmem>>, %arg6: memref<1x128xf32, #tpu.memory_space<vmem>>, %arg7: memref<1x128xf32, #tpu.memory_space<vmem>>, %arg8: memref<1000x128xf32, #tpu.memory_space<vmem>>, %arg9: memref<2x128xf32, #tpu.memory_space<vmem>>, %arg10: memref<2x128xf32, #tpu.memory_space<vmem>>, %arg11: memref<10000x128xf32, #tpu.memory_space<vmem>>) attributes {dimension_semantics = [#tpu.dimension_semantics<arbitrary>, #tpu.dimension_semantics<arbitrary>], iteration_bounds = array<i64: 2, 10>, scalar_prefetch = 0 : i64, scratch_operands = 3 : i64, tpu.core_type = #tpu.core_type<tc>, window_params = [{transform_indices = @transform_0, window_bounds = array<i64: 2, 1000, 128>}, {transform_indices = @transform_1, window_bounds = array<i64: 1000, 1>}, {pipeline_mode = #tpu.pipeline_mode<synchronous>, transform_indices = @transform_2, window_bounds = array<i64: 128, 128>}, {pipeline_mode = #tpu.pipeline_mode<synchronous>, transform_indices = @transform_3, window_bounds = array<i64: 1, 128>}, {pipeline_mode = #tpu.pipeline_mode<synchronous>, transform_indices = @transform_4, window_bounds = array<i64: 1, 128>}, {pipeline_mode = #tpu.pipeline_mode<synchronous>, transform_indices = @transform_5, window_bounds = array<i64: 1, 128>}, {transform_indices = @transform_6, window_bounds = array<i64: 1000, 128>}]} {
    %get3A = arith.constant 0 : index
    %get3A_0 = arith.constant 0 : index
    %get3A_1 = vector.load %arg3[%get3A, %get3A_0] : memref<1000x1xf32, #tpu.memory_space<vmem>>, vector<1000x1xf32>
    %eq3A = arith.constant 0 : i32
    %eq3A_2 = arith.cmpi eq, %arg0, %eq3A : i32
    %convert_element_type3A = arith.extui %eq3A_2 : i1 to i32
    %cond3A = arith.constant 0 : i32
    %cond3A_3 = arith.cmpi ne, %convert_element_type3A, %cond3A : i32
    scf.if %cond3A_3 {
      %get3A_9 = arith.constant 0 : index
      %get3A_10 = arith.constant 0 : index
      %get3A_11 = arith.constant 0 : index
      %get3A_12 = vector.load %arg2[%get3A_9, %get3A_10, %get3A_11] : memref<2x1000x128xf32, #tpu.memory_space<vmem>>, vector<1x1000x128xf32>
      %get3A_13 = vector.shape_cast %get3A_12 : vector<1x1000x128xf32> to vector<1000x128xf32>
      %get3A_14 = arith.constant 1 : index
      %get3A_15 = arith.constant 0 : index
      %get3A_16 = arith.constant 0 : index
      %get3A_17 = vector.load %arg2[%get3A_14, %get3A_15, %get3A_16] : memref<2x1000x128xf32, #tpu.memory_space<vmem>>, vector<1x1000x128xf32>
      %get3A_18 = vector.shape_cast %get3A_17 : vector<1x1000x128xf32> to vector<1000x128xf32>
      %add3A = arith.addf %get3A_13, %get3A_18 : vector<1000x128xf32>
      %mul3A = vector.broadcast %get3A_1 : vector<1000x1xf32> to vector<1000x128xf32>
      %mul3A_19 = arith.mulf %add3A, %mul3A : vector<1000x128xf32>
      %get3A_20 = arith.constant 0 : index
      %get3A_21 = arith.constant 0 : index
      %get3A_22 = vector.load %arg4[%get3A_20, %get3A_21] : memref<128x128xf32, #tpu.memory_space<vmem>>, vector<128x128xf32>
      %dot_general3A = arith.constant dense<0.000000e+00> : vector<1000x128xf32>
      %dot_general3A_23 = tpu.matmul %mul3A_19, %get3A_22, %dot_general3A {dimension_numbers = #tpu.dot_dimension_numbers<[1], [0], [0], [1], [0, 0, 1, 1], [], []>, precision = #tpu.contract_precision<fp32>, transpose_lhs_hint = false} : vector<1000x128xf32>, vector<128x128xf32>, vector<1000x128xf32> -> vector<1000x128xf32>
      %get3A_24 = arith.constant 0 : index
      %get3A_25 = arith.constant 0 : index
      %get3A_26 = vector.load %arg5[%get3A_24, %get3A_25] : memref<1x128xf32, #tpu.memory_space<vmem>>, vector<1x128xf32>
      %add3A_27 = vector.broadcast %get3A_26 : vector<1x128xf32> to vector<1000x128xf32>
      %add3A_28 = arith.addf %dot_general3A_23, %add3A_27 : vector<1000x128xf32>
      %mul3A_29 = arith.constant 1000 : i32
      %mul3A_30 = arith.muli %arg1, %mul3A_29 : i32
      %swap3A = arith.index_cast %mul3A_30 : i32 to index
      %swap3A_31 = arith.constant 0 : index
      %swap3A_32 = vector.load %arg11[%swap3A, %swap3A_31] : memref<10000x128xf32, #tpu.memory_space<vmem>>, vector<1000x128xf32>
      tpu.vector_store %arg11[%swap3A, %swap3A_31], %add3A_28 {strides = array<i32>} : memref<10000x128xf32, #tpu.memory_space<vmem>>, vector<1000x128xf32>,
      %eq3A_33 = arith.constant 0 : i32
      %eq3A_34 = arith.cmpi eq, %arg1, %eq3A_33 : i32
      %convert_element_type3A_35 = arith.extui %eq3A_34 : i1 to i32
      %cond3A_36 = arith.constant 0 : i32
      %cond3A_37 = arith.cmpi ne, %convert_element_type3A_35, %cond3A_36 : i32
      scf.if %cond3A_37 {
        %broadcast_in_dim3A_57 = arith.constant 0.000000e+00 : f32
        %broadcast_in_dim3A_58 = vector.broadcast %broadcast_in_dim3A_57 : f32 to vector<2x128xf32>
        %swap3A_59 = arith.constant 0 : index
        %swap3A_60 = arith.constant 0 : index
        %swap3A_61 = vector.load %arg9[%swap3A_59, %swap3A_60] : memref<2x128xf32, #tpu.memory_space<vmem>>, vector<2x128xf32>
        tpu.vector_store %arg9[%swap3A_59, %swap3A_60], %broadcast_in_dim3A_58 {strides = array<i32>} : memref<2x128xf32, #tpu.memory_space<vmem>>, vector<2x128xf32>,
      } else {
      }
      %get3A_38 = arith.constant 0 : index
      %get3A_39 = arith.constant 0 : index
      %get3A_40 = vector.load %arg9[%get3A_38, %get3A_39] : memref<2x128xf32, #tpu.memory_space<vmem>>, vector<1x128xf32>
      %reduce_sum3A = arith.constant dense<0.000000e+00> : vector<128xf32>
      %reduce_sum3A_41 = vector.multi_reduction <add>, %add3A_28, %reduce_sum3A [0] : vector<1000x128xf32> to vector<128xf32>
      %broadcast_in_dim3A = vector.shape_cast %reduce_sum3A_41 : vector<128xf32> to vector<1x128xf32>
      %add3A_42 = arith.addf %get3A_40, %broadcast_in_dim3A : vector<1x128xf32>
      %swap3A_43 = arith.constant 0 : index
      %swap3A_44 = arith.constant 0 : index
      %swap3A_45 = vector.load %arg9[%swap3A_43, %swap3A_44] : memref<2x128xf32, #tpu.memory_space<vmem>>, vector<1x128xf32>
      tpu.vector_store %arg9[%swap3A_43, %swap3A_44], %add3A_42 {strides = array<i32>} : memref<2x128xf32, #tpu.memory_space<vmem>>, vector<1x128xf32>,
      %get3A_46 = arith.constant 1 : index
      %get3A_47 = arith.constant 0 : index
      %get3A_48 = vector.load %arg9[%get3A_46, %get3A_47] : memref<2x128xf32, #tpu.memory_space<vmem>>, vector<1x128xf32>
      %mul3A_49 = arith.mulf %add3A_28, %add3A_28 : vector<1000x128xf32>
      %reduce_sum3A_50 = arith.constant dense<0.000000e+00> : vector<128xf32>
      %reduce_sum3A_51 = vector.multi_reduction <add>, %mul3A_49, %reduce_sum3A_50 [0] : vector<1000x128xf32> to vector<128xf32>
      %broadcast_in_dim3A_52 = vector.shape_cast %reduce_sum3A_51 : vector<128xf32> to vector<1x128xf32>
      %add3A_53 = arith.addf %get3A_48, %broadcast_in_dim3A_52 : vector<1x128xf32>
      %swap3A_54 = arith.constant 1 : index
      %swap3A_55 = arith.constant 0 : index
      %swap3A_56 = vector.load %arg9[%swap3A_54, %swap3A_55] : memref<2x128xf32, #tpu.memory_space<vmem>>, vector<1x128xf32>
      tpu.vector_store %arg9[%swap3A_54, %swap3A_55], %add3A_53 {strides = array<i32>} : memref<2x128xf32, #tpu.memory_space<vmem>>, vector<1x128xf32>,
    } else {
    }
    %eq3A_4 = arith.constant 1 : i32
    %eq3A_5 = arith.cmpi eq, %arg0, %eq3A_4 : i32
    %convert_element_type3A_6 = arith.extui %eq3A_5 : i1 to i32
    %cond3A_7 = arith.constant 0 : i32
    %cond3A_8 = arith.cmpi ne, %convert_element_type3A_6, %cond3A_7 : i32
    scf.if %cond3A_8 {
      %eq3A_9 = arith.constant 0 : i32
      %eq3A_10 = arith.cmpi eq, %arg1, %eq3A_9 : i32
      %convert_element_type3A_11 = arith.extui %eq3A_10 : i1 to i32
      %cond3A_12 = arith.constant 0 : i32
      %cond3A_13 = arith.cmpi ne, %convert_element_type3A_11, %cond3A_12 : i32
      scf.if %cond3A_13 {
        %get3A_42 = arith.constant 0 : index
        %get3A_43 = arith.constant 0 : index
        %get3A_44 = vector.load %arg9[%get3A_42, %get3A_43] : memref<2x128xf32, #tpu.memory_space<vmem>>, vector<1x128xf32>
        %div3A = arith.constant 1.000000e+04 : f32
        %div3A_45 = vector.broadcast %div3A : f32 to vector<1x128xf32>
        %div3A_46 = arith.divf %get3A_44, %div3A_45 : vector<1x128xf32>
        %get3A_47 = arith.constant 1 : index
        %get3A_48 = arith.constant 0 : index
        %get3A_49 = vector.load %arg9[%get3A_47, %get3A_48] : memref<2x128xf32, #tpu.memory_space<vmem>>, vector<1x128xf32>
        %div3A_50 = arith.constant 1.000000e+04 : f32
        %div3A_51 = vector.broadcast %div3A_50 : f32 to vector<1x128xf32>
        %div3A_52 = arith.divf %get3A_49, %div3A_51 : vector<1x128xf32>
        %mul3A_53 = arith.mulf %div3A_46, %div3A_46 : vector<1x128xf32>
        %sub3A_54 = arith.subf %div3A_52, %mul3A_53 : vector<1x128xf32>
        %swap3A_55 = arith.constant 0 : index
        %swap3A_56 = arith.constant 0 : index
        %swap3A_57 = vector.load %arg10[%swap3A_55, %swap3A_56] : memref<2x128xf32, #tpu.memory_space<vmem>>, vector<1x128xf32>
        tpu.vector_store %arg10[%swap3A_55, %swap3A_56], %div3A_46 {strides = array<i32>} : memref<2x128xf32, #tpu.memory_space<vmem>>, vector<1x128xf32>,
        %add3A_58 = arith.constant 9.99999974E-6 : f32
        %add3A_59 = vector.broadcast %add3A_58 : f32 to vector<1x128xf32>
        %add3A_60 = arith.addf %sub3A_54, %add3A_59 : vector<1x128xf32>
        %rsqrt3A = math.rsqrt %add3A_60 : vector<1x128xf32>
        %mul3A_61 = arith.constant 5.000000e-01 : f32
        %mul3A_62 = vector.broadcast %mul3A_61 : f32 to vector<1x128xf32>
        %mul3A_63 = arith.mulf %mul3A_62, %add3A_60 : vector<1x128xf32>
        %mul3A_64 = arith.mulf %mul3A_63, %rsqrt3A : vector<1x128xf32>
        %mul3A_65 = arith.mulf %mul3A_64, %rsqrt3A : vector<1x128xf32>
        %sub3A_66 = arith.constant 1.500000e+00 : f32
        %sub3A_67 = vector.broadcast %sub3A_66 : f32 to vector<1x128xf32>
        %sub3A_68 = arith.subf %sub3A_67, %mul3A_65 : vector<1x128xf32>
        %mul3A_69 = arith.mulf %rsqrt3A, %sub3A_68 : vector<1x128xf32>
        %swap3A_70 = arith.constant 1 : index
        %swap3A_71 = arith.constant 0 : index
        %swap3A_72 = vector.load %arg10[%swap3A_70, %swap3A_71] : memref<2x128xf32, #tpu.memory_space<vmem>>, vector<1x128xf32>
        tpu.vector_store %arg10[%swap3A_70, %swap3A_71], %mul3A_69 {strides = array<i32>} : memref<2x128xf32, #tpu.memory_space<vmem>>, vector<1x128xf32>,
      } else {
      }
      %mul3A = arith.constant 1000 : i32
      %mul3A_14 = arith.muli %arg1, %mul3A : i32
      %get3A_15 = arith.index_cast %mul3A_14 : i32 to index
      %get3A_16 = arith.constant 0 : index
      %get3A_17 = vector.load %arg11[%get3A_15, %get3A_16] : memref<10000x128xf32, #tpu.memory_space<vmem>>, vector<1000x128xf32>
      %get3A_18 = arith.constant 0 : index
      %get3A_19 = arith.constant 0 : index
      %get3A_20 = vector.load %arg6[%get3A_18, %get3A_19] : memref<1x128xf32, #tpu.memory_space<vmem>>, vector<1x128xf32>
      %get3A_21 = arith.constant 0 : index
      %get3A_22 = arith.constant 0 : index
      %get3A_23 = vector.load %arg10[%get3A_21, %get3A_22] : memref<2x128xf32, #tpu.memory_space<vmem>>, vector<1x128xf32>
      %sub3A = vector.broadcast %get3A_23 : vector<1x128xf32> to vector<1000x128xf32>
      %sub3A_24 = arith.subf %get3A_17, %sub3A : vector<1000x128xf32>
      %mul3A_25 = vector.broadcast %get3A_20 : vector<1x128xf32> to vector<1000x128xf32>
      %mul3A_26 = arith.mulf %mul3A_25, %sub3A_24 : vector<1000x128xf32>
      %get3A_27 = arith.constant 1 : index
      %get3A_28 = arith.constant 0 : index
      %get3A_29 = vector.load %arg10[%get3A_27, %get3A_28] : memref<2x128xf32, #tpu.memory_space<vmem>>, vector<1x128xf32>
      %mul3A_30 = vector.broadcast %get3A_29 : vector<1x128xf32> to vector<1000x128xf32>
      %mul3A_31 = arith.mulf %mul3A_26, %mul3A_30 : vector<1000x128xf32>
      %get3A_32 = arith.constant 0 : index
      %get3A_33 = arith.constant 0 : index
      %get3A_34 = vector.load %arg7[%get3A_32, %get3A_33] : memref<1x128xf32, #tpu.memory_space<vmem>>, vector<1x128xf32>
      %add3A = vector.broadcast %get3A_34 : vector<1x128xf32> to vector<1000x128xf32>
      %add3A_35 = arith.addf %mul3A_31, %add3A : vector<1000x128xf32>
      %max3A = arith.constant 0.000000e+00 : f32
      %max3A_36 = vector.broadcast %max3A : f32 to vector<1000x128xf32>
      %max3A_37 = arith.maximumf %add3A_35, %max3A_36 : vector<1000x128xf32>
      %mul3A_38 = vector.broadcast %get3A_1 : vector<1000x1xf32> to vector<1000x128xf32>
      %mul3A_39 = arith.mulf %max3A_37, %mul3A_38 : vector<1000x128xf32>
      %swap3A = arith.constant 0 : index
      %swap3A_40 = arith.constant 0 : index
      %swap3A_41 = vector.load %arg8[%swap3A, %swap3A_40] : memref<1000x128xf32, #tpu.memory_space<vmem>>, vector<1000x128xf32>
      tpu.vector_store %arg8[%swap3A, %swap3A_40], %mul3A_39 {strides = array<i32>} : memref<1000x128xf32, #tpu.memory_space<vmem>>, vector<1000x128xf32>,
    } else {
    }
    return
  }
  func.func @transform_0(%arg0: i32, %arg1: i32) -> (i32, i32, i32) {
    %sub3A = arith.constant 1 : i32
    %sub3A_0 = arith.subi %sub3A, %arg0 : i32
    %mul3A = arith.muli %arg1, %sub3A_0 : i32
    %c0_i32 = arith.constant 0 : i32
    %c0_i32_1 = arith.constant 0 : i32
    %c0_i32_2 = arith.constant 0 : i32
    return %c0_i32, %mul3A, %c0_i32_1 : i32, i32, i32
  }
  func.func @transform_1(%arg0: i32, %arg1: i32) -> (i32, i32) {
    %c0_i32 = arith.constant 0 : i32
    %c0_i32_0 = arith.constant 0 : i32
    return %arg1, %c0_i32 : i32, i32
  }
  func.func @transform_2(%arg0: i32, %arg1: i32) -> (i32, i32) {
    %c0_i32 = arith.constant 0 : i32
    %c0_i32_0 = arith.constant 0 : i32
    %c0_i32_1 = arith.constant 0 : i32
    return %c0_i32, %c0_i32_0 : i32, i32
  }
  func.func @transform_3(%arg0: i32, %arg1: i32) -> (i32, i32) {
    %c0_i32 = arith.constant 0 : i32
    %c0_i32_0 = arith.constant 0 : i32
    %c0_i32_1 = arith.constant 0 : i32
    return %c0_i32, %c0_i32_0 : i32, i32
  }
  func.func @transform_4(%arg0: i32, %arg1: i32) -> (i32, i32) {
    %c0_i32 = arith.constant 0 : i32
    %c0_i32_0 = arith.constant 0 : i32
    %c0_i32_1 = arith.constant 0 : i32
    return %c0_i32, %c0_i32_0 : i32, i32
  }
  func.func @transform_5(%arg0: i32, %arg1: i32) -> (i32, i32) {
    %c0_i32 = arith.constant 0 : i32
    %c0_i32_0 = arith.constant 0 : i32
    %c0_i32_1 = arith.constant 0 : i32
    return %c0_i32, %c0_i32_0 : i32, i32
  }
  func.func @transform_6(%arg0: i32, %arg1: i32) -> (i32, i32) {
    %mul3A = arith.muli %arg1, %arg0 : i32
    %c0_i32 = arith.constant 0 : i32
    %c0_i32_0 = arith.constant 0 : i32
    return %mul3A, %c0_i32 : i32, i32
  }
}

module attributes {stable_mosaic.version = 14 : i64} {
  func.func @wrapped(%arg0: i32, %arg1: i32, %arg2: memref<2x1000x128xf32, #tpu.memory_space<vmem>>, %arg3: memref<1000x1xf32, #tpu.memory_space<vmem>>, %arg4: memref<128x192xf32, #tpu.memory_space<vmem>>, %arg5: memref<1x192xf32, #tpu.memory_space<vmem>>, %arg6: memref<1x192xf32, #tpu.memory_space<vmem>>, %arg7: memref<1x192xf32, #tpu.memory_space<vmem>>, %arg8: memref<192x128xf32, #tpu.memory_space<vmem>>, %arg9: memref<1x128xf32, #tpu.memory_space<vmem>>, %arg10: memref<136x2xf32, #tpu.memory_space<vmem>>, %arg11: memref<1000x2xf32, #tpu.memory_space<vmem>>, %arg12: memref<2x192xf32, #tpu.memory_space<vmem>>, %arg13: memref<2x192xf32, #tpu.memory_space<vmem>>, %arg14: memref<10000x192xf32, #tpu.memory_space<vmem>>) attributes {dimension_semantics = [#tpu.dimension_semantics<arbitrary>, #tpu.dimension_semantics<arbitrary>], iteration_bounds = array<i64: 2, 10>, scalar_prefetch = 0 : i64, scratch_operands = 3 : i64, tpu.core_type = #tpu.core_type<tc>, window_params = [{transform_indices = @transform_0, window_bounds = array<i64: 2, 1000, 128>}, {transform_indices = @transform_1, window_bounds = array<i64: 1000, 1>}, {pipeline_mode = #tpu.pipeline_mode<synchronous>, transform_indices = @transform_2, window_bounds = array<i64: 128, 192>}, {pipeline_mode = #tpu.pipeline_mode<synchronous>, transform_indices = @transform_3, window_bounds = array<i64: 1, 192>}, {pipeline_mode = #tpu.pipeline_mode<synchronous>, transform_indices = @transform_4, window_bounds = array<i64: 1, 192>}, {pipeline_mode = #tpu.pipeline_mode<synchronous>, transform_indices = @transform_5, window_bounds = array<i64: 1, 192>}, {pipeline_mode = #tpu.pipeline_mode<synchronous>, transform_indices = @transform_6, window_bounds = array<i64: 192, 128>}, {pipeline_mode = #tpu.pipeline_mode<synchronous>, transform_indices = @transform_7, window_bounds = array<i64: 1, 128>}, {pipeline_mode = #tpu.pipeline_mode<synchronous>, transform_indices = @transform_8, window_bounds = array<i64: 136, 2>}, {transform_indices = @transform_9, window_bounds = array<i64: 1000, 2>}]} {
    %get3A = arith.constant 0 : index
    %get3A_0 = arith.constant 0 : index
    %get3A_1 = vector.load %arg3[%get3A, %get3A_0] : memref<1000x1xf32, #tpu.memory_space<vmem>>, vector<1000x1xf32>
    %eq3A = arith.constant 0 : i32
    %eq3A_2 = arith.cmpi eq, %arg0, %eq3A : i32
    %convert_element_type3A = arith.extui %eq3A_2 : i1 to i32
    %cond3A = arith.constant 0 : i32
    %cond3A_3 = arith.cmpi ne, %convert_element_type3A, %cond3A : i32
    scf.if %cond3A_3 {
      %get3A_9 = arith.constant 0 : index
      %get3A_10 = arith.constant 0 : index
      %get3A_11 = arith.constant 0 : index
      %get3A_12 = vector.load %arg2[%get3A_9, %get3A_10, %get3A_11] : memref<2x1000x128xf32, #tpu.memory_space<vmem>>, vector<1x1000x128xf32>
      %get3A_13 = vector.shape_cast %get3A_12 : vector<1x1000x128xf32> to vector<1000x128xf32>
      %get3A_14 = arith.constant 1 : index
      %get3A_15 = arith.constant 0 : index
      %get3A_16 = arith.constant 0 : index
      %get3A_17 = vector.load %arg2[%get3A_14, %get3A_15, %get3A_16] : memref<2x1000x128xf32, #tpu.memory_space<vmem>>, vector<1x1000x128xf32>
      %get3A_18 = vector.shape_cast %get3A_17 : vector<1x1000x128xf32> to vector<1000x128xf32>
      %add3A = arith.addf %get3A_13, %get3A_18 : vector<1000x128xf32>
      %mul3A = vector.broadcast %get3A_1 : vector<1000x1xf32> to vector<1000x128xf32>
      %mul3A_19 = arith.mulf %add3A, %mul3A : vector<1000x128xf32>
      %get3A_20 = arith.constant 0 : index
      %get3A_21 = arith.constant 0 : index
      %get3A_22 = vector.load %arg4[%get3A_20, %get3A_21] : memref<128x192xf32, #tpu.memory_space<vmem>>, vector<128x192xf32>
      %dot_general3A = arith.constant dense<0.000000e+00> : vector<1000x192xf32>
      %dot_general3A_23 = tpu.matmul %mul3A_19, %get3A_22, %dot_general3A {dimension_numbers = #tpu.dot_dimension_numbers<[1], [0], [0], [1], [0, 0, 1, 1], [], []>, precision = #tpu.contract_precision<fp32>, transpose_lhs_hint = false} : vector<1000x128xf32>, vector<128x192xf32>, vector<1000x192xf32> -> vector<1000x192xf32>
      %get3A_24 = arith.constant 0 : index
      %get3A_25 = arith.constant 0 : index
      %get3A_26 = vector.load %arg5[%get3A_24, %get3A_25] : memref<1x192xf32, #tpu.memory_space<vmem>>, vector<1x192xf32>
      %add3A_27 = vector.broadcast %get3A_26 : vector<1x192xf32> to vector<1000x192xf32>
      %add3A_28 = arith.addf %dot_general3A_23, %add3A_27 : vector<1000x192xf32>
      %mul3A_29 = arith.constant 1000 : i32
      %mul3A_30 = arith.muli %arg1, %mul3A_29 : i32
      %swap3A = arith.index_cast %mul3A_30 : i32 to index
      %swap3A_31 = arith.constant 0 : index
      %swap3A_32 = vector.load %arg14[%swap3A, %swap3A_31] : memref<10000x192xf32, #tpu.memory_space<vmem>>, vector<1000x192xf32>
      tpu.vector_store %arg14[%swap3A, %swap3A_31], %add3A_28 {strides = array<i32>} : memref<10000x192xf32, #tpu.memory_space<vmem>>, vector<1000x192xf32>,
      %eq3A_33 = arith.constant 0 : i32
      %eq3A_34 = arith.cmpi eq, %arg1, %eq3A_33 : i32
      %convert_element_type3A_35 = arith.extui %eq3A_34 : i1 to i32
      %cond3A_36 = arith.constant 0 : i32
      %cond3A_37 = arith.cmpi ne, %convert_element_type3A_35, %cond3A_36 : i32
      scf.if %cond3A_37 {
        %broadcast_in_dim3A_57 = arith.constant 0.000000e+00 : f32
        %broadcast_in_dim3A_58 = vector.broadcast %broadcast_in_dim3A_57 : f32 to vector<2x192xf32>
        %swap3A_59 = arith.constant 0 : index
        %swap3A_60 = arith.constant 0 : index
        %swap3A_61 = vector.load %arg12[%swap3A_59, %swap3A_60] : memref<2x192xf32, #tpu.memory_space<vmem>>, vector<2x192xf32>
        tpu.vector_store %arg12[%swap3A_59, %swap3A_60], %broadcast_in_dim3A_58 {strides = array<i32>} : memref<2x192xf32, #tpu.memory_space<vmem>>, vector<2x192xf32>,
      } else {
      }
      %get3A_38 = arith.constant 0 : index
      %get3A_39 = arith.constant 0 : index
      %get3A_40 = vector.load %arg12[%get3A_38, %get3A_39] : memref<2x192xf32, #tpu.memory_space<vmem>>, vector<1x192xf32>
      %reduce_sum3A = arith.constant dense<0.000000e+00> : vector<192xf32>
      %reduce_sum3A_41 = vector.multi_reduction <add>, %add3A_28, %reduce_sum3A [0] : vector<1000x192xf32> to vector<192xf32>
      %broadcast_in_dim3A = vector.shape_cast %reduce_sum3A_41 : vector<192xf32> to vector<1x192xf32>
      %add3A_42 = arith.addf %get3A_40, %broadcast_in_dim3A : vector<1x192xf32>
      %swap3A_43 = arith.constant 0 : index
      %swap3A_44 = arith.constant 0 : index
      %swap3A_45 = vector.load %arg12[%swap3A_43, %swap3A_44] : memref<2x192xf32, #tpu.memory_space<vmem>>, vector<1x192xf32>
      tpu.vector_store %arg12[%swap3A_43, %swap3A_44], %add3A_42 {strides = array<i32>} : memref<2x192xf32, #tpu.memory_space<vmem>>, vector<1x192xf32>,
      %get3A_46 = arith.constant 1 : index
      %get3A_47 = arith.constant 0 : index
      %get3A_48 = vector.load %arg12[%get3A_46, %get3A_47] : memref<2x192xf32, #tpu.memory_space<vmem>>, vector<1x192xf32>
      %mul3A_49 = arith.mulf %add3A_28, %add3A_28 : vector<1000x192xf32>
      %reduce_sum3A_50 = arith.constant dense<0.000000e+00> : vector<192xf32>
      %reduce_sum3A_51 = vector.multi_reduction <add>, %mul3A_49, %reduce_sum3A_50 [0] : vector<1000x192xf32> to vector<192xf32>
      %broadcast_in_dim3A_52 = vector.shape_cast %reduce_sum3A_51 : vector<192xf32> to vector<1x192xf32>
      %add3A_53 = arith.addf %get3A_48, %broadcast_in_dim3A_52 : vector<1x192xf32>
      %swap3A_54 = arith.constant 1 : index
      %swap3A_55 = arith.constant 0 : index
      %swap3A_56 = vector.load %arg12[%swap3A_54, %swap3A_55] : memref<2x192xf32, #tpu.memory_space<vmem>>, vector<1x192xf32>
      tpu.vector_store %arg12[%swap3A_54, %swap3A_55], %add3A_53 {strides = array<i32>} : memref<2x192xf32, #tpu.memory_space<vmem>>, vector<1x192xf32>,
    } else {
    }
    %eq3A_4 = arith.constant 1 : i32
    %eq3A_5 = arith.cmpi eq, %arg0, %eq3A_4 : i32
    %convert_element_type3A_6 = arith.extui %eq3A_5 : i1 to i32
    %cond3A_7 = arith.constant 0 : i32
    %cond3A_8 = arith.cmpi ne, %convert_element_type3A_6, %cond3A_7 : i32
    scf.if %cond3A_8 {
      %eq3A_9 = arith.constant 0 : i32
      %eq3A_10 = arith.cmpi eq, %arg1, %eq3A_9 : i32
      %convert_element_type3A_11 = arith.extui %eq3A_10 : i1 to i32
      %cond3A_12 = arith.constant 0 : i32
      %cond3A_13 = arith.cmpi ne, %convert_element_type3A_11, %cond3A_12 : i32
      scf.if %cond3A_13 {
        %get3A_60 = arith.constant 0 : index
        %get3A_61 = arith.constant 0 : index
        %get3A_62 = vector.load %arg12[%get3A_60, %get3A_61] : memref<2x192xf32, #tpu.memory_space<vmem>>, vector<1x192xf32>
        %div3A = arith.constant 1.000000e+04 : f32
        %div3A_63 = vector.broadcast %div3A : f32 to vector<1x192xf32>
        %div3A_64 = arith.divf %get3A_62, %div3A_63 : vector<1x192xf32>
        %get3A_65 = arith.constant 1 : index
        %get3A_66 = arith.constant 0 : index
        %get3A_67 = vector.load %arg12[%get3A_65, %get3A_66] : memref<2x192xf32, #tpu.memory_space<vmem>>, vector<1x192xf32>
        %div3A_68 = arith.constant 1.000000e+04 : f32
        %div3A_69 = vector.broadcast %div3A_68 : f32 to vector<1x192xf32>
        %div3A_70 = arith.divf %get3A_67, %div3A_69 : vector<1x192xf32>
        %mul3A_71 = arith.mulf %div3A_64, %div3A_64 : vector<1x192xf32>
        %sub3A_72 = arith.subf %div3A_70, %mul3A_71 : vector<1x192xf32>
        %swap3A_73 = arith.constant 0 : index
        %swap3A_74 = arith.constant 0 : index
        %swap3A_75 = vector.load %arg13[%swap3A_73, %swap3A_74] : memref<2x192xf32, #tpu.memory_space<vmem>>, vector<1x192xf32>
        tpu.vector_store %arg13[%swap3A_73, %swap3A_74], %div3A_64 {strides = array<i32>} : memref<2x192xf32, #tpu.memory_space<vmem>>, vector<1x192xf32>,
        %add3A_76 = arith.constant 9.99999974E-6 : f32
        %add3A_77 = vector.broadcast %add3A_76 : f32 to vector<1x192xf32>
        %add3A_78 = arith.addf %sub3A_72, %add3A_77 : vector<1x192xf32>
        %rsqrt3A = math.rsqrt %add3A_78 : vector<1x192xf32>
        %mul3A_79 = arith.constant 5.000000e-01 : f32
        %mul3A_80 = vector.broadcast %mul3A_79 : f32 to vector<1x192xf32>
        %mul3A_81 = arith.mulf %mul3A_80, %add3A_78 : vector<1x192xf32>
        %mul3A_82 = arith.mulf %mul3A_81, %rsqrt3A : vector<1x192xf32>
        %mul3A_83 = arith.mulf %mul3A_82, %rsqrt3A : vector<1x192xf32>
        %sub3A_84 = arith.constant 1.500000e+00 : f32
        %sub3A_85 = vector.broadcast %sub3A_84 : f32 to vector<1x192xf32>
        %sub3A_86 = arith.subf %sub3A_85, %mul3A_83 : vector<1x192xf32>
        %mul3A_87 = arith.mulf %rsqrt3A, %sub3A_86 : vector<1x192xf32>
        %swap3A_88 = arith.constant 1 : index
        %swap3A_89 = arith.constant 0 : index
        %swap3A_90 = vector.load %arg13[%swap3A_88, %swap3A_89] : memref<2x192xf32, #tpu.memory_space<vmem>>, vector<1x192xf32>
        tpu.vector_store %arg13[%swap3A_88, %swap3A_89], %mul3A_87 {strides = array<i32>} : memref<2x192xf32, #tpu.memory_space<vmem>>, vector<1x192xf32>,
      } else {
      }
      %mul3A = arith.constant 1000 : i32
      %mul3A_14 = arith.muli %arg1, %mul3A : i32
      %get3A_15 = arith.index_cast %mul3A_14 : i32 to index
      %get3A_16 = arith.constant 0 : index
      %get3A_17 = vector.load %arg14[%get3A_15, %get3A_16] : memref<10000x192xf32, #tpu.memory_space<vmem>>, vector<1000x192xf32>
      %get3A_18 = arith.constant 0 : index
      %get3A_19 = arith.constant 0 : index
      %get3A_20 = vector.load %arg6[%get3A_18, %get3A_19] : memref<1x192xf32, #tpu.memory_space<vmem>>, vector<1x192xf32>
      %get3A_21 = arith.constant 0 : index
      %get3A_22 = arith.constant 0 : index
      %get3A_23 = vector.load %arg13[%get3A_21, %get3A_22] : memref<2x192xf32, #tpu.memory_space<vmem>>, vector<1x192xf32>
      %sub3A = vector.broadcast %get3A_23 : vector<1x192xf32> to vector<1000x192xf32>
      %sub3A_24 = arith.subf %get3A_17, %sub3A : vector<1000x192xf32>
      %mul3A_25 = vector.broadcast %get3A_20 : vector<1x192xf32> to vector<1000x192xf32>
      %mul3A_26 = arith.mulf %mul3A_25, %sub3A_24 : vector<1000x192xf32>
      %get3A_27 = arith.constant 1 : index
      %get3A_28 = arith.constant 0 : index
      %get3A_29 = vector.load %arg13[%get3A_27, %get3A_28] : memref<2x192xf32, #tpu.memory_space<vmem>>, vector<1x192xf32>
      %mul3A_30 = vector.broadcast %get3A_29 : vector<1x192xf32> to vector<1000x192xf32>
      %mul3A_31 = arith.mulf %mul3A_26, %mul3A_30 : vector<1000x192xf32>
      %get3A_32 = arith.constant 0 : index
      %get3A_33 = arith.constant 0 : index
      %get3A_34 = vector.load %arg7[%get3A_32, %get3A_33] : memref<1x192xf32, #tpu.memory_space<vmem>>, vector<1x192xf32>
      %add3A = vector.broadcast %get3A_34 : vector<1x192xf32> to vector<1000x192xf32>
      %add3A_35 = arith.addf %mul3A_31, %add3A : vector<1000x192xf32>
      %max3A = arith.constant 0.000000e+00 : f32
      %max3A_36 = vector.broadcast %max3A : f32 to vector<1000x192xf32>
      %max3A_37 = arith.maximumf %add3A_35, %max3A_36 : vector<1000x192xf32>
      %get3A_38 = arith.constant 0 : index
      %get3A_39 = arith.constant 0 : index
      %get3A_40 = vector.load %arg8[%get3A_38, %get3A_39] : memref<192x128xf32, #tpu.memory_space<vmem>>, vector<192x128xf32>
      %dot_general3A = arith.constant dense<0.000000e+00> : vector<1000x128xf32>
      %dot_general3A_41 = tpu.matmul %max3A_37, %get3A_40, %dot_general3A {dimension_numbers = #tpu.dot_dimension_numbers<[1], [0], [0], [1], [0, 0, 1, 1], [], []>, precision = #tpu.contract_precision<fp32>, transpose_lhs_hint = false} : vector<1000x192xf32>, vector<192x128xf32>, vector<1000x128xf32> -> vector<1000x128xf32>
      %get3A_42 = arith.constant 0 : index
      %get3A_43 = arith.constant 0 : index
      %get3A_44 = vector.load %arg9[%get3A_42, %get3A_43] : memref<1x128xf32, #tpu.memory_space<vmem>>, vector<1x128xf32>
      %add3A_45 = vector.broadcast %get3A_44 : vector<1x128xf32> to vector<1000x128xf32>
      %add3A_46 = arith.addf %dot_general3A_41, %add3A_45 : vector<1000x128xf32>
      %max3A_47 = arith.constant 0.000000e+00 : f32
      %max3A_48 = vector.broadcast %max3A_47 : f32 to vector<1000x128xf32>
      %max3A_49 = arith.maximumf %add3A_46, %max3A_48 : vector<1000x128xf32>
      %get3A_50 = arith.constant 0 : index
      %get3A_51 = arith.constant 0 : index
      %get3A_52 = vector.load %arg10[%get3A_50, %get3A_51] : memref<136x2xf32, #tpu.memory_space<vmem>>, vector<136x2xf32>
      %slice3A = vector.extract_strided_slice %get3A_52 {offsets = [0, 0], sizes = [128, 2], strides = [1, 1]} : vector<136x2xf32> to vector<128x2xf32>
      %dot_general3A_53 = arith.constant dense<0.000000e+00> : vector<1000x2xf32>
      %dot_general3A_54 = tpu.matmul %max3A_49, %slice3A, %dot_general3A_53 {dimension_numbers = #tpu.dot_dimension_numbers<[1], [0], [0], [1], [0, 0, 1, 1], [], []>, precision = #tpu.contract_precision<fp32>, transpose_lhs_hint = false} : vector<1000x128xf32>, vector<128x2xf32>, vector<1000x2xf32> -> vector<1000x2xf32>
      %slice3A_55 = vector.extract_strided_slice %get3A_52 {offsets = [128, 0], sizes = [1, 2], strides = [1, 1]} : vector<136x2xf32> to vector<1x2xf32>
      %add3A_56 = vector.broadcast %slice3A_55 : vector<1x2xf32> to vector<1000x2xf32>
      %add3A_57 = arith.addf %dot_general3A_54, %add3A_56 : vector<1000x2xf32>
      %swap3A = arith.constant 0 : index
      %swap3A_58 = arith.constant 0 : index
      %swap3A_59 = vector.load %arg11[%swap3A, %swap3A_58] : memref<1000x2xf32, #tpu.memory_space<vmem>>, vector<1000x2xf32>
      tpu.vector_store %arg11[%swap3A, %swap3A_58], %add3A_57 {strides = array<i32>} : memref<1000x2xf32, #tpu.memory_space<vmem>>, vector<1000x2xf32>,
    } else {
    }
    return
  }
  func.func @transform_0(%arg0: i32, %arg1: i32) -> (i32, i32, i32) {
    %sub3A = arith.constant 1 : i32
    %sub3A_0 = arith.subi %sub3A, %arg0 : i32
    %mul3A = arith.muli %arg1, %sub3A_0 : i32
    %c0_i32 = arith.constant 0 : i32
    %c0_i32_1 = arith.constant 0 : i32
    %c0_i32_2 = arith.constant 0 : i32
    return %c0_i32, %mul3A, %c0_i32_1 : i32, i32, i32
  }
  func.func @transform_1(%arg0: i32, %arg1: i32) -> (i32, i32) {
    %c0_i32 = arith.constant 0 : i32
    %c0_i32_0 = arith.constant 0 : i32
    return %arg1, %c0_i32 : i32, i32
  }
  func.func @transform_2(%arg0: i32, %arg1: i32) -> (i32, i32) {
    %c0_i32 = arith.constant 0 : i32
    %c0_i32_0 = arith.constant 0 : i32
    %c0_i32_1 = arith.constant 0 : i32
    return %c0_i32, %c0_i32_0 : i32, i32
  }
  func.func @transform_3(%arg0: i32, %arg1: i32) -> (i32, i32) {
    %c0_i32 = arith.constant 0 : i32
    %c0_i32_0 = arith.constant 0 : i32
    %c0_i32_1 = arith.constant 0 : i32
    return %c0_i32, %c0_i32_0 : i32, i32
  }
  func.func @transform_4(%arg0: i32, %arg1: i32) -> (i32, i32) {
    %c0_i32 = arith.constant 0 : i32
    %c0_i32_0 = arith.constant 0 : i32
    %c0_i32_1 = arith.constant 0 : i32
    return %c0_i32, %c0_i32_0 : i32, i32
  }
  func.func @transform_5(%arg0: i32, %arg1: i32) -> (i32, i32) {
    %c0_i32 = arith.constant 0 : i32
    %c0_i32_0 = arith.constant 0 : i32
    %c0_i32_1 = arith.constant 0 : i32
    return %c0_i32, %c0_i32_0 : i32, i32
  }
  func.func @transform_6(%arg0: i32, %arg1: i32) -> (i32, i32) {
    %c0_i32 = arith.constant 0 : i32
    %c0_i32_0 = arith.constant 0 : i32
    %c0_i32_1 = arith.constant 0 : i32
    return %c0_i32, %c0_i32_0 : i32, i32
  }
  func.func @transform_7(%arg0: i32, %arg1: i32) -> (i32, i32) {
    %c0_i32 = arith.constant 0 : i32
    %c0_i32_0 = arith.constant 0 : i32
    %c0_i32_1 = arith.constant 0 : i32
    return %c0_i32, %c0_i32_0 : i32, i32
  }
  func.func @transform_8(%arg0: i32, %arg1: i32) -> (i32, i32) {
    %c0_i32 = arith.constant 0 : i32
    %c0_i32_0 = arith.constant 0 : i32
    %c0_i32_1 = arith.constant 0 : i32
    return %c0_i32, %c0_i32_0 : i32, i32
  }
  func.func @transform_9(%arg0: i32, %arg1: i32) -> (i32, i32) {
    %mul3A = arith.muli %arg1, %arg0 : i32
    %c0_i32 = arith.constant 0 : i32
    %c0_i32_0 = arith.constant 0 : i32
    return %mul3A, %c0_i32 : i32, i32
  }
}

</mosaic_0001>

<sc_bundles>
// kernel: kernel.10.cloned.1.call-start
scs
__scs_entry_jumppad:
0x0: {  	(pc) =	sbr.rel $0x88, $3  }
0x1: {  	(tag) =	ssettag $0x0;
	lr =	simm.s32 $0x1  }
0x2: {  	[smem:$0x3F8F] =	sst lr;
	_ =	strace $0xD0000000  }
0x3: {  	_ = 	snop  }
0x4: {  	_ = 	snop  }
0x5: {  	_ = 	snop  }
0x6: {  	_ = 	snop  }
0x7: {  	_ = 	snop  }
__scs_overlays_trampoline_lowered:
0x8: {  	[smem:$0x3F9E] =	sst s0  }
0x9: {  	[smem:$0x3F9F] =	sst s1  }
0xa: {  	[smem:$0x3FA0] =	sst s2  }
0xb: {  	[smem:$0x3FA1] =	sst s3  }
0xc: {  	[smem:$0x3FA2] =	sst s4  }
0xd: {  	[smem:$0x3FA3] =	sst s5  }
0xe: {  	[smem:$0x3FA4] =	sst s6  }
0xf: {  	[smem:$0x3FA5] =	sst s7  }
0x10: {  	[smem:$0x3FA6] =	sst s8  }
0x11: {  	[smem:$0x3FA7] =	sst s9;
	s0 =	simm.s32 @!p0 $0x0  }
0x12: {  	s1 =	sld [smem:$0x3F8D];
	s0 =	simm.s32 @p0 $0x1  }
0x13: {  	[smem:$0x3FA8] =	sst s0;
	s0 =	simm.s32 @!p1 $0x0  }
0x14: {  	s2 =	sld [smem:$0x3F8C];
	s0 =	simm.s32 @p1 $0x1  }
0x15: {  	[smem:$0x3FA9] =	sst s0;
	s0 =	simm.s32 @!p2 $0x0  }
0x16: {  	s3 =	sld [smem:$0x3FDB];
	s0 =	simm.s32 @p2 $0x1  }
0x17: {  	s4 =	simm.s32 $0x1BF5;
	[smem:$0x3FAB] =	sst s0  }
0x18: {  	s0 =	sld [smem:$0x3F8E];
	_ =	swait.ge [sflag:s4], $0x0  }
0x19: {  	s7 =	sld [smem:$0x3F8F]  }
0x1a: {  	s8 =	sadd.s32 $0xFFFFE003, lr  }
0x1b: {  	s9 =	sadd.s32 $0xFFFFFEF7, lr;
	s5 =	simm.s32 $0xFFFFFFFF;
	p2 =	slt.u32 s8, $0xFFFFF086  }
0x1c: {  	p1 =	slt.u32 s9, $0xF7A;
	s5 =	simm.s32 @!p2 $0x0  }
0x1d: {  	s5 =	simm.s32 @p1 $0x1;
	p0 =	seq.s32 s7, s2  }
0x1e: {  	s7 =	smul.u32 @!p0 $0xF7A, s2;
	p2 =	seq.s32 @!p0 s5, $0x0  }
0x1f: {  	s9 =	smul.u32 $0xF7A, s1;
	s8 =	simm.s32 @!p0 $0x1BF5;
	p2 =	por !p2, p0  }
0x20: {  	[sflag:s8] =	ssyncset.s32 @!p0 $0xFFFFF086;
	s6 =	sadd.s32 @!p0 s3, s7;
	s7 =	simm.s32 @!p0 $0x108  }
0x21: {  	s3 =	sadd.s32 s3, s9;
	s6 =	sadd.s32 @!p0 $0x88, s6;
	s7 =	simm.s32 @p2 $0x1082  }
0x22: {  	[simem:s7], [sflag:s8] =	dma.local @!p0 [hbm:s6], $0xF7A  }
0x23: {  	s9 =	sor.u32 $0xD0000000, s2;
	s6 =	simm.s32 $0x108;
	_ =	swait.ge @!p0 [sflag:s8], $0x0  }
0x24: {  	s3 =	sadd.s32 $0x88, s3;
	s6 =	simm.s32 @!p1 $0x1082;
	[sflag:s4] =	ssyncset.s32 $0xFFFFF086  }
0x25: {  	[simem:s6], [sflag:s4] =	dma.local [hbm:s3], $0xF7A  }
0x26: {  	[smem:$0x3F8F] =	sst s1;
	(tag) =	ssettag s2;
	_ =	strace s9  }
0x27: {  	s1 =	sld [smem:$0x3F9F]  }
0x28: {  	s2 =	sld [smem:$0x3FA0]  }
0x29: {  	s4 =	sld [smem:$0x3FA2]  }
0x2a: {  	p0 =	seq.s32 s5, $0x0;
	s5 =	sld [smem:$0x3FA3]  }
0x2b: {  	s6 =	sld [smem:$0x3FA4]  }
0x2c: {  	s7 =	sld [smem:$0x3FA5]  }
0x2d: {  	s3 =	simm.s32 $0x108;
	s8 =	sld [smem:$0x3FA6]  }
0x2e: {  	s3 =	simm.s32 @!p0 $0x1082;
	s9 =	sld [smem:$0x3FA7]  }
0x2f: {  	lr =	sadd.s32 s0, s3;
	s0 =	sld [smem:$0x3F9E]  }
0x30: {  	s3 =	sld [smem:$0x3FA1]  }
0x31: {  	[smem:$0x3FAA] =	sst s10  }
0x32: {  	s10 =	sld [smem:$0x3FA8];
	_ =	sdelay $0x3  }
0x33: {  	p0 =	seq.s32 s10, $0x1;
	s10 =	sld [smem:$0x3FAA];
	_ =	sdelay $0x3  }
0x34: {  	[smem:$0x3FAA] =	sst s10  }
0x35: {  	s10 =	sld [smem:$0x3FA9];
	_ =	sdelay $0x3  }
0x36: {  	p1 =	seq.s32 s10, $0x1;
	s10 =	sld [smem:$0x3FAA];
	_ =	sdelay $0x3  }
0x37: {  	[smem:$0x3FAA] =	sst s10  }
0x38: {  	s10 =	sld [smem:$0x3FAB]  }
0x39: {  	_ = 	snop;
	(pc) =	sbr.ind lr, $3  }
0x3a: {  	_ = 	snop  }
0x3b: {  	_ = 	snop  }
0x3c: {  	p2 =	seq.s32 s10, $0x1;
	s10 =	sld [smem:$0x3FAA]  }
0x3d: {  	_ =	shalt  }
0x3e: {  	_ =	shalt  }
0x3f: {  	_ =	shalt  }
0x40: {  	_ =	shalt  }
0x41: {  	_ =	shalt  }
0x42: {  	_ =	shalt  }
0x43: {  	_ =	shalt  }
0x44: {  	_ =	shalt  }
0x45: {  	_ =	shalt  }
0x46: {  	_ =	shalt  }
0x47: {  	_ =	shalt  }
0x48: {  	_ =	shalt  }
0x49: {  	_ =	shalt  }
0x4a: {  	_ =	shalt  }
0x4b: {  	_ =	shalt  }
0x4c: {  	_ =	shalt  }
0x4d: {  	_ =	shalt  }
0x4e: {  	_ =	shalt  }
0x4f: {  	_ =	shalt  }
0x50: {  	_ =	shalt  }
0x51: {  	_ =	shalt  }
0x52: {  	_ =	shalt  }
0x53: {  	_ =	shalt  }
0x54: {  	_ =	shalt  }
0x55: {  	_ =	shalt  }
0x56: {  	_ =	shalt  }
0x57: {  	_ =	shalt  }
0x58: {  	_ =	shalt  }
0x59: {  	_ =	shalt  }
0x5a: {  	_ =	shalt  }
0x5b: {  	_ =	shalt  }
0x5c: {  	_ =	shalt  }
0x5d: {  	_ =	shalt  }
0x5e: {  	_ =	shalt  }
0x5f: {  	_ =	shalt  }
0x60: {  	_ =	shalt  }
0x61: {  	_ =	shalt  }
0x62: {  	_ =	shalt  }
0x63: {  	_ =	shalt  }
0x64: {  	_ =	shalt  }
0x65: {  	_ =	shalt  }
0x66: {  	_ =	shalt  }
0x67: {  	_ =	shalt  }
0x68: {  	_ =	shalt  }
0x69: {  	_ =	shalt  }
0x6a: {  	_ =	shalt  }
0x6b: {  	_ =	shalt  }
0x6c: {  	_ =	shalt  }
0x6d: {  	_ =	shalt  }
0x6e: {  	_ =	shalt  }
0x6f: {  	_ =	shalt  }
0x70: {  	_ =	shalt  }
0x71: {  	_ =	shalt  }
0x72: {  	_ =	shalt  }
0x73: {  	_ =	shalt  }
0x74: {  	_ =	shalt  }
0x75: {  	_ =	shalt  }
0x76: {  	_ =	shalt  }
0x77: {  	_ =	shalt  }
0x78: {  	_ =	shalt  }
0x79: {  	_ =	shalt  }
0x7a: {  	_ =	shalt  }
0x7b: {  	_ =	shalt  }
0x7c: {  	_ =	shalt  }
0x7d: {  	_ =	shalt  }
0x7e: {  	_ =	shalt  }
0x7f: {  	_ =	shalt  }
0x80: {  	_ =	shalt  }
0x81: {  	_ =	shalt  }
0x82: {  	_ =	shalt  }
0x83: {  	_ =	shalt  }
0x84: {  	_ =	shalt  }
0x85: {  	_ =	shalt  }
0x86: {  	_ =	shalt  }
0x87: {  	_ =	shalt  }
.Lfunc_end0:
.L_simem_size_0:
called_computation_lowered:
.L_overlay_start_0:
0x88: {  	s2 =	sld [smem:$0x3FD9]  }
0x89: {  	s3 =	sld [smem:$0x3FFE];
	_ =	sdelay $0x1  }
0x8a: {  	s1 =	srdreg.scid  }
0x8b: {  	s0 =	sand.u32 $0x1, s1  }
0x8c: {  	s17 =	sshll.u32 s0, $0xA;
	s2 =	sadd.s32 s3, s2  }
0x8d: {  	s2 =	sadd.s32 s2, s17  }
0x8e: {  	[smem:$0x3FB6] =	sst s2  }
0x8f: {  	_ = 	snop  }
0x90: {  	s2 =	sld [smem:$0x3FD0];
	(tm) =	ssettm $0x1  }
0x91: {  	s18 =	sld [smem:$0x3FFB];
	_ =	sdelay $0x3  }
0x92: {  	_ =	strace s18  }
0x93: {  	s3 =	sld [smem:$0x3FFC];
	_ =	sdelay $0x3  }
0x94: {  	_ =	strace s3  }
0x95: {  	s3 =	sld [smem:$0x3FFD];
	_ =	sdelay $0x3  }
0x96: {  	_ =	strace s3  }
0x97: {  	_ =	strace $0x8FFFFFFF  }
0x98: {  	s19 =	sld [smem:$0x3FDB];
	_ =	sdelay $0x1  }
0x99: {  	s4 =	simm.s32 $_scs_section_size  }
0x9a: {  	s5 =	simm.s32 $_size__tile_overlayer_lowered;
	s6 =	simm.s32 $_tile_overlayer_lowered  }
0x9b: {  	s22 =	simm.s32 $0x1BFF;
	s21 =	sshll.u32 s6, $0x1;
	s3 =	sadd.s32 s4, s19  }
0x9c: {  	s7 =	simm.s32 $0x0;
	s20 =	sshll.u32 s5, $0x1;
	s5 =	sadd.s32 s21, s3  }
0x9d: {  	[timem:s7], [sflag:s22] =	dma.local [hbm:s5], s20  }
0x9e: {  	_ =	swait.ge [sflag:s22], s20  }
0x9f: {  	s4 =	ssub.s32 $0x0, s20;
	[sflag:s22] =	ssyncset.done $0x0  }
0xa0: {  	[sflag:s22] =	ssyncadd.s32 s4;
	_ =	sdelay $0x1  }
0xa1: {  	s23 =	simm.s32 $0x1B8B  }
0xa2: {  	_ =	swait.ge [sflag:s23], $0x1  }
0xa3: {  	[sflag:s23] =	ssyncset.done $0x0  }
0xa4: {  	s25 =	simm.s32 $0x1B8E;
	s24 =	sld [smem:$0x3FFE];
	[sflag:s23] =	ssyncadd.s32 $0xFFFFFFFF  }
0xa5: {  	s26 =	simm.s32 $execute0_lowered;
	[smem:$0x3FD2] =	sst s25  }
0xa6: {  	s5 =	sshll.u32 s26, $0x1;
	_ =	strace $0x80000046;
	[dreg:$0x1] =	wrdreg $0xFFFFFFFF  }
0xa7: {  	s28 =	simm.s32 $_size_execute0_lowered;
	s3 =	sadd.s32 s3, s5;
	[dreg:$0x0] =	wrdreg $0x0  }
0xa8: {  	s5 =	sshll.u32 s28, $0x1;
	[dreg:$0x2] =	wrdreg s3  }
0xa9: {  	[dreg:$0x3] =	wrdreg s5  }
0xaa: {  	[dreg:$0x4] =	wrdreg $0xC0  }
0xab: {  	_ =	task [dreg:s7], $0x5FFFF  }
0xac: {  	[dreg:$0x1] =	wrdreg $0xFFFFFFFF  }
0xad: {  	[dreg:$0x0] =	wrdreg $0x60  }
0xae: {  	[dreg:$0x2] =	wrdreg s24  }
0xaf: {  	[dreg:$0x3] =	wrdreg s2  }
0xb0: {  	[dreg:$0x4] =	wrdreg $0x0  }
0xb1: {  	[dreg:$0x5] =	wrdreg $0x9  }
0xb2: {  	_ =	task.clear_ibuf [dreg:s7], $0x6FFFF;
	_ =	strace $0x90000046  }
0xb3: {  	s29 =	simm.s32 $0x9;
	_ =	strace $0x80000048  }
0xb4: {  	_ =	swait.ge [sflag:s29], $0x1  }
0xb5: {  	[sflag:s29] =	ssyncadd.s32 $0xFFFFFFFF  }
0xb6: {  	_ =	strace $0x90000048  }
0xb7: {  	_ =	sfence  }
0xb8: {  	s30 =	sld [smem:$0x0];
	_ =	sdelay $0x2  }
0xb9: {  	s31 =	sshll.u32 s1, $0xD;
	s1 =	sshrl.u32 s1, $0x2  }
0xba: {  	s3 =	sand.u32 $0x4000, s31;
	s1 =	sadd.s32 s1, s30  }
0xbb: {  	s0 =	sor.u32 s3, s0;
	s1 =	sshll.u32 s1, $0x11  }
0xbc: {  	s0 =	sor.u32 s1, s0  }
0xbd: {  	s0 =	sadd.s32 $0x8F2B, s0  }
0xbe: {  	[sflag:s0] =	ssyncadd.remote.s32 $0x1  }
0xbf: {  	_ =	sfence.sel $0xFFFF  }
0xc0: {  	[dreg:$0x0] =	wrdreg $0xFFFFFFFF;
	(pc) =	sbr.abs _section_cstart, $3  }
0xc1: {  	[dreg:$0x1] =	wrdreg $0xFFFFFFFF  }
0xc2: {  	_ =	task.clear_ibuf [dreg:s7], $0x2FFFF;
	_ =	strace $0x9FFFFFFF  }
0xc3: {  	(tm) =	ssettm $0x7FFFFFFF  }
tec
execute0_lowered:
.L_overlay_start_1:
0x0: {  	(tag) =	ssettag $0x1  }
0x1: {  	s0 =	rddreg [dreg:$0x0]  }
0x2: {  	s3 =	rddreg [dreg:$0x2]  }
0x3: {  	s4 =	simm.s32 $0x0;
	s13 =	stileid.u32;
	s2 =	srdreg.scid  }
0x4: {  	s28 =	simm.s32 $0x11;
	s29 =	simm.s32 $0x13B00;
	s30 =	simm.s32 $0x5  }
0x5: {  	s31 =	simm.s32 $0x50;
	[smem:$0x7FF] =	sst s4;
	s1 =	smul.u32 $0x13800, s13  }
0x6: {  	s2 =	sand.u32 $0x1, s2;
	s11 =	sadd.s32 $0xDC00, s0;
	s7 =	smul.u32 $0x4E000, s13  }
0x7: {  	s8 =	sadd.s32 $0x3EC00, s0;
	p0 =	sne.s32 s13, $0xF;
	_ =	strace $0x80000047  }
0x8: {  	s6 =	sshll.u32 s2, $0x4;
	s9 =	ssub.s32 $0x2, s2;
	s12 =	smul.u32 $0x138800, s2  }
0x9: {  	s2 =	smul.u32 $0x27100, s2;
	s5 =	sshrl.u32 s1, $0x3;
	s6 =	sor.u32 s13, s6  }
0xa: {  	s10 =	sshrl.u32 s9, $0x1;
	s7 =	sshrl.u32 s7, $0x2;
	s5 =	sadd.s32 s5, s0  }
0xb: {  	s6 =	smul.u32 $0x2710, s6;
	s9 =	ssub.s32 s9, s10;
	s7 =	sadd.s32 s7, s3  }
0xc: {  	s10 =	smul.u32 $0x2710, s13;
	s0 =	sadd.s32 $0x3EA00, s0;
	s14 =	sadd.s32 s1, s12  }
0xd: {  	s15 =	sshrl.u32 s12, $0x3;
	[dreg:$0x4] =	wrdreg s7;
	s5 =	sadd.s32 $0x17A00, s5  }
0xe: {  	s7 =	sadd.s32 $0x138000, s3;
	[dreg:$0x7] =	wrdreg s0;
	s0 =	sshrl.u32 s14, $0x3  }
0xf: {  	s1 =	sadd.s32 s8, s15;
	s18 =	smax.u32 s9, $0x1;
	[dreg:$0x5] =	wrdreg s5  }
0x10: {  	[dreg:$0x6] =	wrdreg s7;
	s2 =	sadd.s32 s10, s2;
	s0 =	sadd.s32 s8, s0  }
0x11: {  	s16 =	sadd.s32 $0x27000, s1;
	[dreg:$0xa] =	wrdreg s18;
	s7 =	simm.s32 $0x19  }
0x12: {  	s1 =	simm.s32 $0xE;
	s8 =	simm.s32 $0x0;
	[dreg:$0x8] =	wrdreg s0  }
0x13: {  	[dreg:$0x9] =	wrdreg s16;
	s17 =	sadd.s32 $0x370, s2;
	s19 =	sadd.s32 $0x320, s2  }
0x14: {  	s20 =	sadd.s32 $0x2D0, s2;
	s21 =	sadd.s32 $0x280, s2;
	s22 =	sadd.s32 $0x230, s2  }
0x15: {  	s23 =	sadd.s32 $0x1E0, s2;
	s24 =	sadd.s32 $0x190, s2;
	s25 =	sadd.s32 $0x140, s2  }
.Ltmp0:
0x16: {  	s26 =	sadd.s32 $0xF0, s2;
	s0 =	simm.s32 $0x13A80;
	(pc) =	sbr.rel .LBB2_1-.Ltmp0, $4  }
0x17: {  	s14 =	sshrl.u32 s17, $0x3;
	s15 =	sshrl.u32 s19, $0x3;
	s16 =	sshrl.u32 s20, $0x3  }
0x18: {  	s17 =	sshrl.u32 s21, $0x3;
	s18 =	sshrl.u32 s22, $0x3;
	s19 =	sshrl.u32 s23, $0x3  }
0x19: {  	s20 =	sshrl.u32 s24, $0x3;
	s21 =	sshrl.u32 s25, $0x3;
	s22 =	sshrl.u32 s2, $0x3  }
0x1a: {  	s23 =	sshrl.u32 s26, $0x3;
	s24 =	simm.s32 $0x14080;
	s26 =	simm.s32 $0xF  }
.LBB2_11:
0x1b: {  	[bflag:$0x0] =	sbarrier.arrive $0xFFFF  }
0x1c: {  	s2 =	rddreg [dreg:$0x8]  }
0x1d: {  	s5 =	rddreg [dreg:$0xc]  }
0x1e: {  	s7 =	rddreg [dreg:$0xd]  }
0x1f: {  	[hbm:s2], [sflag:s5] =	dma.local [spmem:s7], $0x2700  }
0x20: {  	s7 =	simm.s32 $0x19  }
0x21: {  	_ =	swait.ge [sflag:s7], $0x2700  }
0x22: {  	[sflag:s7] =	ssyncset.done $0x0;
	s2 =	rddreg [dreg:$0x9]  }
0x23: {  	s8 =	rddreg [dreg:$0xe];
	[sflag:s7] =	ssyncadd.s32 $0xFFFFD900  }
0x24: {  	[hbm:s2], [sflag:s5] =	dma.local @!p0 [spmem:s8], $0x100  }
0x25: {  	s2 =	simm.s32 @!p0 $0x19  }
0x26: {  	_ =	swait.ge @!p0 [sflag:s2], $0x100  }
0x27: {  	s13 =	rddreg [dreg:$0xb]  }
0x28: {  	s25 =	rddreg [dreg:$0xa];
	s8 =	sadd.s32 $0x1, s13  }
0x29: {  	p1 =	sne.s32 s8, s25  }
.Ltmp1:
0x2a: {  	_ = 	snop;
	(pc) =	sbr.rel @!p1 .LBB2_12-.Ltmp1, $3  }
0x2b: {  	_ =	sdelay $0x1  }
0x2c: {  	[sflag:s2] =	ssyncset.done @!p0 $0x0  }
0x2d: {  	[sflag:s2] =	ssyncadd.s32 @!p0 $0xFFFFFF00  }
.LBB2_1:
0x2e: {  	[dreg:$0xb] =	wrdreg s8  }
0x2f: {  	s2 =	rddreg [dreg:$0x1]  }
0x30: {  	[tilespmem:s24], [sflag:$0x19] =	stream.linear.gather [hbm4b:s2+s4], $0x2800, $0x38;
	[tilespmem:$0x16880] =	vst v63  }
0x31: {  	s10 =	stileid.u32;
	_ =	swait.ge [sflag:s7], $0x2800  }
0x32: {  	s5 =	sshll.u32 s10, $0x6;
	s12 =	rddreg [dreg:$0x4]  }
0x33: {  	[sflag:s7] =	ssyncset.done $0x0;
	s25 =	rddreg [dreg:$0x5];
	s13 =	sshrl.u32 s12, $0x3  }
0x34: {  	s5 =	sor.u32 $0x1C19, s5;
	[sflag:s7] =	ssyncadd.s32 $0xFFFFD800;
	[dreg:$0xd] =	wrdreg s13  }
0x35: {  	[spmem:s13], [sflag:s5] =	dma.local [hbm:s25], $0x2700  }
0x36: {  	_ =	swait.ge [sflag:s7], $0x2700;
	[dreg:$0xc] =	wrdreg s5  }
0x37: {  	[sflag:s7] =	ssyncset.done $0x0;
	s2 =	rddreg [dreg:$0x6]  }
0x38: {  	[sflag:s7] =	ssyncadd.s32 $0xFFFFD900;
	s7 =	sshrl.u32 @!p0 s2, $0x3;
	s2 =	rddreg [dreg:$0x7]  }
0x39: {  	[dreg:$0xe] =	wrdreg s7  }
0x3a: {  	[spmem:s7], [sflag:s5] =	dma.local @!p0 [hbm:s2], $0x100  }
0x3b: {  	s5 =	simm.s32 @!p0 $0x19  }
.Ltmp2:
0x3c: {  	_ =	swait.ge @!p0 [sflag:s5], $0x100;
	(pc) =	sbr.rel .LBB2_2-.Ltmp2, $4  }
0x3d: {  	[sflag:s5] =	ssyncset.done @!p0 $0x0  }
0x3e: {  	[sflag:s5] =	ssyncadd.s32 @!p0 $0xFFFFFF00  }
0x3f: {  	[bflag:$0x0] =	sbarrier.arrive $0xFFFF  }
0x40: {  	s10 =	simm.s32 $0x3;
	s12 =	simm.s32 $0x0;
	s5 =	smov.u32 s11  }
.LBB2_7:
0x41: {  	s2 =	sadd.s32 s5, s20  }
0x42: {  	[tilespmem:s29], [sflag:$0x6] =	stream.linear.gather [hbm4b:s2+s4], $0x50, $0x38;
	[tilespmem:$0x16880] =	vst v63  }
.LBB2_9:
0x43: {  	_ =	swait.ge [sflag:s30], $0x50;
	s2 =	sadd.s32 $0xFFFFFFF7, s10  }
0x44: {  	[sflag:s30] =	ssyncset.done $0x0;
	p2 =	sgt.u32 s2, $0x7C  }
0x45: {  	[sflag:s30] =	ssyncadd.s32 $0xFFFFFFB0;
	s2 =	simm.s32 @!p2 $0x13  }
0x46: {  	[spmem:s3] =	stream.indirect.scatter.add.f32 [tilespmem:s24], [sflag:$0x11], $0x80, s0, s31, $0xb8;
	[tilespmem:$0x16880] =	vst v63  }
0x47: {  	_ =	swait.ge @!p2 [sflag:s2], $0x2800  }
0x48: {  	s7 =	simm.s32 @!p3 $0x0;
	[sflag:s2] =	ssyncset.done @!p2 $0x0  }
0x49: {  	s8 =	simm.s32 @!p3 $0x13B80;
	[sflag:s2] =	ssyncadd.s32 @!p2 $0xFFFFD800;
	s2 =	sadd.s32 @!p3 s5, s19  }
0x4a: {  	[tilespmem:s8], [sflag:$0x7] =	stream.linear.gather @!p3 [hbm4b:s2+s7], $0x50, $0x38;
	[tilespmem:$0x16880] =	vst v63  }
0x4b: {  	s2 =	simm.s32 @!p3 $0x6  }
0x4c: {  	s9 =	simm.s32 @!p3 $0x13B00;
	_ =	swait.ge @!p3 [sflag:s2], $0x50  }
0x4d: {  	s13 =	simm.s32 @!p3 $0x14080;
	s25 =	sadd.s32 $0xFFFFFFF8, s10;
	[sflag:s2] =	ssyncset.done @!p3 $0x0  }
0x4e: {  	p2 =	sgt.u32 s25, $0x7C;
	[sflag:s2] =	ssyncadd.s32 @!p3 $0xFFFFFFB0;
	s2 =	simm.s32 @!p3 $0x50  }
0x4f: {  	[spmem:s3] =	stream.indirect.scatter.add.f32 @!p3 [tilespmem:s13], [sflag:$0x12], $0x80, s9, s2, $0xb8;
	[tilespmem:$0x16880] =	vst v63  }
0x50: {  	s9 =	simm.s32 @!p2 $0x14  }
0x51: {  	_ =	swait.ge @!p2 [sflag:s9], $0x2800  }
0x52: {  	[sflag:s9] =	ssyncset.done @!p2 $0x0  }
0x53: {  	s25 =	simm.s32 @!p3 $0x13C00;
	[sflag:s9] =	ssyncadd.s32 @!p2 $0xFFFFD800;
	s9 =	sadd.s32 @!p3 s5, s18  }
0x54: {  	[tilespmem:s25], [sflag:$0x8] =	stream.linear.gather @!p3 [hbm4b:s9+s7], $0x50, $0x38;
	[tilespmem:$0x16880] =	vst v63  }
0x55: {  	s9 =	simm.s32 @!p3 $0x7  }
0x56: {  	_ =	swait.ge @!p3 [sflag:s9], $0x50  }
0x57: {  	[sflag:s9] =	ssyncset.done @!p3 $0x0  }
0x58: {  	[sflag:s9] =	ssyncadd.s32 @!p3 $0xFFFFFFB0;
	s9 =	sadd.s32 $0xFFFFFFF9, s10  }
0x59: {  	[spmem:s3] =	stream.indirect.scatter.add.f32 @!p3 [tilespmem:s13], [sflag:$0x13], $0x80, s8, s2, $0xb8;
	[tilespmem:$0x16880] =	vst v63  }
0x5a: {  	p2 =	sgt.u32 s9, $0x7C  }
0x5b: {  	s8 =	simm.s32 @!p2 $0x15  }
0x5c: {  	_ =	swait.ge @!p2 [sflag:s8], $0x2800  }
0x5d: {  	[sflag:s8] =	ssyncset.done @!p2 $0x0  }
0x5e: {  	s9 =	simm.s32 @!p3 $0x13C80;
	[sflag:s8] =	ssyncadd.s32 @!p2 $0xFFFFD800;
	s8 =	sadd.s32 @!p3 s5, s17  }
0x5f: {  	[tilespmem:s9], [sflag:$0x9] =	stream.linear.gather @!p3 [hbm4b:s8+s7], $0x50, $0x38;
	[tilespmem:$0x16880] =	vst v63  }
0x60: {  	s8 =	simm.s32 @!p3 $0x8  }
0x61: {  	_ =	swait.ge @!p3 [sflag:s8], $0x50  }
0x62: {  	[sflag:s8] =	ssyncset.done @!p3 $0x0  }
0x63: {  	[sflag:s8] =	ssyncadd.s32 @!p3 $0xFFFFFFB0  }
0x64: {  	[spmem:s3] =	stream.indirect.scatter.add.f32 @!p3 [tilespmem:s13], [sflag:$0x14], $0x80, s25, s2, $0xb8;
	[tilespmem:$0x16880] =	vst v63  }
0x65: {  	s25 =	sadd.s32 $0xFFFFFFFA, s10  }
0x66: {  	p2 =	sgt.u32 s25, $0x7C  }
0x67: {  	s8 =	simm.s32 @!p2 $0x16  }
0x68: {  	_ =	swait.ge @!p2 [sflag:s8], $0x2800  }
0x69: {  	[sflag:s8] =	ssyncset.done @!p2 $0x0  }
0x6a: {  	s25 =	simm.s32 @!p3 $0x13D00;
	[sflag:s8] =	ssyncadd.s32 @!p2 $0xFFFFD800;
	s8 =	sadd.s32 @!p3 s5, s16  }
0x6b: {  	[tilespmem:s25], [sflag:$0xA] =	stream.linear.gather @!p3 [hbm4b:s8+s7], $0x50, $0x38;
	[tilespmem:$0x16880] =	vst v63  }
0x6c: {  	s8 =	simm.s32 @!p3 $0x9  }
0x6d: {  	_ =	swait.ge @!p3 [sflag:s8], $0x50  }
0x6e: {  	[sflag:s8] =	ssyncset.done @!p3 $0x0  }
0x6f: {  	[sflag:s8] =	ssyncadd.s32 @!p3 $0xFFFFFFB0  }
0x70: {  	[spmem:s3] =	stream.indirect.scatter.add.f32 @!p3 [tilespmem:s13], [sflag:$0x15], $0x80, s9, s2, $0xb8;
	[tilespmem:$0x16880] =	vst v63  }
0x71: {  	s9 =	sadd.s32 $0xFFFFFFFB, s10  }
0x72: {  	p2 =	sgt.u32 s9, $0x7C  }
0x73: {  	s8 =	simm.s32 @!p2 $0x17  }
0x74: {  	_ =	swait.ge @!p2 [sflag:s8], $0x2800  }
0x75: {  	[sflag:s8] =	ssyncset.done @!p2 $0x0  }
0x76: {  	s9 =	simm.s32 @!p3 $0x13D80;
	[sflag:s8] =	ssyncadd.s32 @!p2 $0xFFFFD800;
	s8 =	sadd.s32 @!p3 s5, s15  }
0x77: {  	[tilespmem:s9], [sflag:$0xB] =	stream.linear.gather @!p3 [hbm4b:s8+s7], $0x50, $0x38;
	[tilespmem:$0x16880] =	vst v63  }
0x78: {  	s7 =	simm.s32 @!p3 $0xA  }
0x79: {  	_ =	swait.ge @!p3 [sflag:s7], $0x50  }
0x7a: {  	[sflag:s7] =	ssyncset.done @!p3 $0x0  }
0x7b: {  	[sflag:s7] =	ssyncadd.s32 @!p3 $0xFFFFFFB0  }
0x7c: {  	[spmem:s3] =	stream.indirect.scatter.add.f32 @!p3 [tilespmem:s13], [sflag:$0x16], $0x80, s25, s2, $0xb8;
	[tilespmem:$0x16880] =	vst v63  }
.LBB2_10:
0x7d: {  	s2 =	simm.s32 @p1 $0x18  }
0x7e: {  	s7 =	simm.s32 @!p3 $0x0;
	_ =	swait.ge @p1 [sflag:s2], $0x2800  }
0x7f: {  	s8 =	simm.s32 @!p3 $0x13E00;
	s10 =	sadd.s32 $0xC, s10;
	[sflag:s2] =	ssyncset.done @p1 $0x0  }
0x80: {  	[sflag:s2] =	ssyncadd.s32 @p1 $0xFFFFD800;
	s2 =	sadd.s32 @!p3 s5, s14;
	p1 =	sne.s32 s10, $0x93  }
0x81: {  	[tilespmem:s8], [sflag:$0xC] =	stream.linear.gather @!p3 [hbm4b:s2+s7], $0x50, $0x38;
	[tilespmem:$0x16880] =	vst v63  }
.Ltmp3:
0x82: {  	s2 =	simm.s32 @!p3 $0xB;
	(pc) =	sbr.rel @!p1 .LBB2_11-.Ltmp3, $4  }
0x83: {  	s12 =	sadd.s32 $0x1, s12;
	_ =	swait.ge @!p3 [sflag:s2], $0x50  }
0x84: {  	s5 =	sadd.s32 $0x78, s5;
	s7 =	simm.s32 @!p3 $0x13D80;
	[sflag:s2] =	ssyncset.done @!p3 $0x0  }
0x85: {  	s8 =	simm.s32 @!p3 $0x14080;
	[sflag:s2] =	ssyncadd.s32 @!p3 $0xFFFFFFB0;
	s2 =	simm.s32 @!p3 $0x50  }
0x86: {  	[spmem:s3] =	stream.indirect.scatter.add.f32 @!p3 [tilespmem:s8], [sflag:$0x17], $0x80, s7, s2, $0xb8;
	[tilespmem:$0x16880] =	vst v63  }
.LBB2_2:
0x87: {  	s8 =	sadd.s32 $0xFFFFFFF1, s10  }
0x88: {  	p1 =	sgt.u32 s8, $0x7C  }
0x89: {  	s8 =	simm.s32 @!p1 $0xD  }
0x8a: {  	p2 =	seq.s32 s10, $0x87;
	_ =	swait.ge @!p1 [sflag:s8], $0x2800  }
0x8b: {  	s9 =	simm.s32 @!p2 $0x0;
	[sflag:s8] =	ssyncset.done @!p1 $0x0  }
0x8c: {  	s13 =	simm.s32 @!p2 $0x13880;
	[sflag:s8] =	ssyncadd.s32 @!p1 $0xFFFFD800;
	s8 =	sadd.s32 @!p2 s5, s22  }
0x8d: {  	[tilespmem:s13], [sflag:$0x1] =	stream.linear.gather @!p2 [hbm4b:s8+s9], $0x50, $0x38;
	[tilespmem:$0x16880] =	vst v63  }
0x8e: {  	s8 =	sadd.s32 @!p2 $0xFFFFFFFC, s10  }
0x8f: {  	p1 =	sgt.u32 @!p2 s8, $0x7C  }
0x90: {  	p1 =	por p1, p2  }
0x91: {  	s9 =	simm.s32 @!p1 $0xC  }
0x92: {  	_ =	swait.ge @!p1 [sflag:s9], $0x50  }
0x93: {  	s25 =	simm.s32 @!p1 $0x13E00;
	[sflag:s9] =	ssyncset.done @!p1 $0x0  }
0x94: {  	s7 =	simm.s32 @!p1 $0x14080;
	[sflag:s9] =	ssyncadd.s32 @!p1 $0xFFFFFFB0;
	s9 =	simm.s32 @!p1 $0x50  }
0x95: {  	[spmem:s3] =	stream.indirect.scatter.add.f32 @!p1 [tilespmem:s7], [sflag:$0x18], $0x80, s25, s9, $0xb8;
	[tilespmem:$0x16880] =	vst v63  }
0x96: {  	p1 =	seq.s32 @!p2 s10, $0x3  }
0x97: {  	p3 =	por p2, !p1  }
.Ltmp4:
0x98: {  	_ = 	snop;
	(pc) =	sbr.rel @!p3 .LBB2_4-.Ltmp4, $2  }
0x99: {  	_ =	sdelay $0x2  }
0x9a: {  	p1 =	slt.u32 @!p2 s8, $0x7D;
	s8 =	sadd.s32 @!p2 $0xFFFFFFFE, s10  }
0x9b: {  	p3 =	por $0x0, $0x0;
	_ =	swait.ge [sflag:s1], $0x2800  }
0x9c: {  	p3 =	por @!p2 p1, p1;
	[sflag:s1] =	ssyncset.done $0x0  }
0x9d: {  	s8 =	simm.s32 @p2 $0x85;
	[sflag:s1] =	ssyncadd.s32 $0xFFFFD800;
	p1 =	por p3, p3  }
.LBB2_4:
0x9e: {  	p3 =	sgt.u32 s8, $0x7C  }
0x9f: {  	s7 =	smul.u32 @!p3 $0x50, s8;
	_ =	sdelay $0x1  }
0xa0: {  	s7 =	sadd.s32 @!p3 s6, s7  }
0xa1: {  	s7 =	sshrl.u32 @!p3 s7, $0x3  }
0xa2: {  	s8 =	simm.s32 @!p3 $0x0;
	s9 =	simm.s32 @!p3 $0x13900;
	s7 =	sadd.s32 @!p3 s11, s7  }
0xa3: {  	[tilespmem:s9], [sflag:$0x2] =	stream.linear.gather @!p3 [hbm4b:s7+s8], $0x50, $0x38;
	[tilespmem:$0x16880] =	vst v63  }
0xa4: {  	s7 =	simm.s32 @!p2 $0x1  }
0xa5: {  	_ =	swait.ge @!p2 [sflag:s7], $0x50  }
0xa6: {  	[sflag:s7] =	ssyncset.done @!p2 $0x0  }
0xa7: {  	s8 =	simm.s32 @!p2 $0x14080;
	[sflag:s7] =	ssyncadd.s32 @!p2 $0xFFFFFFB0;
	s7 =	simm.s32 @!p2 $0x50  }
0xa8: {  	[spmem:s3] =	stream.indirect.scatter.add.f32 @!p2 [tilespmem:s8], [sflag:$0xD], $0x80, s13, s7, $0xb8;
	[tilespmem:$0x16880] =	vst v63  }
0xa9: {  	s7 =	sadd.s32 @!p2 $0xFFFFFFF3, s10  }
0xaa: {  	p3 =	sgt.u32 @!p2 s7, $0x7C  }
0xab: {  	p3 =	por p2, !p3  }
.Ltmp5:
0xac: {  	_ = 	snop;
	(pc) =	sbr.rel @!p3 .LBB2_6-.Ltmp5, $2  }
0xad: {  	_ =	sdelay $0x2  }
0xae: {  	s8 =	sadd.s32 @!p2 $0xFFFFFFFF, s10  }
0xaf: {  	_ =	swait.ge [sflag:s26], $0x2800  }
0xb0: {  	[sflag:s26] =	ssyncset.done $0x0  }
0xb1: {  	s8 =	simm.s32 @p2 $0x86;
	[sflag:s26] =	ssyncadd.s32 $0xFFFFD800  }
.LBB2_6:
0xb2: {  	p3 =	sgt.u32 s8, $0x7C  }
0xb3: {  	s7 =	smul.u32 @!p3 $0x50, s8;
	_ =	sdelay $0x1  }
0xb4: {  	s7 =	sadd.s32 @!p3 s6, s7  }
0xb5: {  	s7 =	sshrl.u32 @!p3 s7, $0x3  }
0xb6: {  	s8 =	simm.s32 @!p3 $0x0;
	s9 =	simm.s32 @!p3 $0x13980;
	s7 =	sadd.s32 @!p3 s11, s7  }
0xb7: {  	[tilespmem:s9], [sflag:$0x3] =	stream.linear.gather @!p3 [hbm4b:s7+s8], $0x50, $0x38;
	[tilespmem:$0x16880] =	vst v63  }
0xb8: {  	s7 =	simm.s32 @!p3 $0x2  }
0xb9: {  	_ =	swait.ge @!p3 [sflag:s7], $0x50  }
0xba: {  	s13 =	sadd.s32 $0xFFFFFFF4, s10;
	s8 =	simm.s32 @!p3 $0x13900;
	[sflag:s7] =	ssyncset.done @!p3 $0x0  }
0xbb: {  	s9 =	simm.s32 @!p3 $0x14080;
	[sflag:s7] =	ssyncadd.s32 @!p3 $0xFFFFFFB0;
	s7 =	simm.s32 @!p3 $0x50  }
0xbc: {  	[spmem:s3] =	stream.indirect.scatter.add.f32 @!p3 [tilespmem:s9], [sflag:$0xE], $0x80, s8, s7, $0xb8;
	[tilespmem:$0x16880] =	vst v63  }
0xbd: {  	p3 =	sgt.u32 s13, $0x7C  }
0xbe: {  	s7 =	simm.s32 @!p3 $0x10  }
0xbf: {  	_ =	swait.ge @!p3 [sflag:s7], $0x2800  }
0xc0: {  	[sflag:s7] =	ssyncset.done @!p3 $0x0  }
0xc1: {  	[sflag:s7] =	ssyncadd.s32 @!p3 $0xFFFFD800;
	p3 =	sgt.u32 s10, $0x7C  }
0xc2: {  	s7 =	sadd.s32 @!p3 s5, s23;
	s8 =	simm.s32 @!p3 $0x0;
	s13 =	simm.s32 @!p3 $0x13A00  }
0xc3: {  	[tilespmem:s13], [sflag:$0x4] =	stream.linear.gather @!p3 [hbm4b:s7+s8], $0x50, $0x38;
	[tilespmem:$0x16880] =	vst v63  }
0xc4: {  	s7 =	simm.s32 @!p3 $0x3  }
0xc5: {  	_ =	swait.ge @!p3 [sflag:s7], $0x50  }
0xc6: {  	s9 =	simm.s32 @!p3 $0x14080;
	[sflag:s7] =	ssyncset.done @!p3 $0x0  }
0xc7: {  	s8 =	simm.s32 @!p3 $0x50;
	[sflag:s7] =	ssyncadd.s32 @!p3 $0xFFFFFFB0;
	s7 =	simm.s32 @!p3 $0x13980  }
0xc8: {  	[spmem:s3] =	stream.indirect.scatter.add.f32 @!p3 [tilespmem:s9], [sflag:$0xF], $0x80, s7, s8, $0xb8;
	[tilespmem:$0x16880] =	vst v63  }
0xc9: {  	s7 =	sadd.s32 @!p3 $0xFFFFFFF5, s10  }
0xca: {  	p4 =	sgt.u32 @!p3 s7, $0x7C  }
0xcb: {  	p4 =	por p3, !p4  }
0xcc: {  	_ =	swait.ge @p4 [sflag:s28], $0x2800  }
0xcd: {  	s25 =	simm.s32 @!p2 $0x0;
	[sflag:s28] =	ssyncset.done @p4 $0x0  }
0xce: {  	s2 =	simm.s32 @!p2 $0x13A80;
	s7 =	sadd.s32 @!p2 s5, s21;
	[sflag:s28] =	ssyncadd.s32 @p4 $0xFFFFD800  }
0xcf: {  	[tilespmem:s2], [sflag:$0x5] =	stream.linear.gather @!p2 [hbm4b:s7+s25], $0x50, $0x38;
	[tilespmem:$0x16880] =	vst v63  }
0xd0: {  	s2 =	simm.s32 @!p3 $0x4  }
0xd1: {  	_ =	swait.ge @!p3 [sflag:s2], $0x50  }
0xd2: {  	[sflag:s2] =	ssyncset.done @!p3 $0x0  }
0xd3: {  	[sflag:s2] =	ssyncadd.s32 @!p3 $0xFFFFFFB0  }
0xd4: {  	[spmem:s3] =	stream.indirect.scatter.add.f32 @!p3 [tilespmem:s9], [sflag:$0x10], $0x80, s13, s8, $0xb8;
	[tilespmem:$0x16880] =	vst v63  }
0xd5: {  	s25 =	sadd.s32 $0xFFFFFFF6, s10;
	p3 =	sgt.u32 s12, $0x9  }
.Ltmp6:
0xd6: {  	p4 =	sgt.u32 s25, $0x7C;
	(pc) =	sbr.rel @!p3 .LBB2_7-.Ltmp6, $4  }
0xd7: {  	s2 =	simm.s32 @!p4 $0x12  }
0xd8: {  	_ =	swait.ge @!p4 [sflag:s2], $0x2800  }
0xd9: {  	[sflag:s2] =	ssyncset.done @!p4 $0x0  }
0xda: {  	[sflag:s2] =	ssyncadd.s32 @!p4 $0xFFFFD800  }
.Ltmp7:
0xdb: {  	(pc) =	sbr.rel @p2 .LBB2_10-.Ltmp7, $4  }
.Ltmp8:
0xdc: {  	(pc) =	sbr.rel @!p2 .LBB2_9-.Ltmp8, $4  }
0xdd: {  	_ = 	snop  }
0xde: {  	_ = 	snop  }
0xdf: {  	_ = 	snop  }
0xe0: {  	_ = 	snop  }
.LBB2_12:
0xe1: {  	_ =	sfence.sel $0x180000  }
0xe2: {  	[bflag:$0x0] =	sbarrier.arrive $0xFFFF  }
0xe3: {  	_ =	strace $0x90000047  }
0xe4: {  	s0 =	stileid.u32;
	[bflag:$0x2] =	sbarrier.arrive $0xFFFF  }
0xe5: {  	p0 =	sne.s32 s0, $0x0;
	s0 =	rddreg [dreg:$0x3]  }
0xe6: {  	s0 =	sadd.s32 @!p0 $0x100000, s0  }
0xe7: {  	[sflag:s0] =	ssyncadd.tile.s32 @!p0 $0x1;
	_ =	shalt  }
.Lfunc_end2:
_tile_overlayer_lowered:
.L_overlay_start_2:
0xe8: {  	(tag) =	ssettag $0x2  }
0xe9: {  	s0 =	rddreg [dreg:$0x0];
	s2 =	stileid.u32  }
0xea: {  	s1 =	rddreg [dreg:$0x1];
	p0 =	sne.s32 s2, $0x0  }
0xeb: {  	s3 =	rddreg [dreg:$0x2];
	[bflag:$0x3] =	sbarrier.arrive $0xFFFF;
	s2 =	simm.s32 @!p0 $0x1C19  }
0xec: {  	[timem:s3], [sflag:s2] =	dma.local @!p0 [hbm:s0], s1  }
0xed: {  	s0 =	simm.s32 @!p0 $0x19  }
0xee: {  	_ =	swait.ge @!p0 [sflag:s0], s1  }
0xef: {  	s1 =	ssub.s32 @!p0 $0x0, s1;
	[sflag:s0] =	ssyncset.done @!p0 $0x0  }
0xf0: {  	[sflag:s0] =	ssyncadd.s32 @!p0 s1  }
0xf1: {  	[bflag:$0x3] =	sbarrier.arrive $0xFFFF  }
0xf2: {  	_ =	shalt  }

// kernel: kernel.13.cloned.1.call-start
scs
__scs_entry_jumppad:
0x0: {  	(pc) =	sbr.rel $0x88, $3  }
0x1: {  	(tag) =	ssettag $0x0;
	lr =	simm.s32 $0x1  }
0x2: {  	[smem:$0x3F8F] =	sst lr;
	_ =	strace $0xD0000000  }
0x3: {  	_ = 	snop  }
0x4: {  	_ = 	snop  }
0x5: {  	_ = 	snop  }
0x6: {  	_ = 	snop  }
0x7: {  	_ = 	snop  }
__scs_overlays_trampoline_lowered:
0x8: {  	[smem:$0x3F9E] =	sst s0  }
0x9: {  	[smem:$0x3F9F] =	sst s1  }
0xa: {  	[smem:$0x3FA0] =	sst s2  }
0xb: {  	[smem:$0x3FA1] =	sst s3  }
0xc: {  	[smem:$0x3FA2] =	sst s4  }
0xd: {  	[smem:$0x3FA3] =	sst s5  }
0xe: {  	[smem:$0x3FA4] =	sst s6  }
0xf: {  	[smem:$0x3FA5] =	sst s7  }
0x10: {  	[smem:$0x3FA6] =	sst s8  }
0x11: {  	[smem:$0x3FA7] =	sst s9;
	s0 =	simm.s32 @!p0 $0x0  }
0x12: {  	s1 =	sld [smem:$0x3F8D];
	s0 =	simm.s32 @p0 $0x1  }
0x13: {  	[smem:$0x3FA8] =	sst s0;
	s0 =	simm.s32 @!p1 $0x0  }
0x14: {  	s2 =	sld [smem:$0x3F8C];
	s0 =	simm.s32 @p1 $0x1  }
0x15: {  	[smem:$0x3FA9] =	sst s0;
	s0 =	simm.s32 @!p2 $0x0  }
0x16: {  	s3 =	sld [smem:$0x3FDB];
	s0 =	simm.s32 @p2 $0x1  }
0x17: {  	s4 =	simm.s32 $0x1BF5;
	[smem:$0x3FAB] =	sst s0  }
0x18: {  	s0 =	sld [smem:$0x3F8E];
	_ =	swait.ge [sflag:s4], $0x0  }
0x19: {  	s7 =	sld [smem:$0x3F8F]  }
0x1a: {  	s8 =	sadd.s32 $0xFFFFE003, lr  }
0x1b: {  	s9 =	sadd.s32 $0xFFFFFEF7, lr;
	s5 =	simm.s32 $0xFFFFFFFF;
	p2 =	slt.u32 s8, $0xFFFFF086  }
0x1c: {  	p1 =	slt.u32 s9, $0xF7A;
	s5 =	simm.s32 @!p2 $0x0  }
0x1d: {  	s5 =	simm.s32 @p1 $0x1;
	p0 =	seq.s32 s7, s2  }
0x1e: {  	s7 =	smul.u32 @!p0 $0xF7A, s2;
	p2 =	seq.s32 @!p0 s5, $0x0  }
0x1f: {  	s9 =	smul.u32 $0xF7A, s1;
	s8 =	simm.s32 @!p0 $0x1BF5;
	p2 =	por !p2, p0  }
0x20: {  	[sflag:s8] =	ssyncset.s32 @!p0 $0xFFFFF086;
	s6 =	sadd.s32 @!p0 s3, s7;
	s7 =	simm.s32 @!p0 $0x108  }
0x21: {  	s3 =	sadd.s32 s3, s9;
	s6 =	sadd.s32 @!p0 $0x88, s6;
	s7 =	simm.s32 @p2 $0x1082  }
0x22: {  	[simem:s7], [sflag:s8] =	dma.local @!p0 [hbm:s6], $0xF7A  }
0x23: {  	s9 =	sor.u32 $0xD0000000, s2;
	s6 =	simm.s32 $0x108;
	_ =	swait.ge @!p0 [sflag:s8], $0x0  }
0x24: {  	s3 =	sadd.s32 $0x88, s3;
	s6 =	simm.s32 @!p1 $0x1082;
	[sflag:s4] =	ssyncset.s32 $0xFFFFF086  }
0x25: {  	[simem:s6], [sflag:s4] =	dma.local [hbm:s3], $0xF7A  }
0x26: {  	[smem:$0x3F8F] =	sst s1;
	(tag) =	ssettag s2;
	_ =	strace s9  }
0x27: {  	s1 =	sld [smem:$0x3F9F]  }
0x28: {  	s2 =	sld [smem:$0x3FA0]  }
0x29: {  	s4 =	sld [smem:$0x3FA2]  }
0x2a: {  	p0 =	seq.s32 s5, $0x0;
	s5 =	sld [smem:$0x3FA3]  }
0x2b: {  	s6 =	sld [smem:$0x3FA4]  }
0x2c: {  	s7 =	sld [smem:$0x3FA5]  }
0x2d: {  	s3 =	simm.s32 $0x108;
	s8 =	sld [smem:$0x3FA6]  }
0x2e: {  	s3 =	simm.s32 @!p0 $0x1082;
	s9 =	sld [smem:$0x3FA7]  }
0x2f: {  	lr =	sadd.s32 s0, s3;
	s0 =	sld [smem:$0x3F9E]  }
0x30: {  	s3 =	sld [smem:$0x3FA1]  }
0x31: {  	[smem:$0x3FAA] =	sst s10  }
0x32: {  	s10 =	sld [smem:$0x3FA8];
	_ =	sdelay $0x3  }
0x33: {  	p0 =	seq.s32 s10, $0x1;
	s10 =	sld [smem:$0x3FAA];
	_ =	sdelay $0x3  }
0x34: {  	[smem:$0x3FAA] =	sst s10  }
0x35: {  	s10 =	sld [smem:$0x3FA9];
	_ =	sdelay $0x3  }
0x36: {  	p1 =	seq.s32 s10, $0x1;
	s10 =	sld [smem:$0x3FAA];
	_ =	sdelay $0x3  }
0x37: {  	[smem:$0x3FAA] =	sst s10  }
0x38: {  	s10 =	sld [smem:$0x3FAB]  }
0x39: {  	_ = 	snop;
	(pc) =	sbr.ind lr, $3  }
0x3a: {  	_ = 	snop  }
0x3b: {  	_ = 	snop  }
0x3c: {  	p2 =	seq.s32 s10, $0x1;
	s10 =	sld [smem:$0x3FAA]  }
0x3d: {  	_ =	shalt  }
0x3e: {  	_ =	shalt  }
0x3f: {  	_ =	shalt  }
0x40: {  	_ =	shalt  }
0x41: {  	_ =	shalt  }
0x42: {  	_ =	shalt  }
0x43: {  	_ =	shalt  }
0x44: {  	_ =	shalt  }
0x45: {  	_ =	shalt  }
0x46: {  	_ =	shalt  }
0x47: {  	_ =	shalt  }
0x48: {  	_ =	shalt  }
0x49: {  	_ =	shalt  }
0x4a: {  	_ =	shalt  }
0x4b: {  	_ =	shalt  }
0x4c: {  	_ =	shalt  }
0x4d: {  	_ =	shalt  }
0x4e: {  	_ =	shalt  }
0x4f: {  	_ =	shalt  }
0x50: {  	_ =	shalt  }
0x51: {  	_ =	shalt  }
0x52: {  	_ =	shalt  }
0x53: {  	_ =	shalt  }
0x54: {  	_ =	shalt  }
0x55: {  	_ =	shalt  }
0x56: {  	_ =	shalt  }
0x57: {  	_ =	shalt  }
0x58: {  	_ =	shalt  }
0x59: {  	_ =	shalt  }
0x5a: {  	_ =	shalt  }
0x5b: {  	_ =	shalt  }
0x5c: {  	_ =	shalt  }
0x5d: {  	_ =	shalt  }
0x5e: {  	_ =	shalt  }
0x5f: {  	_ =	shalt  }
0x60: {  	_ =	shalt  }
0x61: {  	_ =	shalt  }
0x62: {  	_ =	shalt  }
0x63: {  	_ =	shalt  }
0x64: {  	_ =	shalt  }
0x65: {  	_ =	shalt  }
0x66: {  	_ =	shalt  }
0x67: {  	_ =	shalt  }
0x68: {  	_ =	shalt  }
0x69: {  	_ =	shalt  }
0x6a: {  	_ =	shalt  }
0x6b: {  	_ =	shalt  }
0x6c: {  	_ =	shalt  }
0x6d: {  	_ =	shalt  }
0x6e: {  	_ =	shalt  }
0x6f: {  	_ =	shalt  }
0x70: {  	_ =	shalt  }
0x71: {  	_ =	shalt  }
0x72: {  	_ =	shalt  }
0x73: {  	_ =	shalt  }
0x74: {  	_ =	shalt  }
0x75: {  	_ =	shalt  }
0x76: {  	_ =	shalt  }
0x77: {  	_ =	shalt  }
0x78: {  	_ =	shalt  }
0x79: {  	_ =	shalt  }
0x7a: {  	_ =	shalt  }
0x7b: {  	_ =	shalt  }
0x7c: {  	_ =	shalt  }
0x7d: {  	_ =	shalt  }
0x7e: {  	_ =	shalt  }
0x7f: {  	_ =	shalt  }
0x80: {  	_ =	shalt  }
0x81: {  	_ =	shalt  }
0x82: {  	_ =	shalt  }
0x83: {  	_ =	shalt  }
0x84: {  	_ =	shalt  }
0x85: {  	_ =	shalt  }
0x86: {  	_ =	shalt  }
0x87: {  	_ =	shalt  }
.Lfunc_end0:
.L_simem_size_0:
called_computation.1_lowered:
.L_overlay_start_0:
0x88: {  	s2 =	sld [smem:$0x3FD9]  }
0x89: {  	s3 =	sld [smem:$0x3FFE];
	_ =	sdelay $0x1  }
0x8a: {  	s1 =	srdreg.scid  }
0x8b: {  	s0 =	sand.u32 $0x1, s1  }
0x8c: {  	s16 =	sshll.u32 s0, $0xA;
	s2 =	sadd.s32 s3, s2  }
0x8d: {  	s2 =	sadd.s32 s2, s16  }
0x8e: {  	[smem:$0x3FB6] =	sst s2  }
0x8f: {  	_ = 	snop  }
0x90: {  	(tm) =	ssettm $0x1  }
0x91: {  	s17 =	sld [smem:$0x3FFB];
	_ =	sdelay $0x3  }
0x92: {  	_ =	strace s17  }
0x93: {  	s2 =	sld [smem:$0x3FFC];
	_ =	sdelay $0x3  }
0x94: {  	_ =	strace s2  }
0x95: {  	s2 =	sld [smem:$0x3FFD];
	_ =	sdelay $0x3  }
0x96: {  	_ =	strace s2  }
0x97: {  	_ =	strace $0x8FFFFFFF  }
0x98: {  	s18 =	sld [smem:$0x3FDB];
	_ =	sdelay $0x1  }
0x99: {  	s19 =	simm.s32 $_scs_section_size  }
0x9a: {  	s4 =	simm.s32 $_size__tile_overlayer_lowered;
	s5 =	simm.s32 $_tile_overlayer_lowered  }
0x9b: {  	s22 =	simm.s32 $0x1BFF;
	s21 =	sshll.u32 s5, $0x1;
	s2 =	sadd.s32 s19, s18  }
0x9c: {  	s6 =	simm.s32 $0x0;
	s20 =	sshll.u32 s4, $0x1;
	s4 =	sadd.s32 s21, s2  }
0x9d: {  	[timem:s6], [sflag:s22] =	dma.local [hbm:s4], s20  }
0x9e: {  	_ =	swait.ge [sflag:s22], s20  }
0x9f: {  	s3 =	ssub.s32 $0x0, s20;
	[sflag:s22] =	ssyncset.done $0x0  }
0xa0: {  	[sflag:s22] =	ssyncadd.s32 s3;
	_ =	sdelay $0x1  }
0xa1: {  	s23 =	simm.s32 $0x1B8B  }
0xa2: {  	_ =	swait.ge [sflag:s23], $0x1  }
0xa3: {  	[sflag:s23] =	ssyncset.done $0x0  }
0xa4: {  	s25 =	simm.s32 $0x1B8E;
	s24 =	sld [smem:$0x3FFE];
	[sflag:s23] =	ssyncadd.s32 $0xFFFFFFFF  }
0xa5: {  	s26 =	simm.s32 $execute0_lowered;
	[smem:$0x3FD2] =	sst s25  }
0xa6: {  	s4 =	sshll.u32 s26, $0x1;
	_ =	strace $0x80000049;
	[dreg:$0x1] =	wrdreg $0xFFFFFFFF  }
0xa7: {  	s28 =	simm.s32 $_size_execute0_lowered;
	s2 =	sadd.s32 s2, s4;
	[dreg:$0x0] =	wrdreg $0x0  }
0xa8: {  	s4 =	sshll.u32 s28, $0x1;
	[dreg:$0x2] =	wrdreg s2  }
0xa9: {  	[dreg:$0x3] =	wrdreg s4  }
0xaa: {  	[dreg:$0x4] =	wrdreg $0xC0  }
0xab: {  	_ =	task [dreg:s6], $0x5FFFF  }
0xac: {  	[dreg:$0x1] =	wrdreg $0xFFFFFFFF  }
0xad: {  	[dreg:$0x0] =	wrdreg $0x60  }
0xae: {  	[dreg:$0x2] =	wrdreg s24  }
0xaf: {  	[dreg:$0x3] =	wrdreg $0x0  }
0xb0: {  	[dreg:$0x4] =	wrdreg $0x9  }
0xb1: {  	_ =	task.clear_ibuf [dreg:s6], $0x5FFFF;
	_ =	strace $0x90000049  }
0xb2: {  	s29 =	simm.s32 $0x9;
	_ =	strace $0x8000004B  }
0xb3: {  	_ =	swait.ge [sflag:s29], $0x1  }
0xb4: {  	[sflag:s29] =	ssyncadd.s32 $0xFFFFFFFF  }
0xb5: {  	_ =	strace $0x9000004B  }
0xb6: {  	_ =	sfence  }
0xb7: {  	s30 =	sld [smem:$0x0];
	_ =	sdelay $0x2  }
0xb8: {  	s31 =	sshll.u32 s1, $0xD;
	s1 =	sshrl.u32 s1, $0x2  }
0xb9: {  	s3 =	sand.u32 $0x4000, s31;
	s1 =	sadd.s32 s1, s30  }
0xba: {  	s0 =	sor.u32 s3, s0;
	s1 =	sshll.u32 s1, $0x11  }
0xbb: {  	s0 =	sor.u32 s1, s0  }
0xbc: {  	s0 =	sadd.s32 $0x8F2B, s0  }
0xbd: {  	[sflag:s0] =	ssyncadd.remote.s32 $0x1  }
0xbe: {  	_ =	sfence.sel $0xFFFF  }
0xbf: {  	[dreg:$0x0] =	wrdreg $0xFFFFFFFF;
	(pc) =	sbr.abs _section_cstart, $3  }
0xc0: {  	[dreg:$0x1] =	wrdreg $0xFFFFFFFF  }
0xc1: {  	_ =	task.clear_ibuf [dreg:s6], $0x2FFFF;
	_ =	strace $0x9FFFFFFF  }
0xc2: {  	(tm) =	ssettm $0x7FFFFFFF  }
0xc3: {  	_ =	shalt  }
tec
execute0_lowered:
.L_overlay_start_1:
0x0: {  	(tag) =	ssettag $0x1  }
0x1: {  	s0 =	rddreg [dreg:$0x0]  }
0x2: {  	s1 =	rddreg [dreg:$0x1];
	s2 =	srdreg.scid  }
0x3: {  	s3 =	simm.s32 $0x0;
	s14 =	stileid.u32;
	s28 =	simm.s32 $0x13C80  }
0x4: {  	s29 =	simm.s32 $0x8;
	s30 =	simm.s32 $0x13C00;
	s19 =	simm.s32 $0x6  }
0x5: {  	s2 =	sand.u32 $0x1, s2;
	[smem:$0x7FF] =	sst s3;
	s6 =	smul.u32 $0x4E000, s14  }
0x6: {  	s9 =	sadd.s32 $0x3E00, s0;
	s8 =	sadd.s32 $0xDC00, s0;
	s10 =	smul.u32 $0x2700, s14  }
0x7: {  	s15 =	sadd.s32 $0x17A00, s0;
	s21 =	smul.u32 $0x13800, s14;
	s18 =	sadd.s32 $0x138000, s1  }
0x8: {  	s22 =	smul.u32 $0x2710, s14;
	s26 =	sshll.u32 s14, $0x6;
	p1 =	sne.s32 s14, $0xF  }
0x9: {  	p2 =	seq.s32 s14, $0xF;
	s4 =	sshll.u32 s2, $0x4;
	_ =	strace $0x8000004A  }
0xa: {  	s7 =	ssub.s32 $0x2, s2;
	s12 =	smul.u32 $0x138800, s2;
	[dreg:$0x3] =	wrdreg s15  }
0xb: {  	p0 =	seq.s32 s2, $0x1;
	s2 =	smul.u32 $0x27100, s2;
	[dreg:$0xa] =	wrdreg s26  }
0xc: {  	[dreg:$0x5] =	wrdreg s18;
	s31 =	sshrl.u32 s18, $0x3;
	s5 =	sor.u32 s14, s4  }
0xd: {  	s4 =	sadd.s32 $0x3EC00, s0;
	s0 =	sadd.s32 $0x65E00, s0;
	s11 =	sshrl.u32 s7, $0x1  }
0xe: {  	s6 =	sshrl.u32 s6, $0x2;
	[dreg:$0xd] =	wrdreg s31;
	s5 =	smul.u32 $0x2710, s5  }
0xf: {  	s7 =	ssub.s32 s7, s11;
	s6 =	sadd.s32 s6, s1;
	s13 =	sadd.s32 s4, s10  }
0x10: {  	s11 =	sadd.s32 s21, s12;
	s12 =	sshrl.u32 s12, $0x3;
	s10 =	sadd.s32 s15, s10  }
0x11: {  	s25 =	sadd.s32 s22, s2;
	s21 =	simm.s32 $0xD;
	[dreg:$0x4] =	wrdreg s13  }
0x12: {  	s22 =	simm.s32 $0x16480;
	s11 =	sshrl.u32 s11, $0x3;
	[dreg:$0x6] =	wrdreg s10  }
0x13: {  	s24 =	smax.u32 s7, $0x1;
	s15 =	sshrl.u32 s25, $0x3;
	s2 =	sadd.s32 $0xF0, s25  }
0x14: {  	s20 =	sshrl.u32 s6, $0x3;
	s13 =	simm.s32 $0x3;
	s10 =	simm.s32 $0x0  }
0x15: {  	s23 =	sadd.s32 s0, s11;
	s0 =	sadd.s32 s0, s12;
	[dreg:$0x9] =	wrdreg s24  }
0x16: {  	s16 =	sshrl.u32 s2, $0x3;
	s24 =	simm.s32 $0x13A80;
	s2 =	simm.s32 $0x13980  }
.Ltmp0:
0x17: {  	s11 =	simm.s32 $0x2;
	[dreg:$0xc] =	wrdreg s20;
	(pc) =	sbr.rel .LBB2_1-.Ltmp0, $4  }
0x18: {  	s12 =	simm.s32 $0x5;
	[dreg:$0x7] =	wrdreg s23;
	s0 =	sadd.s32 $0x27000, s0  }
0x19: {  	s23 =	simm.s32 $0x13880;
	[dreg:$0x8] =	wrdreg s0;
	s0 =	sadd.s32 $0x50, s25  }
0x1a: {  	s25 =	simm.s32 $0x1;
	s17 =	sshrl.u32 s0, $0x3;
	s0 =	sor.u32 $0x1C0D, s26  }
0x1b: {  	s26 =	simm.s32 $0x50;
	[dreg:$0xb] =	wrdreg s0;
	s0 =	simm.s32 $0xB  }
.LBB2_21:
0x1c: {  	[bflag:$0x0] =	sbarrier.arrive $0xFFFF  }
0x1d: {  	s6 =	rddreg [dreg:$0xa]  }
0x1e: {  	s7 =	rddreg [dreg:$0x7]  }
0x1f: {  	s21 =	simm.s32 $0xD;
	s20 =	rddreg [dreg:$0xc];
	s6 =	sor.u32 $0x1C0D, s6  }
0x20: {  	[hbm:s7], [sflag:s6] =	dma.local [spmem:s20], $0x2700  }
0x21: {  	_ =	swait.ge [sflag:s21], $0x2700  }
0x22: {  	[sflag:s21] =	ssyncset.done $0x0;
	s7 =	rddreg [dreg:$0x5]  }
0x23: {  	s10 =	rddreg [dreg:$0x8];
	[sflag:s21] =	ssyncadd.s32 $0xFFFFD900;
	s7 =	sshrl.u32 @!p1 s7, $0x3  }
0x24: {  	[hbm:s10], [sflag:s6] =	dma.local @!p1 [spmem:s7], $0x100  }
0x25: {  	s6 =	simm.s32 @!p1 $0xD  }
0x26: {  	_ =	swait.ge @!p1 [sflag:s6], $0x100  }
0x27: {  	s18 =	rddreg [dreg:$0xe]  }
0x28: {  	s31 =	rddreg [dreg:$0x9];
	s10 =	sadd.s32 $0x1, s18  }
0x29: {  	p3 =	sne.s32 s10, s31  }
.Ltmp1:
0x2a: {  	_ = 	snop;
	(pc) =	sbr.rel @!p3 .LBB2_22-.Ltmp1, $3  }
0x2b: {  	_ =	sdelay $0x1  }
0x2c: {  	[sflag:s6] =	ssyncset.done @!p1 $0x0  }
0x2d: {  	[sflag:s6] =	ssyncadd.s32 @!p1 $0xFFFFFF00  }
.LBB2_1:
.Ltmp2:
0x2e: {  	(pc) =	sbr.rel @!p0 .LBB2_2-.Ltmp2, $2  }
0x2f: {  	_ =	sdelay $0x2  }
0x30: {  	[dreg:$0xe] =	wrdreg s10  }
0x31: {  	s6 =	rddreg [dreg:$0x6]  }
0x32: {  	s10 =	rddreg [dreg:$0xb]  }
0x33: {  	[spmem:s20], [sflag:s10] =	dma.local [hbm:s6], $0x2700  }
.Ltmp3:
0x34: {  	_ = 	snop;
	(pc) =	sbr.rel @p1 .LBB2_5-.Ltmp3, $4  }
.Ltmp4:
0x35: {  	_ = 	snop;
	(pc) =	sbr.rel @!p1 .LBB2_4-.Ltmp4, $4  }
0x36: {  	_ =	swait.ge [sflag:s21], $0x2700  }
0x37: {  	[sflag:s21] =	ssyncset.done $0x0  }
0x38: {  	s6 =	smov.u32 s10;
	s7 =	rddreg [dreg:$0x3];
	[sflag:s21] =	ssyncadd.s32 $0xFFFFD900  }
0x39: {  	_ = 	snop  }
.LBB2_2:
0x3a: {  	s6 =	rddreg [dreg:$0xa]  }
.Ltmp5:
0x3b: {  	s7 =	rddreg [dreg:$0x4];
	s6 =	sor.u32 $0x1C0D, s6;
	(pc) =	sbr.rel @!p2 .LBB2_5-.Ltmp5, $4  }
0x3c: {  	[spmem:s20], [sflag:s6] =	dma.local [hbm:s7], $0x2700  }
0x3d: {  	_ =	swait.ge [sflag:s21], $0x2700  }
0x3e: {  	[sflag:s21] =	ssyncset.done $0x0  }
0x3f: {  	s7 =	smov.u32 s4;
	[sflag:s21] =	ssyncadd.s32 $0xFFFFD900  }
.LBB2_4:
0x40: {  	s7 =	sadd.s32 $0x27000, s7;
	s10 =	rddreg [dreg:$0xd]  }
0x41: {  	[spmem:s10], [sflag:s6] =	dma.local [hbm:s7], $0x100  }
0x42: {  	_ =	swait.ge [sflag:s21], $0x100  }
0x43: {  	[sflag:s21] =	ssyncset.done $0x0  }
0x44: {  	[sflag:s21] =	ssyncadd.s32 $0xFFFFFF00  }
.LBB2_5:
.Ltmp6:
0x45: {  	(pc) =	sbr.rel .LBB2_6-.Ltmp6, $3  }
0x46: {  	_ =	sdelay $0x1  }
0x47: {  	[bflag:$0x0] =	sbarrier.arrive $0xFFFF;
	s21 =	simm.s32 $0x0  }
0x48: {  	s20 =	simm.s32 $0x3;
	s6 =	smov.u32 s9;
	s7 =	smov.u32 s8  }
.LBB2_17:
0x49: {  	s10 =	sadd.s32 s6, s16;
	s14 =	simm.s32 $0x13A00  }
0x4a: {  	[tilespmem:s14], [sflag:$0x4] =	stream.linear.gather [hbm4b:s10+s3], $0x50, $0x38;
	[tilespmem:$0x1DC80] =	vst v63  }
0x4b: {  	s18 =	sadd.s32 s7, s16  }
0x4c: {  	[tilespmem:s30], [sflag:$0x4] =	stream.linear.gather [hbm4b:s18+s3], $0x50, $0x38;
	[tilespmem:$0x1DC80] =	vst v63  }
0x4d: {  	_ =	swait.ge [sflag:s13], $0x50  }
0x4e: {  	[sflag:s13] =	ssyncset.done $0x0  }
0x4f: {  	[sflag:s13] =	ssyncadd.s32 $0xFFFFFFB0  }
0x50: {  	_ =	swait.ge [sflag:s13], $0x50  }
0x51: {  	[sflag:s13] =	ssyncset.done $0x0  }
0x52: {  	s31 =	simm.s32 $0x18C80;
	[sflag:s13] =	ssyncadd.s32 $0xFFFFFFB0  }
0x53: {  	[tilespmem:s31], [sflag:$0x7] =	stream.indirect.gather [hbm4b:s4+s26], $0x80, s2, s26, $0xb8;
	[tilespmem:$0x1DC80] =	vst v63  }
.LBB2_19:
0x54: {  	_ =	swait.ge [sflag:s19], $0x2800  }
0x55: {  	[sflag:s19] =	ssyncset.done $0x0  }
0x56: {  	s10 =	simm.s32 $0x13B00;
	[sflag:s19] =	ssyncadd.s32 $0xFFFFD800  }
0x57: {  	[spmem:s1] =	stream.indirect.scatter.add.f32 [tilespmem:s22], [sflag:$0xA], $0x80, s10, s26, $0xb8;
	[tilespmem:$0x1DC80] =	vst v63  }
.LBB2_20:
0x58: {  	s21 =	sadd.s32 $0x1, s21  }
0x59: {  	s7 =	sadd.s32 $0x28, s7;
	s6 =	sadd.s32 $0x28, s6;
	s20 =	sadd.s32 $0x4, s20  }
.LBB2_6:
0x5a: {  	s10 =	sadd.s32 $0xFFFFFFF9, s20;
	p4 =	seq.s32 s20, $0x83  }
.Ltmp7:
0x5b: {  	p3 =	sgt.u32 s10, $0x7C;
	(pc) =	sbr.rel @p4 .LBB2_21-.Ltmp7, $4  }
0x5c: {  	s10 =	simm.s32 @!p3 $0x9  }
0x5d: {  	_ =	swait.ge @!p3 [sflag:s10], $0x2800  }
0x5e: {  	[sflag:s10] =	ssyncset.done @!p3 $0x0  }
0x5f: {  	[sflag:s10] =	ssyncadd.s32 @!p3 $0xFFFFD800  }
0x60: {  	s10 =	sadd.s32 s6, s15;
	s18 =	sadd.s32 $0xFFFFFFFC, s20  }
0x61: {  	[tilespmem:s23], [sflag:$0x1] =	stream.linear.gather [hbm4b:s10+s3], $0x50, $0x38;
	[tilespmem:$0x1DC80] =	vst v63  }
0x62: {  	p3 =	sgt.u32 s18, $0x7C  }
0x63: {  	s14 =	sadd.s32 s7, s15;
	s10 =	simm.s32 @!p3 $0x4  }
0x64: {  	[tilespmem:s24], [sflag:$0x1] =	stream.linear.gather [hbm4b:s14+s3], $0x50, $0x38;
	[tilespmem:$0x1DC80] =	vst v63  }
0x65: {  	_ =	swait.ge @!p3 [sflag:s10], $0x50  }
0x66: {  	[sflag:s10] =	ssyncset.done @!p3 $0x0  }
0x67: {  	[sflag:s10] =	ssyncadd.s32 @!p3 $0xFFFFFFB0  }
0x68: {  	_ =	swait.ge @!p3 [sflag:s10], $0x50  }
0x69: {  	s31 =	simm.s32 @!p3 $0x1B480;
	[sflag:s10] =	ssyncset.done @!p3 $0x0  }
0x6a: {  	s14 =	simm.s32 @!p3 $0x13A00;
	[sflag:s10] =	ssyncadd.s32 @!p3 $0xFFFFFFB0;
	s10 =	simm.s32 @!p3 $0x50  }
0x6b: {  	[tilespmem:s31], [sflag:$0x8] =	stream.indirect.gather @!p3 [hbm4b:s4+s10], $0x80, s14, s10, $0xb8;
	[tilespmem:$0x1DC80] =	vst v63  }
0x6c: {  	s31 =	sadd.s32 $0xFFFFFFFB, s20  }
0x6d: {  	p4 =	sgt.u32 s31, $0x7C  }
0x6e: {  	s10 =	simm.s32 @!p4 $0x7  }
0x6f: {  	_ =	swait.ge @!p4 [sflag:s10], $0x2800  }
0x70: {  	s14 =	simm.s32 @!p4 $0x13B80;
	[sflag:s10] =	ssyncset.done @!p4 $0x0  }
0x71: {  	s31 =	simm.s32 @!p4 $0x18C80;
	[sflag:s10] =	ssyncadd.s32 @!p4 $0xFFFFD800;
	s10 =	simm.s32 @!p4 $0x50  }
0x72: {  	[spmem:s1] =	stream.indirect.scatter.add.f32 @!p4 [tilespmem:s31], [sflag:$0xB], $0x80, s14, s10, $0xb8;
	[tilespmem:$0x1DC80] =	vst v63  }
0x73: {  	p3 =	seq.s32 s20, $0x3;
	s10 =	sadd.s32 $0xFFFFFFFE, s20  }
0x74: {  	p5 =	sgt.u32 @!p3 s10, $0x80  }
0x75: {  	p5 =	por p5, p3  }
0x76: {  	s14 =	simm.s32 @!p5 $0xA  }
0x77: {  	_ =	swait.ge @!p5 [sflag:s14], $0x2800  }
0x78: {  	[sflag:s14] =	ssyncset.done @!p5 $0x0  }
0x79: {  	[sflag:s14] =	ssyncadd.s32 @!p5 $0xFFFFD800;
	p5 =	sgt.u32 s10, $0x7C  }
0x7a: {  	s14 =	sadd.s32 @!p5 s6, s17;
	s31 =	simm.s32 @!p5 $0x0;
	s18 =	simm.s32 @!p5 $0x13900  }
0x7b: {  	[tilespmem:s18], [sflag:$0x2] =	stream.linear.gather @!p5 [hbm4b:s14+s31], $0x50, $0x38;
	[tilespmem:$0x1DC80] =	vst v63  }
0x7c: {  	s14 =	sadd.s32 @!p5 s7, s17;
	s18 =	simm.s32 @!p5 $0x13B00  }
0x7d: {  	[tilespmem:s18], [sflag:$0x2] =	stream.linear.gather @!p5 [hbm4b:s14+s31], $0x50, $0x38;
	[tilespmem:$0x1DC80] =	vst v63  }
0x7e: {  	p5 =	sgt.u32 @!p3 s10, $0x7E;
	_ =	swait.ge [sflag:s25], $0x50  }
0x7f: {  	p5 =	por p3, p5;
	[sflag:s25] =	ssyncset.done $0x0  }
.Ltmp8:
0x80: {  	[sflag:s25] =	ssyncadd.s32 $0xFFFFFFB0;
	(pc) =	sbr.rel @p5 .LBB2_10-.Ltmp8, $4  }
0x81: {  	_ =	swait.ge [sflag:s25], $0x50  }
0x82: {  	[sflag:s25] =	ssyncset.done $0x0  }
0x83: {  	[sflag:s25] =	ssyncadd.s32 $0xFFFFFFB0  }
0x84: {  	[tilespmem:s28], [sflag:$0x5] =	stream.indirect.gather [hbm4b:s4+s26], $0x80, s23, s26, $0xb8;
	[tilespmem:$0x1DC80] =	vst v63  }
0x85: {  	_ =	swait.ge [sflag:s29], $0x2800  }
0x86: {  	[sflag:s29] =	ssyncset.done $0x0  }
0x87: {  	s10 =	simm.s32 $0x1B480;
	[sflag:s29] =	ssyncadd.s32 $0xFFFFD800  }
0x88: {  	[spmem:s1] =	stream.indirect.scatter.add.f32 [tilespmem:s10], [sflag:$0xC], $0x80, s30, s26, $0xb8;
	[tilespmem:$0x1DC80] =	vst v63  }
.LBB2_9:
0x89: {  	_ =	swait.ge [sflag:s0], $0x2800  }
0x8a: {  	[sflag:s0] =	ssyncset.done $0x0  }
0x8b: {  	s10 =	sadd.s32 $0xFFFFFFFF, s20;
	[sflag:s0] =	ssyncadd.s32 $0xFFFFD800  }
.LBB2_12:
0x8c: {  	p4 =	sgt.u32 s10, $0x7C  }
.Ltmp9:
0x8d: {  	_ = 	snop;
	(pc) =	sbr.rel @p4 .LBB2_14-.Ltmp9, $1  }
0x8e: {  	_ =	sdelay $0x3  }
0x8f: {  	s10 =	smul.u32 $0x50, s10;
	_ =	sdelay $0x1  }
0x90: {  	s10 =	sadd.s32 s5, s10  }
0x91: {  	s10 =	sshrl.u32 s10, $0x3  }
0x92: {  	s14 =	sadd.s32 s9, s10  }
0x93: {  	[tilespmem:s2], [sflag:$0x3] =	stream.linear.gather [hbm4b:s14+s3], $0x50, $0x38;
	[tilespmem:$0x1DC80] =	vst v63  }
0x94: {  	s18 =	simm.s32 $0x13B80;
	s10 =	sadd.s32 s8, s10  }
0x95: {  	[tilespmem:s18], [sflag:$0x3] =	stream.linear.gather [hbm4b:s10+s3], $0x50, $0x38;
	[tilespmem:$0x1DC80] =	vst v63  }
0x96: {  	_ =	swait.ge [sflag:s11], $0x50  }
0x97: {  	[sflag:s11] =	ssyncset.done $0x0  }
.Ltmp10:
0x98: {  	[sflag:s11] =	ssyncadd.s32 $0xFFFFFFB0;
	(pc) =	sbr.rel .LBB2_15-.Ltmp10, $4  }
0x99: {  	_ =	swait.ge [sflag:s11], $0x50  }
0x9a: {  	[sflag:s11] =	ssyncset.done $0x0  }
0x9b: {  	s31 =	simm.s32 $0x13900;
	[sflag:s11] =	ssyncadd.s32 $0xFFFFFFB0  }
0x9c: {  	[tilespmem:s22], [sflag:$0x6] =	stream.indirect.gather [hbm4b:s4+s26], $0x80, s31, s26, $0xb8;
	[tilespmem:$0x1DC80] =	vst v63  }
.LBB2_14:
0x9d: {  	p4 =	sgt.u32 s10, $0x7E  }
.Ltmp11:
0x9e: {  	_ = 	snop;
	(pc) =	sbr.rel @p4 .LBB2_16-.Ltmp11, $1  }
0x9f: {  	_ =	sdelay $0x3  }
.LBB2_15:
0xa0: {  	_ =	swait.ge [sflag:s12], $0x2800  }
0xa1: {  	[sflag:s12] =	ssyncset.done $0x0  }
0xa2: {  	[sflag:s12] =	ssyncadd.s32 $0xFFFFD800  }
0xa3: {  	[spmem:s1] =	stream.indirect.scatter.add.f32 [tilespmem:s28], [sflag:$0x9], $0x80, s24, s26, $0xb8;
	[tilespmem:$0x1DC80] =	vst v63  }
.LBB2_16:
0xa4: {  	p4 =	sgt.u32 @!p3 s20, $0x80  }
0xa5: {  	p3 =	por p4, p3;
	p4 =	sgt.u32 s20, $0x7C  }
.Ltmp12:
0xa6: {  	_ = 	snop;
	(pc) =	sbr.rel @!p4 .LBB2_17-.Ltmp12, $4  }
0xa7: {  	s10 =	simm.s32 @!p3 $0xC  }
0xa8: {  	_ =	swait.ge @!p3 [sflag:s10], $0x2800  }
0xa9: {  	[sflag:s10] =	ssyncset.done @!p3 $0x0  }
0xaa: {  	[sflag:s10] =	ssyncadd.s32 @!p3 $0xFFFFD800  }
0xab: {  	p3 =	sgt.u32 s20, $0x7E  }
.Ltmp13:
0xac: {  	_ = 	snop;
	(pc) =	sbr.rel @p3 .LBB2_20-.Ltmp13, $4  }
.Ltmp14:
0xad: {  	_ = 	snop;
	(pc) =	sbr.rel @!p3 .LBB2_19-.Ltmp14, $4  }
0xae: {  	_ = 	snop  }
0xaf: {  	_ = 	snop  }
0xb0: {  	_ = 	snop  }
0xb1: {  	_ = 	snop  }
.LBB2_10:
.Ltmp15:
0xb2: {  	(pc) =	sbr.rel @!p4 .LBB2_9-.Ltmp15, $1  }
0xb3: {  	_ =	sdelay $0x3  }
.Ltmp16:
0xb4: {  	(pc) =	sbr.rel .LBB2_12-.Ltmp16, $3  }
0xb5: {  	_ =	sdelay $0x1  }
0xb6: {  	s10 =	sshll.u32 s21, $0x2  }
0xb7: {  	s10 =	sor.u32 $0x2, s10  }
.LBB2_22:
0xb8: {  	_ =	sfence.sel $0x180000  }
0xb9: {  	[bflag:$0x0] =	sbarrier.arrive $0xFFFF  }
0xba: {  	_ =	strace $0x9000004A  }
0xbb: {  	s0 =	stileid.u32;
	[bflag:$0x2] =	sbarrier.arrive $0xFFFF  }
0xbc: {  	p0 =	sne.s32 s0, $0x0;
	s0 =	rddreg [dreg:$0x2]  }
0xbd: {  	s0 =	sadd.s32 @!p0 $0x100000, s0  }
0xbe: {  	[sflag:s0] =	ssyncadd.tile.s32 @!p0 $0x1;
	_ =	shalt  }
.Lfunc_end2:
_tile_overlayer_lowered:
.L_overlay_start_2:
0xbf: {  	(tag) =	ssettag $0x2  }
0xc0: {  	s0 =	rddreg [dreg:$0x0];
	s2 =	stileid.u32  }
0xc1: {  	s1 =	rddreg [dreg:$0x1];
	p0 =	sne.s32 s2, $0x0  }
0xc2: {  	s3 =	rddreg [dreg:$0x2];
	[bflag:$0x3] =	sbarrier.arrive $0xFFFF;
	s2 =	simm.s32 @!p0 $0x1C0D  }
0xc3: {  	[timem:s3], [sflag:s2] =	dma.local @!p0 [hbm:s0], s1  }
0xc4: {  	s0 =	simm.s32 @!p0 $0xD  }
0xc5: {  	_ =	swait.ge @!p0 [sflag:s0], s1  }
0xc6: {  	s1 =	ssub.s32 @!p0 $0x0, s1;
	[sflag:s0] =	ssyncset.done @!p0 $0x0  }
0xc7: {  	[sflag:s0] =	ssyncadd.s32 @!p0 s1  }
0xc8: {  	[bflag:$0x3] =	sbarrier.arrive $0xFFFF  }
0xc9: {  	_ =	shalt  }

// kernel: kernel.16.cloned.1.call-start
scs
__scs_entry_jumppad:
0x0: {  	(pc) =	sbr.rel $0x88, $3  }
0x1: {  	(tag) =	ssettag $0x0;
	lr =	simm.s32 $0x1  }
0x2: {  	[smem:$0x3F8F] =	sst lr;
	_ =	strace $0xD0000000  }
0x3: {  	_ = 	snop  }
0x4: {  	_ = 	snop  }
0x5: {  	_ = 	snop  }
0x6: {  	_ = 	snop  }
0x7: {  	_ = 	snop  }
__scs_overlays_trampoline_lowered:
0x8: {  	[smem:$0x3F9E] =	sst s0  }
0x9: {  	[smem:$0x3F9F] =	sst s1  }
0xa: {  	[smem:$0x3FA0] =	sst s2  }
0xb: {  	[smem:$0x3FA1] =	sst s3  }
0xc: {  	[smem:$0x3FA2] =	sst s4  }
0xd: {  	[smem:$0x3FA3] =	sst s5  }
0xe: {  	[smem:$0x3FA4] =	sst s6  }
0xf: {  	[smem:$0x3FA5] =	sst s7  }
0x10: {  	[smem:$0x3FA6] =	sst s8  }
0x11: {  	[smem:$0x3FA7] =	sst s9;
	s0 =	simm.s32 @!p0 $0x0  }
0x12: {  	s1 =	sld [smem:$0x3F8D];
	s0 =	simm.s32 @p0 $0x1  }
0x13: {  	[smem:$0x3FA8] =	sst s0;
	s0 =	simm.s32 @!p1 $0x0  }
0x14: {  	s2 =	sld [smem:$0x3F8C];
	s0 =	simm.s32 @p1 $0x1  }
0x15: {  	[smem:$0x3FA9] =	sst s0;
	s0 =	simm.s32 @!p2 $0x0  }
0x16: {  	s3 =	sld [smem:$0x3FDB];
	s0 =	simm.s32 @p2 $0x1  }
0x17: {  	s4 =	simm.s32 $0x1BF5;
	[smem:$0x3FAB] =	sst s0  }
0x18: {  	s0 =	sld [smem:$0x3F8E];
	_ =	swait.ge [sflag:s4], $0x0  }
0x19: {  	s7 =	sld [smem:$0x3F8F]  }
0x1a: {  	s8 =	sadd.s32 $0xFFFFE003, lr  }
0x1b: {  	s9 =	sadd.s32 $0xFFFFFEF7, lr;
	s5 =	simm.s32 $0xFFFFFFFF;
	p2 =	slt.u32 s8, $0xFFFFF086  }
0x1c: {  	p1 =	slt.u32 s9, $0xF7A;
	s5 =	simm.s32 @!p2 $0x0  }
0x1d: {  	s5 =	simm.s32 @p1 $0x1;
	p0 =	seq.s32 s7, s2  }
0x1e: {  	s7 =	smul.u32 @!p0 $0xF7A, s2;
	p2 =	seq.s32 @!p0 s5, $0x0  }
0x1f: {  	s9 =	smul.u32 $0xF7A, s1;
	s8 =	simm.s32 @!p0 $0x1BF5;
	p2 =	por !p2, p0  }
0x20: {  	[sflag:s8] =	ssyncset.s32 @!p0 $0xFFFFF086;
	s6 =	sadd.s32 @!p0 s3, s7;
	s7 =	simm.s32 @!p0 $0x108  }
0x21: {  	s3 =	sadd.s32 s3, s9;
	s6 =	sadd.s32 @!p0 $0x88, s6;
	s7 =	simm.s32 @p2 $0x1082  }
0x22: {  	[simem:s7], [sflag:s8] =	dma.local @!p0 [hbm:s6], $0xF7A  }
0x23: {  	s9 =	sor.u32 $0xD0000000, s2;
	s6 =	simm.s32 $0x108;
	_ =	swait.ge @!p0 [sflag:s8], $0x0  }
0x24: {  	s3 =	sadd.s32 $0x88, s3;
	s6 =	simm.s32 @!p1 $0x1082;
	[sflag:s4] =	ssyncset.s32 $0xFFFFF086  }
0x25: {  	[simem:s6], [sflag:s4] =	dma.local [hbm:s3], $0xF7A  }
0x26: {  	[smem:$0x3F8F] =	sst s1;
	(tag) =	ssettag s2;
	_ =	strace s9  }
0x27: {  	s1 =	sld [smem:$0x3F9F]  }
0x28: {  	s2 =	sld [smem:$0x3FA0]  }
0x29: {  	s4 =	sld [smem:$0x3FA2]  }
0x2a: {  	p0 =	seq.s32 s5, $0x0;
	s5 =	sld [smem:$0x3FA3]  }
0x2b: {  	s6 =	sld [smem:$0x3FA4]  }
0x2c: {  	s7 =	sld [smem:$0x3FA5]  }
0x2d: {  	s3 =	simm.s32 $0x108;
	s8 =	sld [smem:$0x3FA6]  }
0x2e: {  	s3 =	simm.s32 @!p0 $0x1082;
	s9 =	sld [smem:$0x3FA7]  }
0x2f: {  	lr =	sadd.s32 s0, s3;
	s0 =	sld [smem:$0x3F9E]  }
0x30: {  	s3 =	sld [smem:$0x3FA1]  }
0x31: {  	[smem:$0x3FAA] =	sst s10  }
0x32: {  	s10 =	sld [smem:$0x3FA8];
	_ =	sdelay $0x3  }
0x33: {  	p0 =	seq.s32 s10, $0x1;
	s10 =	sld [smem:$0x3FAA];
	_ =	sdelay $0x3  }
0x34: {  	[smem:$0x3FAA] =	sst s10  }
0x35: {  	s10 =	sld [smem:$0x3FA9];
	_ =	sdelay $0x3  }
0x36: {  	p1 =	seq.s32 s10, $0x1;
	s10 =	sld [smem:$0x3FAA];
	_ =	sdelay $0x3  }
0x37: {  	[smem:$0x3FAA] =	sst s10  }
0x38: {  	s10 =	sld [smem:$0x3FAB]  }
0x39: {  	_ = 	snop;
	(pc) =	sbr.ind lr, $3  }
0x3a: {  	_ = 	snop  }
0x3b: {  	_ = 	snop  }
0x3c: {  	p2 =	seq.s32 s10, $0x1;
	s10 =	sld [smem:$0x3FAA]  }
0x3d: {  	_ =	shalt  }
0x3e: {  	_ =	shalt  }
0x3f: {  	_ =	shalt  }
0x40: {  	_ =	shalt  }
0x41: {  	_ =	shalt  }
0x42: {  	_ =	shalt  }
0x43: {  	_ =	shalt  }
0x44: {  	_ =	shalt  }
0x45: {  	_ =	shalt  }
0x46: {  	_ =	shalt  }
0x47: {  	_ =	shalt  }
0x48: {  	_ =	shalt  }
0x49: {  	_ =	shalt  }
0x4a: {  	_ =	shalt  }
0x4b: {  	_ =	shalt  }
0x4c: {  	_ =	shalt  }
0x4d: {  	_ =	shalt  }
0x4e: {  	_ =	shalt  }
0x4f: {  	_ =	shalt  }
0x50: {  	_ =	shalt  }
0x51: {  	_ =	shalt  }
0x52: {  	_ =	shalt  }
0x53: {  	_ =	shalt  }
0x54: {  	_ =	shalt  }
0x55: {  	_ =	shalt  }
0x56: {  	_ =	shalt  }
0x57: {  	_ =	shalt  }
0x58: {  	_ =	shalt  }
0x59: {  	_ =	shalt  }
0x5a: {  	_ =	shalt  }
0x5b: {  	_ =	shalt  }
0x5c: {  	_ =	shalt  }
0x5d: {  	_ =	shalt  }
0x5e: {  	_ =	shalt  }
0x5f: {  	_ =	shalt  }
0x60: {  	_ =	shalt  }
0x61: {  	_ =	shalt  }
0x62: {  	_ =	shalt  }
0x63: {  	_ =	shalt  }
0x64: {  	_ =	shalt  }
0x65: {  	_ =	shalt  }
0x66: {  	_ =	shalt  }
0x67: {  	_ =	shalt  }
0x68: {  	_ =	shalt  }
0x69: {  	_ =	shalt  }
0x6a: {  	_ =	shalt  }
0x6b: {  	_ =	shalt  }
0x6c: {  	_ =	shalt  }
0x6d: {  	_ =	shalt  }
0x6e: {  	_ =	shalt  }
0x6f: {  	_ =	shalt  }
0x70: {  	_ =	shalt  }
0x71: {  	_ =	shalt  }
0x72: {  	_ =	shalt  }
0x73: {  	_ =	shalt  }
0x74: {  	_ =	shalt  }
0x75: {  	_ =	shalt  }
0x76: {  	_ =	shalt  }
0x77: {  	_ =	shalt  }
0x78: {  	_ =	shalt  }
0x79: {  	_ =	shalt  }
0x7a: {  	_ =	shalt  }
0x7b: {  	_ =	shalt  }
0x7c: {  	_ =	shalt  }
0x7d: {  	_ =	shalt  }
0x7e: {  	_ =	shalt  }
0x7f: {  	_ =	shalt  }
0x80: {  	_ =	shalt  }
0x81: {  	_ =	shalt  }
0x82: {  	_ =	shalt  }
0x83: {  	_ =	shalt  }
0x84: {  	_ =	shalt  }
0x85: {  	_ =	shalt  }
0x86: {  	_ =	shalt  }
0x87: {  	_ =	shalt  }
.Lfunc_end0:
.L_simem_size_0:
called_computation.2_lowered:
.L_overlay_start_0:
0x88: {  	s2 =	sld [smem:$0x3FD9]  }
0x89: {  	s3 =	sld [smem:$0x3FFE];
	_ =	sdelay $0x1  }
0x8a: {  	s1 =	srdreg.scid  }
0x8b: {  	s0 =	sand.u32 $0x1, s1  }
0x8c: {  	s16 =	sshll.u32 s0, $0xA;
	s2 =	sadd.s32 s3, s2  }
0x8d: {  	s2 =	sadd.s32 s2, s16  }
0x8e: {  	[smem:$0x3FB6] =	sst s2  }
0x8f: {  	_ = 	snop  }
0x90: {  	(tm) =	ssettm $0x1  }
0x91: {  	s17 =	sld [smem:$0x3FFB];
	_ =	sdelay $0x3  }
0x92: {  	_ =	strace s17  }
0x93: {  	s2 =	sld [smem:$0x3FFC];
	_ =	sdelay $0x3  }
0x94: {  	_ =	strace s2  }
0x95: {  	s2 =	sld [smem:$0x3FFD];
	_ =	sdelay $0x3  }
0x96: {  	_ =	strace s2  }
0x97: {  	_ =	strace $0x8FFFFFFF  }
0x98: {  	s18 =	sld [smem:$0x3FDB];
	_ =	sdelay $0x1  }
0x99: {  	s19 =	simm.s32 $_scs_section_size  }
0x9a: {  	s4 =	simm.s32 $_size__tile_overlayer_lowered;
	s5 =	simm.s32 $_tile_overlayer_lowered  }
0x9b: {  	s22 =	simm.s32 $0x1BFF;
	s21 =	sshll.u32 s5, $0x1;
	s2 =	sadd.s32 s19, s18  }
0x9c: {  	s6 =	simm.s32 $0x0;
	s20 =	sshll.u32 s4, $0x1;
	s4 =	sadd.s32 s21, s2  }
0x9d: {  	[timem:s6], [sflag:s22] =	dma.local [hbm:s4], s20  }
0x9e: {  	_ =	swait.ge [sflag:s22], s20  }
0x9f: {  	s3 =	ssub.s32 $0x0, s20;
	[sflag:s22] =	ssyncset.done $0x0  }
0xa0: {  	[sflag:s22] =	ssyncadd.s32 s3;
	_ =	sdelay $0x1  }
0xa1: {  	s23 =	simm.s32 $0x1B8B  }
0xa2: {  	_ =	swait.ge [sflag:s23], $0x1  }
0xa3: {  	[sflag:s23] =	ssyncset.done $0x0  }
0xa4: {  	s25 =	simm.s32 $0x1B8E;
	s24 =	sld [smem:$0x3FFE];
	[sflag:s23] =	ssyncadd.s32 $0xFFFFFFFF  }
0xa5: {  	s26 =	simm.s32 $execute0_lowered;
	[smem:$0x3FD2] =	sst s25  }
0xa6: {  	s4 =	sshll.u32 s26, $0x1;
	_ =	strace $0x8000004C;
	[dreg:$0x1] =	wrdreg $0xFFFFFFFF  }
0xa7: {  	s28 =	simm.s32 $_size_execute0_lowered;
	s2 =	sadd.s32 s2, s4;
	[dreg:$0x0] =	wrdreg $0x0  }
0xa8: {  	s4 =	sshll.u32 s28, $0x1;
	[dreg:$0x2] =	wrdreg s2  }
0xa9: {  	[dreg:$0x3] =	wrdreg s4  }
0xaa: {  	[dreg:$0x4] =	wrdreg $0xC0  }
0xab: {  	_ =	task [dreg:s6], $0x5FFFF  }
0xac: {  	[dreg:$0x1] =	wrdreg $0xFFFFFFFF  }
0xad: {  	[dreg:$0x0] =	wrdreg $0x60  }
0xae: {  	[dreg:$0x2] =	wrdreg s24  }
0xaf: {  	[dreg:$0x3] =	wrdreg $0x0  }
0xb0: {  	[dreg:$0x4] =	wrdreg $0x9  }
0xb1: {  	_ =	task.clear_ibuf [dreg:s6], $0x5FFFF;
	_ =	strace $0x9000004C  }
0xb2: {  	s29 =	simm.s32 $0x9;
	_ =	strace $0x8000004E  }
0xb3: {  	_ =	swait.ge [sflag:s29], $0x1  }
0xb4: {  	[sflag:s29] =	ssyncadd.s32 $0xFFFFFFFF  }
0xb5: {  	_ =	strace $0x9000004E  }
0xb6: {  	_ =	sfence  }
0xb7: {  	s30 =	sld [smem:$0x0];
	_ =	sdelay $0x2  }
0xb8: {  	s31 =	sshll.u32 s1, $0xD;
	s1 =	sshrl.u32 s1, $0x2  }
0xb9: {  	s3 =	sand.u32 $0x4000, s31;
	s1 =	sadd.s32 s1, s30  }
0xba: {  	s0 =	sor.u32 s3, s0;
	s1 =	sshll.u32 s1, $0x11  }
0xbb: {  	s0 =	sor.u32 s1, s0  }
0xbc: {  	s0 =	sadd.s32 $0x8F2B, s0  }
0xbd: {  	[sflag:s0] =	ssyncadd.remote.s32 $0x1  }
0xbe: {  	_ =	sfence.sel $0xFFFF  }
0xbf: {  	[dreg:$0x0] =	wrdreg $0xFFFFFFFF;
	(pc) =	sbr.abs _section_cstart, $3  }
0xc0: {  	[dreg:$0x1] =	wrdreg $0xFFFFFFFF  }
0xc1: {  	_ =	task.clear_ibuf [dreg:s6], $0x2FFFF;
	_ =	strace $0x9FFFFFFF  }
0xc2: {  	(tm) =	ssettm $0x7FFFFFFF  }
0xc3: {  	_ =	shalt  }
tec
execute0_lowered:
.L_overlay_start_1:
0x0: {  	(tag) =	ssettag $0x1  }
0x1: {  	s0 =	rddreg [dreg:$0x0]  }
0x2: {  	s1 =	rddreg [dreg:$0x1];
	s2 =	srdreg.scid  }
0x3: {  	s3 =	simm.s32 $0x0;
	s14 =	stileid.u32;
	s28 =	simm.s32 $0x13C80  }
0x4: {  	s29 =	simm.s32 $0x8;
	s30 =	simm.s32 $0x13C00;
	s19 =	simm.s32 $0x6  }
0x5: {  	s2 =	sand.u32 $0x1, s2;
	[smem:$0x7FF] =	sst s3;
	s6 =	smul.u32 $0x4E000, s14  }
0x6: {  	s9 =	sadd.s32 $0x3E00, s0;
	s8 =	sadd.s32 $0xDC00, s0;
	s10 =	smul.u32 $0x2700, s14  }
0x7: {  	s15 =	sadd.s32 $0x17A00, s0;
	s21 =	smul.u32 $0x13800, s14;
	s18 =	sadd.s32 $0x138000, s1  }
0x8: {  	s22 =	smul.u32 $0x2710, s14;
	s26 =	sshll.u32 s14, $0x6;
	p1 =	sne.s32 s14, $0xF  }
0x9: {  	p2 =	seq.s32 s14, $0xF;
	s4 =	sshll.u32 s2, $0x4;
	_ =	strace $0x8000004D  }
0xa: {  	s7 =	ssub.s32 $0x2, s2;
	s12 =	smul.u32 $0x138800, s2;
	[dreg:$0x3] =	wrdreg s15  }
0xb: {  	p0 =	seq.s32 s2, $0x1;
	s2 =	smul.u32 $0x27100, s2;
	[dreg:$0xa] =	wrdreg s26  }
0xc: {  	[dreg:$0x5] =	wrdreg s18;
	s31 =	sshrl.u32 s18, $0x3;
	s5 =	sor.u32 s14, s4  }
0xd: {  	s4 =	sadd.s32 $0x3EC00, s0;
	s0 =	sadd.s32 $0x65E00, s0;
	s11 =	sshrl.u32 s7, $0x1  }
0xe: {  	s6 =	sshrl.u32 s6, $0x2;
	[dreg:$0xd] =	wrdreg s31;
	s5 =	smul.u32 $0x2710, s5  }
0xf: {  	s7 =	ssub.s32 s7, s11;
	s6 =	sadd.s32 s6, s1;
	s13 =	sadd.s32 s4, s10  }
0x10: {  	s11 =	sadd.s32 s21, s12;
	s12 =	sshrl.u32 s12, $0x3;
	s10 =	sadd.s32 s15, s10  }
0x11: {  	s25 =	sadd.s32 s22, s2;
	s21 =	simm.s32 $0xD;
	[dreg:$0x4] =	wrdreg s13  }
0x12: {  	s22 =	simm.s32 $0x16480;
	s11 =	sshrl.u32 s11, $0x3;
	[dreg:$0x6] =	wrdreg s10  }
0x13: {  	s24 =	smax.u32 s7, $0x1;
	s15 =	sshrl.u32 s25, $0x3;
	s2 =	sadd.s32 $0xF0, s25  }
0x14: {  	s20 =	sshrl.u32 s6, $0x3;
	s13 =	simm.s32 $0x3;
	s10 =	simm.s32 $0x0  }
0x15: {  	s23 =	sadd.s32 s0, s11;
	s0 =	sadd.s32 s0, s12;
	[dreg:$0x9] =	wrdreg s24  }
0x16: {  	s16 =	sshrl.u32 s2, $0x3;
	s24 =	simm.s32 $0x13A80;
	s2 =	simm.s32 $0x13980  }
.Ltmp0:
0x17: {  	s11 =	simm.s32 $0x2;
	[dreg:$0xc] =	wrdreg s20;
	(pc) =	sbr.rel .LBB2_1-.Ltmp0, $4  }
0x18: {  	s12 =	simm.s32 $0x5;
	[dreg:$0x7] =	wrdreg s23;
	s0 =	sadd.s32 $0x27000, s0  }
0x19: {  	s23 =	simm.s32 $0x13880;
	[dreg:$0x8] =	wrdreg s0;
	s0 =	sadd.s32 $0x50, s25  }
0x1a: {  	s25 =	simm.s32 $0x1;
	s17 =	sshrl.u32 s0, $0x3;
	s0 =	sor.u32 $0x1C0D, s26  }
0x1b: {  	s26 =	simm.s32 $0x50;
	[dreg:$0xb] =	wrdreg s0;
	s0 =	simm.s32 $0xB  }
.LBB2_21:
0x1c: {  	[bflag:$0x0] =	sbarrier.arrive $0xFFFF  }
0x1d: {  	s6 =	rddreg [dreg:$0xa]  }
0x1e: {  	s7 =	rddreg [dreg:$0x7]  }
0x1f: {  	s21 =	simm.s32 $0xD;
	s20 =	rddreg [dreg:$0xc];
	s6 =	sor.u32 $0x1C0D, s6  }
0x20: {  	[hbm:s7], [sflag:s6] =	dma.local [spmem:s20], $0x2700  }
0x21: {  	_ =	swait.ge [sflag:s21], $0x2700  }
0x22: {  	[sflag:s21] =	ssyncset.done $0x0;
	s7 =	rddreg [dreg:$0x5]  }
0x23: {  	s10 =	rddreg [dreg:$0x8];
	[sflag:s21] =	ssyncadd.s32 $0xFFFFD900;
	s7 =	sshrl.u32 @!p1 s7, $0x3  }
0x24: {  	[hbm:s10], [sflag:s6] =	dma.local @!p1 [spmem:s7], $0x100  }
0x25: {  	s6 =	simm.s32 @!p1 $0xD  }
0x26: {  	_ =	swait.ge @!p1 [sflag:s6], $0x100  }
0x27: {  	s18 =	rddreg [dreg:$0xe]  }
0x28: {  	s31 =	rddreg [dreg:$0x9];
	s10 =	sadd.s32 $0x1, s18  }
0x29: {  	p3 =	sne.s32 s10, s31  }
.Ltmp1:
0x2a: {  	_ = 	snop;
	(pc) =	sbr.rel @!p3 .LBB2_22-.Ltmp1, $3  }
0x2b: {  	_ =	sdelay $0x1  }
0x2c: {  	[sflag:s6] =	ssyncset.done @!p1 $0x0  }
0x2d: {  	[sflag:s6] =	ssyncadd.s32 @!p1 $0xFFFFFF00  }
.LBB2_1:
.Ltmp2:
0x2e: {  	(pc) =	sbr.rel @!p0 .LBB2_2-.Ltmp2, $2  }
0x2f: {  	_ =	sdelay $0x2  }
0x30: {  	[dreg:$0xe] =	wrdreg s10  }
0x31: {  	s6 =	rddreg [dreg:$0x6]  }
0x32: {  	s10 =	rddreg [dreg:$0xb]  }
0x33: {  	[spmem:s20], [sflag:s10] =	dma.local [hbm:s6], $0x2700  }
.Ltmp3:
0x34: {  	_ = 	snop;
	(pc) =	sbr.rel @p1 .LBB2_5-.Ltmp3, $4  }
.Ltmp4:
0x35: {  	_ = 	snop;
	(pc) =	sbr.rel @!p1 .LBB2_4-.Ltmp4, $4  }
0x36: {  	_ =	swait.ge [sflag:s21], $0x2700  }
0x37: {  	[sflag:s21] =	ssyncset.done $0x0  }
0x38: {  	s6 =	smov.u32 s10;
	s7 =	rddreg [dreg:$0x3];
	[sflag:s21] =	ssyncadd.s32 $0xFFFFD900  }
0x39: {  	_ = 	snop  }
.LBB2_2:
0x3a: {  	s6 =	rddreg [dreg:$0xa]  }
.Ltmp5:
0x3b: {  	s7 =	rddreg [dreg:$0x4];
	s6 =	sor.u32 $0x1C0D, s6;
	(pc) =	sbr.rel @!p2 .LBB2_5-.Ltmp5, $4  }
0x3c: {  	[spmem:s20], [sflag:s6] =	dma.local [hbm:s7], $0x2700  }
0x3d: {  	_ =	swait.ge [sflag:s21], $0x2700  }
0x3e: {  	[sflag:s21] =	ssyncset.done $0x0  }
0x3f: {  	s7 =	smov.u32 s4;
	[sflag:s21] =	ssyncadd.s32 $0xFFFFD900  }
.LBB2_4:
0x40: {  	s7 =	sadd.s32 $0x27000, s7;
	s10 =	rddreg [dreg:$0xd]  }
0x41: {  	[spmem:s10], [sflag:s6] =	dma.local [hbm:s7], $0x100  }
0x42: {  	_ =	swait.ge [sflag:s21], $0x100  }
0x43: {  	[sflag:s21] =	ssyncset.done $0x0  }
0x44: {  	[sflag:s21] =	ssyncadd.s32 $0xFFFFFF00  }
.LBB2_5:
.Ltmp6:
0x45: {  	(pc) =	sbr.rel .LBB2_6-.Ltmp6, $3  }
0x46: {  	_ =	sdelay $0x1  }
0x47: {  	[bflag:$0x0] =	sbarrier.arrive $0xFFFF;
	s21 =	simm.s32 $0x0  }
0x48: {  	s20 =	simm.s32 $0x3;
	s6 =	smov.u32 s9;
	s7 =	smov.u32 s8  }
.LBB2_17:
0x49: {  	s10 =	sadd.s32 s6, s16;
	s14 =	simm.s32 $0x13A00  }
0x4a: {  	[tilespmem:s14], [sflag:$0x4] =	stream.linear.gather [hbm4b:s10+s3], $0x50, $0x38;
	[tilespmem:$0x1DC80] =	vst v63  }
0x4b: {  	s18 =	sadd.s32 s7, s16  }
0x4c: {  	[tilespmem:s30], [sflag:$0x4] =	stream.linear.gather [hbm4b:s18+s3], $0x50, $0x38;
	[tilespmem:$0x1DC80] =	vst v63  }
0x4d: {  	_ =	swait.ge [sflag:s13], $0x50  }
0x4e: {  	[sflag:s13] =	ssyncset.done $0x0  }
0x4f: {  	[sflag:s13] =	ssyncadd.s32 $0xFFFFFFB0  }
0x50: {  	_ =	swait.ge [sflag:s13], $0x50  }
0x51: {  	[sflag:s13] =	ssyncset.done $0x0  }
0x52: {  	s31 =	simm.s32 $0x18C80;
	[sflag:s13] =	ssyncadd.s32 $0xFFFFFFB0  }
0x53: {  	[tilespmem:s31], [sflag:$0x7] =	stream.indirect.gather [hbm4b:s4+s26], $0x80, s2, s26, $0xb8;
	[tilespmem:$0x1DC80] =	vst v63  }
.LBB2_19:
0x54: {  	_ =	swait.ge [sflag:s19], $0x2800  }
0x55: {  	[sflag:s19] =	ssyncset.done $0x0  }
0x56: {  	s10 =	simm.s32 $0x13B00;
	[sflag:s19] =	ssyncadd.s32 $0xFFFFD800  }
0x57: {  	[spmem:s1] =	stream.indirect.scatter.add.f32 [tilespmem:s22], [sflag:$0xA], $0x80, s10, s26, $0xb8;
	[tilespmem:$0x1DC80] =	vst v63  }
.LBB2_20:
0x58: {  	s21 =	sadd.s32 $0x1, s21  }
0x59: {  	s7 =	sadd.s32 $0x28, s7;
	s6 =	sadd.s32 $0x28, s6;
	s20 =	sadd.s32 $0x4, s20  }
.LBB2_6:
0x5a: {  	s10 =	sadd.s32 $0xFFFFFFF9, s20;
	p4 =	seq.s32 s20, $0x83  }
.Ltmp7:
0x5b: {  	p3 =	sgt.u32 s10, $0x7C;
	(pc) =	sbr.rel @p4 .LBB2_21-.Ltmp7, $4  }
0x5c: {  	s10 =	simm.s32 @!p3 $0x9  }
0x5d: {  	_ =	swait.ge @!p3 [sflag:s10], $0x2800  }
0x5e: {  	[sflag:s10] =	ssyncset.done @!p3 $0x0  }
0x5f: {  	[sflag:s10] =	ssyncadd.s32 @!p3 $0xFFFFD800  }
0x60: {  	s10 =	sadd.s32 s6, s15;
	s18 =	sadd.s32 $0xFFFFFFFC, s20  }
0x61: {  	[tilespmem:s23], [sflag:$0x1] =	stream.linear.gather [hbm4b:s10+s3], $0x50, $0x38;
	[tilespmem:$0x1DC80] =	vst v63  }
0x62: {  	p3 =	sgt.u32 s18, $0x7C  }
0x63: {  	s14 =	sadd.s32 s7, s15;
	s10 =	simm.s32 @!p3 $0x4  }
0x64: {  	[tilespmem:s24], [sflag:$0x1] =	stream.linear.gather [hbm4b:s14+s3], $0x50, $0x38;
	[tilespmem:$0x1DC80] =	vst v63  }
0x65: {  	_ =	swait.ge @!p3 [sflag:s10], $0x50  }
0x66: {  	[sflag:s10] =	ssyncset.done @!p3 $0x0  }
0x67: {  	[sflag:s10] =	ssyncadd.s32 @!p3 $0xFFFFFFB0  }
0x68: {  	_ =	swait.ge @!p3 [sflag:s10], $0x50  }
0x69: {  	s31 =	simm.s32 @!p3 $0x1B480;
	[sflag:s10] =	ssyncset.done @!p3 $0x0  }
0x6a: {  	s14 =	simm.s32 @!p3 $0x13A00;
	[sflag:s10] =	ssyncadd.s32 @!p3 $0xFFFFFFB0;
	s10 =	simm.s32 @!p3 $0x50  }
0x6b: {  	[tilespmem:s31], [sflag:$0x8] =	stream.indirect.gather @!p3 [hbm4b:s4+s10], $0x80, s14, s10, $0xb8;
	[tilespmem:$0x1DC80] =	vst v63  }
0x6c: {  	s31 =	sadd.s32 $0xFFFFFFFB, s20  }
0x6d: {  	p4 =	sgt.u32 s31, $0x7C  }
0x6e: {  	s10 =	simm.s32 @!p4 $0x7  }
0x6f: {  	_ =	swait.ge @!p4 [sflag:s10], $0x2800  }
0x70: {  	s14 =	simm.s32 @!p4 $0x13B80;
	[sflag:s10] =	ssyncset.done @!p4 $0x0  }
0x71: {  	s31 =	simm.s32 @!p4 $0x18C80;
	[sflag:s10] =	ssyncadd.s32 @!p4 $0xFFFFD800;
	s10 =	simm.s32 @!p4 $0x50  }
0x72: {  	[spmem:s1] =	stream.indirect.scatter.add.f32 @!p4 [tilespmem:s31], [sflag:$0xB], $0x80, s14, s10, $0xb8;
	[tilespmem:$0x1DC80] =	vst v63  }
0x73: {  	p3 =	seq.s32 s20, $0x3;
	s10 =	sadd.s32 $0xFFFFFFFE, s20  }
0x74: {  	p5 =	sgt.u32 @!p3 s10, $0x80  }
0x75: {  	p5 =	por p5, p3  }
0x76: {  	s14 =	simm.s32 @!p5 $0xA  }
0x77: {  	_ =	swait.ge @!p5 [sflag:s14], $0x2800  }
0x78: {  	[sflag:s14] =	ssyncset.done @!p5 $0x0  }
0x79: {  	[sflag:s14] =	ssyncadd.s32 @!p5 $0xFFFFD800;
	p5 =	sgt.u32 s10, $0x7C  }
0x7a: {  	s14 =	sadd.s32 @!p5 s6, s17;
	s31 =	simm.s32 @!p5 $0x0;
	s18 =	simm.s32 @!p5 $0x13900  }
0x7b: {  	[tilespmem:s18], [sflag:$0x2] =	stream.linear.gather @!p5 [hbm4b:s14+s31], $0x50, $0x38;
	[tilespmem:$0x1DC80] =	vst v63  }
0x7c: {  	s14 =	sadd.s32 @!p5 s7, s17;
	s18 =	simm.s32 @!p5 $0x13B00  }
0x7d: {  	[tilespmem:s18], [sflag:$0x2] =	stream.linear.gather @!p5 [hbm4b:s14+s31], $0x50, $0x38;
	[tilespmem:$0x1DC80] =	vst v63  }
0x7e: {  	p5 =	sgt.u32 @!p3 s10, $0x7E;
	_ =	swait.ge [sflag:s25], $0x50  }
0x7f: {  	p5 =	por p3, p5;
	[sflag:s25] =	ssyncset.done $0x0  }
.Ltmp8:
0x80: {  	[sflag:s25] =	ssyncadd.s32 $0xFFFFFFB0;
	(pc) =	sbr.rel @p5 .LBB2_10-.Ltmp8, $4  }
0x81: {  	_ =	swait.ge [sflag:s25], $0x50  }
0x82: {  	[sflag:s25] =	ssyncset.done $0x0  }
0x83: {  	[sflag:s25] =	ssyncadd.s32 $0xFFFFFFB0  }
0x84: {  	[tilespmem:s28], [sflag:$0x5] =	stream.indirect.gather [hbm4b:s4+s26], $0x80, s23, s26, $0xb8;
	[tilespmem:$0x1DC80] =	vst v63  }
0x85: {  	_ =	swait.ge [sflag:s29], $0x2800  }
0x86: {  	[sflag:s29] =	ssyncset.done $0x0  }
0x87: {  	s10 =	simm.s32 $0x1B480;
	[sflag:s29] =	ssyncadd.s32 $0xFFFFD800  }
0x88: {  	[spmem:s1] =	stream.indirect.scatter.add.f32 [tilespmem:s10], [sflag:$0xC], $0x80, s30, s26, $0xb8;
	[tilespmem:$0x1DC80] =	vst v63  }
.LBB2_9:
0x89: {  	_ =	swait.ge [sflag:s0], $0x2800  }
0x8a: {  	[sflag:s0] =	ssyncset.done $0x0  }
0x8b: {  	s10 =	sadd.s32 $0xFFFFFFFF, s20;
	[sflag:s0] =	ssyncadd.s32 $0xFFFFD800  }
.LBB2_12:
0x8c: {  	p4 =	sgt.u32 s10, $0x7C  }
.Ltmp9:
0x8d: {  	_ = 	snop;
	(pc) =	sbr.rel @p4 .LBB2_14-.Ltmp9, $1  }
0x8e: {  	_ =	sdelay $0x3  }
0x8f: {  	s10 =	smul.u32 $0x50, s10;
	_ =	sdelay $0x1  }
0x90: {  	s10 =	sadd.s32 s5, s10  }
0x91: {  	s10 =	sshrl.u32 s10, $0x3  }
0x92: {  	s14 =	sadd.s32 s9, s10  }
0x93: {  	[tilespmem:s2], [sflag:$0x3] =	stream.linear.gather [hbm4b:s14+s3], $0x50, $0x38;
	[tilespmem:$0x1DC80] =	vst v63  }
0x94: {  	s18 =	simm.s32 $0x13B80;
	s10 =	sadd.s32 s8, s10  }
0x95: {  	[tilespmem:s18], [sflag:$0x3] =	stream.linear.gather [hbm4b:s10+s3], $0x50, $0x38;
	[tilespmem:$0x1DC80] =	vst v63  }
0x96: {  	_ =	swait.ge [sflag:s11], $0x50  }
0x97: {  	[sflag:s11] =	ssyncset.done $0x0  }
.Ltmp10:
0x98: {  	[sflag:s11] =	ssyncadd.s32 $0xFFFFFFB0;
	(pc) =	sbr.rel .LBB2_15-.Ltmp10, $4  }
0x99: {  	_ =	swait.ge [sflag:s11], $0x50  }
0x9a: {  	[sflag:s11] =	ssyncset.done $0x0  }
0x9b: {  	s31 =	simm.s32 $0x13900;
	[sflag:s11] =	ssyncadd.s32 $0xFFFFFFB0  }
0x9c: {  	[tilespmem:s22], [sflag:$0x6] =	stream.indirect.gather [hbm4b:s4+s26], $0x80, s31, s26, $0xb8;
	[tilespmem:$0x1DC80] =	vst v63  }
.LBB2_14:
0x9d: {  	p4 =	sgt.u32 s10, $0x7E  }
.Ltmp11:
0x9e: {  	_ = 	snop;
	(pc) =	sbr.rel @p4 .LBB2_16-.Ltmp11, $1  }
0x9f: {  	_ =	sdelay $0x3  }
.LBB2_15:
0xa0: {  	_ =	swait.ge [sflag:s12], $0x2800  }
0xa1: {  	[sflag:s12] =	ssyncset.done $0x0  }
0xa2: {  	[sflag:s12] =	ssyncadd.s32 $0xFFFFD800  }
0xa3: {  	[spmem:s1] =	stream.indirect.scatter.add.f32 [tilespmem:s28], [sflag:$0x9], $0x80, s24, s26, $0xb8;
	[tilespmem:$0x1DC80] =	vst v63  }
.LBB2_16:
0xa4: {  	p4 =	sgt.u32 @!p3 s20, $0x80  }
0xa5: {  	p3 =	por p4, p3;
	p4 =	sgt.u32 s20, $0x7C  }
.Ltmp12:
0xa6: {  	_ = 	snop;
	(pc) =	sbr.rel @!p4 .LBB2_17-.Ltmp12, $4  }
0xa7: {  	s10 =	simm.s32 @!p3 $0xC  }
0xa8: {  	_ =	swait.ge @!p3 [sflag:s10], $0x2800  }
0xa9: {  	[sflag:s10] =	ssyncset.done @!p3 $0x0  }
0xaa: {  	[sflag:s10] =	ssyncadd.s32 @!p3 $0xFFFFD800  }
0xab: {  	p3 =	sgt.u32 s20, $0x7E  }
.Ltmp13:
0xac: {  	_ = 	snop;
	(pc) =	sbr.rel @p3 .LBB2_20-.Ltmp13, $4  }
.Ltmp14:
0xad: {  	_ = 	snop;
	(pc) =	sbr.rel @!p3 .LBB2_19-.Ltmp14, $4  }
0xae: {  	_ = 	snop  }
0xaf: {  	_ = 	snop  }
0xb0: {  	_ = 	snop  }
0xb1: {  	_ = 	snop  }
.LBB2_10:
.Ltmp15:
0xb2: {  	(pc) =	sbr.rel @!p4 .LBB2_9-.Ltmp15, $1  }
0xb3: {  	_ =	sdelay $0x3  }
.Ltmp16:
0xb4: {  	(pc) =	sbr.rel .LBB2_12-.Ltmp16, $3  }
0xb5: {  	_ =	sdelay $0x1  }
0xb6: {  	s10 =	sshll.u32 s21, $0x2  }
0xb7: {  	s10 =	sor.u32 $0x2, s10  }
.LBB2_22:
0xb8: {  	_ =	sfence.sel $0x180000  }
0xb9: {  	[bflag:$0x0] =	sbarrier.arrive $0xFFFF  }
0xba: {  	_ =	strace $0x9000004D  }
0xbb: {  	s0 =	stileid.u32;
	[bflag:$0x2] =	sbarrier.arrive $0xFFFF  }
0xbc: {  	p0 =	sne.s32 s0, $0x0;
	s0 =	rddreg [dreg:$0x2]  }
0xbd: {  	s0 =	sadd.s32 @!p0 $0x100000, s0  }
0xbe: {  	[sflag:s0] =	ssyncadd.tile.s32 @!p0 $0x1;
	_ =	shalt  }
.Lfunc_end2:
_tile_overlayer_lowered:
.L_overlay_start_2:
0xbf: {  	(tag) =	ssettag $0x2  }
0xc0: {  	s0 =	rddreg [dreg:$0x0];
	s2 =	stileid.u32  }
0xc1: {  	s1 =	rddreg [dreg:$0x1];
	p0 =	sne.s32 s2, $0x0  }
0xc2: {  	s3 =	rddreg [dreg:$0x2];
	[bflag:$0x3] =	sbarrier.arrive $0xFFFF;
	s2 =	simm.s32 @!p0 $0x1C0D  }
0xc3: {  	[timem:s3], [sflag:s2] =	dma.local @!p0 [hbm:s0], s1  }
0xc4: {  	s0 =	simm.s32 @!p0 $0xD  }
0xc5: {  	_ =	swait.ge @!p0 [sflag:s0], s1  }
0xc6: {  	s1 =	ssub.s32 @!p0 $0x0, s1;
	[sflag:s0] =	ssyncset.done @!p0 $0x0  }
0xc7: {  	[sflag:s0] =	ssyncadd.s32 @!p0 s1  }
0xc8: {  	[bflag:$0x3] =	sbarrier.arrive $0xFFFF  }
0xc9: {  	_ =	shalt  }

// kernel: kernel.19.cloned.1.call-start
scs
__scs_entry_jumppad:
0x0: {  	(pc) =	sbr.rel $0x88, $3  }
0x1: {  	(tag) =	ssettag $0x0;
	lr =	simm.s32 $0x1  }
0x2: {  	[smem:$0x3F8F] =	sst lr;
	_ =	strace $0xD0000000  }
0x3: {  	_ = 	snop  }
0x4: {  	_ = 	snop  }
0x5: {  	_ = 	snop  }
0x6: {  	_ = 	snop  }
0x7: {  	_ = 	snop  }
__scs_overlays_trampoline_lowered:
0x8: {  	[smem:$0x3F9E] =	sst s0  }
0x9: {  	[smem:$0x3F9F] =	sst s1  }
0xa: {  	[smem:$0x3FA0] =	sst s2  }
0xb: {  	[smem:$0x3FA1] =	sst s3  }
0xc: {  	[smem:$0x3FA2] =	sst s4  }
0xd: {  	[smem:$0x3FA3] =	sst s5  }
0xe: {  	[smem:$0x3FA4] =	sst s6  }
0xf: {  	[smem:$0x3FA5] =	sst s7  }
0x10: {  	[smem:$0x3FA6] =	sst s8  }
0x11: {  	[smem:$0x3FA7] =	sst s9;
	s0 =	simm.s32 @!p0 $0x0  }
0x12: {  	s1 =	sld [smem:$0x3F8D];
	s0 =	simm.s32 @p0 $0x1  }
0x13: {  	[smem:$0x3FA8] =	sst s0;
	s0 =	simm.s32 @!p1 $0x0  }
0x14: {  	s2 =	sld [smem:$0x3F8C];
	s0 =	simm.s32 @p1 $0x1  }
0x15: {  	[smem:$0x3FA9] =	sst s0;
	s0 =	simm.s32 @!p2 $0x0  }
0x16: {  	s3 =	sld [smem:$0x3FDB];
	s0 =	simm.s32 @p2 $0x1  }
0x17: {  	s4 =	simm.s32 $0x1BF5;
	[smem:$0x3FAB] =	sst s0  }
0x18: {  	s0 =	sld [smem:$0x3F8E];
	_ =	swait.ge [sflag:s4], $0x0  }
0x19: {  	s7 =	sld [smem:$0x3F8F]  }
0x1a: {  	s8 =	sadd.s32 $0xFFFFE003, lr  }
0x1b: {  	s9 =	sadd.s32 $0xFFFFFEF7, lr;
	s5 =	simm.s32 $0xFFFFFFFF;
	p2 =	slt.u32 s8, $0xFFFFF086  }
0x1c: {  	p1 =	slt.u32 s9, $0xF7A;
	s5 =	simm.s32 @!p2 $0x0  }
0x1d: {  	s5 =	simm.s32 @p1 $0x1;
	p0 =	seq.s32 s7, s2  }
0x1e: {  	s7 =	smul.u32 @!p0 $0xF7A, s2;
	p2 =	seq.s32 @!p0 s5, $0x0  }
0x1f: {  	s9 =	smul.u32 $0xF7A, s1;
	s8 =	simm.s32 @!p0 $0x1BF5;
	p2 =	por !p2, p0  }
0x20: {  	[sflag:s8] =	ssyncset.s32 @!p0 $0xFFFFF086;
	s6 =	sadd.s32 @!p0 s3, s7;
	s7 =	simm.s32 @!p0 $0x108  }
0x21: {  	s3 =	sadd.s32 s3, s9;
	s6 =	sadd.s32 @!p0 $0x88, s6;
	s7 =	simm.s32 @p2 $0x1082  }
0x22: {  	[simem:s7], [sflag:s8] =	dma.local @!p0 [hbm:s6], $0xF7A  }
0x23: {  	s9 =	sor.u32 $0xD0000000, s2;
	s6 =	simm.s32 $0x108;
	_ =	swait.ge @!p0 [sflag:s8], $0x0  }
0x24: {  	s3 =	sadd.s32 $0x88, s3;
	s6 =	simm.s32 @!p1 $0x1082;
	[sflag:s4] =	ssyncset.s32 $0xFFFFF086  }
0x25: {  	[simem:s6], [sflag:s4] =	dma.local [hbm:s3], $0xF7A  }
0x26: {  	[smem:$0x3F8F] =	sst s1;
	(tag) =	ssettag s2;
	_ =	strace s9  }
0x27: {  	s1 =	sld [smem:$0x3F9F]  }
0x28: {  	s2 =	sld [smem:$0x3FA0]  }
0x29: {  	s4 =	sld [smem:$0x3FA2]  }
0x2a: {  	p0 =	seq.s32 s5, $0x0;
	s5 =	sld [smem:$0x3FA3]  }
0x2b: {  	s6 =	sld [smem:$0x3FA4]  }
0x2c: {  	s7 =	sld [smem:$0x3FA5]  }
0x2d: {  	s3 =	simm.s32 $0x108;
	s8 =	sld [smem:$0x3FA6]  }
0x2e: {  	s3 =	simm.s32 @!p0 $0x1082;
	s9 =	sld [smem:$0x3FA7]  }
0x2f: {  	lr =	sadd.s32 s0, s3;
	s0 =	sld [smem:$0x3F9E]  }
0x30: {  	s3 =	sld [smem:$0x3FA1]  }
0x31: {  	[smem:$0x3FAA] =	sst s10  }
0x32: {  	s10 =	sld [smem:$0x3FA8];
	_ =	sdelay $0x3  }
0x33: {  	p0 =	seq.s32 s10, $0x1;
	s10 =	sld [smem:$0x3FAA];
	_ =	sdelay $0x3  }
0x34: {  	[smem:$0x3FAA] =	sst s10  }
0x35: {  	s10 =	sld [smem:$0x3FA9];
	_ =	sdelay $0x3  }
0x36: {  	p1 =	seq.s32 s10, $0x1;
	s10 =	sld [smem:$0x3FAA];
	_ =	sdelay $0x3  }
0x37: {  	[smem:$0x3FAA] =	sst s10  }
0x38: {  	s10 =	sld [smem:$0x3FAB]  }
0x39: {  	_ = 	snop;
	(pc) =	sbr.ind lr, $3  }
0x3a: {  	_ = 	snop  }
0x3b: {  	_ = 	snop  }
0x3c: {  	p2 =	seq.s32 s10, $0x1;
	s10 =	sld [smem:$0x3FAA]  }
0x3d: {  	_ =	shalt  }
0x3e: {  	_ =	shalt  }
0x3f: {  	_ =	shalt  }
0x40: {  	_ =	shalt  }
0x41: {  	_ =	shalt  }
0x42: {  	_ =	shalt  }
0x43: {  	_ =	shalt  }
0x44: {  	_ =	shalt  }
0x45: {  	_ =	shalt  }
0x46: {  	_ =	shalt  }
0x47: {  	_ =	shalt  }
0x48: {  	_ =	shalt  }
0x49: {  	_ =	shalt  }
0x4a: {  	_ =	shalt  }
0x4b: {  	_ =	shalt  }
0x4c: {  	_ =	shalt  }
0x4d: {  	_ =	shalt  }
0x4e: {  	_ =	shalt  }
0x4f: {  	_ =	shalt  }
0x50: {  	_ =	shalt  }
0x51: {  	_ =	shalt  }
0x52: {  	_ =	shalt  }
0x53: {  	_ =	shalt  }
0x54: {  	_ =	shalt  }
0x55: {  	_ =	shalt  }
0x56: {  	_ =	shalt  }
0x57: {  	_ =	shalt  }
0x58: {  	_ =	shalt  }
0x59: {  	_ =	shalt  }
0x5a: {  	_ =	shalt  }
0x5b: {  	_ =	shalt  }
0x5c: {  	_ =	shalt  }
0x5d: {  	_ =	shalt  }
0x5e: {  	_ =	shalt  }
0x5f: {  	_ =	shalt  }
0x60: {  	_ =	shalt  }
0x61: {  	_ =	shalt  }
0x62: {  	_ =	shalt  }
0x63: {  	_ =	shalt  }
0x64: {  	_ =	shalt  }
0x65: {  	_ =	shalt  }
0x66: {  	_ =	shalt  }
0x67: {  	_ =	shalt  }
0x68: {  	_ =	shalt  }
0x69: {  	_ =	shalt  }
0x6a: {  	_ =	shalt  }
0x6b: {  	_ =	shalt  }
0x6c: {  	_ =	shalt  }
0x6d: {  	_ =	shalt  }
0x6e: {  	_ =	shalt  }
0x6f: {  	_ =	shalt  }
0x70: {  	_ =	shalt  }
0x71: {  	_ =	shalt  }
0x72: {  	_ =	shalt  }
0x73: {  	_ =	shalt  }
0x74: {  	_ =	shalt  }
0x75: {  	_ =	shalt  }
0x76: {  	_ =	shalt  }
0x77: {  	_ =	shalt  }
0x78: {  	_ =	shalt  }
0x79: {  	_ =	shalt  }
0x7a: {  	_ =	shalt  }
0x7b: {  	_ =	shalt  }
0x7c: {  	_ =	shalt  }
0x7d: {  	_ =	shalt  }
0x7e: {  	_ =	shalt  }
0x7f: {  	_ =	shalt  }
0x80: {  	_ =	shalt  }
0x81: {  	_ =	shalt  }
0x82: {  	_ =	shalt  }
0x83: {  	_ =	shalt  }
0x84: {  	_ =	shalt  }
0x85: {  	_ =	shalt  }
0x86: {  	_ =	shalt  }
0x87: {  	_ =	shalt  }
.Lfunc_end0:
.L_simem_size_0:
called_computation.3_lowered:
.L_overlay_start_0:
0x88: {  	s2 =	sld [smem:$0x3FD9]  }
0x89: {  	s3 =	sld [smem:$0x3FFE];
	_ =	sdelay $0x1  }
0x8a: {  	s1 =	srdreg.scid  }
0x8b: {  	s0 =	sand.u32 $0x1, s1  }
0x8c: {  	s16 =	sshll.u32 s0, $0xA;
	s2 =	sadd.s32 s3, s2  }
0x8d: {  	s2 =	sadd.s32 s2, s16  }
0x8e: {  	[smem:$0x3FB6] =	sst s2  }
0x8f: {  	_ = 	snop  }
0x90: {  	(tm) =	ssettm $0x1  }
0x91: {  	s17 =	sld [smem:$0x3FFB];
	_ =	sdelay $0x3  }
0x92: {  	_ =	strace s17  }
0x93: {  	s2 =	sld [smem:$0x3FFC];
	_ =	sdelay $0x3  }
0x94: {  	_ =	strace s2  }
0x95: {  	s2 =	sld [smem:$0x3FFD];
	_ =	sdelay $0x3  }
0x96: {  	_ =	strace s2  }
0x97: {  	_ =	strace $0x8FFFFFFF  }
0x98: {  	s18 =	sld [smem:$0x3FDB];
	_ =	sdelay $0x1  }
0x99: {  	s19 =	simm.s32 $_scs_section_size  }
0x9a: {  	s4 =	simm.s32 $_size__tile_overlayer_lowered;
	s5 =	simm.s32 $_tile_overlayer_lowered  }
0x9b: {  	s22 =	simm.s32 $0x1BFF;
	s21 =	sshll.u32 s5, $0x1;
	s2 =	sadd.s32 s19, s18  }
0x9c: {  	s6 =	simm.s32 $0x0;
	s20 =	sshll.u32 s4, $0x1;
	s4 =	sadd.s32 s21, s2  }
0x9d: {  	[timem:s6], [sflag:s22] =	dma.local [hbm:s4], s20  }
0x9e: {  	_ =	swait.ge [sflag:s22], s20  }
0x9f: {  	s3 =	ssub.s32 $0x0, s20;
	[sflag:s22] =	ssyncset.done $0x0  }
0xa0: {  	[sflag:s22] =	ssyncadd.s32 s3;
	_ =	sdelay $0x1  }
0xa1: {  	s23 =	simm.s32 $0x1B8B  }
0xa2: {  	_ =	swait.ge [sflag:s23], $0x1  }
0xa3: {  	[sflag:s23] =	ssyncset.done $0x0  }
0xa4: {  	s25 =	simm.s32 $0x1B8E;
	s24 =	sld [smem:$0x3FFE];
	[sflag:s23] =	ssyncadd.s32 $0xFFFFFFFF  }
0xa5: {  	s26 =	simm.s32 $execute0_lowered;
	[smem:$0x3FD2] =	sst s25  }
0xa6: {  	s4 =	sshll.u32 s26, $0x1;
	_ =	strace $0x8000004F;
	[dreg:$0x1] =	wrdreg $0xFFFFFFFF  }
0xa7: {  	s28 =	simm.s32 $_size_execute0_lowered;
	s2 =	sadd.s32 s2, s4;
	[dreg:$0x0] =	wrdreg $0x0  }
0xa8: {  	s4 =	sshll.u32 s28, $0x1;
	[dreg:$0x2] =	wrdreg s2  }
0xa9: {  	[dreg:$0x3] =	wrdreg s4  }
0xaa: {  	[dreg:$0x4] =	wrdreg $0xC0  }
0xab: {  	_ =	task [dreg:s6], $0x5FFFF  }
0xac: {  	[dreg:$0x1] =	wrdreg $0xFFFFFFFF  }
0xad: {  	[dreg:$0x0] =	wrdreg $0x60  }
0xae: {  	[dreg:$0x2] =	wrdreg s24  }
0xaf: {  	[dreg:$0x3] =	wrdreg $0x0  }
0xb0: {  	[dreg:$0x4] =	wrdreg $0x9  }
0xb1: {  	_ =	task.clear_ibuf [dreg:s6], $0x5FFFF;
	_ =	strace $0x9000004F  }
0xb2: {  	s29 =	simm.s32 $0x9;
	_ =	strace $0x80000051  }
0xb3: {  	_ =	swait.ge [sflag:s29], $0x1  }
0xb4: {  	[sflag:s29] =	ssyncadd.s32 $0xFFFFFFFF  }
0xb5: {  	_ =	strace $0x90000051  }
0xb6: {  	_ =	sfence  }
0xb7: {  	s30 =	sld [smem:$0x0];
	_ =	sdelay $0x2  }
0xb8: {  	s31 =	sshll.u32 s1, $0xD;
	s1 =	sshrl.u32 s1, $0x2  }
0xb9: {  	s3 =	sand.u32 $0x4000, s31;
	s1 =	sadd.s32 s1, s30  }
0xba: {  	s0 =	sor.u32 s3, s0;
	s1 =	sshll.u32 s1, $0x11  }
0xbb: {  	s0 =	sor.u32 s1, s0  }
0xbc: {  	s0 =	sadd.s32 $0x8F2B, s0  }
0xbd: {  	[sflag:s0] =	ssyncadd.remote.s32 $0x1  }
0xbe: {  	_ =	sfence.sel $0xFFFF  }
0xbf: {  	[dreg:$0x0] =	wrdreg $0xFFFFFFFF;
	(pc) =	sbr.abs _section_cstart, $3  }
0xc0: {  	[dreg:$0x1] =	wrdreg $0xFFFFFFFF  }
0xc1: {  	_ =	task.clear_ibuf [dreg:s6], $0x2FFFF;
	_ =	strace $0x9FFFFFFF  }
0xc2: {  	(tm) =	ssettm $0x7FFFFFFF  }
0xc3: {  	_ =	shalt  }
tec
execute0_lowered:
.L_overlay_start_1:
0x0: {  	(tag) =	ssettag $0x1  }
0x1: {  	s0 =	rddreg [dreg:$0x0]  }
0x2: {  	s1 =	rddreg [dreg:$0x1];
	s2 =	srdreg.scid  }
0x3: {  	s3 =	simm.s32 $0x0;
	s14 =	stileid.u32;
	s28 =	simm.s32 $0x13C80  }
0x4: {  	s29 =	simm.s32 $0x8;
	s30 =	simm.s32 $0x13C00;
	s19 =	simm.s32 $0x6  }
0x5: {  	s2 =	sand.u32 $0x1, s2;
	[smem:$0x7FF] =	sst s3;
	s6 =	smul.u32 $0x4E000, s14  }
0x6: {  	s9 =	sadd.s32 $0x3E00, s0;
	s8 =	sadd.s32 $0xDC00, s0;
	s10 =	smul.u32 $0x2700, s14  }
0x7: {  	s15 =	sadd.s32 $0x17A00, s0;
	s21 =	smul.u32 $0x13800, s14;
	s18 =	sadd.s32 $0x138000, s1  }
0x8: {  	s22 =	smul.u32 $0x2710, s14;
	s26 =	sshll.u32 s14, $0x6;
	p1 =	sne.s32 s14, $0xF  }
0x9: {  	p2 =	seq.s32 s14, $0xF;
	s4 =	sshll.u32 s2, $0x4;
	_ =	strace $0x80000050  }
0xa: {  	s7 =	ssub.s32 $0x2, s2;
	s12 =	smul.u32 $0x138800, s2;
	[dreg:$0x3] =	wrdreg s15  }
0xb: {  	p0 =	seq.s32 s2, $0x1;
	s2 =	smul.u32 $0x27100, s2;
	[dreg:$0xa] =	wrdreg s26  }
0xc: {  	[dreg:$0x5] =	wrdreg s18;
	s31 =	sshrl.u32 s18, $0x3;
	s5 =	sor.u32 s14, s4  }
0xd: {  	s4 =	sadd.s32 $0x3EC00, s0;
	s0 =	sadd.s32 $0x65E00, s0;
	s11 =	sshrl.u32 s7, $0x1  }
0xe: {  	s6 =	sshrl.u32 s6, $0x2;
	[dreg:$0xd] =	wrdreg s31;
	s5 =	smul.u32 $0x2710, s5  }
0xf: {  	s7 =	ssub.s32 s7, s11;
	s6 =	sadd.s32 s6, s1;
	s13 =	sadd.s32 s4, s10  }
0x10: {  	s11 =	sadd.s32 s21, s12;
	s12 =	sshrl.u32 s12, $0x3;
	s10 =	sadd.s32 s15, s10  }
0x11: {  	s25 =	sadd.s32 s22, s2;
	s21 =	simm.s32 $0xD;
	[dreg:$0x4] =	wrdreg s13  }
0x12: {  	s22 =	simm.s32 $0x16480;
	s11 =	sshrl.u32 s11, $0x3;
	[dreg:$0x6] =	wrdreg s10  }
0x13: {  	s24 =	smax.u32 s7, $0x1;
	s15 =	sshrl.u32 s25, $0x3;
	s2 =	sadd.s32 $0xF0, s25  }
0x14: {  	s20 =	sshrl.u32 s6, $0x3;
	s13 =	simm.s32 $0x3;
	s10 =	simm.s32 $0x0  }
0x15: {  	s23 =	sadd.s32 s0, s11;
	s0 =	sadd.s32 s0, s12;
	[dreg:$0x9] =	wrdreg s24  }
0x16: {  	s16 =	sshrl.u32 s2, $0x3;
	s24 =	simm.s32 $0x13A80;
	s2 =	simm.s32 $0x13980  }
.Ltmp0:
0x17: {  	s11 =	simm.s32 $0x2;
	[dreg:$0xc] =	wrdreg s20;
	(pc) =	sbr.rel .LBB2_1-.Ltmp0, $4  }
0x18: {  	s12 =	simm.s32 $0x5;
	[dreg:$0x7] =	wrdreg s23;
	s0 =	sadd.s32 $0x27000, s0  }
0x19: {  	s23 =	simm.s32 $0x13880;
	[dreg:$0x8] =	wrdreg s0;
	s0 =	sadd.s32 $0x50, s25  }
0x1a: {  	s25 =	simm.s32 $0x1;
	s17 =	sshrl.u32 s0, $0x3;
	s0 =	sor.u32 $0x1C0D, s26  }
0x1b: {  	s26 =	simm.s32 $0x50;
	[dreg:$0xb] =	wrdreg s0;
	s0 =	simm.s32 $0xB  }
.LBB2_21:
0x1c: {  	[bflag:$0x0] =	sbarrier.arrive $0xFFFF  }
0x1d: {  	s6 =	rddreg [dreg:$0xa]  }
0x1e: {  	s7 =	rddreg [dreg:$0x7]  }
0x1f: {  	s21 =	simm.s32 $0xD;
	s20 =	rddreg [dreg:$0xc];
	s6 =	sor.u32 $0x1C0D, s6  }
0x20: {  	[hbm:s7], [sflag:s6] =	dma.local [spmem:s20], $0x2700  }
0x21: {  	_ =	swait.ge [sflag:s21], $0x2700  }
0x22: {  	[sflag:s21] =	ssyncset.done $0x0;
	s7 =	rddreg [dreg:$0x5]  }
0x23: {  	s10 =	rddreg [dreg:$0x8];
	[sflag:s21] =	ssyncadd.s32 $0xFFFFD900;
	s7 =	sshrl.u32 @!p1 s7, $0x3  }
0x24: {  	[hbm:s10], [sflag:s6] =	dma.local @!p1 [spmem:s7], $0x100  }
0x25: {  	s6 =	simm.s32 @!p1 $0xD  }
0x26: {  	_ =	swait.ge @!p1 [sflag:s6], $0x100  }
0x27: {  	s18 =	rddreg [dreg:$0xe]  }
0x28: {  	s31 =	rddreg [dreg:$0x9];
	s10 =	sadd.s32 $0x1, s18  }
0x29: {  	p3 =	sne.s32 s10, s31  }
.Ltmp1:
0x2a: {  	_ = 	snop;
	(pc) =	sbr.rel @!p3 .LBB2_22-.Ltmp1, $3  }
0x2b: {  	_ =	sdelay $0x1  }
0x2c: {  	[sflag:s6] =	ssyncset.done @!p1 $0x0  }
0x2d: {  	[sflag:s6] =	ssyncadd.s32 @!p1 $0xFFFFFF00  }
.LBB2_1:
.Ltmp2:
0x2e: {  	(pc) =	sbr.rel @!p0 .LBB2_2-.Ltmp2, $2  }
0x2f: {  	_ =	sdelay $0x2  }
0x30: {  	[dreg:$0xe] =	wrdreg s10  }
0x31: {  	s6 =	rddreg [dreg:$0x6]  }
0x32: {  	s10 =	rddreg [dreg:$0xb]  }
0x33: {  	[spmem:s20], [sflag:s10] =	dma.local [hbm:s6], $0x2700  }
.Ltmp3:
0x34: {  	_ = 	snop;
	(pc) =	sbr.rel @p1 .LBB2_5-.Ltmp3, $4  }
.Ltmp4:
0x35: {  	_ = 	snop;
	(pc) =	sbr.rel @!p1 .LBB2_4-.Ltmp4, $4  }
0x36: {  	_ =	swait.ge [sflag:s21], $0x2700  }
0x37: {  	[sflag:s21] =	ssyncset.done $0x0  }
0x38: {  	s6 =	smov.u32 s10;
	s7 =	rddreg [dreg:$0x3];
	[sflag:s21] =	ssyncadd.s32 $0xFFFFD900  }
0x39: {  	_ = 	snop  }
.LBB2_2:
0x3a: {  	s6 =	rddreg [dreg:$0xa]  }
.Ltmp5:
0x3b: {  	s7 =	rddreg [dreg:$0x4];
	s6 =	sor.u32 $0x1C0D, s6;
	(pc) =	sbr.rel @!p2 .LBB2_5-.Ltmp5, $4  }
0x3c: {  	[spmem:s20], [sflag:s6] =	dma.local [hbm:s7], $0x2700  }
0x3d: {  	_ =	swait.ge [sflag:s21], $0x2700  }
0x3e: {  	[sflag:s21] =	ssyncset.done $0x0  }
0x3f: {  	s7 =	smov.u32 s4;
	[sflag:s21] =	ssyncadd.s32 $0xFFFFD900  }
.LBB2_4:
0x40: {  	s7 =	sadd.s32 $0x27000, s7;
	s10 =	rddreg [dreg:$0xd]  }
0x41: {  	[spmem:s10], [sflag:s6] =	dma.local [hbm:s7], $0x100  }
0x42: {  	_ =	swait.ge [sflag:s21], $0x100  }
0x43: {  	[sflag:s21] =	ssyncset.done $0x0  }
0x44: {  	[sflag:s21] =	ssyncadd.s32 $0xFFFFFF00  }
.LBB2_5:
.Ltmp6:
0x45: {  	(pc) =	sbr.rel .LBB2_6-.Ltmp6, $3  }
0x46: {  	_ =	sdelay $0x1  }
0x47: {  	[bflag:$0x0] =	sbarrier.arrive $0xFFFF;
	s21 =	simm.s32 $0x0  }
0x48: {  	s20 =	simm.s32 $0x3;
	s6 =	smov.u32 s9;
	s7 =	smov.u32 s8  }
.LBB2_17:
0x49: {  	s10 =	sadd.s32 s6, s16;
	s14 =	simm.s32 $0x13A00  }
0x4a: {  	[tilespmem:s14], [sflag:$0x4] =	stream.linear.gather [hbm4b:s10+s3], $0x50, $0x38;
	[tilespmem:$0x1DC80] =	vst v63  }
0x4b: {  	s18 =	sadd.s32 s7, s16  }
0x4c: {  	[tilespmem:s30], [sflag:$0x4] =	stream.linear.gather [hbm4b:s18+s3], $0x50, $0x38;
	[tilespmem:$0x1DC80] =	vst v63  }
0x4d: {  	_ =	swait.ge [sflag:s13], $0x50  }
0x4e: {  	[sflag:s13] =	ssyncset.done $0x0  }
0x4f: {  	[sflag:s13] =	ssyncadd.s32 $0xFFFFFFB0  }
0x50: {  	_ =	swait.ge [sflag:s13], $0x50  }
0x51: {  	[sflag:s13] =	ssyncset.done $0x0  }
0x52: {  	s31 =	simm.s32 $0x18C80;
	[sflag:s13] =	ssyncadd.s32 $0xFFFFFFB0  }
0x53: {  	[tilespmem:s31], [sflag:$0x7] =	stream.indirect.gather [hbm4b:s4+s26], $0x80, s2, s26, $0xb8;
	[tilespmem:$0x1DC80] =	vst v63  }
.LBB2_19:
0x54: {  	_ =	swait.ge [sflag:s19], $0x2800  }
0x55: {  	[sflag:s19] =	ssyncset.done $0x0  }
0x56: {  	s10 =	simm.s32 $0x13B00;
	[sflag:s19] =	ssyncadd.s32 $0xFFFFD800  }
0x57: {  	[spmem:s1] =	stream.indirect.scatter.add.f32 [tilespmem:s22], [sflag:$0xA], $0x80, s10, s26, $0xb8;
	[tilespmem:$0x1DC80] =	vst v63  }
.LBB2_20:
0x58: {  	s21 =	sadd.s32 $0x1, s21  }
0x59: {  	s7 =	sadd.s32 $0x28, s7;
	s6 =	sadd.s32 $0x28, s6;
	s20 =	sadd.s32 $0x4, s20  }
.LBB2_6:
0x5a: {  	s10 =	sadd.s32 $0xFFFFFFF9, s20;
	p4 =	seq.s32 s20, $0x83  }
.Ltmp7:
0x5b: {  	p3 =	sgt.u32 s10, $0x7C;
	(pc) =	sbr.rel @p4 .LBB2_21-.Ltmp7, $4  }
0x5c: {  	s10 =	simm.s32 @!p3 $0x9  }
0x5d: {  	_ =	swait.ge @!p3 [sflag:s10], $0x2800  }
0x5e: {  	[sflag:s10] =	ssyncset.done @!p3 $0x0  }
0x5f: {  	[sflag:s10] =	ssyncadd.s32 @!p3 $0xFFFFD800  }
0x60: {  	s10 =	sadd.s32 s6, s15;
	s18 =	sadd.s32 $0xFFFFFFFC, s20  }
0x61: {  	[tilespmem:s23], [sflag:$0x1] =	stream.linear.gather [hbm4b:s10+s3], $0x50, $0x38;
	[tilespmem:$0x1DC80] =	vst v63  }
0x62: {  	p3 =	sgt.u32 s18, $0x7C  }
0x63: {  	s14 =	sadd.s32 s7, s15;
	s10 =	simm.s32 @!p3 $0x4  }
0x64: {  	[tilespmem:s24], [sflag:$0x1] =	stream.linear.gather [hbm4b:s14+s3], $0x50, $0x38;
	[tilespmem:$0x1DC80] =	vst v63  }
0x65: {  	_ =	swait.ge @!p3 [sflag:s10], $0x50  }
0x66: {  	[sflag:s10] =	ssyncset.done @!p3 $0x0  }
0x67: {  	[sflag:s10] =	ssyncadd.s32 @!p3 $0xFFFFFFB0  }
0x68: {  	_ =	swait.ge @!p3 [sflag:s10], $0x50  }
0x69: {  	s31 =	simm.s32 @!p3 $0x1B480;
	[sflag:s10] =	ssyncset.done @!p3 $0x0  }
0x6a: {  	s14 =	simm.s32 @!p3 $0x13A00;
	[sflag:s10] =	ssyncadd.s32 @!p3 $0xFFFFFFB0;
	s10 =	simm.s32 @!p3 $0x50  }
0x6b: {  	[tilespmem:s31], [sflag:$0x8] =	stream.indirect.gather @!p3 [hbm4b:s4+s10], $0x80, s14, s10, $0xb8;
	[tilespmem:$0x1DC80] =	vst v63  }
0x6c: {  	s31 =	sadd.s32 $0xFFFFFFFB, s20  }
0x6d: {  	p4 =	sgt.u32 s31, $0x7C  }
0x6e: {  	s10 =	simm.s32 @!p4 $0x7  }
0x6f: {  	_ =	swait.ge @!p4 [sflag:s10], $0x2800  }
0x70: {  	s14 =	simm.s32 @!p4 $0x13B80;
	[sflag:s10] =	ssyncset.done @!p4 $0x0  }
0x71: {  	s31 =	simm.s32 @!p4 $0x18C80;
	[sflag:s10] =	ssyncadd.s32 @!p4 $0xFFFFD800;
	s10 =	simm.s32 @!p4 $0x50  }
0x72: {  	[spmem:s1] =	stream.indirect.scatter.add.f32 @!p4 [tilespmem:s31], [sflag:$0xB], $0x80, s14, s10, $0xb8;
	[tilespmem:$0x1DC80] =	vst v63  }
0x73: {  	p3 =	seq.s32 s20, $0x3;
	s10 =	sadd.s32 $0xFFFFFFFE, s20  }
0x74: {  	p5 =	sgt.u32 @!p3 s10, $0x80  }
0x75: {  	p5 =	por p5, p3  }
0x76: {  	s14 =	simm.s32 @!p5 $0xA  }
0x77: {  	_ =	swait.ge @!p5 [sflag:s14], $0x2800  }
0x78: {  	[sflag:s14] =	ssyncset.done @!p5 $0x0  }
0x79: {  	[sflag:s14] =	ssyncadd.s32 @!p5 $0xFFFFD800;
	p5 =	sgt.u32 s10, $0x7C  }
0x7a: {  	s14 =	sadd.s32 @!p5 s6, s17;
	s31 =	simm.s32 @!p5 $0x0;
	s18 =	simm.s32 @!p5 $0x13900  }
0x7b: {  	[tilespmem:s18], [sflag:$0x2] =	stream.linear.gather @!p5 [hbm4b:s14+s31], $0x50, $0x38;
	[tilespmem:$0x1DC80] =	vst v63  }
0x7c: {  	s14 =	sadd.s32 @!p5 s7, s17;
	s18 =	simm.s32 @!p5 $0x13B00  }
0x7d: {  	[tilespmem:s18], [sflag:$0x2] =	stream.linear.gather @!p5 [hbm4b:s14+s31], $0x50, $0x38;
	[tilespmem:$0x1DC80] =	vst v63  }
0x7e: {  	p5 =	sgt.u32 @!p3 s10, $0x7E;
	_ =	swait.ge [sflag:s25], $0x50  }
0x7f: {  	p5 =	por p3, p5;
	[sflag:s25] =	ssyncset.done $0x0  }
.Ltmp8:
0x80: {  	[sflag:s25] =	ssyncadd.s32 $0xFFFFFFB0;
	(pc) =	sbr.rel @p5 .LBB2_10-.Ltmp8, $4  }
0x81: {  	_ =	swait.ge [sflag:s25], $0x50  }
0x82: {  	[sflag:s25] =	ssyncset.done $0x0  }
0x83: {  	[sflag:s25] =	ssyncadd.s32 $0xFFFFFFB0  }
0x84: {  	[tilespmem:s28], [sflag:$0x5] =	stream.indirect.gather [hbm4b:s4+s26], $0x80, s23, s26, $0xb8;
	[tilespmem:$0x1DC80] =	vst v63  }
0x85: {  	_ =	swait.ge [sflag:s29], $0x2800  }
0x86: {  	[sflag:s29] =	ssyncset.done $0x0  }
0x87: {  	s10 =	simm.s32 $0x1B480;
	[sflag:s29] =	ssyncadd.s32 $0xFFFFD800  }
0x88: {  	[spmem:s1] =	stream.indirect.scatter.add.f32 [tilespmem:s10], [sflag:$0xC], $0x80, s30, s26, $0xb8;
	[tilespmem:$0x1DC80] =	vst v63  }
.LBB2_9:
0x89: {  	_ =	swait.ge [sflag:s0], $0x2800  }
0x8a: {  	[sflag:s0] =	ssyncset.done $0x0  }
0x8b: {  	s10 =	sadd.s32 $0xFFFFFFFF, s20;
	[sflag:s0] =	ssyncadd.s32 $0xFFFFD800  }
.LBB2_12:
0x8c: {  	p4 =	sgt.u32 s10, $0x7C  }
.Ltmp9:
0x8d: {  	_ = 	snop;
	(pc) =	sbr.rel @p4 .LBB2_14-.Ltmp9, $1  }
0x8e: {  	_ =	sdelay $0x3  }
0x8f: {  	s10 =	smul.u32 $0x50, s10;
	_ =	sdelay $0x1  }
0x90: {  	s10 =	sadd.s32 s5, s10  }
0x91: {  	s10 =	sshrl.u32 s10, $0x3  }
0x92: {  	s14 =	sadd.s32 s9, s10  }
0x93: {  	[tilespmem:s2], [sflag:$0x3] =	stream.linear.gather [hbm4b:s14+s3], $0x50, $0x38;
	[tilespmem:$0x1DC80] =	vst v63  }
0x94: {  	s18 =	simm.s32 $0x13B80;
	s10 =	sadd.s32 s8, s10  }
0x95: {  	[tilespmem:s18], [sflag:$0x3] =	stream.linear.gather [hbm4b:s10+s3], $0x50, $0x38;
	[tilespmem:$0x1DC80] =	vst v63  }
0x96: {  	_ =	swait.ge [sflag:s11], $0x50  }
0x97: {  	[sflag:s11] =	ssyncset.done $0x0  }
.Ltmp10:
0x98: {  	[sflag:s11] =	ssyncadd.s32 $0xFFFFFFB0;
	(pc) =	sbr.rel .LBB2_15-.Ltmp10, $4  }
0x99: {  	_ =	swait.ge [sflag:s11], $0x50  }
0x9a: {  	[sflag:s11] =	ssyncset.done $0x0  }
0x9b: {  	s31 =	simm.s32 $0x13900;
	[sflag:s11] =	ssyncadd.s32 $0xFFFFFFB0  }
0x9c: {  	[tilespmem:s22], [sflag:$0x6] =	stream.indirect.gather [hbm4b:s4+s26], $0x80, s31, s26, $0xb8;
	[tilespmem:$0x1DC80] =	vst v63  }
.LBB2_14:
0x9d: {  	p4 =	sgt.u32 s10, $0x7E  }
.Ltmp11:
0x9e: {  	_ = 	snop;
	(pc) =	sbr.rel @p4 .LBB2_16-.Ltmp11, $1  }
0x9f: {  	_ =	sdelay $0x3  }
.LBB2_15:
0xa0: {  	_ =	swait.ge [sflag:s12], $0x2800  }
0xa1: {  	[sflag:s12] =	ssyncset.done $0x0  }
0xa2: {  	[sflag:s12] =	ssyncadd.s32 $0xFFFFD800  }
0xa3: {  	[spmem:s1] =	stream.indirect.scatter.add.f32 [tilespmem:s28], [sflag:$0x9], $0x80, s24, s26, $0xb8;
	[tilespmem:$0x1DC80] =	vst v63  }
.LBB2_16:
0xa4: {  	p4 =	sgt.u32 @!p3 s20, $0x80  }
0xa5: {  	p3 =	por p4, p3;
	p4 =	sgt.u32 s20, $0x7C  }
.Ltmp12:
0xa6: {  	_ = 	snop;
	(pc) =	sbr.rel @!p4 .LBB2_17-.Ltmp12, $4  }
0xa7: {  	s10 =	simm.s32 @!p3 $0xC  }
0xa8: {  	_ =	swait.ge @!p3 [sflag:s10], $0x2800  }
0xa9: {  	[sflag:s10] =	ssyncset.done @!p3 $0x0  }
0xaa: {  	[sflag:s10] =	ssyncadd.s32 @!p3 $0xFFFFD800  }
0xab: {  	p3 =	sgt.u32 s20, $0x7E  }
.Ltmp13:
0xac: {  	_ = 	snop;
	(pc) =	sbr.rel @p3 .LBB2_20-.Ltmp13, $4  }
.Ltmp14:
0xad: {  	_ = 	snop;
	(pc) =	sbr.rel @!p3 .LBB2_19-.Ltmp14, $4  }
0xae: {  	_ = 	snop  }
0xaf: {  	_ = 	snop  }
0xb0: {  	_ = 	snop  }
0xb1: {  	_ = 	snop  }
.LBB2_10:
.Ltmp15:
0xb2: {  	(pc) =	sbr.rel @!p4 .LBB2_9-.Ltmp15, $1  }
0xb3: {  	_ =	sdelay $0x3  }
.Ltmp16:
0xb4: {  	(pc) =	sbr.rel .LBB2_12-.Ltmp16, $3  }
0xb5: {  	_ =	sdelay $0x1  }
0xb6: {  	s10 =	sshll.u32 s21, $0x2  }
0xb7: {  	s10 =	sor.u32 $0x2, s10  }
.LBB2_22:
0xb8: {  	_ =	sfence.sel $0x180000  }
0xb9: {  	[bflag:$0x0] =	sbarrier.arrive $0xFFFF  }
0xba: {  	_ =	strace $0x90000050  }
0xbb: {  	s0 =	stileid.u32;
	[bflag:$0x2] =	sbarrier.arrive $0xFFFF  }
0xbc: {  	p0 =	sne.s32 s0, $0x0;
	s0 =	rddreg [dreg:$0x2]  }
0xbd: {  	s0 =	sadd.s32 @!p0 $0x100000, s0  }
0xbe: {  	[sflag:s0] =	ssyncadd.tile.s32 @!p0 $0x1;
	_ =	shalt  }
.Lfunc_end2:
_tile_overlayer_lowered:
.L_overlay_start_2:
0xbf: {  	(tag) =	ssettag $0x2  }
0xc0: {  	s0 =	rddreg [dreg:$0x0];
	s2 =	stileid.u32  }
0xc1: {  	s1 =	rddreg [dreg:$0x1];
	p0 =	sne.s32 s2, $0x0  }
0xc2: {  	s3 =	rddreg [dreg:$0x2];
	[bflag:$0x3] =	sbarrier.arrive $0xFFFF;
	s2 =	simm.s32 @!p0 $0x1C0D  }
0xc3: {  	[timem:s3], [sflag:s2] =	dma.local @!p0 [hbm:s0], s1  }
0xc4: {  	s0 =	simm.s32 @!p0 $0xD  }
0xc5: {  	_ =	swait.ge @!p0 [sflag:s0], s1  }
0xc6: {  	s1 =	ssub.s32 @!p0 $0x0, s1;
	[sflag:s0] =	ssyncset.done @!p0 $0x0  }
0xc7: {  	[sflag:s0] =	ssyncadd.s32 @!p0 s1  }
0xc8: {  	[bflag:$0x3] =	sbarrier.arrive $0xFFFF  }
0xc9: {  	_ =	shalt  }

</sc_bundles>
